<compile_context>
chip_gen: v7x
topology: tpu7x:2x2x1
jax: 0.10.2.dev20260603
libtpu: 0.0.44.dev20260713+nightly
codegen_flags: <defaults>
</compile_context>

<pallas_src>
import functools

import jax
import jax.numpy as jnp
from jax import lax
from jax.experimental import pallas as pl
from jax.experimental.pallas import tpu as pltpu
from jax.experimental.pallas import tpu_sc as plsc

VOCAB_SIZE = 1000000
EMB_SIZE = 32
BATCH = 16384
HIST_LEN = 50


def _make_gather(V, D, B, H, PD=128, CH=256):
    info = plsc.get_sparse_core_info()
    NC, NS = info.num_cores, info.num_subcores
    NW = NC * NS
    bw = B // NW
    nh = bw // CH
    NU = H * nh
    nc_blk = D // 8
    nb_blk = CH // 128
    assert NU % 2 == 0
    mesh = plsc.VectorSubcoreMesh(core_axis_name="c", subcore_axis_name="s")

    @functools.partial(
        pl.kernel,
        mesh=mesh,
        out_type=jax.ShapeDtypeStruct((H, nc_blk, B // 128, 8, 128),
                                      jnp.float32),
        scratch_types=[
            pltpu.VMEM((2, CH), jnp.int32),
            pltpu.VMEM((2, CH, PD), jnp.float32),
            pltpu.VMEM((2, nc_blk, nb_blk, 8, 128), jnp.float32),
            pltpu.SemaphoreType.DMA,
            pltpu.SemaphoreType.DMA,
            pltpu.SemaphoreType.DMA,
            pltpu.SemaphoreType.DMA,
            pltpu.SemaphoreType.DMA,
            pltpu.SemaphoreType.DMA,
        ],
        compiler_params=pltpu.CompilerParams(
            use_tc_tiling_on_sc=False, needs_layout_passes=False),
    )
    def k(tok_hbm, tab_hbm, out_hbm, idx_v, rows_v, t_v,
          si0, si1, sg0, sg1, so0, so1):
        wid = lax.axis_index("s") * NC + lax.axis_index("c")
        si = (si0, si1)
        sg = (sg0, sg1)
        so = (so0, so1)
        iota = lax.iota(jnp.int32, 16)

        def hb(u):
            h = u // nh
            hh = u % nh
            return h, wid * bw + hh * CH, wid * (bw // 128) + hh * nb_blk

        def idx_copy(u, b):
            h, t0, _ = hb(u)
            return pltpu.make_async_copy(
                tok_hbm.at[h, pl.ds(t0, CH)], idx_v.at[b], si[b])

        def gather(b):
            return pltpu.make_async_copy(
                tab_hbm.at[idx_v.at[b]], rows_v.at[b], sg[b])

        def store(u, b):
            h, _, c0 = hb(u)
            return pltpu.make_async_copy(
                t_v.at[b], out_hbm.at[h, :, pl.ds(c0, nb_blk)], so[b])

        def transpose(b):
            rows_b = rows_v.at[b]
            for R in range(nc_blk):
                t_R = t_v.at[b, R]

                @plsc.parallel_loop(0, nb_blk * 64, unroll=16)
                def body(kk, _R=R, _t=t_R):
                    cb = kk >> 6
                    r = (kk >> 3) & 7
                    lc = kk & 7
                    tok_idx = cb * 128 + lc * 16 + iota
                    c_idx = jnp.full((16,), _R * 8 + r, jnp.int32)
                    vals = plsc.load_gather(rows_b, [tok_idx, c_idx])
                    _t[cb, r, pl.ds(lc * 16, 16)] = vals

        def step(u, b, first=False, pre_gather=True, pre_idx=True):
            b1 = 1 - b
            if pre_gather:
                idx_copy(u + 1, b1).wait()
                gather(b1).start()
            gather(b).wait()
            if not first:
                store(u - 2, b).wait()
            transpose(b)
            store(u, b).start()
            if pre_idx:
                idx_copy(u + 2, b).start()

        idx_copy(0, 0).start()
        idx_copy(1, 1).start()
        idx_copy(0, 0).wait()
        gather(0).start()
        step(0, 0, first=True)
        step(1, 1, first=True)

        def body(o, carry):
            step(2 * o, 0)
            step(2 * o + 1, 1)
            return carry

        lax.fori_loop(1, NU // 2 - 1, body, 0)

        step(NU - 2, 0, pre_gather=True, pre_idx=False)
        step(NU - 1, 1, pre_gather=False, pre_idx=False)
        store(NU - 2, 0).wait()
        store(NU - 1, 1).wait()

    return k


_gather = _make_gather(VOCAB_SIZE, EMB_SIZE, BATCH, HIST_LEN)




def kernel(tokens, embedding_weight):
    tok_t = tokens.T.astype(jnp.int32)
    tab = jnp.pad(embedding_weight, ((0, 0), (0, 128 - EMB_SIZE)))
    out5 = _gather(tok_t, tab)
    out = out5.transpose(2, 4, 0, 1, 3).reshape(BATCH, HIST_LEN, EMB_SIZE)
    return out

# --- scband reference (transcript-rebuilt; emitter-appended) ---
"""Pipeline reference for scband-token-embedding-32830730011508 (READ-ONLY COPY).

The authoritative reference and input builder live on the scoring server;
editing this copy changes nothing except your own understanding.
"""

import jax, jax.numpy as jnp
import numpy as np

VOCAB_SIZE = 1000000
EMB_SIZE = 32
BATCH = 16384
HIST_LEN = 50

def setup_inputs(seed: int = 0) -> dict:
    key = jax.random.key(seed)
    k_tok, k_emb = jax.random.split(key)
    tokens = jax.random.randint(k_tok, (BATCH, HIST_LEN), 0, VOCAB_SIZE, dtype=jnp.int64 if jax.config.jax_enable_x64 else jnp.int32)
    # nn.Embedding default init: N(0, 1)
    embedding_weight = jax.random.normal(k_emb, (VOCAB_SIZE, EMB_SIZE), dtype=jnp.float32)
    return {"tokens": tokens, "embedding_weight": embedding_weight}

def reference(tokens, embedding_weight):
    # TokenEmbedding.forward: self.embedding(tokens.long())
    return jnp.take(embedding_weight, tokens.astype(jnp.int32), axis=0)

if __name__ == "__main__":
    import jax
    _d = setup_inputs()
    print(jax.jit(kernel)(*tuple(_d.values())))

</pallas_src>

<mosaic_0001>
#map = affine_map<(d0, d1) -> (0, 0)>
#map1 = affine_map<(d0, d1) -> (0, 0, 0, 0, 0)>
module attributes {stable_mosaic.version = 14 : i64} {
  func.func @k(%arg0: i32, %arg1: i32, %arg2: memref<50x16384xi32, #tpu.memory_space<hbm>>, %arg3: memref<1000000x128xf32, #tpu.memory_space<hbm>>, %arg4: memref<50x4x128x8x128xf32, #tpu.memory_space<hbm>>, %arg5: memref<2x256xi32, #tpu.memory_space<vmem>>, %arg6: memref<2x256x128xf32, #tpu.memory_space<vmem>>, %arg7: memref<2x4x2x8x128xf32, #tpu.memory_space<vmem>>, %arg8: memref<!tpu.dma_semaphore, #tpu.memory_space<semaphore_mem>>, %arg9: memref<!tpu.dma_semaphore, #tpu.memory_space<semaphore_mem>>, %arg10: memref<!tpu.dma_semaphore, #tpu.memory_space<semaphore_mem>>, %arg11: memref<!tpu.dma_semaphore, #tpu.memory_space<semaphore_mem>>, %arg12: memref<!tpu.dma_semaphore, #tpu.memory_space<semaphore_mem>>, %arg13: memref<!tpu.dma_semaphore, #tpu.memory_space<semaphore_mem>>) attributes {dimension_semantics = [#tpu.dimension_semantics<core_parallel>, #tpu.dimension_semantics<subcore_parallel>], iteration_bounds = array<i64: 2, 16>, scalar_prefetch = 0 : i64, scratch_operands = 9 : i64, tpu.core_type = #tpu.core_type<sc_vector_subcore>, window_params = [{transform_indices = #map}, {transform_indices = #map}, {transform_indices = #map1}]} {
    %mul3A = arith.constant 2 : i32
    %mul3A_0 = arith.muli %arg1, %mul3A : i32
    %add3A = arith.addi %mul3A_0, %arg0 : i32
    %iota3A = tpu.iota {dimensions = array<i32: 0>} : vector<16xi32>
    %mul3A_1 = arith.constant 512 : i32
    %mul3A_2 = arith.muli %add3A, %mul3A_1 : i32
    %add3A_3 = arith.constant 0 : i32
    %add3A_4 = arith.addi %mul3A_2, %add3A_3 : i32
    %mul3A_5 = arith.constant 4 : i32
    %mul3A_6 = arith.muli %add3A, %mul3A_5 : i32
    %add3A_7 = arith.constant 0 : i32
    %add3A_8 = arith.addi %mul3A_6, %add3A_7 : i32
    %dma_start3A = arith.constant 0 : i32
    %dma_start3A_9 = arith.constant 0 : i32
    %dma_start3A_10 = arith.constant 0 : i32
    %dma_start3A_11 = tpu.memref_slice %arg5[%dma_start3A_9, %dma_start3A_10] : memref<2x256xi32, #tpu.memory_space<vmem>> -> memref<1x256xi32, #tpu.memory_space<vmem>>
    %dma_start3A_12 = tpu.memref_squeeze %dma_start3A_11 : memref<1x256xi32, #tpu.memory_space<vmem>> -> memref<256xi32, #tpu.memory_space<vmem>>
    %dma_start3A_13 = tpu.memref_slice %arg2[%dma_start3A, %add3A_4] : memref<50x16384xi32, #tpu.memory_space<hbm>> -> memref<1x256xi32, #tpu.memory_space<hbm>>
    %dma_start3A_14 = tpu.memref_squeeze %dma_start3A_13 : memref<1x256xi32, #tpu.memory_space<hbm>> -> memref<256xi32, #tpu.memory_space<hbm>>
    %dma_start3A_15 = arith.constant 0 : i32
    %dma_start3A_16 = tpu.memref_slice %arg5[%dma_start3A_9, %dma_start3A_15] : memref<2x256xi32, #tpu.memory_space<vmem>> -> memref<1x256xi32, #tpu.memory_space<vmem>>
    %dma_start3A_17 = tpu.memref_squeeze %dma_start3A_16 : memref<1x256xi32, #tpu.memory_space<vmem>> -> memref<256xi32, #tpu.memory_space<vmem>>
    %dma_start3A_18 = tpu.memref_slice %arg2[%dma_start3A, %add3A_4] : memref<50x16384xi32, #tpu.memory_space<hbm>> -> memref<1x256xi32, #tpu.memory_space<hbm>>
    %dma_start3A_19 = tpu.memref_squeeze %dma_start3A_18 : memref<1x256xi32, #tpu.memory_space<hbm>> -> memref<256xi32, #tpu.memory_space<hbm>>
    tpu.enqueue_dma source(%dma_start3A_19 : memref<256xi32, #tpu.memory_space<hbm>>) target(%dma_start3A_17 : memref<256xi32, #tpu.memory_space<vmem>>) target_semaphore(%arg8 : memref<!tpu.dma_semaphore, #tpu.memory_space<semaphore_mem>>)
    %mul3A_20 = arith.constant 512 : i32
    %mul3A_21 = arith.muli %add3A, %mul3A_20 : i32
    %add3A_22 = arith.constant 256 : i32
    %add3A_23 = arith.addi %mul3A_21, %add3A_22 : i32
    %mul3A_24 = arith.constant 4 : i32
    %mul3A_25 = arith.muli %add3A, %mul3A_24 : i32
    %add3A_26 = arith.constant 2 : i32
    %add3A_27 = arith.addi %mul3A_25, %add3A_26 : i32
    %dma_start3A_28 = arith.constant 0 : i32
    %dma_start3A_29 = arith.constant 1 : i32
    %dma_start3A_30 = arith.constant 0 : i32
    %dma_start3A_31 = tpu.memref_slice %arg5[%dma_start3A_29, %dma_start3A_30] : memref<2x256xi32, #tpu.memory_space<vmem>> -> memref<1x256xi32, #tpu.memory_space<vmem>>
    %dma_start3A_32 = tpu.memref_squeeze %dma_start3A_31 : memref<1x256xi32, #tpu.memory_space<vmem>> -> memref<256xi32, #tpu.memory_space<vmem>>
    %dma_start3A_33 = tpu.memref_slice %arg2[%dma_start3A_28, %add3A_23] : memref<50x16384xi32, #tpu.memory_space<hbm>> -> memref<1x256xi32, #tpu.memory_space<hbm>>
    %dma_start3A_34 = tpu.memref_squeeze %dma_start3A_33 : memref<1x256xi32, #tpu.memory_space<hbm>> -> memref<256xi32, #tpu.memory_space<hbm>>
    %dma_start3A_35 = arith.constant 0 : i32
    %dma_start3A_36 = tpu.memref_slice %arg5[%dma_start3A_29, %dma_start3A_35] : memref<2x256xi32, #tpu.memory_space<vmem>> -> memref<1x256xi32, #tpu.memory_space<vmem>>
    %dma_start3A_37 = tpu.memref_squeeze %dma_start3A_36 : memref<1x256xi32, #tpu.memory_space<vmem>> -> memref<256xi32, #tpu.memory_space<vmem>>
    %dma_start3A_38 = tpu.memref_slice %arg2[%dma_start3A_28, %add3A_23] : memref<50x16384xi32, #tpu.memory_space<hbm>> -> memref<1x256xi32, #tpu.memory_space<hbm>>
    %dma_start3A_39 = tpu.memref_squeeze %dma_start3A_38 : memref<1x256xi32, #tpu.memory_space<hbm>> -> memref<256xi32, #tpu.memory_space<hbm>>
    tpu.enqueue_dma source(%dma_start3A_39 : memref<256xi32, #tpu.memory_space<hbm>>) target(%dma_start3A_37 : memref<256xi32, #tpu.memory_space<vmem>>) target_semaphore(%arg9 : memref<!tpu.dma_semaphore, #tpu.memory_space<semaphore_mem>>)
    %mul3A_40 = arith.constant 512 : i32
    %mul3A_41 = arith.muli %add3A, %mul3A_40 : i32
    %add3A_42 = arith.constant 0 : i32
    %add3A_43 = arith.addi %mul3A_41, %add3A_42 : i32
    %mul3A_44 = arith.constant 4 : i32
    %mul3A_45 = arith.muli %add3A, %mul3A_44 : i32
    %add3A_46 = arith.constant 0 : i32
    %add3A_47 = arith.addi %mul3A_45, %add3A_46 : i32
    %dma_wait3A = arith.constant 0 : i32
    %dma_wait3A_48 = arith.constant 0 : i32
    %dma_wait3A_49 = arith.constant 0 : i32
    %dma_wait3A_50 = tpu.memref_slice %arg5[%dma_wait3A_48, %dma_wait3A_49] : memref<2x256xi32, #tpu.memory_space<vmem>> -> memref<1x256xi32, #tpu.memory_space<vmem>>
    %dma_wait3A_51 = tpu.memref_squeeze %dma_wait3A_50 : memref<1x256xi32, #tpu.memory_space<vmem>> -> memref<256xi32, #tpu.memory_space<vmem>>
    %dma_wait3A_52 = tpu.memref_slice %arg2[%dma_wait3A, %add3A_43] : memref<50x16384xi32, #tpu.memory_space<hbm>> -> memref<1x256xi32, #tpu.memory_space<hbm>>
    %dma_wait3A_53 = tpu.memref_squeeze %dma_wait3A_52 : memref<1x256xi32, #tpu.memory_space<hbm>> -> memref<256xi32, #tpu.memory_space<hbm>>
    %dma_wait3A_54 = arith.constant 0 : i32
    %dma_wait3A_55 = tpu.memref_slice %arg5[%dma_wait3A_48, %dma_wait3A_54] : memref<2x256xi32, #tpu.memory_space<vmem>> -> memref<1x256xi32, #tpu.memory_space<vmem>>
    %dma_wait3A_56 = tpu.memref_squeeze %dma_wait3A_55 : memref<1x256xi32, #tpu.memory_space<vmem>> -> memref<256xi32, #tpu.memory_space<vmem>>
    %dma_wait3A_57 = tpu.memref_slice %arg2[%dma_wait3A, %add3A_43] : memref<50x16384xi32, #tpu.memory_space<hbm>> -> memref<1x256xi32, #tpu.memory_space<hbm>>
    %dma_wait3A_58 = tpu.memref_squeeze %dma_wait3A_57 : memref<1x256xi32, #tpu.memory_space<hbm>> -> memref<256xi32, #tpu.memory_space<hbm>>
    tpu.wait_dma2 semaphore(%arg8 : memref<!tpu.dma_semaphore, #tpu.memory_space<semaphore_mem>>) src(%dma_wait3A_58 : memref<256xi32, #tpu.memory_space<hbm>>) dst(%dma_wait3A_56 : memref<256xi32, #tpu.memory_space<vmem>>)
    %dma_start3A_59 = arith.constant 0 : i32
    %dma_start3A_60 = arith.constant 0 : i32
    %dma_start3A_61 = arith.constant 0 : i32
    %dma_start3A_62 = arith.constant 0 : i32
    %dma_start3A_63 = tpu.memref_slice %arg6[%dma_start3A_60, %dma_start3A_61, %dma_start3A_62] : memref<2x256x128xf32, #tpu.memory_space<vmem>> -> memref<1x256x128xf32, #tpu.memory_space<vmem>>
    %dma_start3A_64 = tpu.memref_squeeze %dma_start3A_63 : memref<1x256x128xf32, #tpu.memory_space<vmem>> -> memref<256x128xf32, #tpu.memory_space<vmem>>
    %dma_start3A_65 = arith.constant 0 : i32
    %dma_start3A_66 = tpu.memref_slice %arg5[%dma_start3A_59, %dma_start3A_65] : memref<2x256xi32, #tpu.memory_space<vmem>> -> memref<1x256xi32, #tpu.memory_space<vmem>>
    %dma_start3A_67 = tpu.memref_squeeze %dma_start3A_66 : memref<1x256xi32, #tpu.memory_space<vmem>> -> memref<256xi32, #tpu.memory_space<vmem>>
    %dma_start3A_68 = arith.constant 0 : i32
    %dma_start3A_69 = arith.constant 0 : i32
    %dma_start3A_70 = tpu.memref_slice %arg3[%dma_start3A_68, %dma_start3A_69] : memref<1000000x128xf32, #tpu.memory_space<hbm>> -> memref<1000000x128xf32, #tpu.memory_space<hbm>>
    tpu.enqueue_indirect_dma source(%dma_start3A_70 : memref<1000000x128xf32, #tpu.memory_space<hbm>>) target(%dma_start3A_64 : memref<256x128xf32, #tpu.memory_space<vmem>>) offsets(%dma_start3A_67 : memref<256xi32, #tpu.memory_space<vmem>>) semaphore(%arg10 : memref<!tpu.dma_semaphore, #tpu.memory_space<semaphore_mem>>)
    %mul3A_71 = arith.constant 512 : i32
    %mul3A_72 = arith.muli %add3A, %mul3A_71 : i32
    %add3A_73 = arith.constant 256 : i32
    %add3A_74 = arith.addi %mul3A_72, %add3A_73 : i32
    %mul3A_75 = arith.constant 4 : i32
    %mul3A_76 = arith.muli %add3A, %mul3A_75 : i32
    %add3A_77 = arith.constant 2 : i32
    %add3A_78 = arith.addi %mul3A_76, %add3A_77 : i32
    %dma_wait3A_79 = arith.constant 0 : i32
    %dma_wait3A_80 = arith.constant 1 : i32
    %dma_wait3A_81 = arith.constant 0 : i32
    %dma_wait3A_82 = tpu.memref_slice %arg5[%dma_wait3A_80, %dma_wait3A_81] : memref<2x256xi32, #tpu.memory_space<vmem>> -> memref<1x256xi32, #tpu.memory_space<vmem>>
    %dma_wait3A_83 = tpu.memref_squeeze %dma_wait3A_82 : memref<1x256xi32, #tpu.memory_space<vmem>> -> memref<256xi32, #tpu.memory_space<vmem>>
    %dma_wait3A_84 = tpu.memref_slice %arg2[%dma_wait3A_79, %add3A_74] : memref<50x16384xi32, #tpu.memory_space<hbm>> -> memref<1x256xi32, #tpu.memory_space<hbm>>
    %dma_wait3A_85 = tpu.memref_squeeze %dma_wait3A_84 : memref<1x256xi32, #tpu.memory_space<hbm>> -> memref<256xi32, #tpu.memory_space<hbm>>
    %dma_wait3A_86 = arith.constant 0 : i32
    %dma_wait3A_87 = tpu.memref_slice %arg5[%dma_wait3A_80, %dma_wait3A_86] : memref<2x256xi32, #tpu.memory_space<vmem>> -> memref<1x256xi32, #tpu.memory_space<vmem>>
    %dma_wait3A_88 = tpu.memref_squeeze %dma_wait3A_87 : memref<1x256xi32, #tpu.memory_space<vmem>> -> memref<256xi32, #tpu.memory_space<vmem>>
    %dma_wait3A_89 = tpu.memref_slice %arg2[%dma_wait3A_79, %add3A_74] : memref<50x16384xi32, #tpu.memory_space<hbm>> -> memref<1x256xi32, #tpu.memory_space<hbm>>
    %dma_wait3A_90 = tpu.memref_squeeze %dma_wait3A_89 : memref<1x256xi32, #tpu.memory_space<hbm>> -> memref<256xi32, #tpu.memory_space<hbm>>
    tpu.wait_dma2 semaphore(%arg9 : memref<!tpu.dma_semaphore, #tpu.memory_space<semaphore_mem>>) src(%dma_wait3A_90 : memref<256xi32, #tpu.memory_space<hbm>>) dst(%dma_wait3A_88 : memref<256xi32, #tpu.memory_space<vmem>>)
    %dma_start3A_91 = arith.constant 1 : i32
    %dma_start3A_92 = arith.constant 1 : i32
    %dma_start3A_93 = arith.constant 0 : i32
    %dma_start3A_94 = arith.constant 0 : i32
    %dma_start3A_95 = tpu.memref_slice %arg6[%dma_start3A_92, %dma_start3A_93, %dma_start3A_94] : memref<2x256x128xf32, #tpu.memory_space<vmem>> -> memref<1x256x128xf32, #tpu.memory_space<vmem>>
    %dma_start3A_96 = tpu.memref_squeeze %dma_start3A_95 : memref<1x256x128xf32, #tpu.memory_space<vmem>> -> memref<256x128xf32, #tpu.memory_space<vmem>>
    %dma_start3A_97 = arith.constant 0 : i32
    %dma_start3A_98 = tpu.memref_slice %arg5[%dma_start3A_91, %dma_start3A_97] : memref<2x256xi32, #tpu.memory_space<vmem>> -> memref<1x256xi32, #tpu.memory_space<vmem>>
    %dma_start3A_99 = tpu.memref_squeeze %dma_start3A_98 : memref<1x256xi32, #tpu.memory_space<vmem>> -> memref<256xi32, #tpu.memory_space<vmem>>
    %dma_start3A_100 = arith.constant 0 : i32
    %dma_start3A_101 = arith.constant 0 : i32
    %dma_start3A_102 = tpu.memref_slice %arg3[%dma_start3A_100, %dma_start3A_101] : memref<1000000x128xf32, #tpu.memory_space<hbm>> -> memref<1000000x128xf32, #tpu.memory_space<hbm>>
    tpu.enqueue_indirect_dma source(%dma_start3A_102 : memref<1000000x128xf32, #tpu.memory_space<hbm>>) target(%dma_start3A_96 : memref<256x128xf32, #tpu.memory_space<vmem>>) offsets(%dma_start3A_99 : memref<256xi32, #tpu.memory_space<vmem>>) semaphore(%arg11 : memref<!tpu.dma_semaphore, #tpu.memory_space<semaphore_mem>>)
    %dma_wait3A_103 = arith.constant 0 : i32
    %dma_wait3A_104 = arith.constant 0 : i32
    %dma_wait3A_105 = arith.constant 0 : i32
    %dma_wait3A_106 = arith.constant 0 : i32
    %dma_wait3A_107 = tpu.memref_slice %arg6[%dma_wait3A_104, %dma_wait3A_105, %dma_wait3A_106] : memref<2x256x128xf32, #tpu.memory_space<vmem>> -> memref<1x256x128xf32, #tpu.memory_space<vmem>>
    %dma_wait3A_108 = tpu.memref_squeeze %dma_wait3A_107 : memref<1x256x128xf32, #tpu.memory_space<vmem>> -> memref<256x128xf32, #tpu.memory_space<vmem>>
    %dma_wait3A_109 = arith.constant 0 : i32
    %dma_wait3A_110 = tpu.memref_slice %arg5[%dma_wait3A_103, %dma_wait3A_109] : memref<2x256xi32, #tpu.memory_space<vmem>> -> memref<1x256xi32, #tpu.memory_space<vmem>>
    %dma_wait3A_111 = tpu.memref_squeeze %dma_wait3A_110 : memref<1x256xi32, #tpu.memory_space<vmem>> -> memref<256xi32, #tpu.memory_space<vmem>>
    %dma_wait3A_112 = arith.constant 0 : i32
    %dma_wait3A_113 = arith.constant 0 : i32
    %dma_wait3A_114 = tpu.memref_slice %arg3[%dma_wait3A_112, %dma_wait3A_113] : memref<1000000x128xf32, #tpu.memory_space<hbm>> -> memref<1000000x128xf32, #tpu.memory_space<hbm>>
    tpu.wait_indirect_dma semaphore(%arg10 : memref<!tpu.dma_semaphore, #tpu.memory_space<semaphore_mem>>) src(%dma_wait3A_114 : memref<1000000x128xf32, #tpu.memory_space<hbm>>) dst(%dma_wait3A_108 : memref<256x128xf32, #tpu.memory_space<vmem>>)
    %parallel_loop3A = arith.constant 0 : i32
    %parallel_loop3A_115 = arith.constant 128 : i32
    %parallel_loop3A_116 = arith.constant 1 : i32
    %parallel_loop3A_117 = arith.constant 0 : i32
    %parallel_loop3A_118 = arith.constant 0 : i32
    %parallel_loop3A_119 = arith.constant 0 : i32
    scf.for %parallel_loop3A_611 = %parallel_loop3A to %parallel_loop3A_115 step %parallel_loop3A_116  : i32 {
      %parallel_loop3A_612 = arith.constant 6 : i32
      %parallel_loop3A_613 = arith.shrsi %parallel_loop3A_611, %parallel_loop3A_612 : i32
      %parallel_loop3A_614 = arith.constant 3 : i32
      %parallel_loop3A_615 = arith.shrsi %parallel_loop3A_611, %parallel_loop3A_614 : i32
      %parallel_loop3A_616 = arith.constant 7 : i32
      %parallel_loop3A_617 = arith.andi %parallel_loop3A_615, %parallel_loop3A_616 : i32
      %parallel_loop3A_618 = arith.constant 7 : i32
      %parallel_loop3A_619 = arith.andi %parallel_loop3A_611, %parallel_loop3A_618 : i32
      %parallel_loop3A_620 = arith.constant 128 : i32
      %parallel_loop3A_621 = arith.muli %parallel_loop3A_613, %parallel_loop3A_620 : i32
      %parallel_loop3A_622 = arith.constant 16 : i32
      %parallel_loop3A_623 = arith.muli %parallel_loop3A_619, %parallel_loop3A_622 : i32
      %parallel_loop3A_624 = arith.addi %parallel_loop3A_621, %parallel_loop3A_623 : i32
      %parallel_loop3A_625 = vector.broadcast %parallel_loop3A_624 : i32 to vector<16xi32>
      %parallel_loop3A_626 = arith.addi %parallel_loop3A_625, %iota3A : vector<16xi32>
      %parallel_loop3A_627 = arith.constant 0 : i32
      %parallel_loop3A_628 = arith.addi %parallel_loop3A_627, %parallel_loop3A_617 : i32
      %parallel_loop3A_629 = vector.broadcast %parallel_loop3A_628 : i32 to vector<16xi32>
      %parallel_loop3A_630 = arith.constant 0 : i32
      %parallel_loop3A_631 = arith.constant 0 : i32
      %parallel_loop3A_632 = tpu.memref_slice %arg6[%parallel_loop3A_117, %parallel_loop3A_630, %parallel_loop3A_631] : memref<2x256x128xf32, #tpu.memory_space<vmem>> -> memref<1x256x128xf32, #tpu.memory_space<vmem>>
      %parallel_loop3A_633 = tpu.memref_squeeze %parallel_loop3A_632 : memref<1x256x128xf32, #tpu.memory_space<vmem>> -> memref<256x128xf32, #tpu.memory_space<vmem>>
      %parallel_loop3A_634 = tpu.vector_load_idx %parallel_loop3A_633[%parallel_loop3A_626, %parallel_loop3A_629] : memref<256x128xf32, #tpu.memory_space<vmem>>[vector<16xi32>, vector<16xi32>], vector<16xf32>,
      %parallel_loop3A_635 = arith.constant 16 : i32
      %parallel_loop3A_636 = arith.muli %parallel_loop3A_619, %parallel_loop3A_635 : i32
      %parallel_loop3A_637 = arith.constant 0 : i32
      %parallel_loop3A_638 = arith.constant 0 : i32
      %parallel_loop3A_639 = arith.constant 0 : i32
      %parallel_loop3A_640 = tpu.memref_slice %arg7[%parallel_loop3A_118, %parallel_loop3A_119, %parallel_loop3A_637, %parallel_loop3A_638, %parallel_loop3A_639] : memref<2x4x2x8x128xf32, #tpu.memory_space<vmem>> -> memref<1x1x2x8x128xf32, #tpu.memory_space<vmem>>
      %parallel_loop3A_641 = tpu.memref_squeeze %parallel_loop3A_640 : memref<1x1x2x8x128xf32, #tpu.memory_space<vmem>> -> memref<2x8x128xf32, #tpu.memory_space<vmem>>
      %parallel_loop3A_642 = arith.index_cast %parallel_loop3A_613 : i32 to index
      %parallel_loop3A_643 = arith.index_cast %parallel_loop3A_617 : i32 to index
      %parallel_loop3A_644 = arith.index_cast %parallel_loop3A_636 : i32 to index
      %parallel_loop3A_645 = tpu.vector_load %parallel_loop3A_641[%parallel_loop3A_642, %parallel_loop3A_643, %parallel_loop3A_644] {strides = array<i32>} : memref<2x8x128xf32, #tpu.memory_space<vmem>>, vector<16xf32>,
      tpu.vector_store %parallel_loop3A_641[%parallel_loop3A_642, %parallel_loop3A_643, %parallel_loop3A_644], %parallel_loop3A_634 {strides = array<i32>} : memref<2x8x128xf32, #tpu.memory_space<vmem>>, vector<16xf32>,
    } {sc.loop_unroll_factor = 16 : i64, sc.parallel_access}
    %parallel_loop3A_120 = arith.constant 0 : i32
    %parallel_loop3A_121 = arith.constant 128 : i32
    %parallel_loop3A_122 = arith.constant 1 : i32
    %parallel_loop3A_123 = arith.constant 0 : i32
    %parallel_loop3A_124 = arith.constant 0 : i32
    %parallel_loop3A_125 = arith.constant 1 : i32
    scf.for %parallel_loop3A_611 = %parallel_loop3A_120 to %parallel_loop3A_121 step %parallel_loop3A_122  : i32 {
      %parallel_loop3A_612 = arith.constant 6 : i32
      %parallel_loop3A_613 = arith.shrsi %parallel_loop3A_611, %parallel_loop3A_612 : i32
      %parallel_loop3A_614 = arith.constant 3 : i32
      %parallel_loop3A_615 = arith.shrsi %parallel_loop3A_611, %parallel_loop3A_614 : i32
      %parallel_loop3A_616 = arith.constant 7 : i32
      %parallel_loop3A_617 = arith.andi %parallel_loop3A_615, %parallel_loop3A_616 : i32
      %parallel_loop3A_618 = arith.constant 7 : i32
      %parallel_loop3A_619 = arith.andi %parallel_loop3A_611, %parallel_loop3A_618 : i32
      %parallel_loop3A_620 = arith.constant 128 : i32
      %parallel_loop3A_621 = arith.muli %parallel_loop3A_613, %parallel_loop3A_620 : i32
      %parallel_loop3A_622 = arith.constant 16 : i32
      %parallel_loop3A_623 = arith.muli %parallel_loop3A_619, %parallel_loop3A_622 : i32
      %parallel_loop3A_624 = arith.addi %parallel_loop3A_621, %parallel_loop3A_623 : i32
      %parallel_loop3A_625 = vector.broadcast %parallel_loop3A_624 : i32 to vector<16xi32>
      %parallel_loop3A_626 = arith.addi %parallel_loop3A_625, %iota3A : vector<16xi32>
      %parallel_loop3A_627 = arith.constant 8 : i32
      %parallel_loop3A_628 = arith.addi %parallel_loop3A_627, %parallel_loop3A_617 : i32
      %parallel_loop3A_629 = vector.broadcast %parallel_loop3A_628 : i32 to vector<16xi32>
      %parallel_loop3A_630 = arith.constant 0 : i32
      %parallel_loop3A_631 = arith.constant 0 : i32
      %parallel_loop3A_632 = tpu.memref_slice %arg6[%parallel_loop3A_123, %parallel_loop3A_630, %parallel_loop3A_631] : memref<2x256x128xf32, #tpu.memory_space<vmem>> -> memref<1x256x128xf32, #tpu.memory_space<vmem>>
      %parallel_loop3A_633 = tpu.memref_squeeze %parallel_loop3A_632 : memref<1x256x128xf32, #tpu.memory_space<vmem>> -> memref<256x128xf32, #tpu.memory_space<vmem>>
      %parallel_loop3A_634 = tpu.vector_load_idx %parallel_loop3A_633[%parallel_loop3A_626, %parallel_loop3A_629] : memref<256x128xf32, #tpu.memory_space<vmem>>[vector<16xi32>, vector<16xi32>], vector<16xf32>,
      %parallel_loop3A_635 = arith.constant 16 : i32
      %parallel_loop3A_636 = arith.muli %parallel_loop3A_619, %parallel_loop3A_635 : i32
      %parallel_loop3A_637 = arith.constant 0 : i32
      %parallel_loop3A_638 = arith.constant 0 : i32
      %parallel_loop3A_639 = arith.constant 0 : i32
      %parallel_loop3A_640 = tpu.memref_slice %arg7[%parallel_loop3A_124, %parallel_loop3A_125, %parallel_loop3A_637, %parallel_loop3A_638, %parallel_loop3A_639] : memref<2x4x2x8x128xf32, #tpu.memory_space<vmem>> -> memref<1x1x2x8x128xf32, #tpu.memory_space<vmem>>
      %parallel_loop3A_641 = tpu.memref_squeeze %parallel_loop3A_640 : memref<1x1x2x8x128xf32, #tpu.memory_space<vmem>> -> memref<2x8x128xf32, #tpu.memory_space<vmem>>
      %parallel_loop3A_642 = arith.index_cast %parallel_loop3A_613 : i32 to index
      %parallel_loop3A_643 = arith.index_cast %parallel_loop3A_617 : i32 to index
      %parallel_loop3A_644 = arith.index_cast %parallel_loop3A_636 : i32 to index
      %parallel_loop3A_645 = tpu.vector_load %parallel_loop3A_641[%parallel_loop3A_642, %parallel_loop3A_643, %parallel_loop3A_644] {strides = array<i32>} : memref<2x8x128xf32, #tpu.memory_space<vmem>>, vector<16xf32>,
      tpu.vector_store %parallel_loop3A_641[%parallel_loop3A_642, %parallel_loop3A_643, %parallel_loop3A_644], %parallel_loop3A_634 {strides = array<i32>} : memref<2x8x128xf32, #tpu.memory_space<vmem>>, vector<16xf32>,
    } {sc.loop_unroll_factor = 16 : i64, sc.parallel_access}
    %parallel_loop3A_126 = arith.constant 0 : i32
    %parallel_loop3A_127 = arith.constant 128 : i32
    %parallel_loop3A_128 = arith.constant 1 : i32
    %parallel_loop3A_129 = arith.constant 0 : i32
    %parallel_loop3A_130 = arith.constant 0 : i32
    %parallel_loop3A_131 = arith.constant 2 : i32
    scf.for %parallel_loop3A_611 = %parallel_loop3A_126 to %parallel_loop3A_127 step %parallel_loop3A_128  : i32 {
      %parallel_loop3A_612 = arith.constant 6 : i32
      %parallel_loop3A_613 = arith.shrsi %parallel_loop3A_611, %parallel_loop3A_612 : i32
      %parallel_loop3A_614 = arith.constant 3 : i32
      %parallel_loop3A_615 = arith.shrsi %parallel_loop3A_611, %parallel_loop3A_614 : i32
      %parallel_loop3A_616 = arith.constant 7 : i32
      %parallel_loop3A_617 = arith.andi %parallel_loop3A_615, %parallel_loop3A_616 : i32
      %parallel_loop3A_618 = arith.constant 7 : i32
      %parallel_loop3A_619 = arith.andi %parallel_loop3A_611, %parallel_loop3A_618 : i32
      %parallel_loop3A_620 = arith.constant 128 : i32
      %parallel_loop3A_621 = arith.muli %parallel_loop3A_613, %parallel_loop3A_620 : i32
      %parallel_loop3A_622 = arith.constant 16 : i32
      %parallel_loop3A_623 = arith.muli %parallel_loop3A_619, %parallel_loop3A_622 : i32
      %parallel_loop3A_624 = arith.addi %parallel_loop3A_621, %parallel_loop3A_623 : i32
      %parallel_loop3A_625 = vector.broadcast %parallel_loop3A_624 : i32 to vector<16xi32>
      %parallel_loop3A_626 = arith.addi %parallel_loop3A_625, %iota3A : vector<16xi32>
      %parallel_loop3A_627 = arith.constant 16 : i32
      %parallel_loop3A_628 = arith.addi %parallel_loop3A_627, %parallel_loop3A_617 : i32
      %parallel_loop3A_629 = vector.broadcast %parallel_loop3A_628 : i32 to vector<16xi32>
      %parallel_loop3A_630 = arith.constant 0 : i32
      %parallel_loop3A_631 = arith.constant 0 : i32
      %parallel_loop3A_632 = tpu.memref_slice %arg6[%parallel_loop3A_129, %parallel_loop3A_630, %parallel_loop3A_631] : memref<2x256x128xf32, #tpu.memory_space<vmem>> -> memref<1x256x128xf32, #tpu.memory_space<vmem>>
      %parallel_loop3A_633 = tpu.memref_squeeze %parallel_loop3A_632 : memref<1x256x128xf32, #tpu.memory_space<vmem>> -> memref<256x128xf32, #tpu.memory_space<vmem>>
      %parallel_loop3A_634 = tpu.vector_load_idx %parallel_loop3A_633[%parallel_loop3A_626, %parallel_loop3A_629] : memref<256x128xf32, #tpu.memory_space<vmem>>[vector<16xi32>, vector<16xi32>], vector<16xf32>,
      %parallel_loop3A_635 = arith.constant 16 : i32
      %parallel_loop3A_636 = arith.muli %parallel_loop3A_619, %parallel_loop3A_635 : i32
      %parallel_loop3A_637 = arith.constant 0 : i32
      %parallel_loop3A_638 = arith.constant 0 : i32
      %parallel_loop3A_639 = arith.constant 0 : i32
      %parallel_loop3A_640 = tpu.memref_slice %arg7[%parallel_loop3A_130, %parallel_loop3A_131, %parallel_loop3A_637, %parallel_loop3A_638, %parallel_loop3A_639] : memref<2x4x2x8x128xf32, #tpu.memory_space<vmem>> -> memref<1x1x2x8x128xf32, #tpu.memory_space<vmem>>
      %parallel_loop3A_641 = tpu.memref_squeeze %parallel_loop3A_640 : memref<1x1x2x8x128xf32, #tpu.memory_space<vmem>> -> memref<2x8x128xf32, #tpu.memory_space<vmem>>
      %parallel_loop3A_642 = arith.index_cast %parallel_loop3A_613 : i32 to index
      %parallel_loop3A_643 = arith.index_cast %parallel_loop3A_617 : i32 to index
      %parallel_loop3A_644 = arith.index_cast %parallel_loop3A_636 : i32 to index
      %parallel_loop3A_645 = tpu.vector_load %parallel_loop3A_641[%parallel_loop3A_642, %parallel_loop3A_643, %parallel_loop3A_644] {strides = array<i32>} : memref<2x8x128xf32, #tpu.memory_space<vmem>>, vector<16xf32>,
      tpu.vector_store %parallel_loop3A_641[%parallel_loop3A_642, %parallel_loop3A_643, %parallel_loop3A_644], %parallel_loop3A_634 {strides = array<i32>} : memref<2x8x128xf32, #tpu.memory_space<vmem>>, vector<16xf32>,
    } {sc.loop_unroll_factor = 16 : i64, sc.parallel_access}
    %parallel_loop3A_132 = arith.constant 0 : i32
    %parallel_loop3A_133 = arith.constant 128 : i32
    %parallel_loop3A_134 = arith.constant 1 : i32
    %parallel_loop3A_135 = arith.constant 0 : i32
    %parallel_loop3A_136 = arith.constant 0 : i32
    %parallel_loop3A_137 = arith.constant 3 : i32
    scf.for %parallel_loop3A_611 = %parallel_loop3A_132 to %parallel_loop3A_133 step %parallel_loop3A_134  : i32 {
      %parallel_loop3A_612 = arith.constant 6 : i32
      %parallel_loop3A_613 = arith.shrsi %parallel_loop3A_611, %parallel_loop3A_612 : i32
      %parallel_loop3A_614 = arith.constant 3 : i32
      %parallel_loop3A_615 = arith.shrsi %parallel_loop3A_611, %parallel_loop3A_614 : i32
      %parallel_loop3A_616 = arith.constant 7 : i32
      %parallel_loop3A_617 = arith.andi %parallel_loop3A_615, %parallel_loop3A_616 : i32
      %parallel_loop3A_618 = arith.constant 7 : i32
      %parallel_loop3A_619 = arith.andi %parallel_loop3A_611, %parallel_loop3A_618 : i32
      %parallel_loop3A_620 = arith.constant 128 : i32
      %parallel_loop3A_621 = arith.muli %parallel_loop3A_613, %parallel_loop3A_620 : i32
      %parallel_loop3A_622 = arith.constant 16 : i32
      %parallel_loop3A_623 = arith.muli %parallel_loop3A_619, %parallel_loop3A_622 : i32
      %parallel_loop3A_624 = arith.addi %parallel_loop3A_621, %parallel_loop3A_623 : i32
      %parallel_loop3A_625 = vector.broadcast %parallel_loop3A_624 : i32 to vector<16xi32>
      %parallel_loop3A_626 = arith.addi %parallel_loop3A_625, %iota3A : vector<16xi32>
      %parallel_loop3A_627 = arith.constant 24 : i32
      %parallel_loop3A_628 = arith.addi %parallel_loop3A_627, %parallel_loop3A_617 : i32
      %parallel_loop3A_629 = vector.broadcast %parallel_loop3A_628 : i32 to vector<16xi32>
      %parallel_loop3A_630 = arith.constant 0 : i32
      %parallel_loop3A_631 = arith.constant 0 : i32
      %parallel_loop3A_632 = tpu.memref_slice %arg6[%parallel_loop3A_135, %parallel_loop3A_630, %parallel_loop3A_631] : memref<2x256x128xf32, #tpu.memory_space<vmem>> -> memref<1x256x128xf32, #tpu.memory_space<vmem>>
      %parallel_loop3A_633 = tpu.memref_squeeze %parallel_loop3A_632 : memref<1x256x128xf32, #tpu.memory_space<vmem>> -> memref<256x128xf32, #tpu.memory_space<vmem>>
      %parallel_loop3A_634 = tpu.vector_load_idx %parallel_loop3A_633[%parallel_loop3A_626, %parallel_loop3A_629] : memref<256x128xf32, #tpu.memory_space<vmem>>[vector<16xi32>, vector<16xi32>], vector<16xf32>,
      %parallel_loop3A_635 = arith.constant 16 : i32
      %parallel_loop3A_636 = arith.muli %parallel_loop3A_619, %parallel_loop3A_635 : i32
      %parallel_loop3A_637 = arith.constant 0 : i32
      %parallel_loop3A_638 = arith.constant 0 : i32
      %parallel_loop3A_639 = arith.constant 0 : i32
      %parallel_loop3A_640 = tpu.memref_slice %arg7[%parallel_loop3A_136, %parallel_loop3A_137, %parallel_loop3A_637, %parallel_loop3A_638, %parallel_loop3A_639] : memref<2x4x2x8x128xf32, #tpu.memory_space<vmem>> -> memref<1x1x2x8x128xf32, #tpu.memory_space<vmem>>
      %parallel_loop3A_641 = tpu.memref_squeeze %parallel_loop3A_640 : memref<1x1x2x8x128xf32, #tpu.memory_space<vmem>> -> memref<2x8x128xf32, #tpu.memory_space<vmem>>
      %parallel_loop3A_642 = arith.index_cast %parallel_loop3A_613 : i32 to index
      %parallel_loop3A_643 = arith.index_cast %parallel_loop3A_617 : i32 to index
      %parallel_loop3A_644 = arith.index_cast %parallel_loop3A_636 : i32 to index
      %parallel_loop3A_645 = tpu.vector_load %parallel_loop3A_641[%parallel_loop3A_642, %parallel_loop3A_643, %parallel_loop3A_644] {strides = array<i32>} : memref<2x8x128xf32, #tpu.memory_space<vmem>>, vector<16xf32>,
      tpu.vector_store %parallel_loop3A_641[%parallel_loop3A_642, %parallel_loop3A_643, %parallel_loop3A_644], %parallel_loop3A_634 {strides = array<i32>} : memref<2x8x128xf32, #tpu.memory_space<vmem>>, vector<16xf32>,
    } {sc.loop_unroll_factor = 16 : i64, sc.parallel_access}
    %mul3A_138 = arith.constant 512 : i32
    %mul3A_139 = arith.muli %add3A, %mul3A_138 : i32
    %add3A_140 = arith.constant 0 : i32
    %add3A_141 = arith.addi %mul3A_139, %add3A_140 : i32
    %mul3A_142 = arith.constant 4 : i32
    %mul3A_143 = arith.muli %add3A, %mul3A_142 : i32
    %add3A_144 = arith.constant 0 : i32
    %add3A_145 = arith.addi %mul3A_143, %add3A_144 : i32
    %dma_start3A_146 = arith.constant 0 : i32
    %dma_start3A_147 = arith.constant 0 : i32
    %dma_start3A_148 = arith.constant 0 : i32
    %dma_start3A_149 = arith.constant 0 : i32
    %dma_start3A_150 = arith.constant 0 : i32
    %dma_start3A_151 = arith.constant 0 : i32
    %dma_start3A_152 = tpu.memref_slice %arg7[%dma_start3A_146, %dma_start3A_148, %dma_start3A_149, %dma_start3A_150, %dma_start3A_151] : memref<2x4x2x8x128xf32, #tpu.memory_space<vmem>> -> memref<1x4x2x8x128xf32, #tpu.memory_space<vmem>>
    %dma_start3A_153 = tpu.memref_squeeze %dma_start3A_152 : memref<1x4x2x8x128xf32, #tpu.memory_space<vmem>> -> memref<4x2x8x128xf32, #tpu.memory_space<vmem>>
    %dma_start3A_154 = arith.constant 0 : i32
    %dma_start3A_155 = arith.constant 0 : i32
    %dma_start3A_156 = arith.constant 0 : i32
    %dma_start3A_157 = tpu.memref_slice %arg4[%dma_start3A_147, %dma_start3A_154, %add3A_145, %dma_start3A_155, %dma_start3A_156] : memref<50x4x128x8x128xf32, #tpu.memory_space<hbm>> -> memref<1x4x2x8x128xf32, #tpu.memory_space<hbm>>
    %dma_start3A_158 = tpu.memref_squeeze %dma_start3A_157 : memref<1x4x2x8x128xf32, #tpu.memory_space<hbm>> -> memref<4x2x8x128xf32, #tpu.memory_space<hbm>>
    %dma_start3A_159 = arith.constant 0 : i32
    %dma_start3A_160 = arith.constant 0 : i32
    %dma_start3A_161 = arith.constant 0 : i32
    %dma_start3A_162 = tpu.memref_slice %arg4[%dma_start3A_147, %dma_start3A_159, %add3A_145, %dma_start3A_160, %dma_start3A_161] : memref<50x4x128x8x128xf32, #tpu.memory_space<hbm>> -> memref<1x4x2x8x128xf32, #tpu.memory_space<hbm>>
    %dma_start3A_163 = tpu.memref_squeeze %dma_start3A_162 : memref<1x4x2x8x128xf32, #tpu.memory_space<hbm>> -> memref<4x2x8x128xf32, #tpu.memory_space<hbm>>
    %dma_start3A_164 = arith.constant 0 : i32
    %dma_start3A_165 = arith.constant 0 : i32
    %dma_start3A_166 = arith.constant 0 : i32
    %dma_start3A_167 = arith.constant 0 : i32
    %dma_start3A_168 = tpu.memref_slice %arg7[%dma_start3A_146, %dma_start3A_164, %dma_start3A_165, %dma_start3A_166, %dma_start3A_167] : memref<2x4x2x8x128xf32, #tpu.memory_space<vmem>> -> memref<1x4x2x8x128xf32, #tpu.memory_space<vmem>>
    %dma_start3A_169 = tpu.memref_squeeze %dma_start3A_168 : memref<1x4x2x8x128xf32, #tpu.memory_space<vmem>> -> memref<4x2x8x128xf32, #tpu.memory_space<vmem>>
    tpu.enqueue_dma source(%dma_start3A_169 : memref<4x2x8x128xf32, #tpu.memory_space<vmem>>) target(%dma_start3A_163 : memref<4x2x8x128xf32, #tpu.memory_space<hbm>>) target_semaphore(%arg12 : memref<!tpu.dma_semaphore, #tpu.memory_space<semaphore_mem>>)
    %mul3A_170 = arith.constant 512 : i32
    %mul3A_171 = arith.muli %add3A, %mul3A_170 : i32
    %add3A_172 = arith.constant 0 : i32
    %add3A_173 = arith.addi %mul3A_171, %add3A_172 : i32
    %mul3A_174 = arith.constant 4 : i32
    %mul3A_175 = arith.muli %add3A, %mul3A_174 : i32
    %add3A_176 = arith.constant 0 : i32
    %add3A_177 = arith.addi %mul3A_175, %add3A_176 : i32
    %dma_start3A_178 = arith.constant 1 : i32
    %dma_start3A_179 = arith.constant 0 : i32
    %dma_start3A_180 = arith.constant 0 : i32
    %dma_start3A_181 = tpu.memref_slice %arg5[%dma_start3A_179, %dma_start3A_180] : memref<2x256xi32, #tpu.memory_space<vmem>> -> memref<1x256xi32, #tpu.memory_space<vmem>>
    %dma_start3A_182 = tpu.memref_squeeze %dma_start3A_181 : memref<1x256xi32, #tpu.memory_space<vmem>> -> memref<256xi32, #tpu.memory_space<vmem>>
    %dma_start3A_183 = tpu.memref_slice %arg2[%dma_start3A_178, %add3A_173] : memref<50x16384xi32, #tpu.memory_space<hbm>> -> memref<1x256xi32, #tpu.memory_space<hbm>>
    %dma_start3A_184 = tpu.memref_squeeze %dma_start3A_183 : memref<1x256xi32, #tpu.memory_space<hbm>> -> memref<256xi32, #tpu.memory_space<hbm>>
    %dma_start3A_185 = arith.constant 0 : i32
    %dma_start3A_186 = tpu.memref_slice %arg5[%dma_start3A_179, %dma_start3A_185] : memref<2x256xi32, #tpu.memory_space<vmem>> -> memref<1x256xi32, #tpu.memory_space<vmem>>
    %dma_start3A_187 = tpu.memref_squeeze %dma_start3A_186 : memref<1x256xi32, #tpu.memory_space<vmem>> -> memref<256xi32, #tpu.memory_space<vmem>>
    %dma_start3A_188 = tpu.memref_slice %arg2[%dma_start3A_178, %add3A_173] : memref<50x16384xi32, #tpu.memory_space<hbm>> -> memref<1x256xi32, #tpu.memory_space<hbm>>
    %dma_start3A_189 = tpu.memref_squeeze %dma_start3A_188 : memref<1x256xi32, #tpu.memory_space<hbm>> -> memref<256xi32, #tpu.memory_space<hbm>>
    tpu.enqueue_dma source(%dma_start3A_189 : memref<256xi32, #tpu.memory_space<hbm>>) target(%dma_start3A_187 : memref<256xi32, #tpu.memory_space<vmem>>) target_semaphore(%arg8 : memref<!tpu.dma_semaphore, #tpu.memory_space<semaphore_mem>>)
    %mul3A_190 = arith.constant 512 : i32
    %mul3A_191 = arith.muli %add3A, %mul3A_190 : i32
    %add3A_192 = arith.constant 0 : i32
    %add3A_193 = arith.addi %mul3A_191, %add3A_192 : i32
    %mul3A_194 = arith.constant 4 : i32
    %mul3A_195 = arith.muli %add3A, %mul3A_194 : i32
    %add3A_196 = arith.constant 0 : i32
    %add3A_197 = arith.addi %mul3A_195, %add3A_196 : i32
    %dma_wait3A_198 = arith.constant 1 : i32
    %dma_wait3A_199 = arith.constant 0 : i32
    %dma_wait3A_200 = arith.constant 0 : i32
    %dma_wait3A_201 = tpu.memref_slice %arg5[%dma_wait3A_199, %dma_wait3A_200] : memref<2x256xi32, #tpu.memory_space<vmem>> -> memref<1x256xi32, #tpu.memory_space<vmem>>
    %dma_wait3A_202 = tpu.memref_squeeze %dma_wait3A_201 : memref<1x256xi32, #tpu.memory_space<vmem>> -> memref<256xi32, #tpu.memory_space<vmem>>
    %dma_wait3A_203 = tpu.memref_slice %arg2[%dma_wait3A_198, %add3A_193] : memref<50x16384xi32, #tpu.memory_space<hbm>> -> memref<1x256xi32, #tpu.memory_space<hbm>>
    %dma_wait3A_204 = tpu.memref_squeeze %dma_wait3A_203 : memref<1x256xi32, #tpu.memory_space<hbm>> -> memref<256xi32, #tpu.memory_space<hbm>>
    %dma_wait3A_205 = arith.constant 0 : i32
    %dma_wait3A_206 = tpu.memref_slice %arg5[%dma_wait3A_199, %dma_wait3A_205] : memref<2x256xi32, #tpu.memory_space<vmem>> -> memref<1x256xi32, #tpu.memory_space<vmem>>
    %dma_wait3A_207 = tpu.memref_squeeze %dma_wait3A_206 : memref<1x256xi32, #tpu.memory_space<vmem>> -> memref<256xi32, #tpu.memory_space<vmem>>
    %dma_wait3A_208 = tpu.memref_slice %arg2[%dma_wait3A_198, %add3A_193] : memref<50x16384xi32, #tpu.memory_space<hbm>> -> memref<1x256xi32, #tpu.memory_space<hbm>>
    %dma_wait3A_209 = tpu.memref_squeeze %dma_wait3A_208 : memref<1x256xi32, #tpu.memory_space<hbm>> -> memref<256xi32, #tpu.memory_space<hbm>>
    tpu.wait_dma2 semaphore(%arg8 : memref<!tpu.dma_semaphore, #tpu.memory_space<semaphore_mem>>) src(%dma_wait3A_209 : memref<256xi32, #tpu.memory_space<hbm>>) dst(%dma_wait3A_207 : memref<256xi32, #tpu.memory_space<vmem>>)
    %dma_start3A_210 = arith.constant 0 : i32
    %dma_start3A_211 = arith.constant 0 : i32
    %dma_start3A_212 = arith.constant 0 : i32
    %dma_start3A_213 = arith.constant 0 : i32
    %dma_start3A_214 = tpu.memref_slice %arg6[%dma_start3A_211, %dma_start3A_212, %dma_start3A_213] : memref<2x256x128xf32, #tpu.memory_space<vmem>> -> memref<1x256x128xf32, #tpu.memory_space<vmem>>
    %dma_start3A_215 = tpu.memref_squeeze %dma_start3A_214 : memref<1x256x128xf32, #tpu.memory_space<vmem>> -> memref<256x128xf32, #tpu.memory_space<vmem>>
    %dma_start3A_216 = arith.constant 0 : i32
    %dma_start3A_217 = tpu.memref_slice %arg5[%dma_start3A_210, %dma_start3A_216] : memref<2x256xi32, #tpu.memory_space<vmem>> -> memref<1x256xi32, #tpu.memory_space<vmem>>
    %dma_start3A_218 = tpu.memref_squeeze %dma_start3A_217 : memref<1x256xi32, #tpu.memory_space<vmem>> -> memref<256xi32, #tpu.memory_space<vmem>>
    %dma_start3A_219 = arith.constant 0 : i32
    %dma_start3A_220 = arith.constant 0 : i32
    %dma_start3A_221 = tpu.memref_slice %arg3[%dma_start3A_219, %dma_start3A_220] : memref<1000000x128xf32, #tpu.memory_space<hbm>> -> memref<1000000x128xf32, #tpu.memory_space<hbm>>
    tpu.enqueue_indirect_dma source(%dma_start3A_221 : memref<1000000x128xf32, #tpu.memory_space<hbm>>) target(%dma_start3A_215 : memref<256x128xf32, #tpu.memory_space<vmem>>) offsets(%dma_start3A_218 : memref<256xi32, #tpu.memory_space<vmem>>) semaphore(%arg10 : memref<!tpu.dma_semaphore, #tpu.memory_space<semaphore_mem>>)
    %dma_wait3A_222 = arith.constant 1 : i32
    %dma_wait3A_223 = arith.constant 1 : i32
    %dma_wait3A_224 = arith.constant 0 : i32
    %dma_wait3A_225 = arith.constant 0 : i32
    %dma_wait3A_226 = tpu.memref_slice %arg6[%dma_wait3A_223, %dma_wait3A_224, %dma_wait3A_225] : memref<2x256x128xf32, #tpu.memory_space<vmem>> -> memref<1x256x128xf32, #tpu.memory_space<vmem>>
    %dma_wait3A_227 = tpu.memref_squeeze %dma_wait3A_226 : memref<1x256x128xf32, #tpu.memory_space<vmem>> -> memref<256x128xf32, #tpu.memory_space<vmem>>
    %dma_wait3A_228 = arith.constant 0 : i32
    %dma_wait3A_229 = tpu.memref_slice %arg5[%dma_wait3A_222, %dma_wait3A_228] : memref<2x256xi32, #tpu.memory_space<vmem>> -> memref<1x256xi32, #tpu.memory_space<vmem>>
    %dma_wait3A_230 = tpu.memref_squeeze %dma_wait3A_229 : memref<1x256xi32, #tpu.memory_space<vmem>> -> memref<256xi32, #tpu.memory_space<vmem>>
    %dma_wait3A_231 = arith.constant 0 : i32
    %dma_wait3A_232 = arith.constant 0 : i32
    %dma_wait3A_233 = tpu.memref_slice %arg3[%dma_wait3A_231, %dma_wait3A_232] : memref<1000000x128xf32, #tpu.memory_space<hbm>> -> memref<1000000x128xf32, #tpu.memory_space<hbm>>
    tpu.wait_indirect_dma semaphore(%arg11 : memref<!tpu.dma_semaphore, #tpu.memory_space<semaphore_mem>>) src(%dma_wait3A_233 : memref<1000000x128xf32, #tpu.memory_space<hbm>>) dst(%dma_wait3A_227 : memref<256x128xf32, #tpu.memory_space<vmem>>)
    %parallel_loop3A_234 = arith.constant 0 : i32
    %parallel_loop3A_235 = arith.constant 128 : i32
    %parallel_loop3A_236 = arith.constant 1 : i32
    %parallel_loop3A_237 = arith.constant 1 : i32
    %parallel_loop3A_238 = arith.constant 1 : i32
    %parallel_loop3A_239 = arith.constant 0 : i32
    scf.for %parallel_loop3A_611 = %parallel_loop3A_234 to %parallel_loop3A_235 step %parallel_loop3A_236  : i32 {
      %parallel_loop3A_612 = arith.constant 6 : i32
      %parallel_loop3A_613 = arith.shrsi %parallel_loop3A_611, %parallel_loop3A_612 : i32
      %parallel_loop3A_614 = arith.constant 3 : i32
      %parallel_loop3A_615 = arith.shrsi %parallel_loop3A_611, %parallel_loop3A_614 : i32
      %parallel_loop3A_616 = arith.constant 7 : i32
      %parallel_loop3A_617 = arith.andi %parallel_loop3A_615, %parallel_loop3A_616 : i32
      %parallel_loop3A_618 = arith.constant 7 : i32
      %parallel_loop3A_619 = arith.andi %parallel_loop3A_611, %parallel_loop3A_618 : i32
      %parallel_loop3A_620 = arith.constant 128 : i32
      %parallel_loop3A_621 = arith.muli %parallel_loop3A_613, %parallel_loop3A_620 : i32
      %parallel_loop3A_622 = arith.constant 16 : i32
      %parallel_loop3A_623 = arith.muli %parallel_loop3A_619, %parallel_loop3A_622 : i32
      %parallel_loop3A_624 = arith.addi %parallel_loop3A_621, %parallel_loop3A_623 : i32
      %parallel_loop3A_625 = vector.broadcast %parallel_loop3A_624 : i32 to vector<16xi32>
      %parallel_loop3A_626 = arith.addi %parallel_loop3A_625, %iota3A : vector<16xi32>
      %parallel_loop3A_627 = arith.constant 0 : i32
      %parallel_loop3A_628 = arith.addi %parallel_loop3A_627, %parallel_loop3A_617 : i32
      %parallel_loop3A_629 = vector.broadcast %parallel_loop3A_628 : i32 to vector<16xi32>
      %parallel_loop3A_630 = arith.constant 0 : i32
      %parallel_loop3A_631 = arith.constant 0 : i32
      %parallel_loop3A_632 = tpu.memref_slice %arg6[%parallel_loop3A_237, %parallel_loop3A_630, %parallel_loop3A_631] : memref<2x256x128xf32, #tpu.memory_space<vmem>> -> memref<1x256x128xf32, #tpu.memory_space<vmem>>
      %parallel_loop3A_633 = tpu.memref_squeeze %parallel_loop3A_632 : memref<1x256x128xf32, #tpu.memory_space<vmem>> -> memref<256x128xf32, #tpu.memory_space<vmem>>
      %parallel_loop3A_634 = tpu.vector_load_idx %parallel_loop3A_633[%parallel_loop3A_626, %parallel_loop3A_629] : memref<256x128xf32, #tpu.memory_space<vmem>>[vector<16xi32>, vector<16xi32>], vector<16xf32>,
      %parallel_loop3A_635 = arith.constant 16 : i32
      %parallel_loop3A_636 = arith.muli %parallel_loop3A_619, %parallel_loop3A_635 : i32
      %parallel_loop3A_637 = arith.constant 0 : i32
      %parallel_loop3A_638 = arith.constant 0 : i32
      %parallel_loop3A_639 = arith.constant 0 : i32
      %parallel_loop3A_640 = tpu.memref_slice %arg7[%parallel_loop3A_238, %parallel_loop3A_239, %parallel_loop3A_637, %parallel_loop3A_638, %parallel_loop3A_639] : memref<2x4x2x8x128xf32, #tpu.memory_space<vmem>> -> memref<1x1x2x8x128xf32, #tpu.memory_space<vmem>>
      %parallel_loop3A_641 = tpu.memref_squeeze %parallel_loop3A_640 : memref<1x1x2x8x128xf32, #tpu.memory_space<vmem>> -> memref<2x8x128xf32, #tpu.memory_space<vmem>>
      %parallel_loop3A_642 = arith.index_cast %parallel_loop3A_613 : i32 to index
      %parallel_loop3A_643 = arith.index_cast %parallel_loop3A_617 : i32 to index
      %parallel_loop3A_644 = arith.index_cast %parallel_loop3A_636 : i32 to index
      %parallel_loop3A_645 = tpu.vector_load %parallel_loop3A_641[%parallel_loop3A_642, %parallel_loop3A_643, %parallel_loop3A_644] {strides = array<i32>} : memref<2x8x128xf32, #tpu.memory_space<vmem>>, vector<16xf32>,
      tpu.vector_store %parallel_loop3A_641[%parallel_loop3A_642, %parallel_loop3A_643, %parallel_loop3A_644], %parallel_loop3A_634 {strides = array<i32>} : memref<2x8x128xf32, #tpu.memory_space<vmem>>, vector<16xf32>,
    } {sc.loop_unroll_factor = 16 : i64, sc.parallel_access}
    %parallel_loop3A_240 = arith.constant 0 : i32
    %parallel_loop3A_241 = arith.constant 128 : i32
    %parallel_loop3A_242 = arith.constant 1 : i32
    %parallel_loop3A_243 = arith.constant 1 : i32
    %parallel_loop3A_244 = arith.constant 1 : i32
    %parallel_loop3A_245 = arith.constant 1 : i32
    scf.for %parallel_loop3A_611 = %parallel_loop3A_240 to %parallel_loop3A_241 step %parallel_loop3A_242  : i32 {
      %parallel_loop3A_612 = arith.constant 6 : i32
      %parallel_loop3A_613 = arith.shrsi %parallel_loop3A_611, %parallel_loop3A_612 : i32
      %parallel_loop3A_614 = arith.constant 3 : i32
      %parallel_loop3A_615 = arith.shrsi %parallel_loop3A_611, %parallel_loop3A_614 : i32
      %parallel_loop3A_616 = arith.constant 7 : i32
      %parallel_loop3A_617 = arith.andi %parallel_loop3A_615, %parallel_loop3A_616 : i32
      %parallel_loop3A_618 = arith.constant 7 : i32
      %parallel_loop3A_619 = arith.andi %parallel_loop3A_611, %parallel_loop3A_618 : i32
      %parallel_loop3A_620 = arith.constant 128 : i32
      %parallel_loop3A_621 = arith.muli %parallel_loop3A_613, %parallel_loop3A_620 : i32
      %parallel_loop3A_622 = arith.constant 16 : i32
      %parallel_loop3A_623 = arith.muli %parallel_loop3A_619, %parallel_loop3A_622 : i32
      %parallel_loop3A_624 = arith.addi %parallel_loop3A_621, %parallel_loop3A_623 : i32
      %parallel_loop3A_625 = vector.broadcast %parallel_loop3A_624 : i32 to vector<16xi32>
      %parallel_loop3A_626 = arith.addi %parallel_loop3A_625, %iota3A : vector<16xi32>
      %parallel_loop3A_627 = arith.constant 8 : i32
      %parallel_loop3A_628 = arith.addi %parallel_loop3A_627, %parallel_loop3A_617 : i32
      %parallel_loop3A_629 = vector.broadcast %parallel_loop3A_628 : i32 to vector<16xi32>
      %parallel_loop3A_630 = arith.constant 0 : i32
      %parallel_loop3A_631 = arith.constant 0 : i32
      %parallel_loop3A_632 = tpu.memref_slice %arg6[%parallel_loop3A_243, %parallel_loop3A_630, %parallel_loop3A_631] : memref<2x256x128xf32, #tpu.memory_space<vmem>> -> memref<1x256x128xf32, #tpu.memory_space<vmem>>
      %parallel_loop3A_633 = tpu.memref_squeeze %parallel_loop3A_632 : memref<1x256x128xf32, #tpu.memory_space<vmem>> -> memref<256x128xf32, #tpu.memory_space<vmem>>
      %parallel_loop3A_634 = tpu.vector_load_idx %parallel_loop3A_633[%parallel_loop3A_626, %parallel_loop3A_629] : memref<256x128xf32, #tpu.memory_space<vmem>>[vector<16xi32>, vector<16xi32>], vector<16xf32>,
      %parallel_loop3A_635 = arith.constant 16 : i32
      %parallel_loop3A_636 = arith.muli %parallel_loop3A_619, %parallel_loop3A_635 : i32
      %parallel_loop3A_637 = arith.constant 0 : i32
      %parallel_loop3A_638 = arith.constant 0 : i32
      %parallel_loop3A_639 = arith.constant 0 : i32
      %parallel_loop3A_640 = tpu.memref_slice %arg7[%parallel_loop3A_244, %parallel_loop3A_245, %parallel_loop3A_637, %parallel_loop3A_638, %parallel_loop3A_639] : memref<2x4x2x8x128xf32, #tpu.memory_space<vmem>> -> memref<1x1x2x8x128xf32, #tpu.memory_space<vmem>>
      %parallel_loop3A_641 = tpu.memref_squeeze %parallel_loop3A_640 : memref<1x1x2x8x128xf32, #tpu.memory_space<vmem>> -> memref<2x8x128xf32, #tpu.memory_space<vmem>>
      %parallel_loop3A_642 = arith.index_cast %parallel_loop3A_613 : i32 to index
      %parallel_loop3A_643 = arith.index_cast %parallel_loop3A_617 : i32 to index
      %parallel_loop3A_644 = arith.index_cast %parallel_loop3A_636 : i32 to index
      %parallel_loop3A_645 = tpu.vector_load %parallel_loop3A_641[%parallel_loop3A_642, %parallel_loop3A_643, %parallel_loop3A_644] {strides = array<i32>} : memref<2x8x128xf32, #tpu.memory_space<vmem>>, vector<16xf32>,
      tpu.vector_store %parallel_loop3A_641[%parallel_loop3A_642, %parallel_loop3A_643, %parallel_loop3A_644], %parallel_loop3A_634 {strides = array<i32>} : memref<2x8x128xf32, #tpu.memory_space<vmem>>, vector<16xf32>,
    } {sc.loop_unroll_factor = 16 : i64, sc.parallel_access}
    %parallel_loop3A_246 = arith.constant 0 : i32
    %parallel_loop3A_247 = arith.constant 128 : i32
    %parallel_loop3A_248 = arith.constant 1 : i32
    %parallel_loop3A_249 = arith.constant 1 : i32
    %parallel_loop3A_250 = arith.constant 1 : i32
    %parallel_loop3A_251 = arith.constant 2 : i32
    scf.for %parallel_loop3A_611 = %parallel_loop3A_246 to %parallel_loop3A_247 step %parallel_loop3A_248  : i32 {
      %parallel_loop3A_612 = arith.constant 6 : i32
      %parallel_loop3A_613 = arith.shrsi %parallel_loop3A_611, %parallel_loop3A_612 : i32
      %parallel_loop3A_614 = arith.constant 3 : i32
      %parallel_loop3A_615 = arith.shrsi %parallel_loop3A_611, %parallel_loop3A_614 : i32
      %parallel_loop3A_616 = arith.constant 7 : i32
      %parallel_loop3A_617 = arith.andi %parallel_loop3A_615, %parallel_loop3A_616 : i32
      %parallel_loop3A_618 = arith.constant 7 : i32
      %parallel_loop3A_619 = arith.andi %parallel_loop3A_611, %parallel_loop3A_618 : i32
      %parallel_loop3A_620 = arith.constant 128 : i32
      %parallel_loop3A_621 = arith.muli %parallel_loop3A_613, %parallel_loop3A_620 : i32
      %parallel_loop3A_622 = arith.constant 16 : i32
      %parallel_loop3A_623 = arith.muli %parallel_loop3A_619, %parallel_loop3A_622 : i32
      %parallel_loop3A_624 = arith.addi %parallel_loop3A_621, %parallel_loop3A_623 : i32
      %parallel_loop3A_625 = vector.broadcast %parallel_loop3A_624 : i32 to vector<16xi32>
      %parallel_loop3A_626 = arith.addi %parallel_loop3A_625, %iota3A : vector<16xi32>
      %parallel_loop3A_627 = arith.constant 16 : i32
      %parallel_loop3A_628 = arith.addi %parallel_loop3A_627, %parallel_loop3A_617 : i32
      %parallel_loop3A_629 = vector.broadcast %parallel_loop3A_628 : i32 to vector<16xi32>
      %parallel_loop3A_630 = arith.constant 0 : i32
      %parallel_loop3A_631 = arith.constant 0 : i32
      %parallel_loop3A_632 = tpu.memref_slice %arg6[%parallel_loop3A_249, %parallel_loop3A_630, %parallel_loop3A_631] : memref<2x256x128xf32, #tpu.memory_space<vmem>> -> memref<1x256x128xf32, #tpu.memory_space<vmem>>
      %parallel_loop3A_633 = tpu.memref_squeeze %parallel_loop3A_632 : memref<1x256x128xf32, #tpu.memory_space<vmem>> -> memref<256x128xf32, #tpu.memory_space<vmem>>
      %parallel_loop3A_634 = tpu.vector_load_idx %parallel_loop3A_633[%parallel_loop3A_626, %parallel_loop3A_629] : memref<256x128xf32, #tpu.memory_space<vmem>>[vector<16xi32>, vector<16xi32>], vector<16xf32>,
      %parallel_loop3A_635 = arith.constant 16 : i32
      %parallel_loop3A_636 = arith.muli %parallel_loop3A_619, %parallel_loop3A_635 : i32
      %parallel_loop3A_637 = arith.constant 0 : i32
      %parallel_loop3A_638 = arith.constant 0 : i32
      %parallel_loop3A_639 = arith.constant 0 : i32
      %parallel_loop3A_640 = tpu.memref_slice %arg7[%parallel_loop3A_250, %parallel_loop3A_251, %parallel_loop3A_637, %parallel_loop3A_638, %parallel_loop3A_639] : memref<2x4x2x8x128xf32, #tpu.memory_space<vmem>> -> memref<1x1x2x8x128xf32, #tpu.memory_space<vmem>>
      %parallel_loop3A_641 = tpu.memref_squeeze %parallel_loop3A_640 : memref<1x1x2x8x128xf32, #tpu.memory_space<vmem>> -> memref<2x8x128xf32, #tpu.memory_space<vmem>>
      %parallel_loop3A_642 = arith.index_cast %parallel_loop3A_613 : i32 to index
      %parallel_loop3A_643 = arith.index_cast %parallel_loop3A_617 : i32 to index
      %parallel_loop3A_644 = arith.index_cast %parallel_loop3A_636 : i32 to index
      %parallel_loop3A_645 = tpu.vector_load %parallel_loop3A_641[%parallel_loop3A_642, %parallel_loop3A_643, %parallel_loop3A_644] {strides = array<i32>} : memref<2x8x128xf32, #tpu.memory_space<vmem>>, vector<16xf32>,
      tpu.vector_store %parallel_loop3A_641[%parallel_loop3A_642, %parallel_loop3A_643, %parallel_loop3A_644], %parallel_loop3A_634 {strides = array<i32>} : memref<2x8x128xf32, #tpu.memory_space<vmem>>, vector<16xf32>,
    } {sc.loop_unroll_factor = 16 : i64, sc.parallel_access}
    %parallel_loop3A_252 = arith.constant 0 : i32
    %parallel_loop3A_253 = arith.constant 128 : i32
    %parallel_loop3A_254 = arith.constant 1 : i32
    %parallel_loop3A_255 = arith.constant 1 : i32
    %parallel_loop3A_256 = arith.constant 1 : i32
    %parallel_loop3A_257 = arith.constant 3 : i32
    scf.for %parallel_loop3A_611 = %parallel_loop3A_252 to %parallel_loop3A_253 step %parallel_loop3A_254  : i32 {
      %parallel_loop3A_612 = arith.constant 6 : i32
      %parallel_loop3A_613 = arith.shrsi %parallel_loop3A_611, %parallel_loop3A_612 : i32
      %parallel_loop3A_614 = arith.constant 3 : i32
      %parallel_loop3A_615 = arith.shrsi %parallel_loop3A_611, %parallel_loop3A_614 : i32
      %parallel_loop3A_616 = arith.constant 7 : i32
      %parallel_loop3A_617 = arith.andi %parallel_loop3A_615, %parallel_loop3A_616 : i32
      %parallel_loop3A_618 = arith.constant 7 : i32
      %parallel_loop3A_619 = arith.andi %parallel_loop3A_611, %parallel_loop3A_618 : i32
      %parallel_loop3A_620 = arith.constant 128 : i32
      %parallel_loop3A_621 = arith.muli %parallel_loop3A_613, %parallel_loop3A_620 : i32
      %parallel_loop3A_622 = arith.constant 16 : i32
      %parallel_loop3A_623 = arith.muli %parallel_loop3A_619, %parallel_loop3A_622 : i32
      %parallel_loop3A_624 = arith.addi %parallel_loop3A_621, %parallel_loop3A_623 : i32
      %parallel_loop3A_625 = vector.broadcast %parallel_loop3A_624 : i32 to vector<16xi32>
      %parallel_loop3A_626 = arith.addi %parallel_loop3A_625, %iota3A : vector<16xi32>
      %parallel_loop3A_627 = arith.constant 24 : i32
      %parallel_loop3A_628 = arith.addi %parallel_loop3A_627, %parallel_loop3A_617 : i32
      %parallel_loop3A_629 = vector.broadcast %parallel_loop3A_628 : i32 to vector<16xi32>
      %parallel_loop3A_630 = arith.constant 0 : i32
      %parallel_loop3A_631 = arith.constant 0 : i32
      %parallel_loop3A_632 = tpu.memref_slice %arg6[%parallel_loop3A_255, %parallel_loop3A_630, %parallel_loop3A_631] : memref<2x256x128xf32, #tpu.memory_space<vmem>> -> memref<1x256x128xf32, #tpu.memory_space<vmem>>
      %parallel_loop3A_633 = tpu.memref_squeeze %parallel_loop3A_632 : memref<1x256x128xf32, #tpu.memory_space<vmem>> -> memref<256x128xf32, #tpu.memory_space<vmem>>
      %parallel_loop3A_634 = tpu.vector_load_idx %parallel_loop3A_633[%parallel_loop3A_626, %parallel_loop3A_629] : memref<256x128xf32, #tpu.memory_space<vmem>>[vector<16xi32>, vector<16xi32>], vector<16xf32>,
      %parallel_loop3A_635 = arith.constant 16 : i32
      %parallel_loop3A_636 = arith.muli %parallel_loop3A_619, %parallel_loop3A_635 : i32
      %parallel_loop3A_637 = arith.constant 0 : i32
      %parallel_loop3A_638 = arith.constant 0 : i32
      %parallel_loop3A_639 = arith.constant 0 : i32
      %parallel_loop3A_640 = tpu.memref_slice %arg7[%parallel_loop3A_256, %parallel_loop3A_257, %parallel_loop3A_637, %parallel_loop3A_638, %parallel_loop3A_639] : memref<2x4x2x8x128xf32, #tpu.memory_space<vmem>> -> memref<1x1x2x8x128xf32, #tpu.memory_space<vmem>>
      %parallel_loop3A_641 = tpu.memref_squeeze %parallel_loop3A_640 : memref<1x1x2x8x128xf32, #tpu.memory_space<vmem>> -> memref<2x8x128xf32, #tpu.memory_space<vmem>>
      %parallel_loop3A_642 = arith.index_cast %parallel_loop3A_613 : i32 to index
      %parallel_loop3A_643 = arith.index_cast %parallel_loop3A_617 : i32 to index
      %parallel_loop3A_644 = arith.index_cast %parallel_loop3A_636 : i32 to index
      %parallel_loop3A_645 = tpu.vector_load %parallel_loop3A_641[%parallel_loop3A_642, %parallel_loop3A_643, %parallel_loop3A_644] {strides = array<i32>} : memref<2x8x128xf32, #tpu.memory_space<vmem>>, vector<16xf32>,
      tpu.vector_store %parallel_loop3A_641[%parallel_loop3A_642, %parallel_loop3A_643, %parallel_loop3A_644], %parallel_loop3A_634 {strides = array<i32>} : memref<2x8x128xf32, #tpu.memory_space<vmem>>, vector<16xf32>,
    } {sc.loop_unroll_factor = 16 : i64, sc.parallel_access}
    %mul3A_258 = arith.constant 512 : i32
    %mul3A_259 = arith.muli %add3A, %mul3A_258 : i32
    %add3A_260 = arith.constant 256 : i32
    %add3A_261 = arith.addi %mul3A_259, %add3A_260 : i32
    %mul3A_262 = arith.constant 4 : i32
    %mul3A_263 = arith.muli %add3A, %mul3A_262 : i32
    %add3A_264 = arith.constant 2 : i32
    %add3A_265 = arith.addi %mul3A_263, %add3A_264 : i32
    %dma_start3A_266 = arith.constant 1 : i32
    %dma_start3A_267 = arith.constant 0 : i32
    %dma_start3A_268 = arith.constant 0 : i32
    %dma_start3A_269 = arith.constant 0 : i32
    %dma_start3A_270 = arith.constant 0 : i32
    %dma_start3A_271 = arith.constant 0 : i32
    %dma_start3A_272 = tpu.memref_slice %arg7[%dma_start3A_266, %dma_start3A_268, %dma_start3A_269, %dma_start3A_270, %dma_start3A_271] : memref<2x4x2x8x128xf32, #tpu.memory_space<vmem>> -> memref<1x4x2x8x128xf32, #tpu.memory_space<vmem>>
    %dma_start3A_273 = tpu.memref_squeeze %dma_start3A_272 : memref<1x4x2x8x128xf32, #tpu.memory_space<vmem>> -> memref<4x2x8x128xf32, #tpu.memory_space<vmem>>
    %dma_start3A_274 = arith.constant 0 : i32
    %dma_start3A_275 = arith.constant 0 : i32
    %dma_start3A_276 = arith.constant 0 : i32
    %dma_start3A_277 = tpu.memref_slice %arg4[%dma_start3A_267, %dma_start3A_274, %add3A_265, %dma_start3A_275, %dma_start3A_276] : memref<50x4x128x8x128xf32, #tpu.memory_space<hbm>> -> memref<1x4x2x8x128xf32, #tpu.memory_space<hbm>>
    %dma_start3A_278 = tpu.memref_squeeze %dma_start3A_277 : memref<1x4x2x8x128xf32, #tpu.memory_space<hbm>> -> memref<4x2x8x128xf32, #tpu.memory_space<hbm>>
    %dma_start3A_279 = arith.constant 0 : i32
    %dma_start3A_280 = arith.constant 0 : i32
    %dma_start3A_281 = arith.constant 0 : i32
    %dma_start3A_282 = tpu.memref_slice %arg4[%dma_start3A_267, %dma_start3A_279, %add3A_265, %dma_start3A_280, %dma_start3A_281] : memref<50x4x128x8x128xf32, #tpu.memory_space<hbm>> -> memref<1x4x2x8x128xf32, #tpu.memory_space<hbm>>
    %dma_start3A_283 = tpu.memref_squeeze %dma_start3A_282 : memref<1x4x2x8x128xf32, #tpu.memory_space<hbm>> -> memref<4x2x8x128xf32, #tpu.memory_space<hbm>>
    %dma_start3A_284 = arith.constant 0 : i32
    %dma_start3A_285 = arith.constant 0 : i32
    %dma_start3A_286 = arith.constant 0 : i32
    %dma_start3A_287 = arith.constant 0 : i32
    %dma_start3A_288 = tpu.memref_slice %arg7[%dma_start3A_266, %dma_start3A_284, %dma_start3A_285, %dma_start3A_286, %dma_start3A_287] : memref<2x4x2x8x128xf32, #tpu.memory_space<vmem>> -> memref<1x4x2x8x128xf32, #tpu.memory_space<vmem>>
    %dma_start3A_289 = tpu.memref_squeeze %dma_start3A_288 : memref<1x4x2x8x128xf32, #tpu.memory_space<vmem>> -> memref<4x2x8x128xf32, #tpu.memory_space<vmem>>
    tpu.enqueue_dma source(%dma_start3A_289 : memref<4x2x8x128xf32, #tpu.memory_space<vmem>>) target(%dma_start3A_283 : memref<4x2x8x128xf32, #tpu.memory_space<hbm>>) target_semaphore(%arg13 : memref<!tpu.dma_semaphore, #tpu.memory_space<semaphore_mem>>)
    %mul3A_290 = arith.constant 512 : i32
    %mul3A_291 = arith.muli %add3A, %mul3A_290 : i32
    %add3A_292 = arith.constant 256 : i32
    %add3A_293 = arith.addi %mul3A_291, %add3A_292 : i32
    %mul3A_294 = arith.constant 4 : i32
    %mul3A_295 = arith.muli %add3A, %mul3A_294 : i32
    %add3A_296 = arith.constant 2 : i32
    %add3A_297 = arith.addi %mul3A_295, %add3A_296 : i32
    %dma_start3A_298 = arith.constant 1 : i32
    %dma_start3A_299 = arith.constant 1 : i32
    %dma_start3A_300 = arith.constant 0 : i32
    %dma_start3A_301 = tpu.memref_slice %arg5[%dma_start3A_299, %dma_start3A_300] : memref<2x256xi32, #tpu.memory_space<vmem>> -> memref<1x256xi32, #tpu.memory_space<vmem>>
    %dma_start3A_302 = tpu.memref_squeeze %dma_start3A_301 : memref<1x256xi32, #tpu.memory_space<vmem>> -> memref<256xi32, #tpu.memory_space<vmem>>
    %dma_start3A_303 = tpu.memref_slice %arg2[%dma_start3A_298, %add3A_293] : memref<50x16384xi32, #tpu.memory_space<hbm>> -> memref<1x256xi32, #tpu.memory_space<hbm>>
    %dma_start3A_304 = tpu.memref_squeeze %dma_start3A_303 : memref<1x256xi32, #tpu.memory_space<hbm>> -> memref<256xi32, #tpu.memory_space<hbm>>
    %dma_start3A_305 = arith.constant 0 : i32
    %dma_start3A_306 = tpu.memref_slice %arg5[%dma_start3A_299, %dma_start3A_305] : memref<2x256xi32, #tpu.memory_space<vmem>> -> memref<1x256xi32, #tpu.memory_space<vmem>>
    %dma_start3A_307 = tpu.memref_squeeze %dma_start3A_306 : memref<1x256xi32, #tpu.memory_space<vmem>> -> memref<256xi32, #tpu.memory_space<vmem>>
    %dma_start3A_308 = tpu.memref_slice %arg2[%dma_start3A_298, %add3A_293] : memref<50x16384xi32, #tpu.memory_space<hbm>> -> memref<1x256xi32, #tpu.memory_space<hbm>>
    %dma_start3A_309 = tpu.memref_squeeze %dma_start3A_308 : memref<1x256xi32, #tpu.memory_space<hbm>> -> memref<256xi32, #tpu.memory_space<hbm>>
    tpu.enqueue_dma source(%dma_start3A_309 : memref<256xi32, #tpu.memory_space<hbm>>) target(%dma_start3A_307 : memref<256xi32, #tpu.memory_space<vmem>>) target_semaphore(%arg9 : memref<!tpu.dma_semaphore, #tpu.memory_space<semaphore_mem>>)
    %scan3A = arith.constant 0 : i32
    %scan3A_310 = arith.constant 1 : i32
    %scan3A_311 = arith.constant 48 : i32
    %scan3A_312 = arith.addi %scan3A_310, %scan3A_311 : i32
    %scan3A_313 = arith.constant 1 : i32
    scf.for %scan3A_611 = %scan3A_310 to %scan3A_312 step %scan3A_313  : i32 {
      %mul3A_612 = arith.constant 2 : i32
      %mul3A_613 = arith.muli %mul3A_612, %scan3A_611 : i32
      %add3A_614 = arith.constant 1 : i32
      %add3A_615 = arith.addi %mul3A_613, %add3A_614 : i32
      %jit3A = arith.constant 2 : i32
      %div3A = arith.divsi %add3A_615, %jit3A : i32
      %sign3A = arith.constant 0 : i32
      %sign3A_616 = arith.cmpi sgt, %add3A_615, %sign3A : i32
      %sign3A_617 = arith.extui %sign3A_616 : i1 to i32
      %sign3A_618 = arith.constant 0 : i32
      %sign3A_619 = arith.cmpi slt, %add3A_615, %sign3A_618 : i32
      %sign3A_620 = arith.extui %sign3A_619 : i1 to i32
      %sign3A_621 = arith.subi %sign3A_617, %sign3A_620 : i32
      %sign3A_622 = arith.constant 0 : i32
      %sign3A_623 = arith.cmpi sgt, %jit3A, %sign3A_622 : i32
      %sign3A_624 = arith.extui %sign3A_623 : i1 to i32
      %sign3A_625 = arith.constant 0 : i32
      %sign3A_626 = arith.cmpi slt, %jit3A, %sign3A_625 : i32
      %sign3A_627 = arith.extui %sign3A_626 : i1 to i32
      %sign3A_628 = arith.subi %sign3A_624, %sign3A_627 : i32
      %ne3A = arith.cmpi ne, %sign3A_621, %sign3A_628 : i32
      %rem3A = arith.remsi %add3A_615, %jit3A : i32
      %ne3A_629 = arith.constant 0 : i32
      %ne3A_630 = arith.cmpi ne, %rem3A, %ne3A_629 : i32
      %and3A = arith.andi %ne3A, %ne3A_630 : i1
      %sub3A = arith.constant 1 : i32
      %sub3A_631 = arith.subi %div3A, %sub3A : i32
      %select_n3A = arith.select %and3A, %sub3A_631, %div3A : i32
      %jit3A_632 = arith.constant 2 : i32
      %eq3A = arith.constant 0 : i32
      %eq3A_633 = arith.cmpi eq, %jit3A_632, %eq3A : i32
      %jit3A_634 = arith.constant 1 : i32
      %select_n3A_635 = arith.select %eq3A_633, %jit3A_634, %jit3A_632 : i32
      %rem3A_636 = arith.remsi %add3A_615, %select_n3A_635 : i32
      %ne3A_637 = arith.constant 0 : i32
      %ne3A_638 = arith.cmpi ne, %rem3A_636, %ne3A_637 : i32
      %lt3A = arith.constant 0 : i32
      %lt3A_639 = arith.cmpi slt, %rem3A_636, %lt3A : i32
      %lt3A_640 = arith.constant 0 : i32
      %lt3A_641 = arith.cmpi slt, %select_n3A_635, %lt3A_640 : i32
      %ne3A_642 = arith.xori %lt3A_639, %lt3A_641 : i1
      %and3A_643 = arith.andi %ne3A_642, %ne3A_638 : i1
      %add3A_644 = arith.addi %rem3A_636, %select_n3A_635 : i32
      %select_n3A_645 = arith.select %and3A_643, %add3A_644, %rem3A_636 : i32
      %mul3A_646 = arith.constant 512 : i32
      %mul3A_647 = arith.muli %add3A, %mul3A_646 : i32
      %mul3A_648 = arith.constant 256 : i32
      %mul3A_649 = arith.muli %select_n3A_645, %mul3A_648 : i32
      %add3A_650 = arith.addi %mul3A_647, %mul3A_649 : i32
      %mul3A_651 = arith.constant 4 : i32
      %mul3A_652 = arith.muli %add3A, %mul3A_651 : i32
      %mul3A_653 = arith.constant 2 : i32
      %mul3A_654 = arith.muli %select_n3A_645, %mul3A_653 : i32
      %add3A_655 = arith.addi %mul3A_652, %mul3A_654 : i32
      %dma_wait3A_656 = arith.constant 1 : i32
      %dma_wait3A_657 = arith.constant 0 : i32
      %dma_wait3A_658 = tpu.memref_slice %arg5[%dma_wait3A_656, %dma_wait3A_657] : memref<2x256xi32, #tpu.memory_space<vmem>> -> memref<1x256xi32, #tpu.memory_space<vmem>>
      %dma_wait3A_659 = tpu.memref_squeeze %dma_wait3A_658 : memref<1x256xi32, #tpu.memory_space<vmem>> -> memref<256xi32, #tpu.memory_space<vmem>>
      %dma_wait3A_660 = tpu.memref_slice %arg2[%select_n3A, %add3A_650] : memref<50x16384xi32, #tpu.memory_space<hbm>> -> memref<1x256xi32, #tpu.memory_space<hbm>>
      %dma_wait3A_661 = tpu.memref_squeeze %dma_wait3A_660 : memref<1x256xi32, #tpu.memory_space<hbm>> -> memref<256xi32, #tpu.memory_space<hbm>>
      %dma_wait3A_662 = arith.constant 0 : i32
      %dma_wait3A_663 = tpu.memref_slice %arg5[%dma_wait3A_656, %dma_wait3A_662] : memref<2x256xi32, #tpu.memory_space<vmem>> -> memref<1x256xi32, #tpu.memory_space<vmem>>
      %dma_wait3A_664 = tpu.memref_squeeze %dma_wait3A_663 : memref<1x256xi32, #tpu.memory_space<vmem>> -> memref<256xi32, #tpu.memory_space<vmem>>
      %dma_wait3A_665 = tpu.memref_slice %arg2[%select_n3A, %add3A_650] : memref<50x16384xi32, #tpu.memory_space<hbm>> -> memref<1x256xi32, #tpu.memory_space<hbm>>
      %dma_wait3A_666 = tpu.memref_squeeze %dma_wait3A_665 : memref<1x256xi32, #tpu.memory_space<hbm>> -> memref<256xi32, #tpu.memory_space<hbm>>
      tpu.wait_dma2 semaphore(%arg9 : memref<!tpu.dma_semaphore, #tpu.memory_space<semaphore_mem>>) src(%dma_wait3A_666 : memref<256xi32, #tpu.memory_space<hbm>>) dst(%dma_wait3A_664 : memref<256xi32, #tpu.memory_space<vmem>>)
      %dma_start3A_667 = arith.constant 1 : i32
      %dma_start3A_668 = arith.constant 1 : i32
      %dma_start3A_669 = arith.constant 0 : i32
      %dma_start3A_670 = arith.constant 0 : i32
      %dma_start3A_671 = tpu.memref_slice %arg6[%dma_start3A_668, %dma_start3A_669, %dma_start3A_670] : memref<2x256x128xf32, #tpu.memory_space<vmem>> -> memref<1x256x128xf32, #tpu.memory_space<vmem>>
      %dma_start3A_672 = tpu.memref_squeeze %dma_start3A_671 : memref<1x256x128xf32, #tpu.memory_space<vmem>> -> memref<256x128xf32, #tpu.memory_space<vmem>>
      %dma_start3A_673 = arith.constant 0 : i32
      %dma_start3A_674 = tpu.memref_slice %arg5[%dma_start3A_667, %dma_start3A_673] : memref<2x256xi32, #tpu.memory_space<vmem>> -> memref<1x256xi32, #tpu.memory_space<vmem>>
      %dma_start3A_675 = tpu.memref_squeeze %dma_start3A_674 : memref<1x256xi32, #tpu.memory_space<vmem>> -> memref<256xi32, #tpu.memory_space<vmem>>
      %dma_start3A_676 = arith.constant 0 : i32
      %dma_start3A_677 = arith.constant 0 : i32
      %dma_start3A_678 = tpu.memref_slice %arg3[%dma_start3A_676, %dma_start3A_677] : memref<1000000x128xf32, #tpu.memory_space<hbm>> -> memref<1000000x128xf32, #tpu.memory_space<hbm>>
      tpu.enqueue_indirect_dma source(%dma_start3A_678 : memref<1000000x128xf32, #tpu.memory_space<hbm>>) target(%dma_start3A_672 : memref<256x128xf32, #tpu.memory_space<vmem>>) offsets(%dma_start3A_675 : memref<256xi32, #tpu.memory_space<vmem>>) semaphore(%arg11 : memref<!tpu.dma_semaphore, #tpu.memory_space<semaphore_mem>>)
      %dma_wait3A_679 = arith.constant 0 : i32
      %dma_wait3A_680 = arith.constant 0 : i32
      %dma_wait3A_681 = arith.constant 0 : i32
      %dma_wait3A_682 = arith.constant 0 : i32
      %dma_wait3A_683 = tpu.memref_slice %arg6[%dma_wait3A_680, %dma_wait3A_681, %dma_wait3A_682] : memref<2x256x128xf32, #tpu.memory_space<vmem>> -> memref<1x256x128xf32, #tpu.memory_space<vmem>>
      %dma_wait3A_684 = tpu.memref_squeeze %dma_wait3A_683 : memref<1x256x128xf32, #tpu.memory_space<vmem>> -> memref<256x128xf32, #tpu.memory_space<vmem>>
      %dma_wait3A_685 = arith.constant 0 : i32
      %dma_wait3A_686 = tpu.memref_slice %arg5[%dma_wait3A_679, %dma_wait3A_685] : memref<2x256xi32, #tpu.memory_space<vmem>> -> memref<1x256xi32, #tpu.memory_space<vmem>>
      %dma_wait3A_687 = tpu.memref_squeeze %dma_wait3A_686 : memref<1x256xi32, #tpu.memory_space<vmem>> -> memref<256xi32, #tpu.memory_space<vmem>>
      %dma_wait3A_688 = arith.constant 0 : i32
      %dma_wait3A_689 = arith.constant 0 : i32
      %dma_wait3A_690 = tpu.memref_slice %arg3[%dma_wait3A_688, %dma_wait3A_689] : memref<1000000x128xf32, #tpu.memory_space<hbm>> -> memref<1000000x128xf32, #tpu.memory_space<hbm>>
      tpu.wait_indirect_dma semaphore(%arg10 : memref<!tpu.dma_semaphore, #tpu.memory_space<semaphore_mem>>) src(%dma_wait3A_690 : memref<1000000x128xf32, #tpu.memory_space<hbm>>) dst(%dma_wait3A_684 : memref<256x128xf32, #tpu.memory_space<vmem>>)
      %sub3A_691 = arith.constant 2 : i32
      %sub3A_692 = arith.subi %mul3A_613, %sub3A_691 : i32
      %jit3A_693 = arith.constant 2 : i32
      %div3A_694 = arith.divsi %sub3A_692, %jit3A_693 : i32
      %sign3A_695 = arith.constant 0 : i32
      %sign3A_696 = arith.cmpi sgt, %sub3A_692, %sign3A_695 : i32
      %sign3A_697 = arith.extui %sign3A_696 : i1 to i32
      %sign3A_698 = arith.constant 0 : i32
      %sign3A_699 = arith.cmpi slt, %sub3A_692, %sign3A_698 : i32
      %sign3A_700 = arith.extui %sign3A_699 : i1 to i32
      %sign3A_701 = arith.subi %sign3A_697, %sign3A_700 : i32
      %sign3A_702 = arith.constant 0 : i32
      %sign3A_703 = arith.cmpi sgt, %jit3A_693, %sign3A_702 : i32
      %sign3A_704 = arith.extui %sign3A_703 : i1 to i32
      %sign3A_705 = arith.constant 0 : i32
      %sign3A_706 = arith.cmpi slt, %jit3A_693, %sign3A_705 : i32
      %sign3A_707 = arith.extui %sign3A_706 : i1 to i32
      %sign3A_708 = arith.subi %sign3A_704, %sign3A_707 : i32
      %ne3A_709 = arith.cmpi ne, %sign3A_701, %sign3A_708 : i32
      %rem3A_710 = arith.remsi %sub3A_692, %jit3A_693 : i32
      %ne3A_711 = arith.constant 0 : i32
      %ne3A_712 = arith.cmpi ne, %rem3A_710, %ne3A_711 : i32
      %and3A_713 = arith.andi %ne3A_709, %ne3A_712 : i1
      %sub3A_714 = arith.constant 1 : i32
      %sub3A_715 = arith.subi %div3A_694, %sub3A_714 : i32
      %select_n3A_716 = arith.select %and3A_713, %sub3A_715, %div3A_694 : i32
      %jit3A_717 = arith.constant 2 : i32
      %eq3A_718 = arith.constant 0 : i32
      %eq3A_719 = arith.cmpi eq, %jit3A_717, %eq3A_718 : i32
      %jit3A_720 = arith.constant 1 : i32
      %select_n3A_721 = arith.select %eq3A_719, %jit3A_720, %jit3A_717 : i32
      %rem3A_722 = arith.remsi %sub3A_692, %select_n3A_721 : i32
      %ne3A_723 = arith.constant 0 : i32
      %ne3A_724 = arith.cmpi ne, %rem3A_722, %ne3A_723 : i32
      %lt3A_725 = arith.constant 0 : i32
      %lt3A_726 = arith.cmpi slt, %rem3A_722, %lt3A_725 : i32
      %lt3A_727 = arith.constant 0 : i32
      %lt3A_728 = arith.cmpi slt, %select_n3A_721, %lt3A_727 : i32
      %ne3A_729 = arith.xori %lt3A_726, %lt3A_728 : i1
      %and3A_730 = arith.andi %ne3A_729, %ne3A_724 : i1
      %add3A_731 = arith.addi %rem3A_722, %select_n3A_721 : i32
      %select_n3A_732 = arith.select %and3A_730, %add3A_731, %rem3A_722 : i32
      %mul3A_733 = arith.constant 512 : i32
      %mul3A_734 = arith.muli %add3A, %mul3A_733 : i32
      %mul3A_735 = arith.constant 256 : i32
      %mul3A_736 = arith.muli %select_n3A_732, %mul3A_735 : i32
      %add3A_737 = arith.addi %mul3A_734, %mul3A_736 : i32
      %mul3A_738 = arith.constant 4 : i32
      %mul3A_739 = arith.muli %add3A, %mul3A_738 : i32
      %mul3A_740 = arith.constant 2 : i32
      %mul3A_741 = arith.muli %select_n3A_732, %mul3A_740 : i32
      %add3A_742 = arith.addi %mul3A_739, %mul3A_741 : i32
      %dma_wait3A_743 = arith.constant 0 : i32
      %dma_wait3A_744 = arith.constant 0 : i32
      %dma_wait3A_745 = arith.constant 0 : i32
      %dma_wait3A_746 = arith.constant 0 : i32
      %dma_wait3A_747 = arith.constant 0 : i32
      %dma_wait3A_748 = tpu.memref_slice %arg7[%dma_wait3A_743, %dma_wait3A_744, %dma_wait3A_745, %dma_wait3A_746, %dma_wait3A_747] : memref<2x4x2x8x128xf32, #tpu.memory_space<vmem>> -> memref<1x4x2x8x128xf32, #tpu.memory_space<vmem>>
      %dma_wait3A_749 = tpu.memref_squeeze %dma_wait3A_748 : memref<1x4x2x8x128xf32, #tpu.memory_space<vmem>> -> memref<4x2x8x128xf32, #tpu.memory_space<vmem>>
      %dma_wait3A_750 = arith.constant 0 : i32
      %dma_wait3A_751 = arith.constant 0 : i32
      %dma_wait3A_752 = arith.constant 0 : i32
      %dma_wait3A_753 = tpu.memref_slice %arg4[%select_n3A_716, %dma_wait3A_750, %add3A_742, %dma_wait3A_751, %dma_wait3A_752] : memref<50x4x128x8x128xf32, #tpu.memory_space<hbm>> -> memref<1x4x2x8x128xf32, #tpu.memory_space<hbm>>
      %dma_wait3A_754 = tpu.memref_squeeze %dma_wait3A_753 : memref<1x4x2x8x128xf32, #tpu.memory_space<hbm>> -> memref<4x2x8x128xf32, #tpu.memory_space<hbm>>
      %dma_wait3A_755 = arith.constant 0 : i32
      %dma_wait3A_756 = arith.constant 0 : i32
      %dma_wait3A_757 = arith.constant 0 : i32
      %dma_wait3A_758 = tpu.memref_slice %arg4[%select_n3A_716, %dma_wait3A_755, %add3A_742, %dma_wait3A_756, %dma_wait3A_757] : memref<50x4x128x8x128xf32, #tpu.memory_space<hbm>> -> memref<1x4x2x8x128xf32, #tpu.memory_space<hbm>>
      %dma_wait3A_759 = tpu.memref_squeeze %dma_wait3A_758 : memref<1x4x2x8x128xf32, #tpu.memory_space<hbm>> -> memref<4x2x8x128xf32, #tpu.memory_space<hbm>>
      %dma_wait3A_760 = arith.constant 0 : i32
      %dma_wait3A_761 = arith.constant 0 : i32
      %dma_wait3A_762 = arith.constant 0 : i32
      %dma_wait3A_763 = arith.constant 0 : i32
      %dma_wait3A_764 = tpu.memref_slice %arg7[%dma_wait3A_743, %dma_wait3A_760, %dma_wait3A_761, %dma_wait3A_762, %dma_wait3A_763] : memref<2x4x2x8x128xf32, #tpu.memory_space<vmem>> -> memref<1x4x2x8x128xf32, #tpu.memory_space<vmem>>
      %dma_wait3A_765 = tpu.memref_squeeze %dma_wait3A_764 : memref<1x4x2x8x128xf32, #tpu.memory_space<vmem>> -> memref<4x2x8x128xf32, #tpu.memory_space<vmem>>
      tpu.wait_dma2 semaphore(%arg12 : memref<!tpu.dma_semaphore, #tpu.memory_space<semaphore_mem>>) src(%dma_wait3A_765 : memref<4x2x8x128xf32, #tpu.memory_space<vmem>>) dst(%dma_wait3A_759 : memref<4x2x8x128xf32, #tpu.memory_space<hbm>>)
      %parallel_loop3A_766 = arith.constant 0 : i32
      %parallel_loop3A_767 = arith.constant 128 : i32
      %parallel_loop3A_768 = arith.constant 1 : i32
      %parallel_loop3A_769 = arith.constant 0 : i32
      %parallel_loop3A_770 = arith.constant 0 : i32
      %parallel_loop3A_771 = arith.constant 0 : i32
      scf.for %parallel_loop3A_1252 = %parallel_loop3A_766 to %parallel_loop3A_767 step %parallel_loop3A_768  : i32 {
        %parallel_loop3A_1253 = arith.constant 6 : i32
        %parallel_loop3A_1254 = arith.shrsi %parallel_loop3A_1252, %parallel_loop3A_1253 : i32
        %parallel_loop3A_1255 = arith.constant 3 : i32
        %parallel_loop3A_1256 = arith.shrsi %parallel_loop3A_1252, %parallel_loop3A_1255 : i32
        %parallel_loop3A_1257 = arith.constant 7 : i32
        %parallel_loop3A_1258 = arith.andi %parallel_loop3A_1256, %parallel_loop3A_1257 : i32
        %parallel_loop3A_1259 = arith.constant 7 : i32
        %parallel_loop3A_1260 = arith.andi %parallel_loop3A_1252, %parallel_loop3A_1259 : i32
        %parallel_loop3A_1261 = arith.constant 128 : i32
        %parallel_loop3A_1262 = arith.muli %parallel_loop3A_1254, %parallel_loop3A_1261 : i32
        %parallel_loop3A_1263 = arith.constant 16 : i32
        %parallel_loop3A_1264 = arith.muli %parallel_loop3A_1260, %parallel_loop3A_1263 : i32
        %parallel_loop3A_1265 = arith.addi %parallel_loop3A_1262, %parallel_loop3A_1264 : i32
        %parallel_loop3A_1266 = vector.broadcast %parallel_loop3A_1265 : i32 to vector<16xi32>
        %parallel_loop3A_1267 = arith.addi %parallel_loop3A_1266, %iota3A : vector<16xi32>
        %parallel_loop3A_1268 = arith.constant 0 : i32
        %parallel_loop3A_1269 = arith.addi %parallel_loop3A_1268, %parallel_loop3A_1258 : i32
        %parallel_loop3A_1270 = vector.broadcast %parallel_loop3A_1269 : i32 to vector<16xi32>
        %parallel_loop3A_1271 = arith.constant 0 : i32
        %parallel_loop3A_1272 = arith.constant 0 : i32
        %parallel_loop3A_1273 = tpu.memref_slice %arg6[%parallel_loop3A_769, %parallel_loop3A_1271, %parallel_loop3A_1272] : memref<2x256x128xf32, #tpu.memory_space<vmem>> -> memref<1x256x128xf32, #tpu.memory_space<vmem>>
        %parallel_loop3A_1274 = tpu.memref_squeeze %parallel_loop3A_1273 : memref<1x256x128xf32, #tpu.memory_space<vmem>> -> memref<256x128xf32, #tpu.memory_space<vmem>>
        %parallel_loop3A_1275 = tpu.vector_load_idx %parallel_loop3A_1274[%parallel_loop3A_1267, %parallel_loop3A_1270] : memref<256x128xf32, #tpu.memory_space<vmem>>[vector<16xi32>, vector<16xi32>], vector<16xf32>,
        %parallel_loop3A_1276 = arith.constant 16 : i32
        %parallel_loop3A_1277 = arith.muli %parallel_loop3A_1260, %parallel_loop3A_1276 : i32
        %parallel_loop3A_1278 = arith.constant 0 : i32
        %parallel_loop3A_1279 = arith.constant 0 : i32
        %parallel_loop3A_1280 = arith.constant 0 : i32
        %parallel_loop3A_1281 = tpu.memref_slice %arg7[%parallel_loop3A_770, %parallel_loop3A_771, %parallel_loop3A_1278, %parallel_loop3A_1279, %parallel_loop3A_1280] : memref<2x4x2x8x128xf32, #tpu.memory_space<vmem>> -> memref<1x1x2x8x128xf32, #tpu.memory_space<vmem>>
        %parallel_loop3A_1282 = tpu.memref_squeeze %parallel_loop3A_1281 : memref<1x1x2x8x128xf32, #tpu.memory_space<vmem>> -> memref<2x8x128xf32, #tpu.memory_space<vmem>>
        %parallel_loop3A_1283 = arith.index_cast %parallel_loop3A_1254 : i32 to index
        %parallel_loop3A_1284 = arith.index_cast %parallel_loop3A_1258 : i32 to index
        %parallel_loop3A_1285 = arith.index_cast %parallel_loop3A_1277 : i32 to index
        %parallel_loop3A_1286 = tpu.vector_load %parallel_loop3A_1282[%parallel_loop3A_1283, %parallel_loop3A_1284, %parallel_loop3A_1285] {strides = array<i32>} : memref<2x8x128xf32, #tpu.memory_space<vmem>>, vector<16xf32>,
        tpu.vector_store %parallel_loop3A_1282[%parallel_loop3A_1283, %parallel_loop3A_1284, %parallel_loop3A_1285], %parallel_loop3A_1275 {strides = array<i32>} : memref<2x8x128xf32, #tpu.memory_space<vmem>>, vector<16xf32>,
      } {sc.loop_unroll_factor = 16 : i64, sc.parallel_access}
      %parallel_loop3A_772 = arith.constant 0 : i32
      %parallel_loop3A_773 = arith.constant 128 : i32
      %parallel_loop3A_774 = arith.constant 1 : i32
      %parallel_loop3A_775 = arith.constant 0 : i32
      %parallel_loop3A_776 = arith.constant 0 : i32
      %parallel_loop3A_777 = arith.constant 1 : i32
      scf.for %parallel_loop3A_1252 = %parallel_loop3A_772 to %parallel_loop3A_773 step %parallel_loop3A_774  : i32 {
        %parallel_loop3A_1253 = arith.constant 6 : i32
        %parallel_loop3A_1254 = arith.shrsi %parallel_loop3A_1252, %parallel_loop3A_1253 : i32
        %parallel_loop3A_1255 = arith.constant 3 : i32
        %parallel_loop3A_1256 = arith.shrsi %parallel_loop3A_1252, %parallel_loop3A_1255 : i32
        %parallel_loop3A_1257 = arith.constant 7 : i32
        %parallel_loop3A_1258 = arith.andi %parallel_loop3A_1256, %parallel_loop3A_1257 : i32
        %parallel_loop3A_1259 = arith.constant 7 : i32
        %parallel_loop3A_1260 = arith.andi %parallel_loop3A_1252, %parallel_loop3A_1259 : i32
        %parallel_loop3A_1261 = arith.constant 128 : i32
        %parallel_loop3A_1262 = arith.muli %parallel_loop3A_1254, %parallel_loop3A_1261 : i32
        %parallel_loop3A_1263 = arith.constant 16 : i32
        %parallel_loop3A_1264 = arith.muli %parallel_loop3A_1260, %parallel_loop3A_1263 : i32
        %parallel_loop3A_1265 = arith.addi %parallel_loop3A_1262, %parallel_loop3A_1264 : i32
        %parallel_loop3A_1266 = vector.broadcast %parallel_loop3A_1265 : i32 to vector<16xi32>
        %parallel_loop3A_1267 = arith.addi %parallel_loop3A_1266, %iota3A : vector<16xi32>
        %parallel_loop3A_1268 = arith.constant 8 : i32
        %parallel_loop3A_1269 = arith.addi %parallel_loop3A_1268, %parallel_loop3A_1258 : i32
        %parallel_loop3A_1270 = vector.broadcast %parallel_loop3A_1269 : i32 to vector<16xi32>
        %parallel_loop3A_1271 = arith.constant 0 : i32
        %parallel_loop3A_1272 = arith.constant 0 : i32
        %parallel_loop3A_1273 = tpu.memref_slice %arg6[%parallel_loop3A_775, %parallel_loop3A_1271, %parallel_loop3A_1272] : memref<2x256x128xf32, #tpu.memory_space<vmem>> -> memref<1x256x128xf32, #tpu.memory_space<vmem>>
        %parallel_loop3A_1274 = tpu.memref_squeeze %parallel_loop3A_1273 : memref<1x256x128xf32, #tpu.memory_space<vmem>> -> memref<256x128xf32, #tpu.memory_space<vmem>>
        %parallel_loop3A_1275 = tpu.vector_load_idx %parallel_loop3A_1274[%parallel_loop3A_1267, %parallel_loop3A_1270] : memref<256x128xf32, #tpu.memory_space<vmem>>[vector<16xi32>, vector<16xi32>], vector<16xf32>,
        %parallel_loop3A_1276 = arith.constant 16 : i32
        %parallel_loop3A_1277 = arith.muli %parallel_loop3A_1260, %parallel_loop3A_1276 : i32
        %parallel_loop3A_1278 = arith.constant 0 : i32
        %parallel_loop3A_1279 = arith.constant 0 : i32
        %parallel_loop3A_1280 = arith.constant 0 : i32
        %parallel_loop3A_1281 = tpu.memref_slice %arg7[%parallel_loop3A_776, %parallel_loop3A_777, %parallel_loop3A_1278, %parallel_loop3A_1279, %parallel_loop3A_1280] : memref<2x4x2x8x128xf32, #tpu.memory_space<vmem>> -> memref<1x1x2x8x128xf32, #tpu.memory_space<vmem>>
        %parallel_loop3A_1282 = tpu.memref_squeeze %parallel_loop3A_1281 : memref<1x1x2x8x128xf32, #tpu.memory_space<vmem>> -> memref<2x8x128xf32, #tpu.memory_space<vmem>>
        %parallel_loop3A_1283 = arith.index_cast %parallel_loop3A_1254 : i32 to index
        %parallel_loop3A_1284 = arith.index_cast %parallel_loop3A_1258 : i32 to index
        %parallel_loop3A_1285 = arith.index_cast %parallel_loop3A_1277 : i32 to index
        %parallel_loop3A_1286 = tpu.vector_load %parallel_loop3A_1282[%parallel_loop3A_1283, %parallel_loop3A_1284, %parallel_loop3A_1285] {strides = array<i32>} : memref<2x8x128xf32, #tpu.memory_space<vmem>>, vector<16xf32>,
        tpu.vector_store %parallel_loop3A_1282[%parallel_loop3A_1283, %parallel_loop3A_1284, %parallel_loop3A_1285], %parallel_loop3A_1275 {strides = array<i32>} : memref<2x8x128xf32, #tpu.memory_space<vmem>>, vector<16xf32>,
      } {sc.loop_unroll_factor = 16 : i64, sc.parallel_access}
      %parallel_loop3A_778 = arith.constant 0 : i32
      %parallel_loop3A_779 = arith.constant 128 : i32
      %parallel_loop3A_780 = arith.constant 1 : i32
      %parallel_loop3A_781 = arith.constant 0 : i32
      %parallel_loop3A_782 = arith.constant 0 : i32
      %parallel_loop3A_783 = arith.constant 2 : i32
      scf.for %parallel_loop3A_1252 = %parallel_loop3A_778 to %parallel_loop3A_779 step %parallel_loop3A_780  : i32 {
        %parallel_loop3A_1253 = arith.constant 6 : i32
        %parallel_loop3A_1254 = arith.shrsi %parallel_loop3A_1252, %parallel_loop3A_1253 : i32
        %parallel_loop3A_1255 = arith.constant 3 : i32
        %parallel_loop3A_1256 = arith.shrsi %parallel_loop3A_1252, %parallel_loop3A_1255 : i32
        %parallel_loop3A_1257 = arith.constant 7 : i32
        %parallel_loop3A_1258 = arith.andi %parallel_loop3A_1256, %parallel_loop3A_1257 : i32
        %parallel_loop3A_1259 = arith.constant 7 : i32
        %parallel_loop3A_1260 = arith.andi %parallel_loop3A_1252, %parallel_loop3A_1259 : i32
        %parallel_loop3A_1261 = arith.constant 128 : i32
        %parallel_loop3A_1262 = arith.muli %parallel_loop3A_1254, %parallel_loop3A_1261 : i32
        %parallel_loop3A_1263 = arith.constant 16 : i32
        %parallel_loop3A_1264 = arith.muli %parallel_loop3A_1260, %parallel_loop3A_1263 : i32
        %parallel_loop3A_1265 = arith.addi %parallel_loop3A_1262, %parallel_loop3A_1264 : i32
        %parallel_loop3A_1266 = vector.broadcast %parallel_loop3A_1265 : i32 to vector<16xi32>
        %parallel_loop3A_1267 = arith.addi %parallel_loop3A_1266, %iota3A : vector<16xi32>
        %parallel_loop3A_1268 = arith.constant 16 : i32
        %parallel_loop3A_1269 = arith.addi %parallel_loop3A_1268, %parallel_loop3A_1258 : i32
        %parallel_loop3A_1270 = vector.broadcast %parallel_loop3A_1269 : i32 to vector<16xi32>
        %parallel_loop3A_1271 = arith.constant 0 : i32
        %parallel_loop3A_1272 = arith.constant 0 : i32
        %parallel_loop3A_1273 = tpu.memref_slice %arg6[%parallel_loop3A_781, %parallel_loop3A_1271, %parallel_loop3A_1272] : memref<2x256x128xf32, #tpu.memory_space<vmem>> -> memref<1x256x128xf32, #tpu.memory_space<vmem>>
        %parallel_loop3A_1274 = tpu.memref_squeeze %parallel_loop3A_1273 : memref<1x256x128xf32, #tpu.memory_space<vmem>> -> memref<256x128xf32, #tpu.memory_space<vmem>>
        %parallel_loop3A_1275 = tpu.vector_load_idx %parallel_loop3A_1274[%parallel_loop3A_1267, %parallel_loop3A_1270] : memref<256x128xf32, #tpu.memory_space<vmem>>[vector<16xi32>, vector<16xi32>], vector<16xf32>,
        %parallel_loop3A_1276 = arith.constant 16 : i32
        %parallel_loop3A_1277 = arith.muli %parallel_loop3A_1260, %parallel_loop3A_1276 : i32
        %parallel_loop3A_1278 = arith.constant 0 : i32
        %parallel_loop3A_1279 = arith.constant 0 : i32
        %parallel_loop3A_1280 = arith.constant 0 : i32
        %parallel_loop3A_1281 = tpu.memref_slice %arg7[%parallel_loop3A_782, %parallel_loop3A_783, %parallel_loop3A_1278, %parallel_loop3A_1279, %parallel_loop3A_1280] : memref<2x4x2x8x128xf32, #tpu.memory_space<vmem>> -> memref<1x1x2x8x128xf32, #tpu.memory_space<vmem>>
        %parallel_loop3A_1282 = tpu.memref_squeeze %parallel_loop3A_1281 : memref<1x1x2x8x128xf32, #tpu.memory_space<vmem>> -> memref<2x8x128xf32, #tpu.memory_space<vmem>>
        %parallel_loop3A_1283 = arith.index_cast %parallel_loop3A_1254 : i32 to index
        %parallel_loop3A_1284 = arith.index_cast %parallel_loop3A_1258 : i32 to index
        %parallel_loop3A_1285 = arith.index_cast %parallel_loop3A_1277 : i32 to index
        %parallel_loop3A_1286 = tpu.vector_load %parallel_loop3A_1282[%parallel_loop3A_1283, %parallel_loop3A_1284, %parallel_loop3A_1285] {strides = array<i32>} : memref<2x8x128xf32, #tpu.memory_space<vmem>>, vector<16xf32>,
        tpu.vector_store %parallel_loop3A_1282[%parallel_loop3A_1283, %parallel_loop3A_1284, %parallel_loop3A_1285], %parallel_loop3A_1275 {strides = array<i32>} : memref<2x8x128xf32, #tpu.memory_space<vmem>>, vector<16xf32>,
      } {sc.loop_unroll_factor = 16 : i64, sc.parallel_access}
      %parallel_loop3A_784 = arith.constant 0 : i32
      %parallel_loop3A_785 = arith.constant 128 : i32
      %parallel_loop3A_786 = arith.constant 1 : i32
      %parallel_loop3A_787 = arith.constant 0 : i32
      %parallel_loop3A_788 = arith.constant 0 : i32
      %parallel_loop3A_789 = arith.constant 3 : i32
      scf.for %parallel_loop3A_1252 = %parallel_loop3A_784 to %parallel_loop3A_785 step %parallel_loop3A_786  : i32 {
        %parallel_loop3A_1253 = arith.constant 6 : i32
        %parallel_loop3A_1254 = arith.shrsi %parallel_loop3A_1252, %parallel_loop3A_1253 : i32
        %parallel_loop3A_1255 = arith.constant 3 : i32
        %parallel_loop3A_1256 = arith.shrsi %parallel_loop3A_1252, %parallel_loop3A_1255 : i32
        %parallel_loop3A_1257 = arith.constant 7 : i32
        %parallel_loop3A_1258 = arith.andi %parallel_loop3A_1256, %parallel_loop3A_1257 : i32
        %parallel_loop3A_1259 = arith.constant 7 : i32
        %parallel_loop3A_1260 = arith.andi %parallel_loop3A_1252, %parallel_loop3A_1259 : i32
        %parallel_loop3A_1261 = arith.constant 128 : i32
        %parallel_loop3A_1262 = arith.muli %parallel_loop3A_1254, %parallel_loop3A_1261 : i32
        %parallel_loop3A_1263 = arith.constant 16 : i32
        %parallel_loop3A_1264 = arith.muli %parallel_loop3A_1260, %parallel_loop3A_1263 : i32
        %parallel_loop3A_1265 = arith.addi %parallel_loop3A_1262, %parallel_loop3A_1264 : i32
        %parallel_loop3A_1266 = vector.broadcast %parallel_loop3A_1265 : i32 to vector<16xi32>
        %parallel_loop3A_1267 = arith.addi %parallel_loop3A_1266, %iota3A : vector<16xi32>
        %parallel_loop3A_1268 = arith.constant 24 : i32
        %parallel_loop3A_1269 = arith.addi %parallel_loop3A_1268, %parallel_loop3A_1258 : i32
        %parallel_loop3A_1270 = vector.broadcast %parallel_loop3A_1269 : i32 to vector<16xi32>
        %parallel_loop3A_1271 = arith.constant 0 : i32
        %parallel_loop3A_1272 = arith.constant 0 : i32
        %parallel_loop3A_1273 = tpu.memref_slice %arg6[%parallel_loop3A_787, %parallel_loop3A_1271, %parallel_loop3A_1272] : memref<2x256x128xf32, #tpu.memory_space<vmem>> -> memref<1x256x128xf32, #tpu.memory_space<vmem>>
        %parallel_loop3A_1274 = tpu.memref_squeeze %parallel_loop3A_1273 : memref<1x256x128xf32, #tpu.memory_space<vmem>> -> memref<256x128xf32, #tpu.memory_space<vmem>>
        %parallel_loop3A_1275 = tpu.vector_load_idx %parallel_loop3A_1274[%parallel_loop3A_1267, %parallel_loop3A_1270] : memref<256x128xf32, #tpu.memory_space<vmem>>[vector<16xi32>, vector<16xi32>], vector<16xf32>,
        %parallel_loop3A_1276 = arith.constant 16 : i32
        %parallel_loop3A_1277 = arith.muli %parallel_loop3A_1260, %parallel_loop3A_1276 : i32
        %parallel_loop3A_1278 = arith.constant 0 : i32
        %parallel_loop3A_1279 = arith.constant 0 : i32
        %parallel_loop3A_1280 = arith.constant 0 : i32
        %parallel_loop3A_1281 = tpu.memref_slice %arg7[%parallel_loop3A_788, %parallel_loop3A_789, %parallel_loop3A_1278, %parallel_loop3A_1279, %parallel_loop3A_1280] : memref<2x4x2x8x128xf32, #tpu.memory_space<vmem>> -> memref<1x1x2x8x128xf32, #tpu.memory_space<vmem>>
        %parallel_loop3A_1282 = tpu.memref_squeeze %parallel_loop3A_1281 : memref<1x1x2x8x128xf32, #tpu.memory_space<vmem>> -> memref<2x8x128xf32, #tpu.memory_space<vmem>>
        %parallel_loop3A_1283 = arith.index_cast %parallel_loop3A_1254 : i32 to index
        %parallel_loop3A_1284 = arith.index_cast %parallel_loop3A_1258 : i32 to index
        %parallel_loop3A_1285 = arith.index_cast %parallel_loop3A_1277 : i32 to index
        %parallel_loop3A_1286 = tpu.vector_load %parallel_loop3A_1282[%parallel_loop3A_1283, %parallel_loop3A_1284, %parallel_loop3A_1285] {strides = array<i32>} : memref<2x8x128xf32, #tpu.memory_space<vmem>>, vector<16xf32>,
        tpu.vector_store %parallel_loop3A_1282[%parallel_loop3A_1283, %parallel_loop3A_1284, %parallel_loop3A_1285], %parallel_loop3A_1275 {strides = array<i32>} : memref<2x8x128xf32, #tpu.memory_space<vmem>>, vector<16xf32>,
      } {sc.loop_unroll_factor = 16 : i64, sc.parallel_access}
      %jit3A_790 = arith.constant 2 : i32
      %div3A_791 = arith.divsi %mul3A_613, %jit3A_790 : i32
      %sign3A_792 = arith.constant 0 : i32
      %sign3A_793 = arith.cmpi sgt, %mul3A_613, %sign3A_792 : i32
      %sign3A_794 = arith.extui %sign3A_793 : i1 to i32
      %sign3A_795 = arith.constant 0 : i32
      %sign3A_796 = arith.cmpi slt, %mul3A_613, %sign3A_795 : i32
      %sign3A_797 = arith.extui %sign3A_796 : i1 to i32
      %sign3A_798 = arith.subi %sign3A_794, %sign3A_797 : i32
      %sign3A_799 = arith.constant 0 : i32
      %sign3A_800 = arith.cmpi sgt, %jit3A_790, %sign3A_799 : i32
      %sign3A_801 = arith.extui %sign3A_800 : i1 to i32
      %sign3A_802 = arith.constant 0 : i32
      %sign3A_803 = arith.cmpi slt, %jit3A_790, %sign3A_802 : i32
      %sign3A_804 = arith.extui %sign3A_803 : i1 to i32
      %sign3A_805 = arith.subi %sign3A_801, %sign3A_804 : i32
      %ne3A_806 = arith.cmpi ne, %sign3A_798, %sign3A_805 : i32
      %rem3A_807 = arith.remsi %mul3A_613, %jit3A_790 : i32
      %ne3A_808 = arith.constant 0 : i32
      %ne3A_809 = arith.cmpi ne, %rem3A_807, %ne3A_808 : i32
      %and3A_810 = arith.andi %ne3A_806, %ne3A_809 : i1
      %sub3A_811 = arith.constant 1 : i32
      %sub3A_812 = arith.subi %div3A_791, %sub3A_811 : i32
      %select_n3A_813 = arith.select %and3A_810, %sub3A_812, %div3A_791 : i32
      %jit3A_814 = arith.constant 2 : i32
      %eq3A_815 = arith.constant 0 : i32
      %eq3A_816 = arith.cmpi eq, %jit3A_814, %eq3A_815 : i32
      %jit3A_817 = arith.constant 1 : i32
      %select_n3A_818 = arith.select %eq3A_816, %jit3A_817, %jit3A_814 : i32
      %rem3A_819 = arith.remsi %mul3A_613, %select_n3A_818 : i32
      %ne3A_820 = arith.constant 0 : i32
      %ne3A_821 = arith.cmpi ne, %rem3A_819, %ne3A_820 : i32
      %lt3A_822 = arith.constant 0 : i32
      %lt3A_823 = arith.cmpi slt, %rem3A_819, %lt3A_822 : i32
      %lt3A_824 = arith.constant 0 : i32
      %lt3A_825 = arith.cmpi slt, %select_n3A_818, %lt3A_824 : i32
      %ne3A_826 = arith.xori %lt3A_823, %lt3A_825 : i1
      %and3A_827 = arith.andi %ne3A_826, %ne3A_821 : i1
      %add3A_828 = arith.addi %rem3A_819, %select_n3A_818 : i32
      %select_n3A_829 = arith.select %and3A_827, %add3A_828, %rem3A_819 : i32
      %mul3A_830 = arith.constant 512 : i32
      %mul3A_831 = arith.muli %add3A, %mul3A_830 : i32
      %mul3A_832 = arith.constant 256 : i32
      %mul3A_833 = arith.muli %select_n3A_829, %mul3A_832 : i32
      %add3A_834 = arith.addi %mul3A_831, %mul3A_833 : i32
      %mul3A_835 = arith.constant 4 : i32
      %mul3A_836 = arith.muli %add3A, %mul3A_835 : i32
      %mul3A_837 = arith.constant 2 : i32
      %mul3A_838 = arith.muli %select_n3A_829, %mul3A_837 : i32
      %add3A_839 = arith.addi %mul3A_836, %mul3A_838 : i32
      %dma_start3A_840 = arith.constant 0 : i32
      %dma_start3A_841 = arith.constant 0 : i32
      %dma_start3A_842 = arith.constant 0 : i32
      %dma_start3A_843 = arith.constant 0 : i32
      %dma_start3A_844 = arith.constant 0 : i32
      %dma_start3A_845 = tpu.memref_slice %arg7[%dma_start3A_840, %dma_start3A_841, %dma_start3A_842, %dma_start3A_843, %dma_start3A_844] : memref<2x4x2x8x128xf32, #tpu.memory_space<vmem>> -> memref<1x4x2x8x128xf32, #tpu.memory_space<vmem>>
      %dma_start3A_846 = tpu.memref_squeeze %dma_start3A_845 : memref<1x4x2x8x128xf32, #tpu.memory_space<vmem>> -> memref<4x2x8x128xf32, #tpu.memory_space<vmem>>
      %dma_start3A_847 = arith.constant 0 : i32
      %dma_start3A_848 = arith.constant 0 : i32
      %dma_start3A_849 = arith.constant 0 : i32
      %dma_start3A_850 = tpu.memref_slice %arg4[%select_n3A_813, %dma_start3A_847, %add3A_839, %dma_start3A_848, %dma_start3A_849] : memref<50x4x128x8x128xf32, #tpu.memory_space<hbm>> -> memref<1x4x2x8x128xf32, #tpu.memory_space<hbm>>
      %dma_start3A_851 = tpu.memref_squeeze %dma_start3A_850 : memref<1x4x2x8x128xf32, #tpu.memory_space<hbm>> -> memref<4x2x8x128xf32, #tpu.memory_space<hbm>>
      %dma_start3A_852 = arith.constant 0 : i32
      %dma_start3A_853 = arith.constant 0 : i32
      %dma_start3A_854 = arith.constant 0 : i32
      %dma_start3A_855 = tpu.memref_slice %arg4[%select_n3A_813, %dma_start3A_852, %add3A_839, %dma_start3A_853, %dma_start3A_854] : memref<50x4x128x8x128xf32, #tpu.memory_space<hbm>> -> memref<1x4x2x8x128xf32, #tpu.memory_space<hbm>>
      %dma_start3A_856 = tpu.memref_squeeze %dma_start3A_855 : memref<1x4x2x8x128xf32, #tpu.memory_space<hbm>> -> memref<4x2x8x128xf32, #tpu.memory_space<hbm>>
      %dma_start3A_857 = arith.constant 0 : i32
      %dma_start3A_858 = arith.constant 0 : i32
      %dma_start3A_859 = arith.constant 0 : i32
      %dma_start3A_860 = arith.constant 0 : i32
      %dma_start3A_861 = tpu.memref_slice %arg7[%dma_start3A_840, %dma_start3A_857, %dma_start3A_858, %dma_start3A_859, %dma_start3A_860] : memref<2x4x2x8x128xf32, #tpu.memory_space<vmem>> -> memref<1x4x2x8x128xf32, #tpu.memory_space<vmem>>
      %dma_start3A_862 = tpu.memref_squeeze %dma_start3A_861 : memref<1x4x2x8x128xf32, #tpu.memory_space<vmem>> -> memref<4x2x8x128xf32, #tpu.memory_space<vmem>>
      tpu.enqueue_dma source(%dma_start3A_862 : memref<4x2x8x128xf32, #tpu.memory_space<vmem>>) target(%dma_start3A_856 : memref<4x2x8x128xf32, #tpu.memory_space<hbm>>) target_semaphore(%arg12 : memref<!tpu.dma_semaphore, #tpu.memory_space<semaphore_mem>>)
      %add3A_863 = arith.constant 2 : i32
      %add3A_864 = arith.addi %mul3A_613, %add3A_863 : i32
      %jit3A_865 = arith.constant 2 : i32
      %div3A_866 = arith.divsi %add3A_864, %jit3A_865 : i32
      %sign3A_867 = arith.constant 0 : i32
      %sign3A_868 = arith.cmpi sgt, %add3A_864, %sign3A_867 : i32
      %sign3A_869 = arith.extui %sign3A_868 : i1 to i32
      %sign3A_870 = arith.constant 0 : i32
      %sign3A_871 = arith.cmpi slt, %add3A_864, %sign3A_870 : i32
      %sign3A_872 = arith.extui %sign3A_871 : i1 to i32
      %sign3A_873 = arith.subi %sign3A_869, %sign3A_872 : i32
      %sign3A_874 = arith.constant 0 : i32
      %sign3A_875 = arith.cmpi sgt, %jit3A_865, %sign3A_874 : i32
      %sign3A_876 = arith.extui %sign3A_875 : i1 to i32
      %sign3A_877 = arith.constant 0 : i32
      %sign3A_878 = arith.cmpi slt, %jit3A_865, %sign3A_877 : i32
      %sign3A_879 = arith.extui %sign3A_878 : i1 to i32
      %sign3A_880 = arith.subi %sign3A_876, %sign3A_879 : i32
      %ne3A_881 = arith.cmpi ne, %sign3A_873, %sign3A_880 : i32
      %rem3A_882 = arith.remsi %add3A_864, %jit3A_865 : i32
      %ne3A_883 = arith.constant 0 : i32
      %ne3A_884 = arith.cmpi ne, %rem3A_882, %ne3A_883 : i32
      %and3A_885 = arith.andi %ne3A_881, %ne3A_884 : i1
      %sub3A_886 = arith.constant 1 : i32
      %sub3A_887 = arith.subi %div3A_866, %sub3A_886 : i32
      %select_n3A_888 = arith.select %and3A_885, %sub3A_887, %div3A_866 : i32
      %jit3A_889 = arith.constant 2 : i32
      %eq3A_890 = arith.constant 0 : i32
      %eq3A_891 = arith.cmpi eq, %jit3A_889, %eq3A_890 : i32
      %jit3A_892 = arith.constant 1 : i32
      %select_n3A_893 = arith.select %eq3A_891, %jit3A_892, %jit3A_889 : i32
      %rem3A_894 = arith.remsi %add3A_864, %select_n3A_893 : i32
      %ne3A_895 = arith.constant 0 : i32
      %ne3A_896 = arith.cmpi ne, %rem3A_894, %ne3A_895 : i32
      %lt3A_897 = arith.constant 0 : i32
      %lt3A_898 = arith.cmpi slt, %rem3A_894, %lt3A_897 : i32
      %lt3A_899 = arith.constant 0 : i32
      %lt3A_900 = arith.cmpi slt, %select_n3A_893, %lt3A_899 : i32
      %ne3A_901 = arith.xori %lt3A_898, %lt3A_900 : i1
      %and3A_902 = arith.andi %ne3A_901, %ne3A_896 : i1
      %add3A_903 = arith.addi %rem3A_894, %select_n3A_893 : i32
      %select_n3A_904 = arith.select %and3A_902, %add3A_903, %rem3A_894 : i32
      %mul3A_905 = arith.constant 512 : i32
      %mul3A_906 = arith.muli %add3A, %mul3A_905 : i32
      %mul3A_907 = arith.constant 256 : i32
      %mul3A_908 = arith.muli %select_n3A_904, %mul3A_907 : i32
      %add3A_909 = arith.addi %mul3A_906, %mul3A_908 : i32
      %mul3A_910 = arith.constant 4 : i32
      %mul3A_911 = arith.muli %add3A, %mul3A_910 : i32
      %mul3A_912 = arith.constant 2 : i32
      %mul3A_913 = arith.muli %select_n3A_904, %mul3A_912 : i32
      %add3A_914 = arith.addi %mul3A_911, %mul3A_913 : i32
      %dma_start3A_915 = arith.constant 0 : i32
      %dma_start3A_916 = arith.constant 0 : i32
      %dma_start3A_917 = tpu.memref_slice %arg5[%dma_start3A_915, %dma_start3A_916] : memref<2x256xi32, #tpu.memory_space<vmem>> -> memref<1x256xi32, #tpu.memory_space<vmem>>
      %dma_start3A_918 = tpu.memref_squeeze %dma_start3A_917 : memref<1x256xi32, #tpu.memory_space<vmem>> -> memref<256xi32, #tpu.memory_space<vmem>>
      %dma_start3A_919 = tpu.memref_slice %arg2[%select_n3A_888, %add3A_909] : memref<50x16384xi32, #tpu.memory_space<hbm>> -> memref<1x256xi32, #tpu.memory_space<hbm>>
      %dma_start3A_920 = tpu.memref_squeeze %dma_start3A_919 : memref<1x256xi32, #tpu.memory_space<hbm>> -> memref<256xi32, #tpu.memory_space<hbm>>
      %dma_start3A_921 = arith.constant 0 : i32
      %dma_start3A_922 = tpu.memref_slice %arg5[%dma_start3A_915, %dma_start3A_921] : memref<2x256xi32, #tpu.memory_space<vmem>> -> memref<1x256xi32, #tpu.memory_space<vmem>>
      %dma_start3A_923 = tpu.memref_squeeze %dma_start3A_922 : memref<1x256xi32, #tpu.memory_space<vmem>> -> memref<256xi32, #tpu.memory_space<vmem>>
      %dma_start3A_924 = tpu.memref_slice %arg2[%select_n3A_888, %add3A_909] : memref<50x16384xi32, #tpu.memory_space<hbm>> -> memref<1x256xi32, #tpu.memory_space<hbm>>
      %dma_start3A_925 = tpu.memref_squeeze %dma_start3A_924 : memref<1x256xi32, #tpu.memory_space<hbm>> -> memref<256xi32, #tpu.memory_space<hbm>>
      tpu.enqueue_dma source(%dma_start3A_925 : memref<256xi32, #tpu.memory_space<hbm>>) target(%dma_start3A_923 : memref<256xi32, #tpu.memory_space<vmem>>) target_semaphore(%arg8 : memref<!tpu.dma_semaphore, #tpu.memory_space<semaphore_mem>>)
      %mul3A_926 = arith.constant 2 : i32
      %mul3A_927 = arith.muli %mul3A_926, %scan3A_611 : i32
      %add3A_928 = arith.constant 1 : i32
      %add3A_929 = arith.addi %mul3A_927, %add3A_928 : i32
      %add3A_930 = arith.constant 1 : i32
      %add3A_931 = arith.addi %add3A_929, %add3A_930 : i32
      %jit3A_932 = arith.constant 2 : i32
      %div3A_933 = arith.divsi %add3A_931, %jit3A_932 : i32
      %sign3A_934 = arith.constant 0 : i32
      %sign3A_935 = arith.cmpi sgt, %add3A_931, %sign3A_934 : i32
      %sign3A_936 = arith.extui %sign3A_935 : i1 to i32
      %sign3A_937 = arith.constant 0 : i32
      %sign3A_938 = arith.cmpi slt, %add3A_931, %sign3A_937 : i32
      %sign3A_939 = arith.extui %sign3A_938 : i1 to i32
      %sign3A_940 = arith.subi %sign3A_936, %sign3A_939 : i32
      %sign3A_941 = arith.constant 0 : i32
      %sign3A_942 = arith.cmpi sgt, %jit3A_932, %sign3A_941 : i32
      %sign3A_943 = arith.extui %sign3A_942 : i1 to i32
      %sign3A_944 = arith.constant 0 : i32
      %sign3A_945 = arith.cmpi slt, %jit3A_932, %sign3A_944 : i32
      %sign3A_946 = arith.extui %sign3A_945 : i1 to i32
      %sign3A_947 = arith.subi %sign3A_943, %sign3A_946 : i32
      %ne3A_948 = arith.cmpi ne, %sign3A_940, %sign3A_947 : i32
      %rem3A_949 = arith.remsi %add3A_931, %jit3A_932 : i32
      %ne3A_950 = arith.constant 0 : i32
      %ne3A_951 = arith.cmpi ne, %rem3A_949, %ne3A_950 : i32
      %and3A_952 = arith.andi %ne3A_948, %ne3A_951 : i1
      %sub3A_953 = arith.constant 1 : i32
      %sub3A_954 = arith.subi %div3A_933, %sub3A_953 : i32
      %select_n3A_955 = arith.select %and3A_952, %sub3A_954, %div3A_933 : i32
      %jit3A_956 = arith.constant 2 : i32
      %eq3A_957 = arith.constant 0 : i32
      %eq3A_958 = arith.cmpi eq, %jit3A_956, %eq3A_957 : i32
      %jit3A_959 = arith.constant 1 : i32
      %select_n3A_960 = arith.select %eq3A_958, %jit3A_959, %jit3A_956 : i32
      %rem3A_961 = arith.remsi %add3A_931, %select_n3A_960 : i32
      %ne3A_962 = arith.constant 0 : i32
      %ne3A_963 = arith.cmpi ne, %rem3A_961, %ne3A_962 : i32
      %lt3A_964 = arith.constant 0 : i32
      %lt3A_965 = arith.cmpi slt, %rem3A_961, %lt3A_964 : i32
      %lt3A_966 = arith.constant 0 : i32
      %lt3A_967 = arith.cmpi slt, %select_n3A_960, %lt3A_966 : i32
      %ne3A_968 = arith.xori %lt3A_965, %lt3A_967 : i1
      %and3A_969 = arith.andi %ne3A_968, %ne3A_963 : i1
      %add3A_970 = arith.addi %rem3A_961, %select_n3A_960 : i32
      %select_n3A_971 = arith.select %and3A_969, %add3A_970, %rem3A_961 : i32
      %mul3A_972 = arith.constant 512 : i32
      %mul3A_973 = arith.muli %add3A, %mul3A_972 : i32
      %mul3A_974 = arith.constant 256 : i32
      %mul3A_975 = arith.muli %select_n3A_971, %mul3A_974 : i32
      %add3A_976 = arith.addi %mul3A_973, %mul3A_975 : i32
      %mul3A_977 = arith.constant 4 : i32
      %mul3A_978 = arith.muli %add3A, %mul3A_977 : i32
      %mul3A_979 = arith.constant 2 : i32
      %mul3A_980 = arith.muli %select_n3A_971, %mul3A_979 : i32
      %add3A_981 = arith.addi %mul3A_978, %mul3A_980 : i32
      %dma_wait3A_982 = arith.constant 0 : i32
      %dma_wait3A_983 = arith.constant 0 : i32
      %dma_wait3A_984 = tpu.memref_slice %arg5[%dma_wait3A_982, %dma_wait3A_983] : memref<2x256xi32, #tpu.memory_space<vmem>> -> memref<1x256xi32, #tpu.memory_space<vmem>>
      %dma_wait3A_985 = tpu.memref_squeeze %dma_wait3A_984 : memref<1x256xi32, #tpu.memory_space<vmem>> -> memref<256xi32, #tpu.memory_space<vmem>>
      %dma_wait3A_986 = tpu.memref_slice %arg2[%select_n3A_955, %add3A_976] : memref<50x16384xi32, #tpu.memory_space<hbm>> -> memref<1x256xi32, #tpu.memory_space<hbm>>
      %dma_wait3A_987 = tpu.memref_squeeze %dma_wait3A_986 : memref<1x256xi32, #tpu.memory_space<hbm>> -> memref<256xi32, #tpu.memory_space<hbm>>
      %dma_wait3A_988 = arith.constant 0 : i32
      %dma_wait3A_989 = tpu.memref_slice %arg5[%dma_wait3A_982, %dma_wait3A_988] : memref<2x256xi32, #tpu.memory_space<vmem>> -> memref<1x256xi32, #tpu.memory_space<vmem>>
      %dma_wait3A_990 = tpu.memref_squeeze %dma_wait3A_989 : memref<1x256xi32, #tpu.memory_space<vmem>> -> memref<256xi32, #tpu.memory_space<vmem>>
      %dma_wait3A_991 = tpu.memref_slice %arg2[%select_n3A_955, %add3A_976] : memref<50x16384xi32, #tpu.memory_space<hbm>> -> memref<1x256xi32, #tpu.memory_space<hbm>>
      %dma_wait3A_992 = tpu.memref_squeeze %dma_wait3A_991 : memref<1x256xi32, #tpu.memory_space<hbm>> -> memref<256xi32, #tpu.memory_space<hbm>>
      tpu.wait_dma2 semaphore(%arg8 : memref<!tpu.dma_semaphore, #tpu.memory_space<semaphore_mem>>) src(%dma_wait3A_992 : memref<256xi32, #tpu.memory_space<hbm>>) dst(%dma_wait3A_990 : memref<256xi32, #tpu.memory_space<vmem>>)
      %dma_start3A_993 = arith.constant 0 : i32
      %dma_start3A_994 = arith.constant 0 : i32
      %dma_start3A_995 = arith.constant 0 : i32
      %dma_start3A_996 = arith.constant 0 : i32
      %dma_start3A_997 = tpu.memref_slice %arg6[%dma_start3A_994, %dma_start3A_995, %dma_start3A_996] : memref<2x256x128xf32, #tpu.memory_space<vmem>> -> memref<1x256x128xf32, #tpu.memory_space<vmem>>
      %dma_start3A_998 = tpu.memref_squeeze %dma_start3A_997 : memref<1x256x128xf32, #tpu.memory_space<vmem>> -> memref<256x128xf32, #tpu.memory_space<vmem>>
      %dma_start3A_999 = arith.constant 0 : i32
      %dma_start3A_1000 = tpu.memref_slice %arg5[%dma_start3A_993, %dma_start3A_999] : memref<2x256xi32, #tpu.memory_space<vmem>> -> memref<1x256xi32, #tpu.memory_space<vmem>>
      %dma_start3A_1001 = tpu.memref_squeeze %dma_start3A_1000 : memref<1x256xi32, #tpu.memory_space<vmem>> -> memref<256xi32, #tpu.memory_space<vmem>>
      %dma_start3A_1002 = arith.constant 0 : i32
      %dma_start3A_1003 = arith.constant 0 : i32
      %dma_start3A_1004 = tpu.memref_slice %arg3[%dma_start3A_1002, %dma_start3A_1003] : memref<1000000x128xf32, #tpu.memory_space<hbm>> -> memref<1000000x128xf32, #tpu.memory_space<hbm>>
      tpu.enqueue_indirect_dma source(%dma_start3A_1004 : memref<1000000x128xf32, #tpu.memory_space<hbm>>) target(%dma_start3A_998 : memref<256x128xf32, #tpu.memory_space<vmem>>) offsets(%dma_start3A_1001 : memref<256xi32, #tpu.memory_space<vmem>>) semaphore(%arg10 : memref<!tpu.dma_semaphore, #tpu.memory_space<semaphore_mem>>)
      %dma_wait3A_1005 = arith.constant 1 : i32
      %dma_wait3A_1006 = arith.constant 1 : i32
      %dma_wait3A_1007 = arith.constant 0 : i32
      %dma_wait3A_1008 = arith.constant 0 : i32
      %dma_wait3A_1009 = tpu.memref_slice %arg6[%dma_wait3A_1006, %dma_wait3A_1007, %dma_wait3A_1008] : memref<2x256x128xf32, #tpu.memory_space<vmem>> -> memref<1x256x128xf32, #tpu.memory_space<vmem>>
      %dma_wait3A_1010 = tpu.memref_squeeze %dma_wait3A_1009 : memref<1x256x128xf32, #tpu.memory_space<vmem>> -> memref<256x128xf32, #tpu.memory_space<vmem>>
      %dma_wait3A_1011 = arith.constant 0 : i32
      %dma_wait3A_1012 = tpu.memref_slice %arg5[%dma_wait3A_1005, %dma_wait3A_1011] : memref<2x256xi32, #tpu.memory_space<vmem>> -> memref<1x256xi32, #tpu.memory_space<vmem>>
      %dma_wait3A_1013 = tpu.memref_squeeze %dma_wait3A_1012 : memref<1x256xi32, #tpu.memory_space<vmem>> -> memref<256xi32, #tpu.memory_space<vmem>>
      %dma_wait3A_1014 = arith.constant 0 : i32
      %dma_wait3A_1015 = arith.constant 0 : i32
      %dma_wait3A_1016 = tpu.memref_slice %arg3[%dma_wait3A_1014, %dma_wait3A_1015] : memref<1000000x128xf32, #tpu.memory_space<hbm>> -> memref<1000000x128xf32, #tpu.memory_space<hbm>>
      tpu.wait_indirect_dma semaphore(%arg11 : memref<!tpu.dma_semaphore, #tpu.memory_space<semaphore_mem>>) src(%dma_wait3A_1016 : memref<1000000x128xf32, #tpu.memory_space<hbm>>) dst(%dma_wait3A_1010 : memref<256x128xf32, #tpu.memory_space<vmem>>)
      %sub3A_1017 = arith.constant 2 : i32
      %sub3A_1018 = arith.subi %add3A_929, %sub3A_1017 : i32
      %jit3A_1019 = arith.constant 2 : i32
      %div3A_1020 = arith.divsi %sub3A_1018, %jit3A_1019 : i32
      %sign3A_1021 = arith.constant 0 : i32
      %sign3A_1022 = arith.cmpi sgt, %sub3A_1018, %sign3A_1021 : i32
      %sign3A_1023 = arith.extui %sign3A_1022 : i1 to i32
      %sign3A_1024 = arith.constant 0 : i32
      %sign3A_1025 = arith.cmpi slt, %sub3A_1018, %sign3A_1024 : i32
      %sign3A_1026 = arith.extui %sign3A_1025 : i1 to i32
      %sign3A_1027 = arith.subi %sign3A_1023, %sign3A_1026 : i32
      %sign3A_1028 = arith.constant 0 : i32
      %sign3A_1029 = arith.cmpi sgt, %jit3A_1019, %sign3A_1028 : i32
      %sign3A_1030 = arith.extui %sign3A_1029 : i1 to i32
      %sign3A_1031 = arith.constant 0 : i32
      %sign3A_1032 = arith.cmpi slt, %jit3A_1019, %sign3A_1031 : i32
      %sign3A_1033 = arith.extui %sign3A_1032 : i1 to i32
      %sign3A_1034 = arith.subi %sign3A_1030, %sign3A_1033 : i32
      %ne3A_1035 = arith.cmpi ne, %sign3A_1027, %sign3A_1034 : i32
      %rem3A_1036 = arith.remsi %sub3A_1018, %jit3A_1019 : i32
      %ne3A_1037 = arith.constant 0 : i32
      %ne3A_1038 = arith.cmpi ne, %rem3A_1036, %ne3A_1037 : i32
      %and3A_1039 = arith.andi %ne3A_1035, %ne3A_1038 : i1
      %sub3A_1040 = arith.constant 1 : i32
      %sub3A_1041 = arith.subi %div3A_1020, %sub3A_1040 : i32
      %select_n3A_1042 = arith.select %and3A_1039, %sub3A_1041, %div3A_1020 : i32
      %jit3A_1043 = arith.constant 2 : i32
      %eq3A_1044 = arith.constant 0 : i32
      %eq3A_1045 = arith.cmpi eq, %jit3A_1043, %eq3A_1044 : i32
      %jit3A_1046 = arith.constant 1 : i32
      %select_n3A_1047 = arith.select %eq3A_1045, %jit3A_1046, %jit3A_1043 : i32
      %rem3A_1048 = arith.remsi %sub3A_1018, %select_n3A_1047 : i32
      %ne3A_1049 = arith.constant 0 : i32
      %ne3A_1050 = arith.cmpi ne, %rem3A_1048, %ne3A_1049 : i32
      %lt3A_1051 = arith.constant 0 : i32
      %lt3A_1052 = arith.cmpi slt, %rem3A_1048, %lt3A_1051 : i32
      %lt3A_1053 = arith.constant 0 : i32
      %lt3A_1054 = arith.cmpi slt, %select_n3A_1047, %lt3A_1053 : i32
      %ne3A_1055 = arith.xori %lt3A_1052, %lt3A_1054 : i1
      %and3A_1056 = arith.andi %ne3A_1055, %ne3A_1050 : i1
      %add3A_1057 = arith.addi %rem3A_1048, %select_n3A_1047 : i32
      %select_n3A_1058 = arith.select %and3A_1056, %add3A_1057, %rem3A_1048 : i32
      %mul3A_1059 = arith.constant 512 : i32
      %mul3A_1060 = arith.muli %add3A, %mul3A_1059 : i32
      %mul3A_1061 = arith.constant 256 : i32
      %mul3A_1062 = arith.muli %select_n3A_1058, %mul3A_1061 : i32
      %add3A_1063 = arith.addi %mul3A_1060, %mul3A_1062 : i32
      %mul3A_1064 = arith.constant 4 : i32
      %mul3A_1065 = arith.muli %add3A, %mul3A_1064 : i32
      %mul3A_1066 = arith.constant 2 : i32
      %mul3A_1067 = arith.muli %select_n3A_1058, %mul3A_1066 : i32
      %add3A_1068 = arith.addi %mul3A_1065, %mul3A_1067 : i32
      %dma_wait3A_1069 = arith.constant 1 : i32
      %dma_wait3A_1070 = arith.constant 0 : i32
      %dma_wait3A_1071 = arith.constant 0 : i32
      %dma_wait3A_1072 = arith.constant 0 : i32
      %dma_wait3A_1073 = arith.constant 0 : i32
      %dma_wait3A_1074 = tpu.memref_slice %arg7[%dma_wait3A_1069, %dma_wait3A_1070, %dma_wait3A_1071, %dma_wait3A_1072, %dma_wait3A_1073] : memref<2x4x2x8x128xf32, #tpu.memory_space<vmem>> -> memref<1x4x2x8x128xf32, #tpu.memory_space<vmem>>
      %dma_wait3A_1075 = tpu.memref_squeeze %dma_wait3A_1074 : memref<1x4x2x8x128xf32, #tpu.memory_space<vmem>> -> memref<4x2x8x128xf32, #tpu.memory_space<vmem>>
      %dma_wait3A_1076 = arith.constant 0 : i32
      %dma_wait3A_1077 = arith.constant 0 : i32
      %dma_wait3A_1078 = arith.constant 0 : i32
      %dma_wait3A_1079 = tpu.memref_slice %arg4[%select_n3A_1042, %dma_wait3A_1076, %add3A_1068, %dma_wait3A_1077, %dma_wait3A_1078] : memref<50x4x128x8x128xf32, #tpu.memory_space<hbm>> -> memref<1x4x2x8x128xf32, #tpu.memory_space<hbm>>
      %dma_wait3A_1080 = tpu.memref_squeeze %dma_wait3A_1079 : memref<1x4x2x8x128xf32, #tpu.memory_space<hbm>> -> memref<4x2x8x128xf32, #tpu.memory_space<hbm>>
      %dma_wait3A_1081 = arith.constant 0 : i32
      %dma_wait3A_1082 = arith.constant 0 : i32
      %dma_wait3A_1083 = arith.constant 0 : i32
      %dma_wait3A_1084 = tpu.memref_slice %arg4[%select_n3A_1042, %dma_wait3A_1081, %add3A_1068, %dma_wait3A_1082, %dma_wait3A_1083] : memref<50x4x128x8x128xf32, #tpu.memory_space<hbm>> -> memref<1x4x2x8x128xf32, #tpu.memory_space<hbm>>
      %dma_wait3A_1085 = tpu.memref_squeeze %dma_wait3A_1084 : memref<1x4x2x8x128xf32, #tpu.memory_space<hbm>> -> memref<4x2x8x128xf32, #tpu.memory_space<hbm>>
      %dma_wait3A_1086 = arith.constant 0 : i32
      %dma_wait3A_1087 = arith.constant 0 : i32
      %dma_wait3A_1088 = arith.constant 0 : i32
      %dma_wait3A_1089 = arith.constant 0 : i32
      %dma_wait3A_1090 = tpu.memref_slice %arg7[%dma_wait3A_1069, %dma_wait3A_1086, %dma_wait3A_1087, %dma_wait3A_1088, %dma_wait3A_1089] : memref<2x4x2x8x128xf32, #tpu.memory_space<vmem>> -> memref<1x4x2x8x128xf32, #tpu.memory_space<vmem>>
      %dma_wait3A_1091 = tpu.memref_squeeze %dma_wait3A_1090 : memref<1x4x2x8x128xf32, #tpu.memory_space<vmem>> -> memref<4x2x8x128xf32, #tpu.memory_space<vmem>>
      tpu.wait_dma2 semaphore(%arg13 : memref<!tpu.dma_semaphore, #tpu.memory_space<semaphore_mem>>) src(%dma_wait3A_1091 : memref<4x2x8x128xf32, #tpu.memory_space<vmem>>) dst(%dma_wait3A_1085 : memref<4x2x8x128xf32, #tpu.memory_space<hbm>>)
      %parallel_loop3A_1092 = arith.constant 0 : i32
      %parallel_loop3A_1093 = arith.constant 128 : i32
      %parallel_loop3A_1094 = arith.constant 1 : i32
      %parallel_loop3A_1095 = arith.constant 1 : i32
      %parallel_loop3A_1096 = arith.constant 1 : i32
      %parallel_loop3A_1097 = arith.constant 0 : i32
      scf.for %parallel_loop3A_1252 = %parallel_loop3A_1092 to %parallel_loop3A_1093 step %parallel_loop3A_1094  : i32 {
        %parallel_loop3A_1253 = arith.constant 6 : i32
        %parallel_loop3A_1254 = arith.shrsi %parallel_loop3A_1252, %parallel_loop3A_1253 : i32
        %parallel_loop3A_1255 = arith.constant 3 : i32
        %parallel_loop3A_1256 = arith.shrsi %parallel_loop3A_1252, %parallel_loop3A_1255 : i32
        %parallel_loop3A_1257 = arith.constant 7 : i32
        %parallel_loop3A_1258 = arith.andi %parallel_loop3A_1256, %parallel_loop3A_1257 : i32
        %parallel_loop3A_1259 = arith.constant 7 : i32
        %parallel_loop3A_1260 = arith.andi %parallel_loop3A_1252, %parallel_loop3A_1259 : i32
        %parallel_loop3A_1261 = arith.constant 128 : i32
        %parallel_loop3A_1262 = arith.muli %parallel_loop3A_1254, %parallel_loop3A_1261 : i32
        %parallel_loop3A_1263 = arith.constant 16 : i32
        %parallel_loop3A_1264 = arith.muli %parallel_loop3A_1260, %parallel_loop3A_1263 : i32
        %parallel_loop3A_1265 = arith.addi %parallel_loop3A_1262, %parallel_loop3A_1264 : i32
        %parallel_loop3A_1266 = vector.broadcast %parallel_loop3A_1265 : i32 to vector<16xi32>
        %parallel_loop3A_1267 = arith.addi %parallel_loop3A_1266, %iota3A : vector<16xi32>
        %parallel_loop3A_1268 = arith.constant 0 : i32
        %parallel_loop3A_1269 = arith.addi %parallel_loop3A_1268, %parallel_loop3A_1258 : i32
        %parallel_loop3A_1270 = vector.broadcast %parallel_loop3A_1269 : i32 to vector<16xi32>
        %parallel_loop3A_1271 = arith.constant 0 : i32
        %parallel_loop3A_1272 = arith.constant 0 : i32
        %parallel_loop3A_1273 = tpu.memref_slice %arg6[%parallel_loop3A_1095, %parallel_loop3A_1271, %parallel_loop3A_1272] : memref<2x256x128xf32, #tpu.memory_space<vmem>> -> memref<1x256x128xf32, #tpu.memory_space<vmem>>
        %parallel_loop3A_1274 = tpu.memref_squeeze %parallel_loop3A_1273 : memref<1x256x128xf32, #tpu.memory_space<vmem>> -> memref<256x128xf32, #tpu.memory_space<vmem>>
        %parallel_loop3A_1275 = tpu.vector_load_idx %parallel_loop3A_1274[%parallel_loop3A_1267, %parallel_loop3A_1270] : memref<256x128xf32, #tpu.memory_space<vmem>>[vector<16xi32>, vector<16xi32>], vector<16xf32>,
        %parallel_loop3A_1276 = arith.constant 16 : i32
        %parallel_loop3A_1277 = arith.muli %parallel_loop3A_1260, %parallel_loop3A_1276 : i32
        %parallel_loop3A_1278 = arith.constant 0 : i32
        %parallel_loop3A_1279 = arith.constant 0 : i32
        %parallel_loop3A_1280 = arith.constant 0 : i32
        %parallel_loop3A_1281 = tpu.memref_slice %arg7[%parallel_loop3A_1096, %parallel_loop3A_1097, %parallel_loop3A_1278, %parallel_loop3A_1279, %parallel_loop3A_1280] : memref<2x4x2x8x128xf32, #tpu.memory_space<vmem>> -> memref<1x1x2x8x128xf32, #tpu.memory_space<vmem>>
        %parallel_loop3A_1282 = tpu.memref_squeeze %parallel_loop3A_1281 : memref<1x1x2x8x128xf32, #tpu.memory_space<vmem>> -> memref<2x8x128xf32, #tpu.memory_space<vmem>>
        %parallel_loop3A_1283 = arith.index_cast %parallel_loop3A_1254 : i32 to index
        %parallel_loop3A_1284 = arith.index_cast %parallel_loop3A_1258 : i32 to index
        %parallel_loop3A_1285 = arith.index_cast %parallel_loop3A_1277 : i32 to index
        %parallel_loop3A_1286 = tpu.vector_load %parallel_loop3A_1282[%parallel_loop3A_1283, %parallel_loop3A_1284, %parallel_loop3A_1285] {strides = array<i32>} : memref<2x8x128xf32, #tpu.memory_space<vmem>>, vector<16xf32>,
        tpu.vector_store %parallel_loop3A_1282[%parallel_loop3A_1283, %parallel_loop3A_1284, %parallel_loop3A_1285], %parallel_loop3A_1275 {strides = array<i32>} : memref<2x8x128xf32, #tpu.memory_space<vmem>>, vector<16xf32>,
      } {sc.loop_unroll_factor = 16 : i64, sc.parallel_access}
      %parallel_loop3A_1098 = arith.constant 0 : i32
      %parallel_loop3A_1099 = arith.constant 128 : i32
      %parallel_loop3A_1100 = arith.constant 1 : i32
      %parallel_loop3A_1101 = arith.constant 1 : i32
      %parallel_loop3A_1102 = arith.constant 1 : i32
      %parallel_loop3A_1103 = arith.constant 1 : i32
      scf.for %parallel_loop3A_1252 = %parallel_loop3A_1098 to %parallel_loop3A_1099 step %parallel_loop3A_1100  : i32 {
        %parallel_loop3A_1253 = arith.constant 6 : i32
        %parallel_loop3A_1254 = arith.shrsi %parallel_loop3A_1252, %parallel_loop3A_1253 : i32
        %parallel_loop3A_1255 = arith.constant 3 : i32
        %parallel_loop3A_1256 = arith.shrsi %parallel_loop3A_1252, %parallel_loop3A_1255 : i32
        %parallel_loop3A_1257 = arith.constant 7 : i32
        %parallel_loop3A_1258 = arith.andi %parallel_loop3A_1256, %parallel_loop3A_1257 : i32
        %parallel_loop3A_1259 = arith.constant 7 : i32
        %parallel_loop3A_1260 = arith.andi %parallel_loop3A_1252, %parallel_loop3A_1259 : i32
        %parallel_loop3A_1261 = arith.constant 128 : i32
        %parallel_loop3A_1262 = arith.muli %parallel_loop3A_1254, %parallel_loop3A_1261 : i32
        %parallel_loop3A_1263 = arith.constant 16 : i32
        %parallel_loop3A_1264 = arith.muli %parallel_loop3A_1260, %parallel_loop3A_1263 : i32
        %parallel_loop3A_1265 = arith.addi %parallel_loop3A_1262, %parallel_loop3A_1264 : i32
        %parallel_loop3A_1266 = vector.broadcast %parallel_loop3A_1265 : i32 to vector<16xi32>
        %parallel_loop3A_1267 = arith.addi %parallel_loop3A_1266, %iota3A : vector<16xi32>
        %parallel_loop3A_1268 = arith.constant 8 : i32
        %parallel_loop3A_1269 = arith.addi %parallel_loop3A_1268, %parallel_loop3A_1258 : i32
        %parallel_loop3A_1270 = vector.broadcast %parallel_loop3A_1269 : i32 to vector<16xi32>
        %parallel_loop3A_1271 = arith.constant 0 : i32
        %parallel_loop3A_1272 = arith.constant 0 : i32
        %parallel_loop3A_1273 = tpu.memref_slice %arg6[%parallel_loop3A_1101, %parallel_loop3A_1271, %parallel_loop3A_1272] : memref<2x256x128xf32, #tpu.memory_space<vmem>> -> memref<1x256x128xf32, #tpu.memory_space<vmem>>
        %parallel_loop3A_1274 = tpu.memref_squeeze %parallel_loop3A_1273 : memref<1x256x128xf32, #tpu.memory_space<vmem>> -> memref<256x128xf32, #tpu.memory_space<vmem>>
        %parallel_loop3A_1275 = tpu.vector_load_idx %parallel_loop3A_1274[%parallel_loop3A_1267, %parallel_loop3A_1270] : memref<256x128xf32, #tpu.memory_space<vmem>>[vector<16xi32>, vector<16xi32>], vector<16xf32>,
        %parallel_loop3A_1276 = arith.constant 16 : i32
        %parallel_loop3A_1277 = arith.muli %parallel_loop3A_1260, %parallel_loop3A_1276 : i32
        %parallel_loop3A_1278 = arith.constant 0 : i32
        %parallel_loop3A_1279 = arith.constant 0 : i32
        %parallel_loop3A_1280 = arith.constant 0 : i32
        %parallel_loop3A_1281 = tpu.memref_slice %arg7[%parallel_loop3A_1102, %parallel_loop3A_1103, %parallel_loop3A_1278, %parallel_loop3A_1279, %parallel_loop3A_1280] : memref<2x4x2x8x128xf32, #tpu.memory_space<vmem>> -> memref<1x1x2x8x128xf32, #tpu.memory_space<vmem>>
        %parallel_loop3A_1282 = tpu.memref_squeeze %parallel_loop3A_1281 : memref<1x1x2x8x128xf32, #tpu.memory_space<vmem>> -> memref<2x8x128xf32, #tpu.memory_space<vmem>>
        %parallel_loop3A_1283 = arith.index_cast %parallel_loop3A_1254 : i32 to index
        %parallel_loop3A_1284 = arith.index_cast %parallel_loop3A_1258 : i32 to index
        %parallel_loop3A_1285 = arith.index_cast %parallel_loop3A_1277 : i32 to index
        %parallel_loop3A_1286 = tpu.vector_load %parallel_loop3A_1282[%parallel_loop3A_1283, %parallel_loop3A_1284, %parallel_loop3A_1285] {strides = array<i32>} : memref<2x8x128xf32, #tpu.memory_space<vmem>>, vector<16xf32>,
        tpu.vector_store %parallel_loop3A_1282[%parallel_loop3A_1283, %parallel_loop3A_1284, %parallel_loop3A_1285], %parallel_loop3A_1275 {strides = array<i32>} : memref<2x8x128xf32, #tpu.memory_space<vmem>>, vector<16xf32>,
      } {sc.loop_unroll_factor = 16 : i64, sc.parallel_access}
      %parallel_loop3A_1104 = arith.constant 0 : i32
      %parallel_loop3A_1105 = arith.constant 128 : i32
      %parallel_loop3A_1106 = arith.constant 1 : i32
      %parallel_loop3A_1107 = arith.constant 1 : i32
      %parallel_loop3A_1108 = arith.constant 1 : i32
      %parallel_loop3A_1109 = arith.constant 2 : i32
      scf.for %parallel_loop3A_1252 = %parallel_loop3A_1104 to %parallel_loop3A_1105 step %parallel_loop3A_1106  : i32 {
        %parallel_loop3A_1253 = arith.constant 6 : i32
        %parallel_loop3A_1254 = arith.shrsi %parallel_loop3A_1252, %parallel_loop3A_1253 : i32
        %parallel_loop3A_1255 = arith.constant 3 : i32
        %parallel_loop3A_1256 = arith.shrsi %parallel_loop3A_1252, %parallel_loop3A_1255 : i32
        %parallel_loop3A_1257 = arith.constant 7 : i32
        %parallel_loop3A_1258 = arith.andi %parallel_loop3A_1256, %parallel_loop3A_1257 : i32
        %parallel_loop3A_1259 = arith.constant 7 : i32
        %parallel_loop3A_1260 = arith.andi %parallel_loop3A_1252, %parallel_loop3A_1259 : i32
        %parallel_loop3A_1261 = arith.constant 128 : i32
        %parallel_loop3A_1262 = arith.muli %parallel_loop3A_1254, %parallel_loop3A_1261 : i32
        %parallel_loop3A_1263 = arith.constant 16 : i32
        %parallel_loop3A_1264 = arith.muli %parallel_loop3A_1260, %parallel_loop3A_1263 : i32
        %parallel_loop3A_1265 = arith.addi %parallel_loop3A_1262, %parallel_loop3A_1264 : i32
        %parallel_loop3A_1266 = vector.broadcast %parallel_loop3A_1265 : i32 to vector<16xi32>
        %parallel_loop3A_1267 = arith.addi %parallel_loop3A_1266, %iota3A : vector<16xi32>
        %parallel_loop3A_1268 = arith.constant 16 : i32
        %parallel_loop3A_1269 = arith.addi %parallel_loop3A_1268, %parallel_loop3A_1258 : i32
        %parallel_loop3A_1270 = vector.broadcast %parallel_loop3A_1269 : i32 to vector<16xi32>
        %parallel_loop3A_1271 = arith.constant 0 : i32
        %parallel_loop3A_1272 = arith.constant 0 : i32
        %parallel_loop3A_1273 = tpu.memref_slice %arg6[%parallel_loop3A_1107, %parallel_loop3A_1271, %parallel_loop3A_1272] : memref<2x256x128xf32, #tpu.memory_space<vmem>> -> memref<1x256x128xf32, #tpu.memory_space<vmem>>
        %parallel_loop3A_1274 = tpu.memref_squeeze %parallel_loop3A_1273 : memref<1x256x128xf32, #tpu.memory_space<vmem>> -> memref<256x128xf32, #tpu.memory_space<vmem>>
        %parallel_loop3A_1275 = tpu.vector_load_idx %parallel_loop3A_1274[%parallel_loop3A_1267, %parallel_loop3A_1270] : memref<256x128xf32, #tpu.memory_space<vmem>>[vector<16xi32>, vector<16xi32>], vector<16xf32>,
        %parallel_loop3A_1276 = arith.constant 16 : i32
        %parallel_loop3A_1277 = arith.muli %parallel_loop3A_1260, %parallel_loop3A_1276 : i32
        %parallel_loop3A_1278 = arith.constant 0 : i32
        %parallel_loop3A_1279 = arith.constant 0 : i32
        %parallel_loop3A_1280 = arith.constant 0 : i32
        %parallel_loop3A_1281 = tpu.memref_slice %arg7[%parallel_loop3A_1108, %parallel_loop3A_1109, %parallel_loop3A_1278, %parallel_loop3A_1279, %parallel_loop3A_1280] : memref<2x4x2x8x128xf32, #tpu.memory_space<vmem>> -> memref<1x1x2x8x128xf32, #tpu.memory_space<vmem>>
        %parallel_loop3A_1282 = tpu.memref_squeeze %parallel_loop3A_1281 : memref<1x1x2x8x128xf32, #tpu.memory_space<vmem>> -> memref<2x8x128xf32, #tpu.memory_space<vmem>>
        %parallel_loop3A_1283 = arith.index_cast %parallel_loop3A_1254 : i32 to index
        %parallel_loop3A_1284 = arith.index_cast %parallel_loop3A_1258 : i32 to index
        %parallel_loop3A_1285 = arith.index_cast %parallel_loop3A_1277 : i32 to index
        %parallel_loop3A_1286 = tpu.vector_load %parallel_loop3A_1282[%parallel_loop3A_1283, %parallel_loop3A_1284, %parallel_loop3A_1285] {strides = array<i32>} : memref<2x8x128xf32, #tpu.memory_space<vmem>>, vector<16xf32>,
        tpu.vector_store %parallel_loop3A_1282[%parallel_loop3A_1283, %parallel_loop3A_1284, %parallel_loop3A_1285], %parallel_loop3A_1275 {strides = array<i32>} : memref<2x8x128xf32, #tpu.memory_space<vmem>>, vector<16xf32>,
      } {sc.loop_unroll_factor = 16 : i64, sc.parallel_access}
      %parallel_loop3A_1110 = arith.constant 0 : i32
      %parallel_loop3A_1111 = arith.constant 128 : i32
      %parallel_loop3A_1112 = arith.constant 1 : i32
      %parallel_loop3A_1113 = arith.constant 1 : i32
      %parallel_loop3A_1114 = arith.constant 1 : i32
      %parallel_loop3A_1115 = arith.constant 3 : i32
      scf.for %parallel_loop3A_1252 = %parallel_loop3A_1110 to %parallel_loop3A_1111 step %parallel_loop3A_1112  : i32 {
        %parallel_loop3A_1253 = arith.constant 6 : i32
        %parallel_loop3A_1254 = arith.shrsi %parallel_loop3A_1252, %parallel_loop3A_1253 : i32
        %parallel_loop3A_1255 = arith.constant 3 : i32
        %parallel_loop3A_1256 = arith.shrsi %parallel_loop3A_1252, %parallel_loop3A_1255 : i32
        %parallel_loop3A_1257 = arith.constant 7 : i32
        %parallel_loop3A_1258 = arith.andi %parallel_loop3A_1256, %parallel_loop3A_1257 : i32
        %parallel_loop3A_1259 = arith.constant 7 : i32
        %parallel_loop3A_1260 = arith.andi %parallel_loop3A_1252, %parallel_loop3A_1259 : i32
        %parallel_loop3A_1261 = arith.constant 128 : i32
        %parallel_loop3A_1262 = arith.muli %parallel_loop3A_1254, %parallel_loop3A_1261 : i32
        %parallel_loop3A_1263 = arith.constant 16 : i32
        %parallel_loop3A_1264 = arith.muli %parallel_loop3A_1260, %parallel_loop3A_1263 : i32
        %parallel_loop3A_1265 = arith.addi %parallel_loop3A_1262, %parallel_loop3A_1264 : i32
        %parallel_loop3A_1266 = vector.broadcast %parallel_loop3A_1265 : i32 to vector<16xi32>
        %parallel_loop3A_1267 = arith.addi %parallel_loop3A_1266, %iota3A : vector<16xi32>
        %parallel_loop3A_1268 = arith.constant 24 : i32
        %parallel_loop3A_1269 = arith.addi %parallel_loop3A_1268, %parallel_loop3A_1258 : i32
        %parallel_loop3A_1270 = vector.broadcast %parallel_loop3A_1269 : i32 to vector<16xi32>
        %parallel_loop3A_1271 = arith.constant 0 : i32
        %parallel_loop3A_1272 = arith.constant 0 : i32
        %parallel_loop3A_1273 = tpu.memref_slice %arg6[%parallel_loop3A_1113, %parallel_loop3A_1271, %parallel_loop3A_1272] : memref<2x256x128xf32, #tpu.memory_space<vmem>> -> memref<1x256x128xf32, #tpu.memory_space<vmem>>
        %parallel_loop3A_1274 = tpu.memref_squeeze %parallel_loop3A_1273 : memref<1x256x128xf32, #tpu.memory_space<vmem>> -> memref<256x128xf32, #tpu.memory_space<vmem>>
        %parallel_loop3A_1275 = tpu.vector_load_idx %parallel_loop3A_1274[%parallel_loop3A_1267, %parallel_loop3A_1270] : memref<256x128xf32, #tpu.memory_space<vmem>>[vector<16xi32>, vector<16xi32>], vector<16xf32>,
        %parallel_loop3A_1276 = arith.constant 16 : i32
        %parallel_loop3A_1277 = arith.muli %parallel_loop3A_1260, %parallel_loop3A_1276 : i32
        %parallel_loop3A_1278 = arith.constant 0 : i32
        %parallel_loop3A_1279 = arith.constant 0 : i32
        %parallel_loop3A_1280 = arith.constant 0 : i32
        %parallel_loop3A_1281 = tpu.memref_slice %arg7[%parallel_loop3A_1114, %parallel_loop3A_1115, %parallel_loop3A_1278, %parallel_loop3A_1279, %parallel_loop3A_1280] : memref<2x4x2x8x128xf32, #tpu.memory_space<vmem>> -> memref<1x1x2x8x128xf32, #tpu.memory_space<vmem>>
        %parallel_loop3A_1282 = tpu.memref_squeeze %parallel_loop3A_1281 : memref<1x1x2x8x128xf32, #tpu.memory_space<vmem>> -> memref<2x8x128xf32, #tpu.memory_space<vmem>>
        %parallel_loop3A_1283 = arith.index_cast %parallel_loop3A_1254 : i32 to index
        %parallel_loop3A_1284 = arith.index_cast %parallel_loop3A_1258 : i32 to index
        %parallel_loop3A_1285 = arith.index_cast %parallel_loop3A_1277 : i32 to index
        %parallel_loop3A_1286 = tpu.vector_load %parallel_loop3A_1282[%parallel_loop3A_1283, %parallel_loop3A_1284, %parallel_loop3A_1285] {strides = array<i32>} : memref<2x8x128xf32, #tpu.memory_space<vmem>>, vector<16xf32>,
        tpu.vector_store %parallel_loop3A_1282[%parallel_loop3A_1283, %parallel_loop3A_1284, %parallel_loop3A_1285], %parallel_loop3A_1275 {strides = array<i32>} : memref<2x8x128xf32, #tpu.memory_space<vmem>>, vector<16xf32>,
      } {sc.loop_unroll_factor = 16 : i64, sc.parallel_access}
      %jit3A_1116 = arith.constant 2 : i32
      %div3A_1117 = arith.divsi %add3A_929, %jit3A_1116 : i32
      %sign3A_1118 = arith.constant 0 : i32
      %sign3A_1119 = arith.cmpi sgt, %add3A_929, %sign3A_1118 : i32
      %sign3A_1120 = arith.extui %sign3A_1119 : i1 to i32
      %sign3A_1121 = arith.constant 0 : i32
      %sign3A_1122 = arith.cmpi slt, %add3A_929, %sign3A_1121 : i32
      %sign3A_1123 = arith.extui %sign3A_1122 : i1 to i32
      %sign3A_1124 = arith.subi %sign3A_1120, %sign3A_1123 : i32
      %sign3A_1125 = arith.constant 0 : i32
      %sign3A_1126 = arith.cmpi sgt, %jit3A_1116, %sign3A_1125 : i32
      %sign3A_1127 = arith.extui %sign3A_1126 : i1 to i32
      %sign3A_1128 = arith.constant 0 : i32
      %sign3A_1129 = arith.cmpi slt, %jit3A_1116, %sign3A_1128 : i32
      %sign3A_1130 = arith.extui %sign3A_1129 : i1 to i32
      %sign3A_1131 = arith.subi %sign3A_1127, %sign3A_1130 : i32
      %ne3A_1132 = arith.cmpi ne, %sign3A_1124, %sign3A_1131 : i32
      %rem3A_1133 = arith.remsi %add3A_929, %jit3A_1116 : i32
      %ne3A_1134 = arith.constant 0 : i32
      %ne3A_1135 = arith.cmpi ne, %rem3A_1133, %ne3A_1134 : i32
      %and3A_1136 = arith.andi %ne3A_1132, %ne3A_1135 : i1
      %sub3A_1137 = arith.constant 1 : i32
      %sub3A_1138 = arith.subi %div3A_1117, %sub3A_1137 : i32
      %select_n3A_1139 = arith.select %and3A_1136, %sub3A_1138, %div3A_1117 : i32
      %jit3A_1140 = arith.constant 2 : i32
      %eq3A_1141 = arith.constant 0 : i32
      %eq3A_1142 = arith.cmpi eq, %jit3A_1140, %eq3A_1141 : i32
      %jit3A_1143 = arith.constant 1 : i32
      %select_n3A_1144 = arith.select %eq3A_1142, %jit3A_1143, %jit3A_1140 : i32
      %rem3A_1145 = arith.remsi %add3A_929, %select_n3A_1144 : i32
      %ne3A_1146 = arith.constant 0 : i32
      %ne3A_1147 = arith.cmpi ne, %rem3A_1145, %ne3A_1146 : i32
      %lt3A_1148 = arith.constant 0 : i32
      %lt3A_1149 = arith.cmpi slt, %rem3A_1145, %lt3A_1148 : i32
      %lt3A_1150 = arith.constant 0 : i32
      %lt3A_1151 = arith.cmpi slt, %select_n3A_1144, %lt3A_1150 : i32
      %ne3A_1152 = arith.xori %lt3A_1149, %lt3A_1151 : i1
      %and3A_1153 = arith.andi %ne3A_1152, %ne3A_1147 : i1
      %add3A_1154 = arith.addi %rem3A_1145, %select_n3A_1144 : i32
      %select_n3A_1155 = arith.select %and3A_1153, %add3A_1154, %rem3A_1145 : i32
      %mul3A_1156 = arith.constant 512 : i32
      %mul3A_1157 = arith.muli %add3A, %mul3A_1156 : i32
      %mul3A_1158 = arith.constant 256 : i32
      %mul3A_1159 = arith.muli %select_n3A_1155, %mul3A_1158 : i32
      %add3A_1160 = arith.addi %mul3A_1157, %mul3A_1159 : i32
      %mul3A_1161 = arith.constant 4 : i32
      %mul3A_1162 = arith.muli %add3A, %mul3A_1161 : i32
      %mul3A_1163 = arith.constant 2 : i32
      %mul3A_1164 = arith.muli %select_n3A_1155, %mul3A_1163 : i32
      %add3A_1165 = arith.addi %mul3A_1162, %mul3A_1164 : i32
      %dma_start3A_1166 = arith.constant 1 : i32
      %dma_start3A_1167 = arith.constant 0 : i32
      %dma_start3A_1168 = arith.constant 0 : i32
      %dma_start3A_1169 = arith.constant 0 : i32
      %dma_start3A_1170 = arith.constant 0 : i32
      %dma_start3A_1171 = tpu.memref_slice %arg7[%dma_start3A_1166, %dma_start3A_1167, %dma_start3A_1168, %dma_start3A_1169, %dma_start3A_1170] : memref<2x4x2x8x128xf32, #tpu.memory_space<vmem>> -> memref<1x4x2x8x128xf32, #tpu.memory_space<vmem>>
      %dma_start3A_1172 = tpu.memref_squeeze %dma_start3A_1171 : memref<1x4x2x8x128xf32, #tpu.memory_space<vmem>> -> memref<4x2x8x128xf32, #tpu.memory_space<vmem>>
      %dma_start3A_1173 = arith.constant 0 : i32
      %dma_start3A_1174 = arith.constant 0 : i32
      %dma_start3A_1175 = arith.constant 0 : i32
      %dma_start3A_1176 = tpu.memref_slice %arg4[%select_n3A_1139, %dma_start3A_1173, %add3A_1165, %dma_start3A_1174, %dma_start3A_1175] : memref<50x4x128x8x128xf32, #tpu.memory_space<hbm>> -> memref<1x4x2x8x128xf32, #tpu.memory_space<hbm>>
      %dma_start3A_1177 = tpu.memref_squeeze %dma_start3A_1176 : memref<1x4x2x8x128xf32, #tpu.memory_space<hbm>> -> memref<4x2x8x128xf32, #tpu.memory_space<hbm>>
      %dma_start3A_1178 = arith.constant 0 : i32
      %dma_start3A_1179 = arith.constant 0 : i32
      %dma_start3A_1180 = arith.constant 0 : i32
      %dma_start3A_1181 = tpu.memref_slice %arg4[%select_n3A_1139, %dma_start3A_1178, %add3A_1165, %dma_start3A_1179, %dma_start3A_1180] : memref<50x4x128x8x128xf32, #tpu.memory_space<hbm>> -> memref<1x4x2x8x128xf32, #tpu.memory_space<hbm>>
      %dma_start3A_1182 = tpu.memref_squeeze %dma_start3A_1181 : memref<1x4x2x8x128xf32, #tpu.memory_space<hbm>> -> memref<4x2x8x128xf32, #tpu.memory_space<hbm>>
      %dma_start3A_1183 = arith.constant 0 : i32
      %dma_start3A_1184 = arith.constant 0 : i32
      %dma_start3A_1185 = arith.constant 0 : i32
      %dma_start3A_1186 = arith.constant 0 : i32
      %dma_start3A_1187 = tpu.memref_slice %arg7[%dma_start3A_1166, %dma_start3A_1183, %dma_start3A_1184, %dma_start3A_1185, %dma_start3A_1186] : memref<2x4x2x8x128xf32, #tpu.memory_space<vmem>> -> memref<1x4x2x8x128xf32, #tpu.memory_space<vmem>>
      %dma_start3A_1188 = tpu.memref_squeeze %dma_start3A_1187 : memref<1x4x2x8x128xf32, #tpu.memory_space<vmem>> -> memref<4x2x8x128xf32, #tpu.memory_space<vmem>>
      tpu.enqueue_dma source(%dma_start3A_1188 : memref<4x2x8x128xf32, #tpu.memory_space<vmem>>) target(%dma_start3A_1182 : memref<4x2x8x128xf32, #tpu.memory_space<hbm>>) target_semaphore(%arg13 : memref<!tpu.dma_semaphore, #tpu.memory_space<semaphore_mem>>)
      %add3A_1189 = arith.constant 2 : i32
      %add3A_1190 = arith.addi %add3A_929, %add3A_1189 : i32
      %jit3A_1191 = arith.constant 2 : i32
      %div3A_1192 = arith.divsi %add3A_1190, %jit3A_1191 : i32
      %sign3A_1193 = arith.constant 0 : i32
      %sign3A_1194 = arith.cmpi sgt, %add3A_1190, %sign3A_1193 : i32
      %sign3A_1195 = arith.extui %sign3A_1194 : i1 to i32
      %sign3A_1196 = arith.constant 0 : i32
      %sign3A_1197 = arith.cmpi slt, %add3A_1190, %sign3A_1196 : i32
      %sign3A_1198 = arith.extui %sign3A_1197 : i1 to i32
      %sign3A_1199 = arith.subi %sign3A_1195, %sign3A_1198 : i32
      %sign3A_1200 = arith.constant 0 : i32
      %sign3A_1201 = arith.cmpi sgt, %jit3A_1191, %sign3A_1200 : i32
      %sign3A_1202 = arith.extui %sign3A_1201 : i1 to i32
      %sign3A_1203 = arith.constant 0 : i32
      %sign3A_1204 = arith.cmpi slt, %jit3A_1191, %sign3A_1203 : i32
      %sign3A_1205 = arith.extui %sign3A_1204 : i1 to i32
      %sign3A_1206 = arith.subi %sign3A_1202, %sign3A_1205 : i32
      %ne3A_1207 = arith.cmpi ne, %sign3A_1199, %sign3A_1206 : i32
      %rem3A_1208 = arith.remsi %add3A_1190, %jit3A_1191 : i32
      %ne3A_1209 = arith.constant 0 : i32
      %ne3A_1210 = arith.cmpi ne, %rem3A_1208, %ne3A_1209 : i32
      %and3A_1211 = arith.andi %ne3A_1207, %ne3A_1210 : i1
      %sub3A_1212 = arith.constant 1 : i32
      %sub3A_1213 = arith.subi %div3A_1192, %sub3A_1212 : i32
      %select_n3A_1214 = arith.select %and3A_1211, %sub3A_1213, %div3A_1192 : i32
      %jit3A_1215 = arith.constant 2 : i32
      %eq3A_1216 = arith.constant 0 : i32
      %eq3A_1217 = arith.cmpi eq, %jit3A_1215, %eq3A_1216 : i32
      %jit3A_1218 = arith.constant 1 : i32
      %select_n3A_1219 = arith.select %eq3A_1217, %jit3A_1218, %jit3A_1215 : i32
      %rem3A_1220 = arith.remsi %add3A_1190, %select_n3A_1219 : i32
      %ne3A_1221 = arith.constant 0 : i32
      %ne3A_1222 = arith.cmpi ne, %rem3A_1220, %ne3A_1221 : i32
      %lt3A_1223 = arith.constant 0 : i32
      %lt3A_1224 = arith.cmpi slt, %rem3A_1220, %lt3A_1223 : i32
      %lt3A_1225 = arith.constant 0 : i32
      %lt3A_1226 = arith.cmpi slt, %select_n3A_1219, %lt3A_1225 : i32
      %ne3A_1227 = arith.xori %lt3A_1224, %lt3A_1226 : i1
      %and3A_1228 = arith.andi %ne3A_1227, %ne3A_1222 : i1
      %add3A_1229 = arith.addi %rem3A_1220, %select_n3A_1219 : i32
      %select_n3A_1230 = arith.select %and3A_1228, %add3A_1229, %rem3A_1220 : i32
      %mul3A_1231 = arith.constant 512 : i32
      %mul3A_1232 = arith.muli %add3A, %mul3A_1231 : i32
      %mul3A_1233 = arith.constant 256 : i32
      %mul3A_1234 = arith.muli %select_n3A_1230, %mul3A_1233 : i32
      %add3A_1235 = arith.addi %mul3A_1232, %mul3A_1234 : i32
      %mul3A_1236 = arith.constant 4 : i32
      %mul3A_1237 = arith.muli %add3A, %mul3A_1236 : i32
      %mul3A_1238 = arith.constant 2 : i32
      %mul3A_1239 = arith.muli %select_n3A_1230, %mul3A_1238 : i32
      %add3A_1240 = arith.addi %mul3A_1237, %mul3A_1239 : i32
      %dma_start3A_1241 = arith.constant 1 : i32
      %dma_start3A_1242 = arith.constant 0 : i32
      %dma_start3A_1243 = tpu.memref_slice %arg5[%dma_start3A_1241, %dma_start3A_1242] : memref<2x256xi32, #tpu.memory_space<vmem>> -> memref<1x256xi32, #tpu.memory_space<vmem>>
      %dma_start3A_1244 = tpu.memref_squeeze %dma_start3A_1243 : memref<1x256xi32, #tpu.memory_space<vmem>> -> memref<256xi32, #tpu.memory_space<vmem>>
      %dma_start3A_1245 = tpu.memref_slice %arg2[%select_n3A_1214, %add3A_1235] : memref<50x16384xi32, #tpu.memory_space<hbm>> -> memref<1x256xi32, #tpu.memory_space<hbm>>
      %dma_start3A_1246 = tpu.memref_squeeze %dma_start3A_1245 : memref<1x256xi32, #tpu.memory_space<hbm>> -> memref<256xi32, #tpu.memory_space<hbm>>
      %dma_start3A_1247 = arith.constant 0 : i32
      %dma_start3A_1248 = tpu.memref_slice %arg5[%dma_start3A_1241, %dma_start3A_1247] : memref<2x256xi32, #tpu.memory_space<vmem>> -> memref<1x256xi32, #tpu.memory_space<vmem>>
      %dma_start3A_1249 = tpu.memref_squeeze %dma_start3A_1248 : memref<1x256xi32, #tpu.memory_space<vmem>> -> memref<256xi32, #tpu.memory_space<vmem>>
      %dma_start3A_1250 = tpu.memref_slice %arg2[%select_n3A_1214, %add3A_1235] : memref<50x16384xi32, #tpu.memory_space<hbm>> -> memref<1x256xi32, #tpu.memory_space<hbm>>
      %dma_start3A_1251 = tpu.memref_squeeze %dma_start3A_1250 : memref<1x256xi32, #tpu.memory_space<hbm>> -> memref<256xi32, #tpu.memory_space<hbm>>
      tpu.enqueue_dma source(%dma_start3A_1251 : memref<256xi32, #tpu.memory_space<hbm>>) target(%dma_start3A_1249 : memref<256xi32, #tpu.memory_space<vmem>>) target_semaphore(%arg9 : memref<!tpu.dma_semaphore, #tpu.memory_space<semaphore_mem>>)
    }
    %scan3A_314 = arith.constant 48 : i32
    %mul3A_315 = arith.constant 512 : i32
    %mul3A_316 = arith.muli %add3A, %mul3A_315 : i32
    %add3A_317 = arith.constant 256 : i32
    %add3A_318 = arith.addi %mul3A_316, %add3A_317 : i32
    %mul3A_319 = arith.constant 4 : i32
    %mul3A_320 = arith.muli %add3A, %mul3A_319 : i32
    %add3A_321 = arith.constant 2 : i32
    %add3A_322 = arith.addi %mul3A_320, %add3A_321 : i32
    %dma_wait3A_323 = arith.constant 49 : i32
    %dma_wait3A_324 = arith.constant 1 : i32
    %dma_wait3A_325 = arith.constant 0 : i32
    %dma_wait3A_326 = tpu.memref_slice %arg5[%dma_wait3A_324, %dma_wait3A_325] : memref<2x256xi32, #tpu.memory_space<vmem>> -> memref<1x256xi32, #tpu.memory_space<vmem>>
    %dma_wait3A_327 = tpu.memref_squeeze %dma_wait3A_326 : memref<1x256xi32, #tpu.memory_space<vmem>> -> memref<256xi32, #tpu.memory_space<vmem>>
    %dma_wait3A_328 = tpu.memref_slice %arg2[%dma_wait3A_323, %add3A_318] : memref<50x16384xi32, #tpu.memory_space<hbm>> -> memref<1x256xi32, #tpu.memory_space<hbm>>
    %dma_wait3A_329 = tpu.memref_squeeze %dma_wait3A_328 : memref<1x256xi32, #tpu.memory_space<hbm>> -> memref<256xi32, #tpu.memory_space<hbm>>
    %dma_wait3A_330 = arith.constant 0 : i32
    %dma_wait3A_331 = tpu.memref_slice %arg5[%dma_wait3A_324, %dma_wait3A_330] : memref<2x256xi32, #tpu.memory_space<vmem>> -> memref<1x256xi32, #tpu.memory_space<vmem>>
    %dma_wait3A_332 = tpu.memref_squeeze %dma_wait3A_331 : memref<1x256xi32, #tpu.memory_space<vmem>> -> memref<256xi32, #tpu.memory_space<vmem>>
    %dma_wait3A_333 = tpu.memref_slice %arg2[%dma_wait3A_323, %add3A_318] : memref<50x16384xi32, #tpu.memory_space<hbm>> -> memref<1x256xi32, #tpu.memory_space<hbm>>
    %dma_wait3A_334 = tpu.memref_squeeze %dma_wait3A_333 : memref<1x256xi32, #tpu.memory_space<hbm>> -> memref<256xi32, #tpu.memory_space<hbm>>
    tpu.wait_dma2 semaphore(%arg9 : memref<!tpu.dma_semaphore, #tpu.memory_space<semaphore_mem>>) src(%dma_wait3A_334 : memref<256xi32, #tpu.memory_space<hbm>>) dst(%dma_wait3A_332 : memref<256xi32, #tpu.memory_space<vmem>>)
    %dma_start3A_335 = arith.constant 1 : i32
    %dma_start3A_336 = arith.constant 1 : i32
    %dma_start3A_337 = arith.constant 0 : i32
    %dma_start3A_338 = arith.constant 0 : i32
    %dma_start3A_339 = tpu.memref_slice %arg6[%dma_start3A_336, %dma_start3A_337, %dma_start3A_338] : memref<2x256x128xf32, #tpu.memory_space<vmem>> -> memref<1x256x128xf32, #tpu.memory_space<vmem>>
    %dma_start3A_340 = tpu.memref_squeeze %dma_start3A_339 : memref<1x256x128xf32, #tpu.memory_space<vmem>> -> memref<256x128xf32, #tpu.memory_space<vmem>>
    %dma_start3A_341 = arith.constant 0 : i32
    %dma_start3A_342 = tpu.memref_slice %arg5[%dma_start3A_335, %dma_start3A_341] : memref<2x256xi32, #tpu.memory_space<vmem>> -> memref<1x256xi32, #tpu.memory_space<vmem>>
    %dma_start3A_343 = tpu.memref_squeeze %dma_start3A_342 : memref<1x256xi32, #tpu.memory_space<vmem>> -> memref<256xi32, #tpu.memory_space<vmem>>
    %dma_start3A_344 = arith.constant 0 : i32
    %dma_start3A_345 = arith.constant 0 : i32
    %dma_start3A_346 = tpu.memref_slice %arg3[%dma_start3A_344, %dma_start3A_345] : memref<1000000x128xf32, #tpu.memory_space<hbm>> -> memref<1000000x128xf32, #tpu.memory_space<hbm>>
    tpu.enqueue_indirect_dma source(%dma_start3A_346 : memref<1000000x128xf32, #tpu.memory_space<hbm>>) target(%dma_start3A_340 : memref<256x128xf32, #tpu.memory_space<vmem>>) offsets(%dma_start3A_343 : memref<256xi32, #tpu.memory_space<vmem>>) semaphore(%arg11 : memref<!tpu.dma_semaphore, #tpu.memory_space<semaphore_mem>>)
    %dma_wait3A_347 = arith.constant 0 : i32
    %dma_wait3A_348 = arith.constant 0 : i32
    %dma_wait3A_349 = arith.constant 0 : i32
    %dma_wait3A_350 = arith.constant 0 : i32
    %dma_wait3A_351 = tpu.memref_slice %arg6[%dma_wait3A_348, %dma_wait3A_349, %dma_wait3A_350] : memref<2x256x128xf32, #tpu.memory_space<vmem>> -> memref<1x256x128xf32, #tpu.memory_space<vmem>>
    %dma_wait3A_352 = tpu.memref_squeeze %dma_wait3A_351 : memref<1x256x128xf32, #tpu.memory_space<vmem>> -> memref<256x128xf32, #tpu.memory_space<vmem>>
    %dma_wait3A_353 = arith.constant 0 : i32
    %dma_wait3A_354 = tpu.memref_slice %arg5[%dma_wait3A_347, %dma_wait3A_353] : memref<2x256xi32, #tpu.memory_space<vmem>> -> memref<1x256xi32, #tpu.memory_space<vmem>>
    %dma_wait3A_355 = tpu.memref_squeeze %dma_wait3A_354 : memref<1x256xi32, #tpu.memory_space<vmem>> -> memref<256xi32, #tpu.memory_space<vmem>>
    %dma_wait3A_356 = arith.constant 0 : i32
    %dma_wait3A_357 = arith.constant 0 : i32
    %dma_wait3A_358 = tpu.memref_slice %arg3[%dma_wait3A_356, %dma_wait3A_357] : memref<1000000x128xf32, #tpu.memory_space<hbm>> -> memref<1000000x128xf32, #tpu.memory_space<hbm>>
    tpu.wait_indirect_dma semaphore(%arg10 : memref<!tpu.dma_semaphore, #tpu.memory_space<semaphore_mem>>) src(%dma_wait3A_358 : memref<1000000x128xf32, #tpu.memory_space<hbm>>) dst(%dma_wait3A_352 : memref<256x128xf32, #tpu.memory_space<vmem>>)
    %mul3A_359 = arith.constant 512 : i32
    %mul3A_360 = arith.muli %add3A, %mul3A_359 : i32
    %add3A_361 = arith.constant 0 : i32
    %add3A_362 = arith.addi %mul3A_360, %add3A_361 : i32
    %mul3A_363 = arith.constant 4 : i32
    %mul3A_364 = arith.muli %add3A, %mul3A_363 : i32
    %add3A_365 = arith.constant 0 : i32
    %add3A_366 = arith.addi %mul3A_364, %add3A_365 : i32
    %dma_wait3A_367 = arith.constant 0 : i32
    %dma_wait3A_368 = arith.constant 48 : i32
    %dma_wait3A_369 = arith.constant 0 : i32
    %dma_wait3A_370 = arith.constant 0 : i32
    %dma_wait3A_371 = arith.constant 0 : i32
    %dma_wait3A_372 = arith.constant 0 : i32
    %dma_wait3A_373 = tpu.memref_slice %arg7[%dma_wait3A_367, %dma_wait3A_369, %dma_wait3A_370, %dma_wait3A_371, %dma_wait3A_372] : memref<2x4x2x8x128xf32, #tpu.memory_space<vmem>> -> memref<1x4x2x8x128xf32, #tpu.memory_space<vmem>>
    %dma_wait3A_374 = tpu.memref_squeeze %dma_wait3A_373 : memref<1x4x2x8x128xf32, #tpu.memory_space<vmem>> -> memref<4x2x8x128xf32, #tpu.memory_space<vmem>>
    %dma_wait3A_375 = arith.constant 0 : i32
    %dma_wait3A_376 = arith.constant 0 : i32
    %dma_wait3A_377 = arith.constant 0 : i32
    %dma_wait3A_378 = tpu.memref_slice %arg4[%dma_wait3A_368, %dma_wait3A_375, %add3A_366, %dma_wait3A_376, %dma_wait3A_377] : memref<50x4x128x8x128xf32, #tpu.memory_space<hbm>> -> memref<1x4x2x8x128xf32, #tpu.memory_space<hbm>>
    %dma_wait3A_379 = tpu.memref_squeeze %dma_wait3A_378 : memref<1x4x2x8x128xf32, #tpu.memory_space<hbm>> -> memref<4x2x8x128xf32, #tpu.memory_space<hbm>>
    %dma_wait3A_380 = arith.constant 0 : i32
    %dma_wait3A_381 = arith.constant 0 : i32
    %dma_wait3A_382 = arith.constant 0 : i32
    %dma_wait3A_383 = tpu.memref_slice %arg4[%dma_wait3A_368, %dma_wait3A_380, %add3A_366, %dma_wait3A_381, %dma_wait3A_382] : memref<50x4x128x8x128xf32, #tpu.memory_space<hbm>> -> memref<1x4x2x8x128xf32, #tpu.memory_space<hbm>>
    %dma_wait3A_384 = tpu.memref_squeeze %dma_wait3A_383 : memref<1x4x2x8x128xf32, #tpu.memory_space<hbm>> -> memref<4x2x8x128xf32, #tpu.memory_space<hbm>>
    %dma_wait3A_385 = arith.constant 0 : i32
    %dma_wait3A_386 = arith.constant 0 : i32
    %dma_wait3A_387 = arith.constant 0 : i32
    %dma_wait3A_388 = arith.constant 0 : i32
    %dma_wait3A_389 = tpu.memref_slice %arg7[%dma_wait3A_367, %dma_wait3A_385, %dma_wait3A_386, %dma_wait3A_387, %dma_wait3A_388] : memref<2x4x2x8x128xf32, #tpu.memory_space<vmem>> -> memref<1x4x2x8x128xf32, #tpu.memory_space<vmem>>
    %dma_wait3A_390 = tpu.memref_squeeze %dma_wait3A_389 : memref<1x4x2x8x128xf32, #tpu.memory_space<vmem>> -> memref<4x2x8x128xf32, #tpu.memory_space<vmem>>
    tpu.wait_dma2 semaphore(%arg12 : memref<!tpu.dma_semaphore, #tpu.memory_space<semaphore_mem>>) src(%dma_wait3A_390 : memref<4x2x8x128xf32, #tpu.memory_space<vmem>>) dst(%dma_wait3A_384 : memref<4x2x8x128xf32, #tpu.memory_space<hbm>>)
    %parallel_loop3A_391 = arith.constant 0 : i32
    %parallel_loop3A_392 = arith.constant 128 : i32
    %parallel_loop3A_393 = arith.constant 1 : i32
    %parallel_loop3A_394 = arith.constant 0 : i32
    %parallel_loop3A_395 = arith.constant 0 : i32
    %parallel_loop3A_396 = arith.constant 0 : i32
    scf.for %parallel_loop3A_611 = %parallel_loop3A_391 to %parallel_loop3A_392 step %parallel_loop3A_393  : i32 {
      %parallel_loop3A_612 = arith.constant 6 : i32
      %parallel_loop3A_613 = arith.shrsi %parallel_loop3A_611, %parallel_loop3A_612 : i32
      %parallel_loop3A_614 = arith.constant 3 : i32
      %parallel_loop3A_615 = arith.shrsi %parallel_loop3A_611, %parallel_loop3A_614 : i32
      %parallel_loop3A_616 = arith.constant 7 : i32
      %parallel_loop3A_617 = arith.andi %parallel_loop3A_615, %parallel_loop3A_616 : i32
      %parallel_loop3A_618 = arith.constant 7 : i32
      %parallel_loop3A_619 = arith.andi %parallel_loop3A_611, %parallel_loop3A_618 : i32
      %parallel_loop3A_620 = arith.constant 128 : i32
      %parallel_loop3A_621 = arith.muli %parallel_loop3A_613, %parallel_loop3A_620 : i32
      %parallel_loop3A_622 = arith.constant 16 : i32
      %parallel_loop3A_623 = arith.muli %parallel_loop3A_619, %parallel_loop3A_622 : i32
      %parallel_loop3A_624 = arith.addi %parallel_loop3A_621, %parallel_loop3A_623 : i32
      %parallel_loop3A_625 = vector.broadcast %parallel_loop3A_624 : i32 to vector<16xi32>
      %parallel_loop3A_626 = arith.addi %parallel_loop3A_625, %iota3A : vector<16xi32>
      %parallel_loop3A_627 = arith.constant 0 : i32
      %parallel_loop3A_628 = arith.addi %parallel_loop3A_627, %parallel_loop3A_617 : i32
      %parallel_loop3A_629 = vector.broadcast %parallel_loop3A_628 : i32 to vector<16xi32>
      %parallel_loop3A_630 = arith.constant 0 : i32
      %parallel_loop3A_631 = arith.constant 0 : i32
      %parallel_loop3A_632 = tpu.memref_slice %arg6[%parallel_loop3A_394, %parallel_loop3A_630, %parallel_loop3A_631] : memref<2x256x128xf32, #tpu.memory_space<vmem>> -> memref<1x256x128xf32, #tpu.memory_space<vmem>>
      %parallel_loop3A_633 = tpu.memref_squeeze %parallel_loop3A_632 : memref<1x256x128xf32, #tpu.memory_space<vmem>> -> memref<256x128xf32, #tpu.memory_space<vmem>>
      %parallel_loop3A_634 = tpu.vector_load_idx %parallel_loop3A_633[%parallel_loop3A_626, %parallel_loop3A_629] : memref<256x128xf32, #tpu.memory_space<vmem>>[vector<16xi32>, vector<16xi32>], vector<16xf32>,
      %parallel_loop3A_635 = arith.constant 16 : i32
      %parallel_loop3A_636 = arith.muli %parallel_loop3A_619, %parallel_loop3A_635 : i32
      %parallel_loop3A_637 = arith.constant 0 : i32
      %parallel_loop3A_638 = arith.constant 0 : i32
      %parallel_loop3A_639 = arith.constant 0 : i32
      %parallel_loop3A_640 = tpu.memref_slice %arg7[%parallel_loop3A_395, %parallel_loop3A_396, %parallel_loop3A_637, %parallel_loop3A_638, %parallel_loop3A_639] : memref<2x4x2x8x128xf32, #tpu.memory_space<vmem>> -> memref<1x1x2x8x128xf32, #tpu.memory_space<vmem>>
      %parallel_loop3A_641 = tpu.memref_squeeze %parallel_loop3A_640 : memref<1x1x2x8x128xf32, #tpu.memory_space<vmem>> -> memref<2x8x128xf32, #tpu.memory_space<vmem>>
      %parallel_loop3A_642 = arith.index_cast %parallel_loop3A_613 : i32 to index
      %parallel_loop3A_643 = arith.index_cast %parallel_loop3A_617 : i32 to index
      %parallel_loop3A_644 = arith.index_cast %parallel_loop3A_636 : i32 to index
      %parallel_loop3A_645 = tpu.vector_load %parallel_loop3A_641[%parallel_loop3A_642, %parallel_loop3A_643, %parallel_loop3A_644] {strides = array<i32>} : memref<2x8x128xf32, #tpu.memory_space<vmem>>, vector<16xf32>,
      tpu.vector_store %parallel_loop3A_641[%parallel_loop3A_642, %parallel_loop3A_643, %parallel_loop3A_644], %parallel_loop3A_634 {strides = array<i32>} : memref<2x8x128xf32, #tpu.memory_space<vmem>>, vector<16xf32>,
    } {sc.loop_unroll_factor = 16 : i64, sc.parallel_access}
    %parallel_loop3A_397 = arith.constant 0 : i32
    %parallel_loop3A_398 = arith.constant 128 : i32
    %parallel_loop3A_399 = arith.constant 1 : i32
    %parallel_loop3A_400 = arith.constant 0 : i32
    %parallel_loop3A_401 = arith.constant 0 : i32
    %parallel_loop3A_402 = arith.constant 1 : i32
    scf.for %parallel_loop3A_611 = %parallel_loop3A_397 to %parallel_loop3A_398 step %parallel_loop3A_399  : i32 {
      %parallel_loop3A_612 = arith.constant 6 : i32
      %parallel_loop3A_613 = arith.shrsi %parallel_loop3A_611, %parallel_loop3A_612 : i32
      %parallel_loop3A_614 = arith.constant 3 : i32
      %parallel_loop3A_615 = arith.shrsi %parallel_loop3A_611, %parallel_loop3A_614 : i32
      %parallel_loop3A_616 = arith.constant 7 : i32
      %parallel_loop3A_617 = arith.andi %parallel_loop3A_615, %parallel_loop3A_616 : i32
      %parallel_loop3A_618 = arith.constant 7 : i32
      %parallel_loop3A_619 = arith.andi %parallel_loop3A_611, %parallel_loop3A_618 : i32
      %parallel_loop3A_620 = arith.constant 128 : i32
      %parallel_loop3A_621 = arith.muli %parallel_loop3A_613, %parallel_loop3A_620 : i32
      %parallel_loop3A_622 = arith.constant 16 : i32
      %parallel_loop3A_623 = arith.muli %parallel_loop3A_619, %parallel_loop3A_622 : i32
      %parallel_loop3A_624 = arith.addi %parallel_loop3A_621, %parallel_loop3A_623 : i32
      %parallel_loop3A_625 = vector.broadcast %parallel_loop3A_624 : i32 to vector<16xi32>
      %parallel_loop3A_626 = arith.addi %parallel_loop3A_625, %iota3A : vector<16xi32>
      %parallel_loop3A_627 = arith.constant 8 : i32
      %parallel_loop3A_628 = arith.addi %parallel_loop3A_627, %parallel_loop3A_617 : i32
      %parallel_loop3A_629 = vector.broadcast %parallel_loop3A_628 : i32 to vector<16xi32>
      %parallel_loop3A_630 = arith.constant 0 : i32
      %parallel_loop3A_631 = arith.constant 0 : i32
      %parallel_loop3A_632 = tpu.memref_slice %arg6[%parallel_loop3A_400, %parallel_loop3A_630, %parallel_loop3A_631] : memref<2x256x128xf32, #tpu.memory_space<vmem>> -> memref<1x256x128xf32, #tpu.memory_space<vmem>>
      %parallel_loop3A_633 = tpu.memref_squeeze %parallel_loop3A_632 : memref<1x256x128xf32, #tpu.memory_space<vmem>> -> memref<256x128xf32, #tpu.memory_space<vmem>>
      %parallel_loop3A_634 = tpu.vector_load_idx %parallel_loop3A_633[%parallel_loop3A_626, %parallel_loop3A_629] : memref<256x128xf32, #tpu.memory_space<vmem>>[vector<16xi32>, vector<16xi32>], vector<16xf32>,
      %parallel_loop3A_635 = arith.constant 16 : i32
      %parallel_loop3A_636 = arith.muli %parallel_loop3A_619, %parallel_loop3A_635 : i32
      %parallel_loop3A_637 = arith.constant 0 : i32
      %parallel_loop3A_638 = arith.constant 0 : i32
      %parallel_loop3A_639 = arith.constant 0 : i32
      %parallel_loop3A_640 = tpu.memref_slice %arg7[%parallel_loop3A_401, %parallel_loop3A_402, %parallel_loop3A_637, %parallel_loop3A_638, %parallel_loop3A_639] : memref<2x4x2x8x128xf32, #tpu.memory_space<vmem>> -> memref<1x1x2x8x128xf32, #tpu.memory_space<vmem>>
      %parallel_loop3A_641 = tpu.memref_squeeze %parallel_loop3A_640 : memref<1x1x2x8x128xf32, #tpu.memory_space<vmem>> -> memref<2x8x128xf32, #tpu.memory_space<vmem>>
      %parallel_loop3A_642 = arith.index_cast %parallel_loop3A_613 : i32 to index
      %parallel_loop3A_643 = arith.index_cast %parallel_loop3A_617 : i32 to index
      %parallel_loop3A_644 = arith.index_cast %parallel_loop3A_636 : i32 to index
      %parallel_loop3A_645 = tpu.vector_load %parallel_loop3A_641[%parallel_loop3A_642, %parallel_loop3A_643, %parallel_loop3A_644] {strides = array<i32>} : memref<2x8x128xf32, #tpu.memory_space<vmem>>, vector<16xf32>,
      tpu.vector_store %parallel_loop3A_641[%parallel_loop3A_642, %parallel_loop3A_643, %parallel_loop3A_644], %parallel_loop3A_634 {strides = array<i32>} : memref<2x8x128xf32, #tpu.memory_space<vmem>>, vector<16xf32>,
    } {sc.loop_unroll_factor = 16 : i64, sc.parallel_access}
    %parallel_loop3A_403 = arith.constant 0 : i32
    %parallel_loop3A_404 = arith.constant 128 : i32
    %parallel_loop3A_405 = arith.constant 1 : i32
    %parallel_loop3A_406 = arith.constant 0 : i32
    %parallel_loop3A_407 = arith.constant 0 : i32
    %parallel_loop3A_408 = arith.constant 2 : i32
    scf.for %parallel_loop3A_611 = %parallel_loop3A_403 to %parallel_loop3A_404 step %parallel_loop3A_405  : i32 {
      %parallel_loop3A_612 = arith.constant 6 : i32
      %parallel_loop3A_613 = arith.shrsi %parallel_loop3A_611, %parallel_loop3A_612 : i32
      %parallel_loop3A_614 = arith.constant 3 : i32
      %parallel_loop3A_615 = arith.shrsi %parallel_loop3A_611, %parallel_loop3A_614 : i32
      %parallel_loop3A_616 = arith.constant 7 : i32
      %parallel_loop3A_617 = arith.andi %parallel_loop3A_615, %parallel_loop3A_616 : i32
      %parallel_loop3A_618 = arith.constant 7 : i32
      %parallel_loop3A_619 = arith.andi %parallel_loop3A_611, %parallel_loop3A_618 : i32
      %parallel_loop3A_620 = arith.constant 128 : i32
      %parallel_loop3A_621 = arith.muli %parallel_loop3A_613, %parallel_loop3A_620 : i32
      %parallel_loop3A_622 = arith.constant 16 : i32
      %parallel_loop3A_623 = arith.muli %parallel_loop3A_619, %parallel_loop3A_622 : i32
      %parallel_loop3A_624 = arith.addi %parallel_loop3A_621, %parallel_loop3A_623 : i32
      %parallel_loop3A_625 = vector.broadcast %parallel_loop3A_624 : i32 to vector<16xi32>
      %parallel_loop3A_626 = arith.addi %parallel_loop3A_625, %iota3A : vector<16xi32>
      %parallel_loop3A_627 = arith.constant 16 : i32
      %parallel_loop3A_628 = arith.addi %parallel_loop3A_627, %parallel_loop3A_617 : i32
      %parallel_loop3A_629 = vector.broadcast %parallel_loop3A_628 : i32 to vector<16xi32>
      %parallel_loop3A_630 = arith.constant 0 : i32
      %parallel_loop3A_631 = arith.constant 0 : i32
      %parallel_loop3A_632 = tpu.memref_slice %arg6[%parallel_loop3A_406, %parallel_loop3A_630, %parallel_loop3A_631] : memref<2x256x128xf32, #tpu.memory_space<vmem>> -> memref<1x256x128xf32, #tpu.memory_space<vmem>>
      %parallel_loop3A_633 = tpu.memref_squeeze %parallel_loop3A_632 : memref<1x256x128xf32, #tpu.memory_space<vmem>> -> memref<256x128xf32, #tpu.memory_space<vmem>>
      %parallel_loop3A_634 = tpu.vector_load_idx %parallel_loop3A_633[%parallel_loop3A_626, %parallel_loop3A_629] : memref<256x128xf32, #tpu.memory_space<vmem>>[vector<16xi32>, vector<16xi32>], vector<16xf32>,
      %parallel_loop3A_635 = arith.constant 16 : i32
      %parallel_loop3A_636 = arith.muli %parallel_loop3A_619, %parallel_loop3A_635 : i32
      %parallel_loop3A_637 = arith.constant 0 : i32
      %parallel_loop3A_638 = arith.constant 0 : i32
      %parallel_loop3A_639 = arith.constant 0 : i32
      %parallel_loop3A_640 = tpu.memref_slice %arg7[%parallel_loop3A_407, %parallel_loop3A_408, %parallel_loop3A_637, %parallel_loop3A_638, %parallel_loop3A_639] : memref<2x4x2x8x128xf32, #tpu.memory_space<vmem>> -> memref<1x1x2x8x128xf32, #tpu.memory_space<vmem>>
      %parallel_loop3A_641 = tpu.memref_squeeze %parallel_loop3A_640 : memref<1x1x2x8x128xf32, #tpu.memory_space<vmem>> -> memref<2x8x128xf32, #tpu.memory_space<vmem>>
      %parallel_loop3A_642 = arith.index_cast %parallel_loop3A_613 : i32 to index
      %parallel_loop3A_643 = arith.index_cast %parallel_loop3A_617 : i32 to index
      %parallel_loop3A_644 = arith.index_cast %parallel_loop3A_636 : i32 to index
      %parallel_loop3A_645 = tpu.vector_load %parallel_loop3A_641[%parallel_loop3A_642, %parallel_loop3A_643, %parallel_loop3A_644] {strides = array<i32>} : memref<2x8x128xf32, #tpu.memory_space<vmem>>, vector<16xf32>,
      tpu.vector_store %parallel_loop3A_641[%parallel_loop3A_642, %parallel_loop3A_643, %parallel_loop3A_644], %parallel_loop3A_634 {strides = array<i32>} : memref<2x8x128xf32, #tpu.memory_space<vmem>>, vector<16xf32>,
    } {sc.loop_unroll_factor = 16 : i64, sc.parallel_access}
    %parallel_loop3A_409 = arith.constant 0 : i32
    %parallel_loop3A_410 = arith.constant 128 : i32
    %parallel_loop3A_411 = arith.constant 1 : i32
    %parallel_loop3A_412 = arith.constant 0 : i32
    %parallel_loop3A_413 = arith.constant 0 : i32
    %parallel_loop3A_414 = arith.constant 3 : i32
    scf.for %parallel_loop3A_611 = %parallel_loop3A_409 to %parallel_loop3A_410 step %parallel_loop3A_411  : i32 {
      %parallel_loop3A_612 = arith.constant 6 : i32
      %parallel_loop3A_613 = arith.shrsi %parallel_loop3A_611, %parallel_loop3A_612 : i32
      %parallel_loop3A_614 = arith.constant 3 : i32
      %parallel_loop3A_615 = arith.shrsi %parallel_loop3A_611, %parallel_loop3A_614 : i32
      %parallel_loop3A_616 = arith.constant 7 : i32
      %parallel_loop3A_617 = arith.andi %parallel_loop3A_615, %parallel_loop3A_616 : i32
      %parallel_loop3A_618 = arith.constant 7 : i32
      %parallel_loop3A_619 = arith.andi %parallel_loop3A_611, %parallel_loop3A_618 : i32
      %parallel_loop3A_620 = arith.constant 128 : i32
      %parallel_loop3A_621 = arith.muli %parallel_loop3A_613, %parallel_loop3A_620 : i32
      %parallel_loop3A_622 = arith.constant 16 : i32
      %parallel_loop3A_623 = arith.muli %parallel_loop3A_619, %parallel_loop3A_622 : i32
      %parallel_loop3A_624 = arith.addi %parallel_loop3A_621, %parallel_loop3A_623 : i32
      %parallel_loop3A_625 = vector.broadcast %parallel_loop3A_624 : i32 to vector<16xi32>
      %parallel_loop3A_626 = arith.addi %parallel_loop3A_625, %iota3A : vector<16xi32>
      %parallel_loop3A_627 = arith.constant 24 : i32
      %parallel_loop3A_628 = arith.addi %parallel_loop3A_627, %parallel_loop3A_617 : i32
      %parallel_loop3A_629 = vector.broadcast %parallel_loop3A_628 : i32 to vector<16xi32>
      %parallel_loop3A_630 = arith.constant 0 : i32
      %parallel_loop3A_631 = arith.constant 0 : i32
      %parallel_loop3A_632 = tpu.memref_slice %arg6[%parallel_loop3A_412, %parallel_loop3A_630, %parallel_loop3A_631] : memref<2x256x128xf32, #tpu.memory_space<vmem>> -> memref<1x256x128xf32, #tpu.memory_space<vmem>>
      %parallel_loop3A_633 = tpu.memref_squeeze %parallel_loop3A_632 : memref<1x256x128xf32, #tpu.memory_space<vmem>> -> memref<256x128xf32, #tpu.memory_space<vmem>>
      %parallel_loop3A_634 = tpu.vector_load_idx %parallel_loop3A_633[%parallel_loop3A_626, %parallel_loop3A_629] : memref<256x128xf32, #tpu.memory_space<vmem>>[vector<16xi32>, vector<16xi32>], vector<16xf32>,
      %parallel_loop3A_635 = arith.constant 16 : i32
      %parallel_loop3A_636 = arith.muli %parallel_loop3A_619, %parallel_loop3A_635 : i32
      %parallel_loop3A_637 = arith.constant 0 : i32
      %parallel_loop3A_638 = arith.constant 0 : i32
      %parallel_loop3A_639 = arith.constant 0 : i32
      %parallel_loop3A_640 = tpu.memref_slice %arg7[%parallel_loop3A_413, %parallel_loop3A_414, %parallel_loop3A_637, %parallel_loop3A_638, %parallel_loop3A_639] : memref<2x4x2x8x128xf32, #tpu.memory_space<vmem>> -> memref<1x1x2x8x128xf32, #tpu.memory_space<vmem>>
      %parallel_loop3A_641 = tpu.memref_squeeze %parallel_loop3A_640 : memref<1x1x2x8x128xf32, #tpu.memory_space<vmem>> -> memref<2x8x128xf32, #tpu.memory_space<vmem>>
      %parallel_loop3A_642 = arith.index_cast %parallel_loop3A_613 : i32 to index
      %parallel_loop3A_643 = arith.index_cast %parallel_loop3A_617 : i32 to index
      %parallel_loop3A_644 = arith.index_cast %parallel_loop3A_636 : i32 to index
      %parallel_loop3A_645 = tpu.vector_load %parallel_loop3A_641[%parallel_loop3A_642, %parallel_loop3A_643, %parallel_loop3A_644] {strides = array<i32>} : memref<2x8x128xf32, #tpu.memory_space<vmem>>, vector<16xf32>,
      tpu.vector_store %parallel_loop3A_641[%parallel_loop3A_642, %parallel_loop3A_643, %parallel_loop3A_644], %parallel_loop3A_634 {strides = array<i32>} : memref<2x8x128xf32, #tpu.memory_space<vmem>>, vector<16xf32>,
    } {sc.loop_unroll_factor = 16 : i64, sc.parallel_access}
    %mul3A_415 = arith.constant 512 : i32
    %mul3A_416 = arith.muli %add3A, %mul3A_415 : i32
    %add3A_417 = arith.constant 0 : i32
    %add3A_418 = arith.addi %mul3A_416, %add3A_417 : i32
    %mul3A_419 = arith.constant 4 : i32
    %mul3A_420 = arith.muli %add3A, %mul3A_419 : i32
    %add3A_421 = arith.constant 0 : i32
    %add3A_422 = arith.addi %mul3A_420, %add3A_421 : i32
    %dma_start3A_423 = arith.constant 0 : i32
    %dma_start3A_424 = arith.constant 49 : i32
    %dma_start3A_425 = arith.constant 0 : i32
    %dma_start3A_426 = arith.constant 0 : i32
    %dma_start3A_427 = arith.constant 0 : i32
    %dma_start3A_428 = arith.constant 0 : i32
    %dma_start3A_429 = tpu.memref_slice %arg7[%dma_start3A_423, %dma_start3A_425, %dma_start3A_426, %dma_start3A_427, %dma_start3A_428] : memref<2x4x2x8x128xf32, #tpu.memory_space<vmem>> -> memref<1x4x2x8x128xf32, #tpu.memory_space<vmem>>
    %dma_start3A_430 = tpu.memref_squeeze %dma_start3A_429 : memref<1x4x2x8x128xf32, #tpu.memory_space<vmem>> -> memref<4x2x8x128xf32, #tpu.memory_space<vmem>>
    %dma_start3A_431 = arith.constant 0 : i32
    %dma_start3A_432 = arith.constant 0 : i32
    %dma_start3A_433 = arith.constant 0 : i32
    %dma_start3A_434 = tpu.memref_slice %arg4[%dma_start3A_424, %dma_start3A_431, %add3A_422, %dma_start3A_432, %dma_start3A_433] : memref<50x4x128x8x128xf32, #tpu.memory_space<hbm>> -> memref<1x4x2x8x128xf32, #tpu.memory_space<hbm>>
    %dma_start3A_435 = tpu.memref_squeeze %dma_start3A_434 : memref<1x4x2x8x128xf32, #tpu.memory_space<hbm>> -> memref<4x2x8x128xf32, #tpu.memory_space<hbm>>
    %dma_start3A_436 = arith.constant 0 : i32
    %dma_start3A_437 = arith.constant 0 : i32
    %dma_start3A_438 = arith.constant 0 : i32
    %dma_start3A_439 = tpu.memref_slice %arg4[%dma_start3A_424, %dma_start3A_436, %add3A_422, %dma_start3A_437, %dma_start3A_438] : memref<50x4x128x8x128xf32, #tpu.memory_space<hbm>> -> memref<1x4x2x8x128xf32, #tpu.memory_space<hbm>>
    %dma_start3A_440 = tpu.memref_squeeze %dma_start3A_439 : memref<1x4x2x8x128xf32, #tpu.memory_space<hbm>> -> memref<4x2x8x128xf32, #tpu.memory_space<hbm>>
    %dma_start3A_441 = arith.constant 0 : i32
    %dma_start3A_442 = arith.constant 0 : i32
    %dma_start3A_443 = arith.constant 0 : i32
    %dma_start3A_444 = arith.constant 0 : i32
    %dma_start3A_445 = tpu.memref_slice %arg7[%dma_start3A_423, %dma_start3A_441, %dma_start3A_442, %dma_start3A_443, %dma_start3A_444] : memref<2x4x2x8x128xf32, #tpu.memory_space<vmem>> -> memref<1x4x2x8x128xf32, #tpu.memory_space<vmem>>
    %dma_start3A_446 = tpu.memref_squeeze %dma_start3A_445 : memref<1x4x2x8x128xf32, #tpu.memory_space<vmem>> -> memref<4x2x8x128xf32, #tpu.memory_space<vmem>>
    tpu.enqueue_dma source(%dma_start3A_446 : memref<4x2x8x128xf32, #tpu.memory_space<vmem>>) target(%dma_start3A_440 : memref<4x2x8x128xf32, #tpu.memory_space<hbm>>) target_semaphore(%arg12 : memref<!tpu.dma_semaphore, #tpu.memory_space<semaphore_mem>>)
    %dma_wait3A_447 = arith.constant 1 : i32
    %dma_wait3A_448 = arith.constant 1 : i32
    %dma_wait3A_449 = arith.constant 0 : i32
    %dma_wait3A_450 = arith.constant 0 : i32
    %dma_wait3A_451 = tpu.memref_slice %arg6[%dma_wait3A_448, %dma_wait3A_449, %dma_wait3A_450] : memref<2x256x128xf32, #tpu.memory_space<vmem>> -> memref<1x256x128xf32, #tpu.memory_space<vmem>>
    %dma_wait3A_452 = tpu.memref_squeeze %dma_wait3A_451 : memref<1x256x128xf32, #tpu.memory_space<vmem>> -> memref<256x128xf32, #tpu.memory_space<vmem>>
    %dma_wait3A_453 = arith.constant 0 : i32
    %dma_wait3A_454 = tpu.memref_slice %arg5[%dma_wait3A_447, %dma_wait3A_453] : memref<2x256xi32, #tpu.memory_space<vmem>> -> memref<1x256xi32, #tpu.memory_space<vmem>>
    %dma_wait3A_455 = tpu.memref_squeeze %dma_wait3A_454 : memref<1x256xi32, #tpu.memory_space<vmem>> -> memref<256xi32, #tpu.memory_space<vmem>>
    %dma_wait3A_456 = arith.constant 0 : i32
    %dma_wait3A_457 = arith.constant 0 : i32
    %dma_wait3A_458 = tpu.memref_slice %arg3[%dma_wait3A_456, %dma_wait3A_457] : memref<1000000x128xf32, #tpu.memory_space<hbm>> -> memref<1000000x128xf32, #tpu.memory_space<hbm>>
    tpu.wait_indirect_dma semaphore(%arg11 : memref<!tpu.dma_semaphore, #tpu.memory_space<semaphore_mem>>) src(%dma_wait3A_458 : memref<1000000x128xf32, #tpu.memory_space<hbm>>) dst(%dma_wait3A_452 : memref<256x128xf32, #tpu.memory_space<vmem>>)
    %mul3A_459 = arith.constant 512 : i32
    %mul3A_460 = arith.muli %add3A, %mul3A_459 : i32
    %add3A_461 = arith.constant 256 : i32
    %add3A_462 = arith.addi %mul3A_460, %add3A_461 : i32
    %mul3A_463 = arith.constant 4 : i32
    %mul3A_464 = arith.muli %add3A, %mul3A_463 : i32
    %add3A_465 = arith.constant 2 : i32
    %add3A_466 = arith.addi %mul3A_464, %add3A_465 : i32
    %dma_wait3A_467 = arith.constant 1 : i32
    %dma_wait3A_468 = arith.constant 48 : i32
    %dma_wait3A_469 = arith.constant 0 : i32
    %dma_wait3A_470 = arith.constant 0 : i32
    %dma_wait3A_471 = arith.constant 0 : i32
    %dma_wait3A_472 = arith.constant 0 : i32
    %dma_wait3A_473 = tpu.memref_slice %arg7[%dma_wait3A_467, %dma_wait3A_469, %dma_wait3A_470, %dma_wait3A_471, %dma_wait3A_472] : memref<2x4x2x8x128xf32, #tpu.memory_space<vmem>> -> memref<1x4x2x8x128xf32, #tpu.memory_space<vmem>>
    %dma_wait3A_474 = tpu.memref_squeeze %dma_wait3A_473 : memref<1x4x2x8x128xf32, #tpu.memory_space<vmem>> -> memref<4x2x8x128xf32, #tpu.memory_space<vmem>>
    %dma_wait3A_475 = arith.constant 0 : i32
    %dma_wait3A_476 = arith.constant 0 : i32
    %dma_wait3A_477 = arith.constant 0 : i32
    %dma_wait3A_478 = tpu.memref_slice %arg4[%dma_wait3A_468, %dma_wait3A_475, %add3A_466, %dma_wait3A_476, %dma_wait3A_477] : memref<50x4x128x8x128xf32, #tpu.memory_space<hbm>> -> memref<1x4x2x8x128xf32, #tpu.memory_space<hbm>>
    %dma_wait3A_479 = tpu.memref_squeeze %dma_wait3A_478 : memref<1x4x2x8x128xf32, #tpu.memory_space<hbm>> -> memref<4x2x8x128xf32, #tpu.memory_space<hbm>>
    %dma_wait3A_480 = arith.constant 0 : i32
    %dma_wait3A_481 = arith.constant 0 : i32
    %dma_wait3A_482 = arith.constant 0 : i32
    %dma_wait3A_483 = tpu.memref_slice %arg4[%dma_wait3A_468, %dma_wait3A_480, %add3A_466, %dma_wait3A_481, %dma_wait3A_482] : memref<50x4x128x8x128xf32, #tpu.memory_space<hbm>> -> memref<1x4x2x8x128xf32, #tpu.memory_space<hbm>>
    %dma_wait3A_484 = tpu.memref_squeeze %dma_wait3A_483 : memref<1x4x2x8x128xf32, #tpu.memory_space<hbm>> -> memref<4x2x8x128xf32, #tpu.memory_space<hbm>>
    %dma_wait3A_485 = arith.constant 0 : i32
    %dma_wait3A_486 = arith.constant 0 : i32
    %dma_wait3A_487 = arith.constant 0 : i32
    %dma_wait3A_488 = arith.constant 0 : i32
    %dma_wait3A_489 = tpu.memref_slice %arg7[%dma_wait3A_467, %dma_wait3A_485, %dma_wait3A_486, %dma_wait3A_487, %dma_wait3A_488] : memref<2x4x2x8x128xf32, #tpu.memory_space<vmem>> -> memref<1x4x2x8x128xf32, #tpu.memory_space<vmem>>
    %dma_wait3A_490 = tpu.memref_squeeze %dma_wait3A_489 : memref<1x4x2x8x128xf32, #tpu.memory_space<vmem>> -> memref<4x2x8x128xf32, #tpu.memory_space<vmem>>
    tpu.wait_dma2 semaphore(%arg13 : memref<!tpu.dma_semaphore, #tpu.memory_space<semaphore_mem>>) src(%dma_wait3A_490 : memref<4x2x8x128xf32, #tpu.memory_space<vmem>>) dst(%dma_wait3A_484 : memref<4x2x8x128xf32, #tpu.memory_space<hbm>>)
    %parallel_loop3A_491 = arith.constant 0 : i32
    %parallel_loop3A_492 = arith.constant 128 : i32
    %parallel_loop3A_493 = arith.constant 1 : i32
    %parallel_loop3A_494 = arith.constant 1 : i32
    %parallel_loop3A_495 = arith.constant 1 : i32
    %parallel_loop3A_496 = arith.constant 0 : i32
    scf.for %parallel_loop3A_611 = %parallel_loop3A_491 to %parallel_loop3A_492 step %parallel_loop3A_493  : i32 {
      %parallel_loop3A_612 = arith.constant 6 : i32
      %parallel_loop3A_613 = arith.shrsi %parallel_loop3A_611, %parallel_loop3A_612 : i32
      %parallel_loop3A_614 = arith.constant 3 : i32
      %parallel_loop3A_615 = arith.shrsi %parallel_loop3A_611, %parallel_loop3A_614 : i32
      %parallel_loop3A_616 = arith.constant 7 : i32
      %parallel_loop3A_617 = arith.andi %parallel_loop3A_615, %parallel_loop3A_616 : i32
      %parallel_loop3A_618 = arith.constant 7 : i32
      %parallel_loop3A_619 = arith.andi %parallel_loop3A_611, %parallel_loop3A_618 : i32
      %parallel_loop3A_620 = arith.constant 128 : i32
      %parallel_loop3A_621 = arith.muli %parallel_loop3A_613, %parallel_loop3A_620 : i32
      %parallel_loop3A_622 = arith.constant 16 : i32
      %parallel_loop3A_623 = arith.muli %parallel_loop3A_619, %parallel_loop3A_622 : i32
      %parallel_loop3A_624 = arith.addi %parallel_loop3A_621, %parallel_loop3A_623 : i32
      %parallel_loop3A_625 = vector.broadcast %parallel_loop3A_624 : i32 to vector<16xi32>
      %parallel_loop3A_626 = arith.addi %parallel_loop3A_625, %iota3A : vector<16xi32>
      %parallel_loop3A_627 = arith.constant 0 : i32
      %parallel_loop3A_628 = arith.addi %parallel_loop3A_627, %parallel_loop3A_617 : i32
      %parallel_loop3A_629 = vector.broadcast %parallel_loop3A_628 : i32 to vector<16xi32>
      %parallel_loop3A_630 = arith.constant 0 : i32
      %parallel_loop3A_631 = arith.constant 0 : i32
      %parallel_loop3A_632 = tpu.memref_slice %arg6[%parallel_loop3A_494, %parallel_loop3A_630, %parallel_loop3A_631] : memref<2x256x128xf32, #tpu.memory_space<vmem>> -> memref<1x256x128xf32, #tpu.memory_space<vmem>>
      %parallel_loop3A_633 = tpu.memref_squeeze %parallel_loop3A_632 : memref<1x256x128xf32, #tpu.memory_space<vmem>> -> memref<256x128xf32, #tpu.memory_space<vmem>>
      %parallel_loop3A_634 = tpu.vector_load_idx %parallel_loop3A_633[%parallel_loop3A_626, %parallel_loop3A_629] : memref<256x128xf32, #tpu.memory_space<vmem>>[vector<16xi32>, vector<16xi32>], vector<16xf32>,
      %parallel_loop3A_635 = arith.constant 16 : i32
      %parallel_loop3A_636 = arith.muli %parallel_loop3A_619, %parallel_loop3A_635 : i32
      %parallel_loop3A_637 = arith.constant 0 : i32
      %parallel_loop3A_638 = arith.constant 0 : i32
      %parallel_loop3A_639 = arith.constant 0 : i32
      %parallel_loop3A_640 = tpu.memref_slice %arg7[%parallel_loop3A_495, %parallel_loop3A_496, %parallel_loop3A_637, %parallel_loop3A_638, %parallel_loop3A_639] : memref<2x4x2x8x128xf32, #tpu.memory_space<vmem>> -> memref<1x1x2x8x128xf32, #tpu.memory_space<vmem>>
      %parallel_loop3A_641 = tpu.memref_squeeze %parallel_loop3A_640 : memref<1x1x2x8x128xf32, #tpu.memory_space<vmem>> -> memref<2x8x128xf32, #tpu.memory_space<vmem>>
      %parallel_loop3A_642 = arith.index_cast %parallel_loop3A_613 : i32 to index
      %parallel_loop3A_643 = arith.index_cast %parallel_loop3A_617 : i32 to index
      %parallel_loop3A_644 = arith.index_cast %parallel_loop3A_636 : i32 to index
      %parallel_loop3A_645 = tpu.vector_load %parallel_loop3A_641[%parallel_loop3A_642, %parallel_loop3A_643, %parallel_loop3A_644] {strides = array<i32>} : memref<2x8x128xf32, #tpu.memory_space<vmem>>, vector<16xf32>,
      tpu.vector_store %parallel_loop3A_641[%parallel_loop3A_642, %parallel_loop3A_643, %parallel_loop3A_644], %parallel_loop3A_634 {strides = array<i32>} : memref<2x8x128xf32, #tpu.memory_space<vmem>>, vector<16xf32>,
    } {sc.loop_unroll_factor = 16 : i64, sc.parallel_access}
    %parallel_loop3A_497 = arith.constant 0 : i32
    %parallel_loop3A_498 = arith.constant 128 : i32
    %parallel_loop3A_499 = arith.constant 1 : i32
    %parallel_loop3A_500 = arith.constant 1 : i32
    %parallel_loop3A_501 = arith.constant 1 : i32
    %parallel_loop3A_502 = arith.constant 1 : i32
    scf.for %parallel_loop3A_611 = %parallel_loop3A_497 to %parallel_loop3A_498 step %parallel_loop3A_499  : i32 {
      %parallel_loop3A_612 = arith.constant 6 : i32
      %parallel_loop3A_613 = arith.shrsi %parallel_loop3A_611, %parallel_loop3A_612 : i32
      %parallel_loop3A_614 = arith.constant 3 : i32
      %parallel_loop3A_615 = arith.shrsi %parallel_loop3A_611, %parallel_loop3A_614 : i32
      %parallel_loop3A_616 = arith.constant 7 : i32
      %parallel_loop3A_617 = arith.andi %parallel_loop3A_615, %parallel_loop3A_616 : i32
      %parallel_loop3A_618 = arith.constant 7 : i32
      %parallel_loop3A_619 = arith.andi %parallel_loop3A_611, %parallel_loop3A_618 : i32
      %parallel_loop3A_620 = arith.constant 128 : i32
      %parallel_loop3A_621 = arith.muli %parallel_loop3A_613, %parallel_loop3A_620 : i32
      %parallel_loop3A_622 = arith.constant 16 : i32
      %parallel_loop3A_623 = arith.muli %parallel_loop3A_619, %parallel_loop3A_622 : i32
      %parallel_loop3A_624 = arith.addi %parallel_loop3A_621, %parallel_loop3A_623 : i32
      %parallel_loop3A_625 = vector.broadcast %parallel_loop3A_624 : i32 to vector<16xi32>
      %parallel_loop3A_626 = arith.addi %parallel_loop3A_625, %iota3A : vector<16xi32>
      %parallel_loop3A_627 = arith.constant 8 : i32
      %parallel_loop3A_628 = arith.addi %parallel_loop3A_627, %parallel_loop3A_617 : i32
      %parallel_loop3A_629 = vector.broadcast %parallel_loop3A_628 : i32 to vector<16xi32>
      %parallel_loop3A_630 = arith.constant 0 : i32
      %parallel_loop3A_631 = arith.constant 0 : i32
      %parallel_loop3A_632 = tpu.memref_slice %arg6[%parallel_loop3A_500, %parallel_loop3A_630, %parallel_loop3A_631] : memref<2x256x128xf32, #tpu.memory_space<vmem>> -> memref<1x256x128xf32, #tpu.memory_space<vmem>>
      %parallel_loop3A_633 = tpu.memref_squeeze %parallel_loop3A_632 : memref<1x256x128xf32, #tpu.memory_space<vmem>> -> memref<256x128xf32, #tpu.memory_space<vmem>>
      %parallel_loop3A_634 = tpu.vector_load_idx %parallel_loop3A_633[%parallel_loop3A_626, %parallel_loop3A_629] : memref<256x128xf32, #tpu.memory_space<vmem>>[vector<16xi32>, vector<16xi32>], vector<16xf32>,
      %parallel_loop3A_635 = arith.constant 16 : i32
      %parallel_loop3A_636 = arith.muli %parallel_loop3A_619, %parallel_loop3A_635 : i32
      %parallel_loop3A_637 = arith.constant 0 : i32
      %parallel_loop3A_638 = arith.constant 0 : i32
      %parallel_loop3A_639 = arith.constant 0 : i32
      %parallel_loop3A_640 = tpu.memref_slice %arg7[%parallel_loop3A_501, %parallel_loop3A_502, %parallel_loop3A_637, %parallel_loop3A_638, %parallel_loop3A_639] : memref<2x4x2x8x128xf32, #tpu.memory_space<vmem>> -> memref<1x1x2x8x128xf32, #tpu.memory_space<vmem>>
      %parallel_loop3A_641 = tpu.memref_squeeze %parallel_loop3A_640 : memref<1x1x2x8x128xf32, #tpu.memory_space<vmem>> -> memref<2x8x128xf32, #tpu.memory_space<vmem>>
      %parallel_loop3A_642 = arith.index_cast %parallel_loop3A_613 : i32 to index
      %parallel_loop3A_643 = arith.index_cast %parallel_loop3A_617 : i32 to index
      %parallel_loop3A_644 = arith.index_cast %parallel_loop3A_636 : i32 to index
      %parallel_loop3A_645 = tpu.vector_load %parallel_loop3A_641[%parallel_loop3A_642, %parallel_loop3A_643, %parallel_loop3A_644] {strides = array<i32>} : memref<2x8x128xf32, #tpu.memory_space<vmem>>, vector<16xf32>,
      tpu.vector_store %parallel_loop3A_641[%parallel_loop3A_642, %parallel_loop3A_643, %parallel_loop3A_644], %parallel_loop3A_634 {strides = array<i32>} : memref<2x8x128xf32, #tpu.memory_space<vmem>>, vector<16xf32>,
    } {sc.loop_unroll_factor = 16 : i64, sc.parallel_access}
    %parallel_loop3A_503 = arith.constant 0 : i32
    %parallel_loop3A_504 = arith.constant 128 : i32
    %parallel_loop3A_505 = arith.constant 1 : i32
    %parallel_loop3A_506 = arith.constant 1 : i32
    %parallel_loop3A_507 = arith.constant 1 : i32
    %parallel_loop3A_508 = arith.constant 2 : i32
    scf.for %parallel_loop3A_611 = %parallel_loop3A_503 to %parallel_loop3A_504 step %parallel_loop3A_505  : i32 {
      %parallel_loop3A_612 = arith.constant 6 : i32
      %parallel_loop3A_613 = arith.shrsi %parallel_loop3A_611, %parallel_loop3A_612 : i32
      %parallel_loop3A_614 = arith.constant 3 : i32
      %parallel_loop3A_615 = arith.shrsi %parallel_loop3A_611, %parallel_loop3A_614 : i32
      %parallel_loop3A_616 = arith.constant 7 : i32
      %parallel_loop3A_617 = arith.andi %parallel_loop3A_615, %parallel_loop3A_616 : i32
      %parallel_loop3A_618 = arith.constant 7 : i32
      %parallel_loop3A_619 = arith.andi %parallel_loop3A_611, %parallel_loop3A_618 : i32
      %parallel_loop3A_620 = arith.constant 128 : i32
      %parallel_loop3A_621 = arith.muli %parallel_loop3A_613, %parallel_loop3A_620 : i32
      %parallel_loop3A_622 = arith.constant 16 : i32
      %parallel_loop3A_623 = arith.muli %parallel_loop3A_619, %parallel_loop3A_622 : i32
      %parallel_loop3A_624 = arith.addi %parallel_loop3A_621, %parallel_loop3A_623 : i32
      %parallel_loop3A_625 = vector.broadcast %parallel_loop3A_624 : i32 to vector<16xi32>
      %parallel_loop3A_626 = arith.addi %parallel_loop3A_625, %iota3A : vector<16xi32>
      %parallel_loop3A_627 = arith.constant 16 : i32
      %parallel_loop3A_628 = arith.addi %parallel_loop3A_627, %parallel_loop3A_617 : i32
      %parallel_loop3A_629 = vector.broadcast %parallel_loop3A_628 : i32 to vector<16xi32>
      %parallel_loop3A_630 = arith.constant 0 : i32
      %parallel_loop3A_631 = arith.constant 0 : i32
      %parallel_loop3A_632 = tpu.memref_slice %arg6[%parallel_loop3A_506, %parallel_loop3A_630, %parallel_loop3A_631] : memref<2x256x128xf32, #tpu.memory_space<vmem>> -> memref<1x256x128xf32, #tpu.memory_space<vmem>>
      %parallel_loop3A_633 = tpu.memref_squeeze %parallel_loop3A_632 : memref<1x256x128xf32, #tpu.memory_space<vmem>> -> memref<256x128xf32, #tpu.memory_space<vmem>>
      %parallel_loop3A_634 = tpu.vector_load_idx %parallel_loop3A_633[%parallel_loop3A_626, %parallel_loop3A_629] : memref<256x128xf32, #tpu.memory_space<vmem>>[vector<16xi32>, vector<16xi32>], vector<16xf32>,
      %parallel_loop3A_635 = arith.constant 16 : i32
      %parallel_loop3A_636 = arith.muli %parallel_loop3A_619, %parallel_loop3A_635 : i32
      %parallel_loop3A_637 = arith.constant 0 : i32
      %parallel_loop3A_638 = arith.constant 0 : i32
      %parallel_loop3A_639 = arith.constant 0 : i32
      %parallel_loop3A_640 = tpu.memref_slice %arg7[%parallel_loop3A_507, %parallel_loop3A_508, %parallel_loop3A_637, %parallel_loop3A_638, %parallel_loop3A_639] : memref<2x4x2x8x128xf32, #tpu.memory_space<vmem>> -> memref<1x1x2x8x128xf32, #tpu.memory_space<vmem>>
      %parallel_loop3A_641 = tpu.memref_squeeze %parallel_loop3A_640 : memref<1x1x2x8x128xf32, #tpu.memory_space<vmem>> -> memref<2x8x128xf32, #tpu.memory_space<vmem>>
      %parallel_loop3A_642 = arith.index_cast %parallel_loop3A_613 : i32 to index
      %parallel_loop3A_643 = arith.index_cast %parallel_loop3A_617 : i32 to index
      %parallel_loop3A_644 = arith.index_cast %parallel_loop3A_636 : i32 to index
      %parallel_loop3A_645 = tpu.vector_load %parallel_loop3A_641[%parallel_loop3A_642, %parallel_loop3A_643, %parallel_loop3A_644] {strides = array<i32>} : memref<2x8x128xf32, #tpu.memory_space<vmem>>, vector<16xf32>,
      tpu.vector_store %parallel_loop3A_641[%parallel_loop3A_642, %parallel_loop3A_643, %parallel_loop3A_644], %parallel_loop3A_634 {strides = array<i32>} : memref<2x8x128xf32, #tpu.memory_space<vmem>>, vector<16xf32>,
    } {sc.loop_unroll_factor = 16 : i64, sc.parallel_access}
    %parallel_loop3A_509 = arith.constant 0 : i32
    %parallel_loop3A_510 = arith.constant 128 : i32
    %parallel_loop3A_511 = arith.constant 1 : i32
    %parallel_loop3A_512 = arith.constant 1 : i32
    %parallel_loop3A_513 = arith.constant 1 : i32
    %parallel_loop3A_514 = arith.constant 3 : i32
    scf.for %parallel_loop3A_611 = %parallel_loop3A_509 to %parallel_loop3A_510 step %parallel_loop3A_511  : i32 {
      %parallel_loop3A_612 = arith.constant 6 : i32
      %parallel_loop3A_613 = arith.shrsi %parallel_loop3A_611, %parallel_loop3A_612 : i32
      %parallel_loop3A_614 = arith.constant 3 : i32
      %parallel_loop3A_615 = arith.shrsi %parallel_loop3A_611, %parallel_loop3A_614 : i32
      %parallel_loop3A_616 = arith.constant 7 : i32
      %parallel_loop3A_617 = arith.andi %parallel_loop3A_615, %parallel_loop3A_616 : i32
      %parallel_loop3A_618 = arith.constant 7 : i32
      %parallel_loop3A_619 = arith.andi %parallel_loop3A_611, %parallel_loop3A_618 : i32
      %parallel_loop3A_620 = arith.constant 128 : i32
      %parallel_loop3A_621 = arith.muli %parallel_loop3A_613, %parallel_loop3A_620 : i32
      %parallel_loop3A_622 = arith.constant 16 : i32
      %parallel_loop3A_623 = arith.muli %parallel_loop3A_619, %parallel_loop3A_622 : i32
      %parallel_loop3A_624 = arith.addi %parallel_loop3A_621, %parallel_loop3A_623 : i32
      %parallel_loop3A_625 = vector.broadcast %parallel_loop3A_624 : i32 to vector<16xi32>
      %parallel_loop3A_626 = arith.addi %parallel_loop3A_625, %iota3A : vector<16xi32>
      %parallel_loop3A_627 = arith.constant 24 : i32
      %parallel_loop3A_628 = arith.addi %parallel_loop3A_627, %parallel_loop3A_617 : i32
      %parallel_loop3A_629 = vector.broadcast %parallel_loop3A_628 : i32 to vector<16xi32>
      %parallel_loop3A_630 = arith.constant 0 : i32
      %parallel_loop3A_631 = arith.constant 0 : i32
      %parallel_loop3A_632 = tpu.memref_slice %arg6[%parallel_loop3A_512, %parallel_loop3A_630, %parallel_loop3A_631] : memref<2x256x128xf32, #tpu.memory_space<vmem>> -> memref<1x256x128xf32, #tpu.memory_space<vmem>>
      %parallel_loop3A_633 = tpu.memref_squeeze %parallel_loop3A_632 : memref<1x256x128xf32, #tpu.memory_space<vmem>> -> memref<256x128xf32, #tpu.memory_space<vmem>>
      %parallel_loop3A_634 = tpu.vector_load_idx %parallel_loop3A_633[%parallel_loop3A_626, %parallel_loop3A_629] : memref<256x128xf32, #tpu.memory_space<vmem>>[vector<16xi32>, vector<16xi32>], vector<16xf32>,
      %parallel_loop3A_635 = arith.constant 16 : i32
      %parallel_loop3A_636 = arith.muli %parallel_loop3A_619, %parallel_loop3A_635 : i32
      %parallel_loop3A_637 = arith.constant 0 : i32
      %parallel_loop3A_638 = arith.constant 0 : i32
      %parallel_loop3A_639 = arith.constant 0 : i32
      %parallel_loop3A_640 = tpu.memref_slice %arg7[%parallel_loop3A_513, %parallel_loop3A_514, %parallel_loop3A_637, %parallel_loop3A_638, %parallel_loop3A_639] : memref<2x4x2x8x128xf32, #tpu.memory_space<vmem>> -> memref<1x1x2x8x128xf32, #tpu.memory_space<vmem>>
      %parallel_loop3A_641 = tpu.memref_squeeze %parallel_loop3A_640 : memref<1x1x2x8x128xf32, #tpu.memory_space<vmem>> -> memref<2x8x128xf32, #tpu.memory_space<vmem>>
      %parallel_loop3A_642 = arith.index_cast %parallel_loop3A_613 : i32 to index
      %parallel_loop3A_643 = arith.index_cast %parallel_loop3A_617 : i32 to index
      %parallel_loop3A_644 = arith.index_cast %parallel_loop3A_636 : i32 to index
      %parallel_loop3A_645 = tpu.vector_load %parallel_loop3A_641[%parallel_loop3A_642, %parallel_loop3A_643, %parallel_loop3A_644] {strides = array<i32>} : memref<2x8x128xf32, #tpu.memory_space<vmem>>, vector<16xf32>,
      tpu.vector_store %parallel_loop3A_641[%parallel_loop3A_642, %parallel_loop3A_643, %parallel_loop3A_644], %parallel_loop3A_634 {strides = array<i32>} : memref<2x8x128xf32, #tpu.memory_space<vmem>>, vector<16xf32>,
    } {sc.loop_unroll_factor = 16 : i64, sc.parallel_access}
    %mul3A_515 = arith.constant 512 : i32
    %mul3A_516 = arith.muli %add3A, %mul3A_515 : i32
    %add3A_517 = arith.constant 256 : i32
    %add3A_518 = arith.addi %mul3A_516, %add3A_517 : i32
    %mul3A_519 = arith.constant 4 : i32
    %mul3A_520 = arith.muli %add3A, %mul3A_519 : i32
    %add3A_521 = arith.constant 2 : i32
    %add3A_522 = arith.addi %mul3A_520, %add3A_521 : i32
    %dma_start3A_523 = arith.constant 1 : i32
    %dma_start3A_524 = arith.constant 49 : i32
    %dma_start3A_525 = arith.constant 0 : i32
    %dma_start3A_526 = arith.constant 0 : i32
    %dma_start3A_527 = arith.constant 0 : i32
    %dma_start3A_528 = arith.constant 0 : i32
    %dma_start3A_529 = tpu.memref_slice %arg7[%dma_start3A_523, %dma_start3A_525, %dma_start3A_526, %dma_start3A_527, %dma_start3A_528] : memref<2x4x2x8x128xf32, #tpu.memory_space<vmem>> -> memref<1x4x2x8x128xf32, #tpu.memory_space<vmem>>
    %dma_start3A_530 = tpu.memref_squeeze %dma_start3A_529 : memref<1x4x2x8x128xf32, #tpu.memory_space<vmem>> -> memref<4x2x8x128xf32, #tpu.memory_space<vmem>>
    %dma_start3A_531 = arith.constant 0 : i32
    %dma_start3A_532 = arith.constant 0 : i32
    %dma_start3A_533 = arith.constant 0 : i32
    %dma_start3A_534 = tpu.memref_slice %arg4[%dma_start3A_524, %dma_start3A_531, %add3A_522, %dma_start3A_532, %dma_start3A_533] : memref<50x4x128x8x128xf32, #tpu.memory_space<hbm>> -> memref<1x4x2x8x128xf32, #tpu.memory_space<hbm>>
    %dma_start3A_535 = tpu.memref_squeeze %dma_start3A_534 : memref<1x4x2x8x128xf32, #tpu.memory_space<hbm>> -> memref<4x2x8x128xf32, #tpu.memory_space<hbm>>
    %dma_start3A_536 = arith.constant 0 : i32
    %dma_start3A_537 = arith.constant 0 : i32
    %dma_start3A_538 = arith.constant 0 : i32
    %dma_start3A_539 = tpu.memref_slice %arg4[%dma_start3A_524, %dma_start3A_536, %add3A_522, %dma_start3A_537, %dma_start3A_538] : memref<50x4x128x8x128xf32, #tpu.memory_space<hbm>> -> memref<1x4x2x8x128xf32, #tpu.memory_space<hbm>>
    %dma_start3A_540 = tpu.memref_squeeze %dma_start3A_539 : memref<1x4x2x8x128xf32, #tpu.memory_space<hbm>> -> memref<4x2x8x128xf32, #tpu.memory_space<hbm>>
    %dma_start3A_541 = arith.constant 0 : i32
    %dma_start3A_542 = arith.constant 0 : i32
    %dma_start3A_543 = arith.constant 0 : i32
    %dma_start3A_544 = arith.constant 0 : i32
    %dma_start3A_545 = tpu.memref_slice %arg7[%dma_start3A_523, %dma_start3A_541, %dma_start3A_542, %dma_start3A_543, %dma_start3A_544] : memref<2x4x2x8x128xf32, #tpu.memory_space<vmem>> -> memref<1x4x2x8x128xf32, #tpu.memory_space<vmem>>
    %dma_start3A_546 = tpu.memref_squeeze %dma_start3A_545 : memref<1x4x2x8x128xf32, #tpu.memory_space<vmem>> -> memref<4x2x8x128xf32, #tpu.memory_space<vmem>>
    tpu.enqueue_dma source(%dma_start3A_546 : memref<4x2x8x128xf32, #tpu.memory_space<vmem>>) target(%dma_start3A_540 : memref<4x2x8x128xf32, #tpu.memory_space<hbm>>) target_semaphore(%arg13 : memref<!tpu.dma_semaphore, #tpu.memory_space<semaphore_mem>>)
    %mul3A_547 = arith.constant 512 : i32
    %mul3A_548 = arith.muli %add3A, %mul3A_547 : i32
    %add3A_549 = arith.constant 0 : i32
    %add3A_550 = arith.addi %mul3A_548, %add3A_549 : i32
    %mul3A_551 = arith.constant 4 : i32
    %mul3A_552 = arith.muli %add3A, %mul3A_551 : i32
    %add3A_553 = arith.constant 0 : i32
    %add3A_554 = arith.addi %mul3A_552, %add3A_553 : i32
    %dma_wait3A_555 = arith.constant 0 : i32
    %dma_wait3A_556 = arith.constant 49 : i32
    %dma_wait3A_557 = arith.constant 0 : i32
    %dma_wait3A_558 = arith.constant 0 : i32
    %dma_wait3A_559 = arith.constant 0 : i32
    %dma_wait3A_560 = arith.constant 0 : i32
    %dma_wait3A_561 = tpu.memref_slice %arg7[%dma_wait3A_555, %dma_wait3A_557, %dma_wait3A_558, %dma_wait3A_559, %dma_wait3A_560] : memref<2x4x2x8x128xf32, #tpu.memory_space<vmem>> -> memref<1x4x2x8x128xf32, #tpu.memory_space<vmem>>
    %dma_wait3A_562 = tpu.memref_squeeze %dma_wait3A_561 : memref<1x4x2x8x128xf32, #tpu.memory_space<vmem>> -> memref<4x2x8x128xf32, #tpu.memory_space<vmem>>
    %dma_wait3A_563 = arith.constant 0 : i32
    %dma_wait3A_564 = arith.constant 0 : i32
    %dma_wait3A_565 = arith.constant 0 : i32
    %dma_wait3A_566 = tpu.memref_slice %arg4[%dma_wait3A_556, %dma_wait3A_563, %add3A_554, %dma_wait3A_564, %dma_wait3A_565] : memref<50x4x128x8x128xf32, #tpu.memory_space<hbm>> -> memref<1x4x2x8x128xf32, #tpu.memory_space<hbm>>
    %dma_wait3A_567 = tpu.memref_squeeze %dma_wait3A_566 : memref<1x4x2x8x128xf32, #tpu.memory_space<hbm>> -> memref<4x2x8x128xf32, #tpu.memory_space<hbm>>
    %dma_wait3A_568 = arith.constant 0 : i32
    %dma_wait3A_569 = arith.constant 0 : i32
    %dma_wait3A_570 = arith.constant 0 : i32
    %dma_wait3A_571 = tpu.memref_slice %arg4[%dma_wait3A_556, %dma_wait3A_568, %add3A_554, %dma_wait3A_569, %dma_wait3A_570] : memref<50x4x128x8x128xf32, #tpu.memory_space<hbm>> -> memref<1x4x2x8x128xf32, #tpu.memory_space<hbm>>
    %dma_wait3A_572 = tpu.memref_squeeze %dma_wait3A_571 : memref<1x4x2x8x128xf32, #tpu.memory_space<hbm>> -> memref<4x2x8x128xf32, #tpu.memory_space<hbm>>
    %dma_wait3A_573 = arith.constant 0 : i32
    %dma_wait3A_574 = arith.constant 0 : i32
    %dma_wait3A_575 = arith.constant 0 : i32
    %dma_wait3A_576 = arith.constant 0 : i32
    %dma_wait3A_577 = tpu.memref_slice %arg7[%dma_wait3A_555, %dma_wait3A_573, %dma_wait3A_574, %dma_wait3A_575, %dma_wait3A_576] : memref<2x4x2x8x128xf32, #tpu.memory_space<vmem>> -> memref<1x4x2x8x128xf32, #tpu.memory_space<vmem>>
    %dma_wait3A_578 = tpu.memref_squeeze %dma_wait3A_577 : memref<1x4x2x8x128xf32, #tpu.memory_space<vmem>> -> memref<4x2x8x128xf32, #tpu.memory_space<vmem>>
    tpu.wait_dma2 semaphore(%arg12 : memref<!tpu.dma_semaphore, #tpu.memory_space<semaphore_mem>>) src(%dma_wait3A_578 : memref<4x2x8x128xf32, #tpu.memory_space<vmem>>) dst(%dma_wait3A_572 : memref<4x2x8x128xf32, #tpu.memory_space<hbm>>)
    %mul3A_579 = arith.constant 512 : i32
    %mul3A_580 = arith.muli %add3A, %mul3A_579 : i32
    %add3A_581 = arith.constant 256 : i32
    %add3A_582 = arith.addi %mul3A_580, %add3A_581 : i32
    %mul3A_583 = arith.constant 4 : i32
    %mul3A_584 = arith.muli %add3A, %mul3A_583 : i32
    %add3A_585 = arith.constant 2 : i32
    %add3A_586 = arith.addi %mul3A_584, %add3A_585 : i32
    %dma_wait3A_587 = arith.constant 1 : i32
    %dma_wait3A_588 = arith.constant 49 : i32
    %dma_wait3A_589 = arith.constant 0 : i32
    %dma_wait3A_590 = arith.constant 0 : i32
    %dma_wait3A_591 = arith.constant 0 : i32
    %dma_wait3A_592 = arith.constant 0 : i32
    %dma_wait3A_593 = tpu.memref_slice %arg7[%dma_wait3A_587, %dma_wait3A_589, %dma_wait3A_590, %dma_wait3A_591, %dma_wait3A_592] : memref<2x4x2x8x128xf32, #tpu.memory_space<vmem>> -> memref<1x4x2x8x128xf32, #tpu.memory_space<vmem>>
    %dma_wait3A_594 = tpu.memref_squeeze %dma_wait3A_593 : memref<1x4x2x8x128xf32, #tpu.memory_space<vmem>> -> memref<4x2x8x128xf32, #tpu.memory_space<vmem>>
    %dma_wait3A_595 = arith.constant 0 : i32
    %dma_wait3A_596 = arith.constant 0 : i32
    %dma_wait3A_597 = arith.constant 0 : i32
    %dma_wait3A_598 = tpu.memref_slice %arg4[%dma_wait3A_588, %dma_wait3A_595, %add3A_586, %dma_wait3A_596, %dma_wait3A_597] : memref<50x4x128x8x128xf32, #tpu.memory_space<hbm>> -> memref<1x4x2x8x128xf32, #tpu.memory_space<hbm>>
    %dma_wait3A_599 = tpu.memref_squeeze %dma_wait3A_598 : memref<1x4x2x8x128xf32, #tpu.memory_space<hbm>> -> memref<4x2x8x128xf32, #tpu.memory_space<hbm>>
    %dma_wait3A_600 = arith.constant 0 : i32
    %dma_wait3A_601 = arith.constant 0 : i32
    %dma_wait3A_602 = arith.constant 0 : i32
    %dma_wait3A_603 = tpu.memref_slice %arg4[%dma_wait3A_588, %dma_wait3A_600, %add3A_586, %dma_wait3A_601, %dma_wait3A_602] : memref<50x4x128x8x128xf32, #tpu.memory_space<hbm>> -> memref<1x4x2x8x128xf32, #tpu.memory_space<hbm>>
    %dma_wait3A_604 = tpu.memref_squeeze %dma_wait3A_603 : memref<1x4x2x8x128xf32, #tpu.memory_space<hbm>> -> memref<4x2x8x128xf32, #tpu.memory_space<hbm>>
    %dma_wait3A_605 = arith.constant 0 : i32
    %dma_wait3A_606 = arith.constant 0 : i32
    %dma_wait3A_607 = arith.constant 0 : i32
    %dma_wait3A_608 = arith.constant 0 : i32
    %dma_wait3A_609 = tpu.memref_slice %arg7[%dma_wait3A_587, %dma_wait3A_605, %dma_wait3A_606, %dma_wait3A_607, %dma_wait3A_608] : memref<2x4x2x8x128xf32, #tpu.memory_space<vmem>> -> memref<1x4x2x8x128xf32, #tpu.memory_space<vmem>>
    %dma_wait3A_610 = tpu.memref_squeeze %dma_wait3A_609 : memref<1x4x2x8x128xf32, #tpu.memory_space<vmem>> -> memref<4x2x8x128xf32, #tpu.memory_space<vmem>>
    tpu.wait_dma2 semaphore(%arg13 : memref<!tpu.dma_semaphore, #tpu.memory_space<semaphore_mem>>) src(%dma_wait3A_610 : memref<4x2x8x128xf32, #tpu.memory_space<vmem>>) dst(%dma_wait3A_604 : memref<4x2x8x128xf32, #tpu.memory_space<hbm>>)
    return
  }
}

</mosaic_0001>

<sc_bundles>
// kernel: kernel.3.cloned.1.call-start
scs
__scs_entry_jumppad:
0x0: {  	(pc) =	sbr.rel $0x88, $3  }
0x1: {  	(tag) =	ssettag $0x0;
	lr =	simm.s32 $0x1  }
0x2: {  	[smem:$0x3F9F] =	sst lr;
	_ =	strace $0xD0000000  }
0x3: {  	_ = 	snop  }
0x4: {  	_ = 	snop  }
0x5: {  	_ = 	snop  }
0x6: {  	_ = 	snop  }
0x7: {  	_ = 	snop  }
__scs_overlays_trampoline_lowered:
0x8: {  	[smem:$0x3FAE] =	sst s0  }
0x9: {  	[smem:$0x3FAF] =	sst s1  }
0xa: {  	[smem:$0x3FB0] =	sst s2  }
0xb: {  	[smem:$0x3FB1] =	sst s3  }
0xc: {  	[smem:$0x3FB2] =	sst s4  }
0xd: {  	[smem:$0x3FB3] =	sst s5  }
0xe: {  	[smem:$0x3FB4] =	sst s6  }
0xf: {  	[smem:$0x3FB5] =	sst s7  }
0x10: {  	[smem:$0x3FB6] =	sst s8  }
0x11: {  	[smem:$0x3FB7] =	sst s9;
	s0 =	simm.s32 @!p0 $0x0  }
0x12: {  	s1 =	sld [smem:$0x3F9D];
	s0 =	simm.s32 @p0 $0x1  }
0x13: {  	[smem:$0x3FB8] =	sst s0;
	s0 =	simm.s32 @!p1 $0x0  }
0x14: {  	s2 =	sld [smem:$0x3F9C];
	s0 =	simm.s32 @p1 $0x1  }
0x15: {  	[smem:$0x3FB9] =	sst s0;
	s0 =	simm.s32 @!p2 $0x0  }
0x16: {  	s3 =	sld [smem:$0x3FDB];
	s0 =	simm.s32 @p2 $0x1  }
0x17: {  	s4 =	simm.s32 $0x1BF5;
	[smem:$0x3FBB] =	sst s0  }
0x18: {  	s0 =	sld [smem:$0x3F9E];
	_ =	swait.ge [sflag:s4], $0x0  }
0x19: {  	s7 =	sld [smem:$0x3F9F]  }
0x1a: {  	s8 =	sadd.s32 $0xFFFFE003, lr  }
0x1b: {  	s9 =	sadd.s32 $0xFFFFFEF7, lr;
	s5 =	simm.s32 $0xFFFFFFFF;
	p2 =	slt.u32 s8, $0xFFFFF086  }
0x1c: {  	p1 =	slt.u32 s9, $0xF7A;
	s5 =	simm.s32 @!p2 $0x0  }
0x1d: {  	s5 =	simm.s32 @p1 $0x1;
	p0 =	seq.s32 s7, s2  }
0x1e: {  	s7 =	smul.u32 @!p0 $0xF7A, s2;
	p2 =	seq.s32 @!p0 s5, $0x0  }
0x1f: {  	s9 =	smul.u32 $0xF7A, s1;
	s8 =	simm.s32 @!p0 $0x1BF5;
	p2 =	por !p2, p0  }
0x20: {  	[sflag:s8] =	ssyncset.s32 @!p0 $0xFFFFF086;
	s6 =	sadd.s32 @!p0 s3, s7;
	s7 =	simm.s32 @!p0 $0x108  }
0x21: {  	s3 =	sadd.s32 s3, s9;
	s6 =	sadd.s32 @!p0 $0x88, s6;
	s7 =	simm.s32 @p2 $0x1082  }
0x22: {  	[simem:s7], [sflag:s8] =	dma.local @!p0 [hbm:s6], $0xF7A  }
0x23: {  	s9 =	sor.u32 $0xD0000000, s2;
	s6 =	simm.s32 $0x108;
	_ =	swait.ge @!p0 [sflag:s8], $0x0  }
0x24: {  	s3 =	sadd.s32 $0x88, s3;
	s6 =	simm.s32 @!p1 $0x1082;
	[sflag:s4] =	ssyncset.s32 $0xFFFFF086  }
0x25: {  	[simem:s6], [sflag:s4] =	dma.local [hbm:s3], $0xF7A  }
0x26: {  	[smem:$0x3F9F] =	sst s1;
	(tag) =	ssettag s2;
	_ =	strace s9  }
0x27: {  	s1 =	sld [smem:$0x3FAF]  }
0x28: {  	s2 =	sld [smem:$0x3FB0]  }
0x29: {  	s4 =	sld [smem:$0x3FB2]  }
0x2a: {  	p0 =	seq.s32 s5, $0x0;
	s5 =	sld [smem:$0x3FB3]  }
0x2b: {  	s6 =	sld [smem:$0x3FB4]  }
0x2c: {  	s7 =	sld [smem:$0x3FB5]  }
0x2d: {  	s3 =	simm.s32 $0x108;
	s8 =	sld [smem:$0x3FB6]  }
0x2e: {  	s3 =	simm.s32 @!p0 $0x1082;
	s9 =	sld [smem:$0x3FB7]  }
0x2f: {  	lr =	sadd.s32 s0, s3;
	s0 =	sld [smem:$0x3FAE]  }
0x30: {  	s3 =	sld [smem:$0x3FB1]  }
0x31: {  	[smem:$0x3FBA] =	sst s10  }
0x32: {  	s10 =	sld [smem:$0x3FB8];
	_ =	sdelay $0x3  }
0x33: {  	p0 =	seq.s32 s10, $0x1;
	s10 =	sld [smem:$0x3FBA];
	_ =	sdelay $0x3  }
0x34: {  	[smem:$0x3FBA] =	sst s10  }
0x35: {  	s10 =	sld [smem:$0x3FB9];
	_ =	sdelay $0x3  }
0x36: {  	p1 =	seq.s32 s10, $0x1;
	s10 =	sld [smem:$0x3FBA];
	_ =	sdelay $0x3  }
0x37: {  	[smem:$0x3FBA] =	sst s10  }
0x38: {  	s10 =	sld [smem:$0x3FBB]  }
0x39: {  	_ = 	snop;
	(pc) =	sbr.ind lr, $3  }
0x3a: {  	_ = 	snop  }
0x3b: {  	_ = 	snop  }
0x3c: {  	p2 =	seq.s32 s10, $0x1;
	s10 =	sld [smem:$0x3FBA]  }
0x3d: {  	_ =	shalt  }
0x3e: {  	_ =	shalt  }
0x3f: {  	_ =	shalt  }
0x40: {  	_ =	shalt  }
0x41: {  	_ =	shalt  }
0x42: {  	_ =	shalt  }
0x43: {  	_ =	shalt  }
0x44: {  	_ =	shalt  }
0x45: {  	_ =	shalt  }
0x46: {  	_ =	shalt  }
0x47: {  	_ =	shalt  }
0x48: {  	_ =	shalt  }
0x49: {  	_ =	shalt  }
0x4a: {  	_ =	shalt  }
0x4b: {  	_ =	shalt  }
0x4c: {  	_ =	shalt  }
0x4d: {  	_ =	shalt  }
0x4e: {  	_ =	shalt  }
0x4f: {  	_ =	shalt  }
0x50: {  	_ =	shalt  }
0x51: {  	_ =	shalt  }
0x52: {  	_ =	shalt  }
0x53: {  	_ =	shalt  }
0x54: {  	_ =	shalt  }
0x55: {  	_ =	shalt  }
0x56: {  	_ =	shalt  }
0x57: {  	_ =	shalt  }
0x58: {  	_ =	shalt  }
0x59: {  	_ =	shalt  }
0x5a: {  	_ =	shalt  }
0x5b: {  	_ =	shalt  }
0x5c: {  	_ =	shalt  }
0x5d: {  	_ =	shalt  }
0x5e: {  	_ =	shalt  }
0x5f: {  	_ =	shalt  }
0x60: {  	_ =	shalt  }
0x61: {  	_ =	shalt  }
0x62: {  	_ =	shalt  }
0x63: {  	_ =	shalt  }
0x64: {  	_ =	shalt  }
0x65: {  	_ =	shalt  }
0x66: {  	_ =	shalt  }
0x67: {  	_ =	shalt  }
0x68: {  	_ =	shalt  }
0x69: {  	_ =	shalt  }
0x6a: {  	_ =	shalt  }
0x6b: {  	_ =	shalt  }
0x6c: {  	_ =	shalt  }
0x6d: {  	_ =	shalt  }
0x6e: {  	_ =	shalt  }
0x6f: {  	_ =	shalt  }
0x70: {  	_ =	shalt  }
0x71: {  	_ =	shalt  }
0x72: {  	_ =	shalt  }
0x73: {  	_ =	shalt  }
0x74: {  	_ =	shalt  }
0x75: {  	_ =	shalt  }
0x76: {  	_ =	shalt  }
0x77: {  	_ =	shalt  }
0x78: {  	_ =	shalt  }
0x79: {  	_ =	shalt  }
0x7a: {  	_ =	shalt  }
0x7b: {  	_ =	shalt  }
0x7c: {  	_ =	shalt  }
0x7d: {  	_ =	shalt  }
0x7e: {  	_ =	shalt  }
0x7f: {  	_ =	shalt  }
0x80: {  	_ =	shalt  }
0x81: {  	_ =	shalt  }
0x82: {  	_ =	shalt  }
0x83: {  	_ =	shalt  }
0x84: {  	_ =	shalt  }
0x85: {  	_ =	shalt  }
0x86: {  	_ =	shalt  }
0x87: {  	_ =	shalt  }
.Lfunc_end0:
.L_simem_size_0:
called_computation_lowered:
.L_overlay_start_0:
0x88: {  	s2 =	sld [smem:$0x3FD9]  }
0x89: {  	s3 =	sld [smem:$0x3FFE];
	_ =	sdelay $0x1  }
0x8a: {  	s1 =	srdreg.scid  }
0x8b: {  	s0 =	sand.u32 $0x1, s1  }
0x8c: {  	s17 =	sshll.u32 s0, $0xA;
	s2 =	sadd.s32 s3, s2  }
0x8d: {  	s2 =	sadd.s32 s2, s17  }
0x8e: {  	[smem:$0x3FC6] =	sst s2  }
0x8f: {  	_ = 	snop  }
0x90: {  	s2 =	sld [smem:$0x3FD0];
	(tm) =	ssettm $0x1  }
0x91: {  	s18 =	sld [smem:$0x3FFB];
	_ =	sdelay $0x3  }
0x92: {  	_ =	strace s18  }
0x93: {  	s3 =	sld [smem:$0x3FFC];
	_ =	sdelay $0x3  }
0x94: {  	_ =	strace s3  }
0x95: {  	s3 =	sld [smem:$0x3FFD];
	_ =	sdelay $0x3  }
0x96: {  	_ =	strace s3  }
0x97: {  	_ =	strace $0x8FFFFFFF  }
0x98: {  	s19 =	sld [smem:$0x3FDB];
	_ =	sdelay $0x1  }
0x99: {  	s4 =	simm.s32 $_scs_section_size  }
0x9a: {  	s5 =	simm.s32 $_size__tile_overlayer_lowered;
	s6 =	simm.s32 $_tile_overlayer_lowered  }
0x9b: {  	s22 =	simm.s32 $0x1BFF;
	s21 =	sshll.u32 s6, $0x1;
	s3 =	sadd.s32 s4, s19  }
0x9c: {  	s7 =	simm.s32 $0x0;
	s20 =	sshll.u32 s5, $0x1;
	s5 =	sadd.s32 s21, s3  }
0x9d: {  	[timem:s7], [sflag:s22] =	dma.local [hbm:s5], s20  }
0x9e: {  	_ =	swait.ge [sflag:s22], s20  }
0x9f: {  	s4 =	ssub.s32 $0x0, s20;
	[sflag:s22] =	ssyncset.done $0x0  }
0xa0: {  	[sflag:s22] =	ssyncadd.s32 s4;
	_ =	sdelay $0x1  }
0xa1: {  	s23 =	simm.s32 $0x1B8B  }
0xa2: {  	_ =	swait.ge [sflag:s23], $0x1  }
0xa3: {  	[sflag:s23] =	ssyncset.done $0x0  }
0xa4: {  	s25 =	simm.s32 $0x1B8E;
	s24 =	sld [smem:$0x3FFE];
	[sflag:s23] =	ssyncadd.s32 $0xFFFFFFFF  }
0xa5: {  	s26 =	simm.s32 $execute0_lowered;
	[smem:$0x3FD2] =	sst s25  }
0xa6: {  	s5 =	sshll.u32 s26, $0x1;
	_ =	strace $0x80000046;
	[dreg:$0x1] =	wrdreg $0xFFFFFFFF  }
0xa7: {  	s28 =	simm.s32 $_size_execute0_lowered;
	s3 =	sadd.s32 s3, s5;
	[dreg:$0x0] =	wrdreg $0x0  }
0xa8: {  	s5 =	sshll.u32 s28, $0x1;
	[dreg:$0x2] =	wrdreg s3  }
0xa9: {  	[dreg:$0x3] =	wrdreg s5  }
0xaa: {  	[dreg:$0x4] =	wrdreg $0xC0  }
0xab: {  	_ =	task [dreg:s7], $0x5FFFF  }
0xac: {  	[dreg:$0x1] =	wrdreg $0xFFFFFFFF  }
0xad: {  	[dreg:$0x0] =	wrdreg $0x60  }
0xae: {  	[dreg:$0x2] =	wrdreg s24  }
0xaf: {  	[dreg:$0x3] =	wrdreg s2  }
0xb0: {  	[dreg:$0x4] =	wrdreg $0x9  }
0xb1: {  	_ =	task.clear_ibuf [dreg:s7], $0x5FFFF;
	_ =	strace $0x90000046  }
0xb2: {  	s29 =	simm.s32 $0x9;
	_ =	strace $0x80000048  }
0xb3: {  	_ =	swait.ge [sflag:s29], $0x1  }
0xb4: {  	[sflag:s29] =	ssyncadd.s32 $0xFFFFFFFF  }
0xb5: {  	_ =	strace $0x90000048  }
0xb6: {  	_ =	sfence  }
0xb7: {  	s30 =	sld [smem:$0x0];
	_ =	sdelay $0x2  }
0xb8: {  	s31 =	sshll.u32 s1, $0xD;
	s1 =	sshrl.u32 s1, $0x2  }
0xb9: {  	s3 =	sand.u32 $0x4000, s31;
	s1 =	sadd.s32 s1, s30  }
0xba: {  	s0 =	sor.u32 s3, s0;
	s1 =	sshll.u32 s1, $0x11  }
0xbb: {  	s0 =	sor.u32 s1, s0  }
0xbc: {  	s0 =	sadd.s32 $0x8F2B, s0  }
0xbd: {  	[sflag:s0] =	ssyncadd.remote.s32 $0x1  }
0xbe: {  	_ =	sfence.sel $0xFFFF  }
0xbf: {  	[dreg:$0x0] =	wrdreg $0xFFFFFFFF;
	(pc) =	sbr.abs _section_cstart, $3  }
0xc0: {  	[dreg:$0x1] =	wrdreg $0xFFFFFFFF  }
0xc1: {  	_ =	task.clear_ibuf [dreg:s7], $0x2FFFF;
	_ =	strace $0x9FFFFFFF  }
0xc2: {  	(tm) =	ssettm $0x7FFFFFFF  }
0xc3: {  	_ =	shalt  }
tec
execute0_lowered:
.L_overlay_start_1:
0x0: {  	(tag) =	ssettag $0x1  }
0x1: {  	s0 =	rddreg [dreg:$0x0]  }
0x2: {  	s1 =	rddreg [dreg:$0x1];
	s4 =	simm.s32 $0x0;
	s3 =	srdreg.scid  }
0x3: {  	s2 =	stileid.u32;
	s16 =	simm.s32 $0x100;
	s17 =	simm.s32 $0x1  }
0x4: {  	s18 =	simm.s32 $0x200;
	s5 =	sand.u32 $0x1, s3;
	s19 =	sshll.u32 s2, $0x1  }
0x5: {  	[smem:$0x7FF] =	sst s4;
	s3 =	sadd.s32 $0xF42A00, s0;
	s6 =	sor.u32 s5, s19  }
0x6: {  	s28 =	simm.s32 $0x5;
	_ =	strace $0x80000047;
	s21 =	sshll.u32 s6, $0x9  }
0x7: {  	s7 =	sshll.u32 s6, $0x6;
	s24 =	sor.u32 $0x100, s21;
	[dreg:$0x3] =	wrdreg s21  }
0x8: {  	s29 =	simm.s32 $0x6;
	s22 =	sadd.s32 s3, s7;
	[dreg:$0x6] =	wrdreg s24  }
0x9: {  	s4 =	sadd.s32 $0xF5BA00, s0;
	s23 =	sadd.s32 $0x20, s22;
	[dreg:$0x4] =	wrdreg s22  }
0xa: {  	s20 =	ssub.s32 $0x2, s5;
	s25 =	sadd.s32 $0x800, s22;
	[dreg:$0x5] =	wrdreg s23  }
0xb: {  	s9 =	sadd.s32 s1, s21;
	s1 =	sadd.s32 s1, s24;
	[dreg:$0x7] =	wrdreg s25  }
0xc: {  	s19 =	simm.s32 $0x2;
	s26 =	sadd.s32 $0x820, s22;
	[dreg:$0x8] =	wrdreg s1  }
0xd: {  	s8 =	sshrl.u32 s20, $0x1;
	s30 =	sadd.s32 $0x310000, s9;
	[dreg:$0x9] =	wrdreg s26  }
0xe: {  	s0 =	ssub.s32 s20, s8;
	s31 =	sadd.s32 $0x310100, s9;
	[dreg:$0xa] =	wrdreg s30  }
0xf: {  	s20 =	simm.s32 $0x8200;
	s0 =	smax.u32 s0, $0x1;
	[dreg:$0xb] =	wrdreg s31  }
0x10: {  	v0 =	vlaneseq.u32;
	s21 =	simm.s32 $0x3;
	s22 =	simm.s32 $0x800;
	[dreg:$0xc] =	wrdreg s0  }
0x11: {  	v0 =	vmul.u32 $0x80, v0;
	s23 =	simm.s32 $0x20000;
	s25 =	simm.s32 $0x4;
	s26 =	simm.s32 $0x0  }
.LBB2_1:
0x12: {  	[dreg:$0xd] =	wrdreg s26  }
0x13: {  	s2 =	simm.s32 $0x0;
	s0 =	rddreg [dreg:$0x4]  }
0x14: {  	[tilespmem:s2], [sflag:$0x1] =	stream.linear.gather [hbm4b:s0+s2], $0x100, $0x38;
	[tilespmem:$0x14200] =	vst v63  }
0x15: {  	s14 =	rddreg [dreg:$0x5];
	s15 =	simm.s32 $0x0  }
0x16: {  	[tilespmem:s16], [sflag:$0x2] =	stream.linear.gather [hbm4b:s14+s2], $0x100, $0x38;
	[tilespmem:$0x14200] =	vst v63  }
0x17: {  	s0 =	sand.u32 $0xFFFFFF80, s15;
	_ =	swait.ge [sflag:s17], $0x100  }
0x18: {  	s1 =	sor.u32 $0x10, s0;
	[sflag:s17] =	ssyncset.done $0x0  }
0x19: {  	v1 =	vmov s0;
	s6 =	sor.u32 $0x60, s0;
	s24 =	sor.u32 $0x30, s0;
	[sflag:s17] =	ssyncadd.s32 $0xFFFFFF00  }
0x1a: {  	v1 =	vshll.u32 v1, $0x7;
	[tilespmem:s18], [sflag:$0x3] =	stream.indirect.gather [hbm4b:s4+s16], $0x80, s2, s16, $0xb8;
	[tilespmem:$0x14200] =	vst v63  }
0x1b: {  	s30 =	sor.u32 $0x40, s0;
	v2 =	vmov s1;
	v3 =	vmov s6;
	v4 =	vmov s24;
	_ =	swait.ge [sflag:s19], $0x100  }
0x1c: {  	s26 =	sand.u32 $0x6, s2;
	v5 =	vmov s30;
	v1 =	vor.u32 v0, v1;
	v2 =	vshll.u32 v2, $0x7;
	[sflag:s19] =	ssyncset.done $0x0  }
0x1d: {  	v4 =	vshll.u32 v4, $0x7;
	v7 =	vor.u32 s26, v1;
	v2 =	vor.u32 v0, v2;
	[sflag:s19] =	ssyncadd.s32 $0xFFFFFF00  }
0x1e: {  	v5 =	vshll.u32 v5, $0x7;
	v4 =	vor.u32 v0, v4;
	v8 =	vor.u32 s26, v2;
	[tilespmem:s20], [sflag:$0x4] =	stream.indirect.gather [hbm4b:s4+s16], $0x80, s16, s16, $0xb8;
	[tilespmem:$0x14200] =	vst v63  }
0x1f: {  	v3 =	vshll.u32 v3, $0x7;
	v5 =	vor.u32 v0, v5;
	v9 =	vor.u32 s26, v4;
	s2 =	sor.u32 $0x50, s0;
	_ =	swait.ge [sflag:s21], $0x8000  }
0x20: {  	v3 =	vor.u32 v0, v3;
	v10 =	vor.u32 s26, v5;
	v6 =	vmov s2;
	[sflag:s21] =	ssyncset.done $0x0  }
0x21: {  	s12 =	sor.u32 $0x1, s26;
	v11 =	vor.u32 s26, v3;
	v6 =	vshll.u32 v6, $0x7;
	[sflag:s21] =	ssyncadd.s32 $0xFFFF8000  }
0x22: {  	v20 =	vor.u32 s12, v4;
	v6 =	vor.u32 v0, v6;
	v13 =	vld.idx.msk [tilespmem:v7+s18+$0x0], $0xffff  }
0x23: {  	s10 =	simm.s32 $0x20;
	v12 =	vor.u32 s26, v6;
	v14 =	vld.idx.msk [tilespmem:v8+s18+$0x0], $0xffff  }
0x24: {  	s7 =	simm.s32 $0x0;
	s11 =	sand.u32 $0xFFFFFF80, s10;
	s5 =	sor.u32 $0x20, s0;
	v15 =	vor.u32 s12, v5;
	v9 =	vld.idx.msk [tilespmem:v9+s18+$0x0], $0xffff  }
0x25: {  	v23 =	vmov s11;
	s1 =	sand.u32 $0x3FFFFC00, s7;
	v16 =	vor.u32 s12, v1;
	s0 =	sor.u32 $0x70, s0;
	v7 =	vmov s5;
	v10 =	vld.idx.msk [tilespmem:v10+s18+$0x0], $0xffff  }
0x26: {  	s8 =	sshll.u32 s26, $0x7;
	s13 =	sadd.s32 $0x10200, s1;
	v17 =	vor.u32 s12, v6;
	v8 =	vmov s0;
	v11 =	vld.idx.msk [tilespmem:v11+s18+$0x0], $0xffff;
	v7 =	vshll.u32 v7, $0x7  }
0x27: {  	s10 =	sor.u32 $0x10, s11;
	v19 =	vor.u32 s12, v3;
	s0 =	sadd.s32 s8, s13;
	v27 =	vld.idx.msk [tilespmem:v20+s18+$0x0], $0xffff;
	v18 =	vshll.u32 v8, $0x7;
	v8 =	vor.u32 v0, v7  }
0x28: {  	s15 =	sor.u32 $0x30, s11;
	v24 =	vmov s10;
	v12 =	vld.idx.msk [tilespmem:v12+s18+$0x0], $0xffff;
	v7 =	vor.u32 v0, v18;
	v18 =	vor.u32 s26, v8;
	[tilespmem:s0+$0x0] =	vst v13  }
0x29: {  	v23 =	vshll.u32 v23, $0x7;
	s24 =	sor.u32 $0x50, s11;
	v25 =	vmov s15;
	v22 =	vor.u32 s12, v7;
	v13 =	vld.idx.msk [tilespmem:v15+s18+$0x0], $0xffff;
	[tilespmem:s0+$0x10] =	vst v14  }
0x2a: {  	v23 =	vor.u32 v0, v23;
	v26 =	vmov s24;
	v15 =	vor.u32 s12, v2;
	v14 =	vld.idx.msk [tilespmem:v16+s18+$0x0], $0xffff;
	[tilespmem:s0+$0x30] =	vst v9  }
0x2b: {  	s7 =	simm.s32 $0x2;
	s15 =	sor.u32 $0x40, s11;
	v24 =	vshll.u32 v24, $0x7;
	v21 =	vor.u32 s26, v7;
	v16 =	vor.u32 s12, v8;
	v9 =	vld.idx.msk [tilespmem:v17+s18+$0x0], $0xffff;
	[tilespmem:s0+$0x40] =	vst v10  }
0x2c: {  	s14 =	sor.u32 $0x60, s11;
	s10 =	sand.u32 $0x6, s7;
	v10 =	vld.idx.msk [tilespmem:v19+s18+$0x0], $0xffff;
	s12 =	sshll.u32 s12, $0x7;
	[tilespmem:s0+$0x60] =	vst v11;
	v11 =	vor.u32 v0, v24;
	v24 =	vshll.u32 v25, $0x7;
	v25 =	vmov s15  }
0x2d: {  	v17 =	vmov s14;
	v19 =	vor.u32 s10, v23;
	[tilespmem:s0+$0x50] =	vst v12;
	s13 =	sadd.s32 s12, s13;
	v12 =	vshll.u32 v25, $0x7;
	v18 =	vld.idx.msk [tilespmem:v18+s18+$0x0], $0xffff  }
0x2e: {  	v28 =	vor.u32 s10, v11;
	v24 =	vor.u32 v0, v24;
	v25 =	vor.u32 v0, v12;
	[tilespmem:s13+$0x30] =	vst v27;
	v29 =	vld.idx.msk [tilespmem:v22+s18+$0x0], $0xffff  }
0x2f: {  	v12 =	vshll.u32 v26, $0x7;
	v22 =	vor.u32 s10, v24;
	[tilespmem:s13+$0x0] =	vst v14;
	v26 =	vld.idx.msk [tilespmem:v15+s18+$0x0], $0xffff;
	v14 =	vshll.u32 v17, $0x7  }
0x30: {  	s26 =	sor.u32 $0x70, s11;
	v30 =	vor.u32 s10, v25;
	[tilespmem:s13+$0x40] =	vst v13;
	v13 =	vld.idx.msk [tilespmem:v16+s18+$0x0], $0xffff;
	v15 =	vor.u32 v0, v14  }
0x31: {  	s6 =	sor.u32 $0x20, s11;
	v31 =	vor.u32 v0, v12;
	[tilespmem:s13+$0x50] =	vst v9;
	v9 =	vmov s26;
	v16 =	vld.idx.msk [tilespmem:v21+s18+$0x0], $0xffff;
	v20 =	vor.u32 s10, v15  }
0x32: {  	s31 =	sor.u32 $0x1, s10;
	v12 =	vor.u32 s10, v31;
	[tilespmem:s13+$0x60] =	vst v10;
	v10 =	vmov s6;
	v14 =	vld.idx.msk [tilespmem:v19+s18+$0x0], $0xffff;
	v9 =	vshll.u32 v9, $0x7  }
0x33: {  	s30 =	simm.s32 $0x100;
	v21 =	vor.u32 s31, v25;
	v17 =	vld.idx.msk [tilespmem:v28+s18+$0x0], $0xffff;
	v25 =	vor.u32 v0, v9;
	[tilespmem:s0+$0x20] =	vst v18;
	v18 =	vshll.u32 v10, $0x7  }
0x34: {  	s15 =	sshll.u32 s10, $0x7;
	s12 =	sand.u32 $0x3FFFFC00, s30;
	v10 =	vor.u32 s31, v24;
	[tilespmem:s13+$0x70] =	vst v29;
	v24 =	vor.u32 v0, v18;
	v18 =	vld.idx.msk [tilespmem:v22+s18+$0x0], $0xffff;
	v22 =	vor.u32 s31, v23  }
0x35: {  	s14 =	sshll.u32 s31, $0x7;
	v11 =	vor.u32 s31, v11;
	s12 =	sadd.s32 $0x10200, s12;
	s6 =	simm.s32 $0x10;
	v19 =	vld.idx.msk [tilespmem:v30+s18+$0x0], $0xffff;
	v9 =	vor.u32 s10, v25;
	v23 =	vor.u32 s31, v31;
	[tilespmem:s13+$0x10] =	vst v26  }
.LBB2_2:
0x36: {  	s6 =	sadd.s32 $0x10, s6;
	v26 =	vor.u32 s10, v24;
	v20 =	vld.idx.msk [tilespmem:v20+s18+$0x0], $0xffff;
	v15 =	vor.u32 s31, v15;
	v25 =	vor.u32 s31, v25;
	[tilespmem:s13+$0x20] =	vst v13  }
0x37: {  	v13 =	vor.u32 s31, v24;
	s10 =	sshll.u32 s6, $0x1;
	s13 =	sshll.u32 s6, $0x4;
	v12 =	vld.idx.msk [tilespmem:v12+s18+$0x0], $0xffff;
	[tilespmem:s0+$0x70] =	vst v16;
	s0 =	sadd.s32 s15, s12  }
0x38: {  	s7 =	sadd.s32 $0x2, s7;
	s15 =	sand.u32 $0xFFFFFF80, s10;
	s13 =	sand.u32 $0x3FFFFC00, s13;
	[tilespmem:s0+$0x0] =	vst v14;
	v14 =	vld.idx.msk [tilespmem:v21+s18+$0x0], $0xffff  }
0x39: {  	v16 =	vmov s15;
	s10 =	sor.u32 $0x10, s15;
	s24 =	sor.u32 $0x40, s15;
	s30 =	sor.u32 $0x60, s15;
	[tilespmem:s0+$0x10] =	vst v17;
	v17 =	vld.idx.msk [tilespmem:v22+s18+$0x0], $0xffff  }
0x3a: {  	s31 =	sor.u32 $0x20, s15;
	s26 =	sor.u32 $0x30, s15;
	s2 =	sor.u32 $0x50, s15;
	v16 =	vshll.u32 v16, $0x7;
	v21 =	vmov s10;
	v22 =	vmov s30;
	[tilespmem:s0+$0x30] =	vst v18;
	v18 =	vld.idx.msk [tilespmem:v23+s18+$0x0], $0xffff  }
0x3b: {  	s10 =	sand.u32 $0x6, s7;
	s30 =	sadd.s32 $0x10200, s13;
	v23 =	vor.u32 v0, v16;
	v16 =	vmov s26;
	v22 =	vshll.u32 v22, $0x7;
	s26 =	sor.u32 $0x70, s15;
	[tilespmem:s0+$0x40] =	vst v19;
	v19 =	vld.idx.msk [tilespmem:v15+s18+$0x0], $0xffff  }
0x3c: {  	p0 =	slt.u32 s6, $0x70;
	s15 =	sshll.u32 s10, $0x7;
	v15 =	vshll.u32 v21, $0x7;
	v21 =	vmov s2;
	v24 =	vor.u32 s10, v23;
	v26 =	vld.idx.msk [tilespmem:v26+s18+$0x0], $0xffff;
	[tilespmem:s0+$0x60] =	vst v20  }
0x3d: {  	s13 =	sadd.s32 s14, s12;
	s12 =	smov.u32 s30;
	v27 =	vor.u32 v0, v15;
	v15 =	vshll.u32 v16, $0x7;
	v16 =	vmov s24;
	[tilespmem:s0+$0x50] =	vst v12;
	v28 =	vld.idx.msk [tilespmem:v10+s18+$0x0], $0xffff  }
0x3e: {  	v10 =	vor.u32 s10, v27;
	v29 =	vor.u32 v0, v15;
	v12 =	vshll.u32 v16, $0x7;
	[tilespmem:s13+$0x40] =	vst v14;
	v30 =	vld.idx.msk [tilespmem:v25+s18+$0x0], $0xffff  }
0x3f: {  	v25 =	vor.u32 s10, v29;
	v31 =	vor.u32 v0, v12;
	v12 =	vshll.u32 v21, $0x7;
	[tilespmem:s13+$0x0] =	vst v17;
	v32 =	vld.idx.msk [tilespmem:v11+s18+$0x0], $0xffff  }
0x40: {  	v15 =	vor.u32 v0, v22;
	v11 =	vor.u32 s10, v31;
	v33 =	vor.u32 v0, v12;
	v13 =	vld.idx.msk [tilespmem:v13+s18+$0x0], $0xffff;
	[tilespmem:s13+$0x50] =	vst v18  }
.Ltmp0:
0x41: {  	v20 =	vor.u32 s10, v15;
	v17 =	vmov s26;
	v12 =	vor.u32 s10, v33;
	v16 =	vld.idx.msk [tilespmem:v9+s18+$0x0], $0xffff;
	[tilespmem:s13+$0x60] =	vst v19;
	(pc) =	sbr.rel @p0 .LBB2_2-.Ltmp0, $4  }
0x42: {  	v9 =	vmov s31;
	v19 =	vshll.u32 v17, $0x7;
	s31 =	sor.u32 $0x1, s10;
	v14 =	vld.idx.msk [tilespmem:v24+s18+$0x0], $0xffff;
	[tilespmem:s0+$0x20] =	vst v26  }
0x43: {  	v9 =	vshll.u32 v9, $0x7;
	s14 =	sshll.u32 s31, $0x7;
	v21 =	vor.u32 s31, v31;
	v17 =	vld.idx.msk [tilespmem:v10+s18+$0x0], $0xffff;
	v10 =	vor.u32 s31, v29;
	[tilespmem:s13+$0x30] =	vst v28  }
0x44: {  	v22 =	vor.u32 s31, v23;
	v24 =	vor.u32 v0, v9;
	v18 =	vld.idx.msk [tilespmem:v25+s18+$0x0], $0xffff;
	v25 =	vor.u32 v0, v19;
	[tilespmem:s13+$0x70] =	vst v30  }
0x45: {  	v23 =	vor.u32 s31, v33;
	v19 =	vld.idx.msk [tilespmem:v11+s18+$0x0], $0xffff;
	v9 =	vor.u32 s10, v25;
	v11 =	vor.u32 s31, v27;
	[tilespmem:s13+$0x10] =	vst v32  }
0x46: {  	_ =	sdelay $0x2  }
0x47: {  	[tilespmem:s13+$0x20] =	vst v13  }
0x48: {  	v13 =	vld.idx.msk [tilespmem:v20+s18+$0x0], $0xffff;
	s2 =	sadd.s32 s15, s12;
	[tilespmem:s0+$0x70] =	vst v16  }
0x49: {  	v12 =	vld.idx.msk [tilespmem:v12+s18+$0x0], $0xffff;
	[tilespmem:s2+$0x0] =	vst v14  }
0x4a: {  	v54 =	vld.idx.msk [tilespmem:v22+s18+$0x0], $0xffff;
	[tilespmem:s2+$0x10] =	vst v17  }
0x4b: {  	v15 =	vor.u32 s31, v15;
	v10 =	vld.idx.msk [tilespmem:v10+s18+$0x0], $0xffff;
	[tilespmem:s2+$0x30] =	vst v18  }
0x4c: {  	v16 =	vor.u32 s10, v24;
	v11 =	vld.idx.msk [tilespmem:v11+s18+$0x0], $0xffff;
	[tilespmem:s2+$0x40] =	vst v19  }
0x4d: {  	v14 =	vld.idx.msk [tilespmem:v21+s18+$0x0], $0xffff;
	v17 =	vor.u32 s31, v25;
	[tilespmem:s2+$0x60] =	vst v13  }
0x4e: {  	s6 =	sadd.s32 s14, s12;
	s0 =	simm.s32 $0x0;
	v9 =	vld.idx.msk [tilespmem:v9+s18+$0x0], $0xffff;
	v19 =	vor.u32 s31, v24;
	[tilespmem:s2+$0x50] =	vst v12  }
0x4f: {  	v18 =	vld.idx.msk [tilespmem:v23+s18+$0x0], $0xffff;
	v12 =	vmov s0;
	[tilespmem:s6+$0x0] =	vst v54  }
0x50: {  	v15 =	vld.idx.msk [tilespmem:v15+s18+$0x0], $0xffff;
	[tilespmem:s6+$0x30] =	vst v10;
	v12 =	vand.u32 $0x7, v12  }
0x51: {  	v13 =	vld.idx.msk [tilespmem:v16+s18+$0x0], $0xffff;
	[tilespmem:s6+$0x10] =	vst v11;
	v12 =	vor.u32 $0x8, v12  }
0x52: {  	[tilespmem:s6+$0x40] =	vst v14;
	v14 =	vld.idx.msk [tilespmem:v17+s18+$0x0], $0xffff;
	v12 =	vbroadcast v12, $0x0  }
0x53: {  	[tilespmem:s2+$0x70] =	vst v9;
	v16 =	vld.idx.msk [tilespmem:v19+s18+$0x0], $0xffff  }
0x54: {  	s7 =	sor.u32 $0x9, s0;
	[tilespmem:s6+$0x50] =	vst v18;
	v10 =	vor.u32 v12, v6  }
0x55: {  	[tilespmem:s6+$0x60] =	vst v15;
	v15 =	vmov s7;
	v11 =	vor.u32 v12, v3  }
0x56: {  	[tilespmem:s2+$0x20] =	vst v13;
	v9 =	vor.u32 v12, v7;
	v13 =	vand.u32 $0x7, v15  }
0x57: {  	v13 =	vor.u32 $0x8, v13;
	[tilespmem:s6+$0x70] =	vst v14;
	v14 =	vor.u32 v12, v5  }
0x58: {  	v13 =	vbroadcast v13, $0x0;
	[tilespmem:s6+$0x20] =	vst v16;
	v16 =	vor.u32 v12, v4  }
0x59: {  	v17 =	vor.u32 v12, v2;
	v10 =	vld.idx.msk [tilespmem:v10+s18+$0x0], $0xffff  }
0x5a: {  	s30 =	sand.u32 $0xC00, s0;
	v15 =	vor.u32 v1, v13;
	v11 =	vld.idx.msk [tilespmem:v11+s18+$0x0], $0xffff  }
0x5b: {  	s2 =	sshrl.u32 s30, $0x2;
	v6 =	vor.u32 v13, v6;
	v9 =	vld.idx.msk [tilespmem:v9+s18+$0x0], $0xffff  }
0x5c: {  	v18 =	vor.u32 v12, v8;
	s6 =	sor.u32 s2, s1;
	v5 =	vor.u32 v13, v5;
	v14 =	vld.idx.msk [tilespmem:v14+s18+$0x0], $0xffff  }
0x5d: {  	s31 =	simm.s32 $0x20;
	v4 =	vor.u32 v13, v4;
	v7 =	vor.u32 v13, v7;
	s7 =	sadd.s32 $0x10A00, s6;
	v1 =	vor.u32 v1, v12;
	v12 =	vld.idx.msk [tilespmem:v16+s18+$0x0], $0xffff  }
0x5e: {  	s1 =	simm.s32 $0x2;
	s2 =	sand.u32 $0xFFFFFF80, s31;
	v8 =	vor.u32 v13, v8;
	v3 =	vor.u32 v13, v3;
	v16 =	vld.idx.msk [tilespmem:v17+s18+$0x0], $0xffff;
	[tilespmem:s7+$0x50] =	vst v10  }
0x5f: {  	v19 =	vmov s1;
	v2 =	vor.u32 v13, v2;
	v13 =	vmov s2;
	s15 =	sor.u32 $0x40, s2;
	s24 =	sor.u32 $0x50, s2;
	v15 =	vld.idx.msk [tilespmem:v15+s18+$0x0], $0xffff;
	[tilespmem:s7+$0x60] =	vst v11  }
0x60: {  	v55 =	vmov s15;
	v56 =	vmov s24;
	v6 =	vld.idx.msk [tilespmem:v6+s18+$0x0], $0xffff;
	[tilespmem:s7+$0x70] =	vst v9  }
0x61: {  	v13 =	vshll.u32 v13, $0x7;
	v58 =	vshll.u32 v56, $0x7;
	v10 =	vand.u32 $0x7, v19;
	v5 =	vld.idx.msk [tilespmem:v5+s18+$0x0], $0xffff;
	[tilespmem:s7+$0x40] =	vst v14  }
0x62: {  	s14 =	sor.u32 $0x30, s2;
	v62 =	vor.u32 v0, v13;
	v20 =	vor.u32 v0, v58;
	v57 =	vld.idx.msk [tilespmem:v7+s18+$0x0], $0xffff;
	v10 =	vor.u32 $0x8, v10;
	[tilespmem:s7+$0x30] =	vst v12  }
0x63: {  	s5 =	sor.u32 $0x9, s1;
	s8 =	sor.u32 $0x10, s2;
	v11 =	vmov s14;
	v7 =	vshll.u32 v55, $0x7;
	v8 =	vld.idx.msk [tilespmem:v8+s18+$0x0], $0xffff;
	v19 =	vbroadcast v10, $0x0;
	[tilespmem:s7+$0x10] =	vst v16  }
0x64: {  	v3 =	vld.idx.msk [tilespmem:v3+s18+$0x0], $0xffff;
	v14 =	vmov s5;
	v10 =	vmov s8;
	[tilespmem:s7+$0x80] =	vst v15;
	v15 =	vor.u32 v0, v7  }
0x65: {  	s26 =	sor.u32 $0x60, s2;
	v14 =	vand.u32 $0x7, v14;
	v59 =	vor.u32 v19, v20;
	[tilespmem:s7+$0xD0] =	vst v6;
	v12 =	vor.u32 v19, v15  }
0x66: {  	v61 =	vld.idx.msk [tilespmem:v1+s18+$0x0], $0xffff;
	v7 =	vmov s26;
	v6 =	vshll.u32 v10, $0x7;
	v10 =	vshll.u32 v11, $0x7;
	[tilespmem:s7+$0xC0] =	vst v5  }
0x67: {  	s11 =	sor.u32 $0x20, s2;
	s2 =	sor.u32 $0x70, s2;
	v60 =	vld.idx.msk [tilespmem:v4+s18+$0x0], $0xffff;
	v11 =	vor.u32 $0x8, v14;
	[tilespmem:s7+$0xF0] =	vst v57;
	v4 =	vor.u32 v0, v10;
	v10 =	vshll.u32 v7, $0x7  }
0x68: {  	v16 =	vld.idx.msk [tilespmem:v18+s18+$0x0], $0xffff;
	v14 =	vmov s2;
	[tilespmem:s7+$0xA0] =	vst v8;
	v18 =	vbroadcast v11, $0x0;
	v5 =	vor.u32 v0, v10  }
0x69: {  	v17 =	vmov s11;
	[tilespmem:s7+$0xE0] =	vst v3;
	v1 =	vshll.u32 v14, $0x7;
	v63 =	vor.u32 v19, v5  }
0x6a: {  	v6 =	vor.u32 v0, v6;
	v26 =	vor.u32 v62, v18;
	v9 =	vld.idx.msk [tilespmem:v12+s18+$0x0], $0xffff;
	v12 =	vor.u32 v0, v1  }
0x6b: {  	v2 =	vld.idx.msk [tilespmem:v2+s18+$0x0], $0xffff;
	[tilespmem:s6+$0x10A00] =	vst v61;
	v7 =	vor.u32 v19, v4;
	v10 =	vshll.u32 v17, $0x7;
	v13 =	vor.u32 v19, v12  }
0x6c: {  	s30 =	simm.s32 $0x400;
	v17 =	vor.u32 v19, v6;
	v8 =	vor.u32 v0, v10;
	v10 =	vor.u32 v18, v15;
	v11 =	vld.idx.msk [tilespmem:v59+s18+$0x0], $0xffff  }
0x6d: {  	s31 =	simm.s32 $0x100;
	s2 =	sand.u32 $0xC00, s30;
	[tilespmem:s7+$0xB0] =	vst v60;
	v14 =	vor.u32 v18, v20;
	v5 =	vor.u32 v18, v5;
	v6 =	vor.u32 v18, v6  }
0x6e: {  	s10 =	sand.u32 $0x3FFFFC00, s31;
	s2 =	sshrl.u32 s2, $0x2;
	v3 =	vor.u32 v19, v8;
	v8 =	vor.u32 v18, v8;
	[tilespmem:s7+$0x20] =	vst v16;
	v16 =	vld.idx.msk [tilespmem:v63+s18+$0x0], $0xffff  }
0x6f: {  	s12 =	simm.s32 $0x800;
	s6 =	simm.s32 $0x10;
	s10 =	sor.u32 s2, s10;
	v1 =	vor.u32 v18, v4;
	v4 =	vor.u32 v62, v19;
	v12 =	vor.u32 v18, v12;
	v15 =	vld.idx.msk [tilespmem:v26+s18+$0x0], $0xffff  }
.LBB2_4:
0x70: {  	s6 =	sadd.s32 $0x10, s6;
	v13 =	vld.idx.msk [tilespmem:v13+s18+$0x0], $0xffff;
	s1 =	sadd.s32 $0x2, s1;
	[tilespmem:s7+$0x90] =	vst v2;
	s7 =	sadd.s32 $0x10A00, s10  }
0x71: {  	s2 =	sshll.u32 s6, $0x1;
	v2 =	vmov s1;
	s13 =	sshll.u32 s6, $0x4;
	p0 =	slt.u32 s6, $0x70;
	v7 =	vld.idx.msk [tilespmem:v7+s18+$0x0], $0xffff;
	[tilespmem:s7+$0x50] =	vst v11  }
0x72: {  	s14 =	sor.u32 $0x9, s1;
	s2 =	sand.u32 $0xFFFFFF80, s2;
	v2 =	vand.u32 $0x7, v2;
	s13 =	sand.u32 $0x3FFFFC00, s13;
	[tilespmem:s7+$0x40] =	vst v9;
	v9 =	vld.idx.msk [tilespmem:v14+s18+$0x0], $0xffff  }
0x73: {  	v14 =	vmov s14;
	v11 =	vmov s2;
	v2 =	vor.u32 $0x8, v2;
	s15 =	sor.u32 $0x10, s2;
	s24 =	sor.u32 $0x20, s2;
	s26 =	sor.u32 $0x60, s2;
	v17 =	vld.idx.msk [tilespmem:v17+s18+$0x0], $0xffff  }
0x74: {  	s14 =	sor.u32 $0x30, s2;
	v18 =	vbroadcast v2, $0x0;
	v19 =	vmov s15;
	v20 =	vmov s24;
	s15 =	sor.u32 $0x40, s2;
	s24 =	sor.u32 $0x50, s2;
	[tilespmem:s7+$0x60] =	vst v16;
	v10 =	vld.idx.msk [tilespmem:v10+s18+$0x0], $0xffff  }
0x75: {  	v16 =	vmov s14;
	s2 =	sor.u32 $0x70, s2;
	v2 =	vmov s15;
	v21 =	vmov s24;
	v12 =	vld.idx.msk [tilespmem:v12+s18+$0x0], $0xffff  }
0x76: {  	v14 =	vand.u32 $0x7, v14;
	v2 =	vshll.u32 v2, $0x7;
	v21 =	vshll.u32 v21, $0x7;
	[tilespmem:s7+$0x80] =	vst v15;
	v8 =	vld.idx.msk [tilespmem:v8+s18+$0x0], $0xffff  }
0x77: {  	v11 =	vshll.u32 v11, $0x7;
	v15 =	vor.u32 v0, v2;
	v21 =	vor.u32 v0, v21;
	[tilespmem:s7+$0x30] =	vst v7;
	v2 =	vld.idx.msk [tilespmem:v6+s18+$0x0], $0xffff  }
0x78: {  	v7 =	vmov s26;
	v6 =	vor.u32 v18, v15;
	v22 =	vor.u32 v18, v21;
	[tilespmem:s7+$0xD0] =	vst v9;
	v5 =	vld.idx.msk [tilespmem:v5+s18+$0x0], $0xffff  }
0x79: {  	v14 =	vor.u32 $0x8, v14;
	v19 =	vshll.u32 v19, $0x7;
	v9 =	vshll.u32 v16, $0x7;
	[tilespmem:s7+$0x10] =	vst v17;
	v23 =	vld.idx.msk [tilespmem:v1+s18+$0x0], $0xffff  }
0x7a: {  	v16 =	vmov s2;
	v1 =	vor.u32 v0, v9;
	v9 =	vshll.u32 v7, $0x7;
	v17 =	vld.idx.msk [tilespmem:v3+s18+$0x0], $0xffff;
	[tilespmem:s7+$0xC0] =	vst v10  }
0x7b: {  	v25 =	vbroadcast v14, $0x0;
	v7 =	vor.u32 v18, v1;
	v24 =	vor.u32 v0, v9;
	v4 =	vld.idx.msk [tilespmem:v4+s18+$0x0], $0xffff;
	[tilespmem:s7+$0xF0] =	vst v12  }
0x7c: {  	v26 =	vor.u32 v0, v11;
	v3 =	vshll.u32 v16, $0x7;
	v12 =	vor.u32 v18, v24;
	[tilespmem:s7+$0x70] =	vst v13  }
0x7d: {  	v10 =	vshll.u32 v20, $0x7;
	v20 =	vor.u32 v26, v25;
	v9 =	vld.idx.msk [tilespmem:v6+s18+$0x0], $0xffff;
	v6 =	vor.u32 v0, v3;
	[tilespmem:s7+$0xA0] =	vst v8  }
.Ltmp1:
0x7e: {  	v1 =	vor.u32 v25, v1;
	v8 =	vor.u32 v0, v10;
	v11 =	vld.idx.msk [tilespmem:v22+s18+$0x0], $0xffff;
	v13 =	vor.u32 v18, v6;
	(pc) =	sbr.rel @p0 .LBB2_4-.Ltmp1, $4  }
0x7f: {  	v19 =	vor.u32 v0, v19;
	v14 =	vor.u32 v25, v21;
	v10 =	vor.u32 v25, v15;
	[tilespmem:s7+$0xE0] =	vst v5  }
0x80: {  	s2 =	sand.u32 $0xC00, s12;
	v3 =	vor.u32 v18, v8;
	v8 =	vor.u32 v25, v8;
	v5 =	vor.u32 v25, v24;
	[tilespmem:s7+$0x20] =	vst v17  }
0x81: {  	s2 =	sshrl.u32 s2, $0x2;
	v17 =	vor.u32 v18, v19;
	v16 =	vld.idx.msk [tilespmem:v12+s18+$0x0], $0xffff;
	v12 =	vor.u32 v25, v6;
	[tilespmem:s10+$0x10A00] =	vst v4  }
0x82: {  	s12 =	sadd.s32 $0x400, s12;
	v4 =	vor.u32 v26, v18;
	s10 =	sor.u32 s2, s13;
	v6 =	vor.u32 v25, v19;
	v15 =	vld.idx.msk [tilespmem:v20+s18+$0x0], $0xffff;
	[tilespmem:s7+$0xB0] =	vst v23  }
0x83: {  	_ =	sdelay $0x3  }
0x84: {  	[tilespmem:s7+$0x90] =	vst v2;
	v2 =	vld.idx.msk [tilespmem:v7+s18+$0x0], $0xffff  }
0x85: {  	s6 =	sadd.s32 $0x10A00, s10;
	v7 =	vld.idx.msk [tilespmem:v14+s18+$0x0], $0xffff  }
0x86: {  	v10 =	vld.idx.msk [tilespmem:v10+s18+$0x0], $0xffff;
	[tilespmem:s6+$0x50] =	vst v11  }
0x87: {  	v5 =	vld.idx.msk [tilespmem:v5+s18+$0x0], $0xffff;
	[tilespmem:s6+$0x40] =	vst v9  }
0x88: {  	v9 =	vld.idx.msk [tilespmem:v17+s18+$0x0], $0xffff;
	[tilespmem:s6+$0x60] =	vst v16  }
0x89: {  	v11 =	vld.idx.msk [tilespmem:v12+s18+$0x0], $0xffff;
	[tilespmem:s6+$0x80] =	vst v15  }
0x8a: {  	v3 =	vld.idx.msk [tilespmem:v3+s18+$0x0], $0xffff;
	[tilespmem:s6+$0x30] =	vst v2  }
0x8b: {  	s1 =	sand.u32 $0x6, s0;
	s14 =	simm.s32 $0x0;
	v4 =	vld.idx.msk [tilespmem:v4+s18+$0x0], $0xffff;
	[tilespmem:s6+$0xD0] =	vst v7  }
0x8c: {  	s2 =	sor.u32 $0x11, s1;
	s0 =	sand.u32 $0xFFFFFF80, s14;
	v2 =	vld.idx.msk [tilespmem:v8+s18+$0x0], $0xffff;
	v7 =	vmov s1;
	[tilespmem:s6+$0xC0] =	vst v10  }
0x8d: {  	v6 =	vld.idx.msk [tilespmem:v6+s18+$0x0], $0xffff;
	v8 =	vmov s2;
	[tilespmem:s6+$0x10] =	vst v9;
	v7 =	vor.u32 $0x10, v7;
	v9 =	vmov s0  }
0x8e: {  	v12 =	vld.idx.msk [tilespmem:v13+s18+$0x0], $0xffff;
	s15 =	sor.u32 $0x50, s0;
	s26 =	sor.u32 $0x40, s0;
	[tilespmem:s6+$0xF0] =	vst v11;
	v11 =	vbroadcast v8, $0x0;
	v10 =	vbroadcast v7, $0x0;
	v7 =	vshll.u32 v9, $0x7  }
0x8f: {  	[tilespmem:s6+$0xE0] =	vst v5;
	v8 =	vmov s15;
	v9 =	vld.idx.msk [tilespmem:v1+s18+$0x0], $0xffff;
	v1 =	vor.u32 v0, v7;
	v7 =	vmov s26  }
0x90: {  	s30 =	sor.u32 $0x70, s0;
	[tilespmem:s6+$0x20] =	vst v3;
	v8 =	vshll.u32 v8, $0x7;
	v5 =	vshll.u32 v7, $0x7  }
0x91: {  	v7 =	vmov s30;
	v14 =	vor.u32 v1, v11;
	[tilespmem:s6+$0xA0] =	vst v2;
	v2 =	vor.u32 v0, v8  }
0x92: {  	[tilespmem:s10+$0x10A00] =	vst v4;
	v3 =	vor.u32 v0, v5;
	v5 =	vshll.u32 v7, $0x7;
	v8 =	vor.u32 v2, v11  }
0x93: {  	s12 =	sor.u32 $0x20, s0;
	[tilespmem:s6+$0x90] =	vst v6;
	v15 =	vor.u32 v2, v10;
	v4 =	vor.u32 v0, v5  }
0x94: {  	s24 =	sor.u32 $0x10, s0;
	s31 =	sor.u32 $0x30, s0;
	v13 =	vmov s12;
	[tilespmem:s6+$0x70] =	vst v12;
	s0 =	sor.u32 $0x60, s0;
	v16 =	vor.u32 v4, v10  }
0x95: {  	v6 =	vmov s0;
	v5 =	vmov s31;
	[tilespmem:s6+$0xB0] =	vst v9;
	v17 =	vor.u32 v4, v11  }
0x96: {  	v6 =	vshll.u32 v6, $0x7;
	v9 =	vor.u32 v3, v10;
	v5 =	vshll.u32 v5, $0x7;
	v14 =	vld.idx.msk [tilespmem:v14+s18+$0x0], $0xffff  }
0x97: {  	v7 =	vshll.u32 v13, $0x7;
	v18 =	vor.u32 v3, v11;
	v5 =	vor.u32 v0, v5;
	v13 =	vld.idx.msk [tilespmem:v8+s18+$0x0], $0xffff  }
0x98: {  	s2 =	simm.s32 $0x0;
	v12 =	vmov s24;
	v6 =	vor.u32 v0, v6;
	v20 =	vor.u32 v5, v11;
	v15 =	vld.idx.msk [tilespmem:v15+s18+$0x0], $0xffff  }
0x99: {  	s1 =	sshll.u32 s1, $0x7;
	v12 =	vshll.u32 v12, $0x7;
	s0 =	sand.u32 $0x3FFFFC00, s2;
	v22 =	vor.u32 v6, v10;
	v7 =	vor.u32 v0, v7;
	v16 =	vld.idx.msk [tilespmem:v16+s18+$0x0], $0xffff  }
0x9a: {  	s5 =	simm.s32 $0x2;
	s6 =	sor.u32 s1, s0;
	v8 =	vor.u32 v0, v12;
	v12 =	vor.u32 v7, v11;
	v17 =	vld.idx.msk [tilespmem:v17+s18+$0x0], $0xffff  }
0x9b: {  	s8 =	sand.u32 $0x6, s5;
	s10 =	simm.s32 $0x20;
	v25 =	vor.u32 v1, v10;
	s1 =	sadd.s32 $0x11200, s6;
	v19 =	vor.u32 v5, v10;
	v9 =	vld.idx.msk [tilespmem:v9+s18+$0x0], $0xffff  }
0x9c: {  	v24 =	vmov s8;
	s2 =	sand.u32 $0xFFFFFF80, s10;
	v21 =	vor.u32 v8, v10;
	v23 =	vor.u32 v8, v11;
	[tilespmem:s1+$0x80] =	vst v14;
	v14 =	vld.idx.msk [tilespmem:v18+s18+$0x0], $0xffff  }
0x9d: {  	s11 =	sor.u32 $0x11, s8;
	s14 =	sor.u32 $0x50, s2;
	v11 =	vor.u32 v6, v11;
	v10 =	vor.u32 v7, v10;
	v18 =	vmov s2;
	v32 =	vld.idx.msk [tilespmem:v20+s18+$0x0], $0xffff;
	[tilespmem:s1+$0xD0] =	vst v13  }
0x9e: {  	v13 =	vor.u32 $0x10, v24;
	v24 =	vmov s11;
	[tilespmem:s1+$0x50] =	vst v15;
	v15 =	vld.idx.msk [tilespmem:v22+s18+$0x0], $0xffff;
	v22 =	vmov s14  }
0x9f: {  	s12 =	sor.u32 $0x10, s2;
	s15 =	sor.u32 $0x20, s2;
	s24 =	sor.u32 $0x70, s2;
	v13 =	vbroadcast v13, $0x0;
	v26 =	vbroadcast v24, $0x0;
	v24 =	vld.idx.msk [tilespmem:v12+s18+$0x0], $0xffff;
	v12 =	vshll.u32 v18, $0x7;
	[tilespmem:s1+$0xF0] =	vst v17  }
0xa0: {  	s13 =	sor.u32 $0x40, s2;
	s26 =	sor.u32 $0x30, s2;
	v18 =	vmov s12;
	v17 =	vmov s15;
	[tilespmem:s1+$0x40] =	vst v9;
	v9 =	vmov s24  }
0xa1: {  	v28 =	vld.idx.msk [tilespmem:v23+s18+$0x0], $0xffff;
	v23 =	vmov s26;
	v27 =	vor.u32 v0, v12;
	v12 =	vmov s13  }
0xa2: {  	[tilespmem:s1+$0x70] =	vst v16;
	v16 =	vld.idx.msk [tilespmem:v11+s18+$0x0], $0xffff;
	v17 =	vshll.u32 v17, $0x7;
	v11 =	vshll.u32 v12, $0x7;
	v12 =	vshll.u32 v22, $0x7  }
0xa3: {  	v21 =	vld.idx.msk [tilespmem:v21+s18+$0x0], $0xffff;
	v9 =	vshll.u32 v9, $0x7;
	v22 =	vor.u32 v27, v26;
	[tilespmem:s1+$0xC0] =	vst v14;
	v12 =	vor.u32 v0, v12  }
0xa4: {  	v14 =	vshll.u32 v18, $0x7;
	v18 =	vld.idx.msk [tilespmem:v25+s18+$0x0], $0xffff;
	v31 =	vor.u32 v0, v17;
	[tilespmem:s1+$0xB0] =	vst v32;
	v30 =	vor.u32 v12, v26  }
0xa5: {  	v25 =	vld.idx.msk [tilespmem:v10+s18+$0x0], $0xffff;
	v10 =	vshll.u32 v23, $0x7;
	v9 =	vor.u32 v0, v9;
	v11 =	vor.u32 v0, v11;
	[tilespmem:s1+$0x60] =	vst v15  }
0xa6: {  	v10 =	vor.u32 v0, v10;
	v33 =	vor.u32 v9, v13;
	v23 =	vor.u32 v9, v26;
	[tilespmem:s1+$0xA0] =	vst v24  }
0xa7: {  	s2 =	sor.u32 $0x60, s2;
	v17 =	vor.u32 v31, v26;
	v29 =	vor.u32 v12, v13;
	v12 =	vor.u32 v11, v13;
	[tilespmem:s1+$0xE0] =	vst v16  }
0xa8: {  	v11 =	vor.u32 v11, v26;
	v15 =	vmov s2;
	v9 =	vor.u32 v10, v13;
	v24 =	vld.idx.msk [tilespmem:v19+s18+$0x0], $0xffff;
	[tilespmem:s1+$0x90] =	vst v28  }
0xa9: {  	v10 =	vor.u32 v10, v26;
	v16 =	vor.u32 v0, v14;
	v15 =	vshll.u32 v15, $0x7;
	[tilespmem:s1+$0x10] =	vst v21;
	v19 =	vld.idx.msk [tilespmem:v30+s18+$0x0], $0xffff  }
0xaa: {  	s30 =	simm.s32 $0x100;
	v14 =	vor.u32 v16, v13;
	v20 =	vld.idx.msk [tilespmem:v22+s18+$0x0], $0xffff;
	[tilespmem:s6+$0x11200] =	vst v18;
	v18 =	vor.u32 v0, v15  }
0xab: {  	s31 =	sshll.u32 s8, $0x7;
	s2 =	sand.u32 $0x3FFFFC00, s30;
	v15 =	vor.u32 v16, v26;
	[tilespmem:s1+$0x20] =	vst v25;
	v16 =	vor.u32 v27, v13;
	v25 =	vld.idx.msk [tilespmem:v33+s18+$0x0], $0xffff  }
0xac: {  	s10 =	simm.s32 $0x4;
	s7 =	sor.u32 s31, s2;
	s6 =	simm.s32 $0x10;
	v22 =	vor.u32 v18, v13;
	v18 =	vor.u32 v18, v26;
	v13 =	vor.u32 v31, v13;
	v21 =	vld.idx.msk [tilespmem:v29+s18+$0x0], $0xffff  }
.LBB2_6:
0xad: {  	s6 =	sadd.s32 $0x10, s6;
	s2 =	sand.u32 $0x6, s10;
	v23 =	vld.idx.msk [tilespmem:v23+s18+$0x0], $0xffff;
	[tilespmem:s1+$0x30] =	vst v24;
	s1 =	sadd.s32 $0x11200, s7  }
0xae: {  	s12 =	sshll.u32 s6, $0x1;
	v24 =	vmov s2;
	s13 =	sshll.u32 s6, $0x4;
	s14 =	sor.u32 $0x11, s2;
	v12 =	vld.idx.msk [tilespmem:v12+s18+$0x0], $0xffff;
	[tilespmem:s1+$0xD0] =	vst v19  }
0xaf: {  	s2 =	sshll.u32 s2, $0x7;
	s12 =	sand.u32 $0xFFFFFF80, s12;
	v19 =	vor.u32 $0x10, v24;
	s13 =	sand.u32 $0x3FFFFC00, s13;
	v24 =	vmov s14;
	[tilespmem:s1+$0x80] =	vst v20;
	v11 =	vld.idx.msk [tilespmem:v11+s18+$0x0], $0xffff  }
0xb0: {  	v20 =	vmov s12;
	v26 =	vbroadcast v19, $0x0;
	s14 =	sor.u32 $0x10, s12;
	s15 =	sor.u32 $0x20, s12;
	s24 =	sor.u32 $0x60, s12;
	v27 =	vbroadcast v24, $0x0;
	v17 =	vld.idx.msk [tilespmem:v17+s18+$0x0], $0xffff  }
0xb1: {  	s26 =	sor.u32 $0x50, s12;
	v19 =	vshll.u32 v20, $0x7;
	v20 =	vmov s14;
	v24 =	vmov s15;
	s14 =	sor.u32 $0x30, s12;
	s15 =	sor.u32 $0x40, s12;
	[tilespmem:s1+$0x50] =	vst v21;
	v21 =	vld.idx.msk [tilespmem:v22+s18+$0x0], $0xffff  }
0xb2: {  	p0 =	slt.u32 s6, $0x70;
	s2 =	sor.u32 s2, s13;
	v22 =	vmov s26;
	s12 =	sor.u32 $0x70, s12;
	v28 =	vor.u32 v0, v19;
	v19 =	vmov s15;
	[tilespmem:s1+$0x70] =	vst v25;
	v18 =	vld.idx.msk [tilespmem:v18+s18+$0x0], $0xffff  }
0xb3: {  	v22 =	vshll.u32 v22, $0x7;
	v19 =	vshll.u32 v19, $0x7;
	v25 =	vor.u32 v28, v27;
	v29 =	vld.idx.msk [tilespmem:v14+s18+$0x0], $0xffff;
	[tilespmem:s1+$0xF0] =	vst v23  }
0xb4: {  	v14 =	vor.u32 v0, v19;
	v19 =	vor.u32 v0, v22;
	v22 =	vmov s12;
	[tilespmem:s1+$0x40] =	vst v12;
	v15 =	vld.idx.msk [tilespmem:v15+s18+$0x0], $0xffff  }
0xb5: {  	v20 =	vshll.u32 v20, $0x7;
	v30 =	vor.u32 v19, v26;
	v19 =	vor.u32 v19, v27;
	v16 =	vld.idx.msk [tilespmem:v16+s18+$0x0], $0xffff;
	[tilespmem:s1+$0xC0] =	vst v11  }
0xb6: {  	v31 =	vmov s24;
	v12 =	vor.u32 v14, v26;
	v11 =	vor.u32 v14, v27;
	[tilespmem:s1+$0xA0] =	vst v17  }
0xb7: {  	v14 =	vshll.u32 v24, $0x7;
	v22 =	vshll.u32 v22, $0x7;
	v17 =	vmov s14;
	v13 =	vld.idx.msk [tilespmem:v13+s18+$0x0], $0xffff;
	[tilespmem:s1+$0x60] =	vst v21  }
0xb8: {  	v32 =	vor.u32 v0, v14;
	v14 =	vshll.u32 v17, $0x7;
	v17 =	vor.u32 v0, v22;
	v33 =	vld.idx.msk [tilespmem:v10+s18+$0x0], $0xffff;
	[tilespmem:s1+$0xE0] =	vst v18  }
0xb9: {  	v10 =	vor.u32 v0, v14;
	v34 =	vor.u32 v17, v26;
	v23 =	vor.u32 v17, v27;
	v24 =	vld.idx.msk [tilespmem:v9+s18+$0x0], $0xffff  }
.Ltmp2:
0xba: {  	v9 =	vor.u32 v10, v26;
	v10 =	vor.u32 v10, v27;
	v19 =	vld.idx.msk [tilespmem:v19+s18+$0x0], $0xffff;
	[tilespmem:s1+$0x90] =	vst v15;
	(pc) =	sbr.rel @p0 .LBB2_6-.Ltmp2, $4  }
0xbb: {  	v18 =	vshll.u32 v31, $0x7;
	v17 =	vor.u32 v32, v27;
	v15 =	vor.u32 v0, v20;
	v20 =	vld.idx.msk [tilespmem:v25+s18+$0x0], $0xffff;
	[tilespmem:s7+$0x11200] =	vst v16;
	s7 =	smov.u32 s2  }
0xbc: {  	v14 =	vor.u32 v15, v26;
	v16 =	vor.u32 v0, v18;
	v15 =	vor.u32 v15, v27;
	[tilespmem:s1+$0x10] =	vst v29  }
0xbd: {  	v22 =	vor.u32 v16, v26;
	v18 =	vor.u32 v16, v27;
	v21 =	vld.idx.msk [tilespmem:v30+s18+$0x0], $0xffff;
	[tilespmem:s1+$0x20] =	vst v13  }
0xbe: {  	s10 =	sadd.s32 $0x2, s10;
	v16 =	vor.u32 v28, v26;
	v13 =	vor.u32 v32, v26;
	v25 =	vld.idx.msk [tilespmem:v34+s18+$0x0], $0xffff;
	[tilespmem:s1+$0xB0] =	vst v33  }
0xbf: {  	_ =	sdelay $0x3  }
0xc0: {  	s2 =	sadd.s32 $0x11200, s7;
	v23 =	vld.idx.msk [tilespmem:v23+s18+$0x0], $0xffff;
	[tilespmem:s1+$0x30] =	vst v24  }
0xc1: {  	v12 =	vld.idx.msk [tilespmem:v12+s18+$0x0], $0xffff;
	[tilespmem:s2+$0xD0] =	vst v19  }
0xc2: {  	v11 =	vld.idx.msk [tilespmem:v11+s18+$0x0], $0xffff;
	[tilespmem:s2+$0x80] =	vst v20  }
0xc3: {  	v17 =	vld.idx.msk [tilespmem:v17+s18+$0x0], $0xffff;
	[tilespmem:s2+$0x50] =	vst v21  }
0xc4: {  	v18 =	vld.idx.msk [tilespmem:v18+s18+$0x0], $0xffff;
	[tilespmem:s2+$0x70] =	vst v25  }
0xc5: {  	v14 =	vld.idx.msk [tilespmem:v14+s18+$0x0], $0xffff;
	[tilespmem:s2+$0xF0] =	vst v23  }
0xc6: {  	s5 =	simm.s32 $0x0;
	v13 =	vld.idx.msk [tilespmem:v13+s18+$0x0], $0xffff;
	[tilespmem:s2+$0x40] =	vst v12  }
0xc7: {  	v12 =	vld.idx.msk [tilespmem:v15+s18+$0x0], $0xffff;
	[tilespmem:s2+$0xC0] =	vst v11;
	v11 =	vmov s5  }
0xc8: {  	v15 =	vld.idx.msk [tilespmem:v16+s18+$0x0], $0xffff;
	[tilespmem:s2+$0xA0] =	vst v17;
	v11 =	vand.u32 $0x7, v11  }
0xc9: {  	v10 =	vld.idx.msk [tilespmem:v10+s18+$0x0], $0xffff;
	[tilespmem:s2+$0xE0] =	vst v18;
	v11 =	vor.u32 $0x18, v11  }
0xca: {  	v9 =	vld.idx.msk [tilespmem:v9+s18+$0x0], $0xffff;
	[tilespmem:s2+$0x10] =	vst v14;
	v11 =	vbroadcast v11, $0x0  }
0xcb: {  	v19 =	vld.idx.msk [tilespmem:v22+s18+$0x0], $0xffff;
	[tilespmem:s2+$0x20] =	vst v13  }
0xcc: {  	s6 =	sor.u32 $0x19, s5;
	[tilespmem:s2+$0x90] =	vst v12;
	v12 =	vor.u32 v11, v5  }
0xcd: {  	v14 =	vmov s6;
	[tilespmem:s7+$0x11200] =	vst v15;
	v15 =	vor.u32 v11, v8  }
0xce: {  	[tilespmem:s2+$0xB0] =	vst v10;
	v13 =	vand.u32 $0x7, v14;
	v14 =	vor.u32 v11, v3  }
0xcf: {  	[tilespmem:s2+$0x30] =	vst v9;
	v10 =	vor.u32 $0x18, v13;
	v13 =	vor.u32 v11, v2  }
0xd0: {  	[tilespmem:s2+$0x60] =	vst v19;
	v10 =	vbroadcast v10, $0x0;
	v9 =	vor.u32 v11, v4  }
0xd1: {  	v16 =	vor.u32 v11, v6;
	v12 =	vld.idx.msk [tilespmem:v12+s18+$0x0], $0xffff  }
0xd2: {  	v17 =	vor.u32 v11, v7;
	v7 =	vor.u32 v10, v7;
	v15 =	vld.idx.msk [tilespmem:v15+s18+$0x0], $0xffff  }
0xd3: {  	v3 =	vor.u32 v10, v3;
	v14 =	vld.idx.msk [tilespmem:v14+s18+$0x0], $0xffff  }
0xd4: {  	v13 =	vld.idx.msk [tilespmem:v13+s18+$0x0], $0xffff  }
0xd5: {  	s1 =	sand.u32 $0xC00, s5;
	v4 =	vor.u32 v10, v4;
	v9 =	vld.idx.msk [tilespmem:v9+s18+$0x0], $0xffff  }
0xd6: {  	s8 =	simm.s32 $0x20;
	s10 =	simm.s32 $0x2;
	s1 =	sshrl.u32 s1, $0x2;
	v8 =	vor.u32 v10, v8;
	v2 =	vor.u32 v10, v2;
	v5 =	vor.u32 v10, v5;
	v16 =	vld.idx.msk [tilespmem:v16+s18+$0x0], $0xffff  }
0xd7: {  	s11 =	sor.u32 $0x19, s10;
	v18 =	vor.u32 v1, v10;
	v11 =	vor.u32 v1, v11;
	s2 =	sand.u32 $0xFFFFFF80, s8;
	s7 =	sor.u32 s1, s0;
	v19 =	vor.u32 v10, v6;
	v7 =	vld.idx.msk [tilespmem:v7+s18+$0x0], $0xffff  }
0xd8: {  	v1 =	vmov s10;
	v10 =	vmov s11;
	v6 =	vmov s2;
	s12 =	sor.u32 $0x30, s2;
	s0 =	sadd.s32 $0x11A00, s7;
	s10 =	sor.u32 $0x10, s2;
	v3 =	vld.idx.msk [tilespmem:v3+s18+$0x0], $0xffff  }
0xd9: {  	v1 =	vand.u32 $0x7, v1;
	s13 =	sor.u32 $0x50, s2;
	v20 =	vmov s12;
	v21 =	vmov s10;
	v17 =	vld.idx.msk [tilespmem:v17+s18+$0x0], $0xffff;
	[tilespmem:s0+$0x30] =	vst v12  }
0xda: {  	s24 =	sor.u32 $0x70, s2;
	v22 =	vmov s13;
	v1 =	vor.u32 $0x18, v1;
	v20 =	vshll.u32 v20, $0x7;
	v24 =	vld.idx.msk [tilespmem:v4+s18+$0x0], $0xffff;
	[tilespmem:s0+$0x10] =	vst v15  }
0xdb: {  	s26 =	sor.u32 $0x20, s2;
	v22 =	vshll.u32 v22, $0x7;
	v1 =	vbroadcast v1, $0x0;
	v4 =	vmov s24;
	v26 =	vld.idx.msk [tilespmem:v5+s18+$0x0], $0xffff;
	[tilespmem:s0+$0x40] =	vst v14  }
0xdc: {  	s14 =	sor.u32 $0x40, s2;
	v22 =	vor.u32 v0, v22;
	v5 =	vmov s26;
	v4 =	vshll.u32 v4, $0x7;
	v15 =	vld.idx.msk [tilespmem:v2+s18+$0x0], $0xffff;
	[tilespmem:s0+$0x50] =	vst v13  }
0xdd: {  	v5 =	vshll.u32 v5, $0x7;
	v4 =	vor.u32 v0, v4;
	v12 =	vmov s14;
	v14 =	vld.idx.msk [tilespmem:v18+s18+$0x0], $0xffff;
	[tilespmem:s0+$0x70] =	vst v9  }
0xde: {  	v2 =	vand.u32 $0x7, v10;
	v13 =	vshll.u32 v21, $0x7;
	[tilespmem:s0+$0x60] =	vst v16;
	v18 =	vld.idx.msk [tilespmem:v11+s18+$0x0], $0xffff;
	v11 =	vor.u32 v1, v4  }
0xdf: {  	s15 =	sor.u32 $0x60, s2;
	[tilespmem:s0+$0xC0] =	vst v3;
	v3 =	vor.u32 v0, v5;
	v10 =	vshll.u32 v12, $0x7;
	v23 =	vor.u32 $0x18, v2  }
0xe0: {  	[tilespmem:s0+$0xA0] =	vst v7;
	v2 =	vor.u32 v0, v20;
	v12 =	vmov s15;
	v20 =	vshll.u32 v6, $0x7  }
0xe1: {  	[tilespmem:s0+$0x20] =	vst v17;
	v21 =	vor.u32 v0, v13;
	v5 =	vor.u32 v1, v3;
	v63 =	vor.u32 v1, v2  }
0xe2: {  	[tilespmem:s0+$0xF0] =	vst v24;
	v6 =	vor.u32 v0, v10;
	v12 =	vshll.u32 v12, $0x7;
	v9 =	vor.u32 v1, v21  }
0xe3: {  	s30 =	simm.s32 $0x400;
	[tilespmem:s0+$0xB0] =	vst v26;
	v13 =	vbroadcast v23, $0x0;
	v20 =	vor.u32 v0, v20;
	v10 =	vor.u32 v1, v6  }
0xe4: {  	s31 =	simm.s32 $0x100;
	s1 =	sand.u32 $0xC00, s30;
	v7 =	vor.u32 v0, v12;
	v12 =	vor.u32 v1, v22;
	[tilespmem:s0+$0xD0] =	vst v15;
	v15 =	vld.idx.msk [tilespmem:v8+s18+$0x0], $0xffff  }
0xe5: {  	s6 =	simm.s32 $0x4;
	s1 =	sshrl.u32 s1, $0x2;
	s2 =	sand.u32 $0x3FFFFC00, s31;
	v16 =	vor.u32 v1, v7;
	v4 =	vor.u32 v13, v4;
	v17 =	vor.u32 v13, v22;
	v8 =	vld.idx.msk [tilespmem:v19+s18+$0x0], $0xffff  }
0xe6: {  	s10 =	simm.s32 $0x10;
	s1 =	sor.u32 s1, s2;
	s12 =	simm.s32 $0x800;
	[tilespmem:s0+$0x80] =	vst v14;
	v14 =	vor.u32 v13, v3;
	v3 =	vor.u32 v13, v21;
	v19 =	vld.idx.msk [tilespmem:v63+s18+$0x0], $0xffff  }
.LBB2_8:
0xe7: {  	s10 =	sadd.s32 $0x10, s10;
	s2 =	sand.u32 $0xC00, s12;
	s14 =	sadd.s32 $0x11A00, s1;
	v9 =	vld.idx.msk [tilespmem:v9+s18+$0x0], $0xffff;
	v21 =	vor.u32 v20, v13;
	v6 =	vor.u32 v13, v6;
	[tilespmem:s7+$0x11A00] =	vst v18  }
0xe8: {  	v18 =	vor.u32 v20, v1;
	v20 =	vor.u32 v13, v7;
	s7 =	sshll.u32 s10, $0x1;
	s13 =	sshll.u32 s10, $0x4;
	s2 =	sshrl.u32 s2, $0x2;
	v1 =	vld.idx.msk [tilespmem:v10+s18+$0x0], $0xffff;
	v10 =	vor.u32 v13, v2  }
0xe9: {  	s24 =	sor.u32 $0x19, s6;
	s7 =	sand.u32 $0xFFFFFF80, s7;
	s15 =	sand.u32 $0x3FFFFC00, s13;
	v7 =	vld.idx.msk [tilespmem:v12+s18+$0x0], $0xffff;
	[tilespmem:s0+$0x90] =	vst v15  }
0xea: {  	v2 =	vmov s6;
	v13 =	vmov s24;
	v12 =	vmov s7;
	s26 =	sor.u32 $0x10, s7;
	s13 =	sor.u32 $0x20, s7;
	s30 =	sor.u32 $0x30, s7;
	v11 =	vld.idx.msk [tilespmem:v11+s18+$0x0], $0xffff  }
0xeb: {  	v2 =	vand.u32 $0x7, v2;
	s24 =	sor.u32 $0x40, s7;
	v15 =	vmov s26;
	v22 =	vmov s30;
	s26 =	sor.u32 $0x50, s7;
	s30 =	sor.u32 $0x60, s7;
	v16 =	vld.idx.msk [tilespmem:v16+s18+$0x0], $0xffff;
	[tilespmem:s0+$0xE0] =	vst v8  }
0xec: {  	p0 =	slt.u32 s10, $0x70;
	s2 =	sor.u32 s2, s15;
	s15 =	sor.u32 $0x70, s7;
	v8 =	vshll.u32 v22, $0x7;
	v22 =	vmov s24;
	v23 =	vmov s26;
	[tilespmem:s14+$0x30] =	vst v19;
	v14 =	vld.idx.msk [tilespmem:v14+s18+$0x0], $0xffff  }
0xed: {  	v13 =	vand.u32 $0x7, v13;
	v2 =	vor.u32 $0x18, v2;
	s0 =	smov.u32 s14;
	s7 =	smov.u32 s1;
	s1 =	smov.u32 s2;
	v19 =	vshll.u32 v23, $0x7;
	[tilespmem:s14+$0x10] =	vst v9;
	v17 =	vld.idx.msk [tilespmem:v17+s18+$0x0], $0xffff  }
0xee: {  	v13 =	vor.u32 $0x18, v13;
	v9 =	vshll.u32 v22, $0x7;
	v22 =	vor.u32 v0, v19;
	[tilespmem:s0+$0x40] =	vst v1;
	v19 =	vld.idx.msk [tilespmem:v21+s18+$0x0], $0xffff  }
0xef: {  	v1 =	vbroadcast v2, $0x0;
	v2 =	vor.u32 v0, v8;
	v8 =	vmov s30;
	[tilespmem:s0+$0x50] =	vst v7;
	v21 =	vld.idx.msk [tilespmem:v6+s18+$0x0], $0xffff  }
0xf0: {  	v23 =	vshll.u32 v12, $0x7;
	v7 =	vshll.u32 v15, $0x7;
	v6 =	vor.u32 v0, v9;
	v5 =	vld.idx.msk [tilespmem:v5+s18+$0x0], $0xffff;
	[tilespmem:s0+$0x70] =	vst v11  }
0xf1: {  	v24 =	vor.u32 v0, v7;
	v7 =	vshll.u32 v8, $0x7;
	v8 =	vmov s15;
	[tilespmem:s0+$0x60] =	vst v16;
	v25 =	vld.idx.msk [tilespmem:v4+s18+$0x0], $0xffff  }
0xf2: {  	v26 =	vor.u32 v1, v2;
	v9 =	vor.u32 v1, v24;
	v4 =	vshll.u32 v8, $0x7;
	[tilespmem:s0+$0xA0] =	vst v14;
	v27 =	vld.idx.msk [tilespmem:v10+s18+$0x0], $0xffff  }
0xf3: {  	v7 =	vor.u32 v0, v7;
	v10 =	vor.u32 v1, v6;
	v18 =	vld.idx.msk [tilespmem:v18+s18+$0x0], $0xffff;
	[tilespmem:s0+$0xD0] =	vst v17  }
.Ltmp3:
0xf4: {  	v12 =	vor.u32 v1, v22;
	v8 =	vmov s13;
	v4 =	vor.u32 v0, v4;
	[tilespmem:s0+$0x80] =	vst v19;
	v15 =	vld.idx.msk [tilespmem:v3+s18+$0x0], $0xffff;
	(pc) =	sbr.rel @p0 .LBB2_8-.Ltmp3, $4  }
0xf5: {  	v13 =	vbroadcast v13, $0x0;
	v11 =	vor.u32 v1, v4;
	v3 =	vshll.u32 v8, $0x7;
	[tilespmem:s0+$0xC0] =	vst v21;
	v8 =	vld.idx.msk [tilespmem:v20+s18+$0x0], $0xffff  }
0xf6: {  	v16 =	vor.u32 v1, v7;
	v20 =	vor.u32 v0, v23;
	v3 =	vor.u32 v0, v3;
	[tilespmem:s0+$0x20] =	vst v5  }
0xf7: {  	v4 =	vor.u32 v13, v4;
	v5 =	vor.u32 v1, v3;
	v14 =	vor.u32 v13, v3;
	[tilespmem:s0+$0xF0] =	vst v25  }
0xf8: {  	s12 =	sadd.s32 $0x400, s12;
	s6 =	sadd.s32 $0x2, s6;
	v17 =	vor.u32 v13, v22;
	v3 =	vor.u32 v13, v24;
	v19 =	vld.idx.msk [tilespmem:v26+s18+$0x0], $0xffff;
	[tilespmem:s0+$0xB0] =	vst v27  }
0xf9: {  	_ =	sdelay $0x3  }
0xfa: {  	v9 =	vld.idx.msk [tilespmem:v9+s18+$0x0], $0xffff  }
0xfb: {  	[tilespmem:s7+$0x11A00] =	vst v18;
	v10 =	vld.idx.msk [tilespmem:v10+s18+$0x0], $0xffff  }
0xfc: {  	v12 =	vld.idx.msk [tilespmem:v12+s18+$0x0], $0xffff;
	[tilespmem:s0+$0x90] =	vst v15  }
0xfd: {  	s2 =	sadd.s32 $0x11A00, s1;
	v11 =	vld.idx.msk [tilespmem:v11+s18+$0x0], $0xffff;
	[tilespmem:s0+$0xE0] =	vst v8  }
0xfe: {  	v6 =	vor.u32 v13, v6;
	v14 =	vld.idx.msk [tilespmem:v14+s18+$0x0], $0xffff;
	[tilespmem:s2+$0x30] =	vst v19  }
0xff: {  	v5 =	vld.idx.msk [tilespmem:v5+s18+$0x0], $0xffff;
	[tilespmem:s2+$0x10] =	vst v9  }
0x100: {  	v18 =	vor.u32 v20, v13;
	v4 =	vld.idx.msk [tilespmem:v4+s18+$0x0], $0xffff;
	[tilespmem:s2+$0x40] =	vst v10  }
0x101: {  	v2 =	vor.u32 v13, v2;
	v3 =	vld.idx.msk [tilespmem:v3+s18+$0x0], $0xffff;
	[tilespmem:s2+$0x50] =	vst v12  }
0x102: {  	v1 =	vor.u32 v20, v1;
	v8 =	vld.idx.msk [tilespmem:v16+s18+$0x0], $0xffff;
	[tilespmem:s2+$0x70] =	vst v11  }
0x103: {  	v7 =	vor.u32 v13, v7;
	v6 =	vld.idx.msk [tilespmem:v6+s18+$0x0], $0xffff;
	[tilespmem:s2+$0xA0] =	vst v14  }
0x104: {  	v9 =	vld.idx.msk [tilespmem:v17+s18+$0x0], $0xffff;
	[tilespmem:s2+$0x20] =	vst v5  }
0x105: {  	v10 =	vld.idx.msk [tilespmem:v18+s18+$0x0], $0xffff;
	[tilespmem:s2+$0xF0] =	vst v4  }
0x106: {  	v2 =	vld.idx.msk [tilespmem:v2+s18+$0x0], $0xffff;
	[tilespmem:s2+$0x90] =	vst v3  }
0x107: {  	v1 =	vld.idx.msk [tilespmem:v1+s18+$0x0], $0xffff;
	[tilespmem:s2+$0x60] =	vst v8  }
0x108: {  	[tilespmem:s2+$0xC0] =	vst v6;
	v6 =	vld.idx.msk [tilespmem:v7+s18+$0x0], $0xffff  }
0x109: {  	[tilespmem:s2+$0xD0] =	vst v9  }
0x10a: {  	[tilespmem:s2+$0x80] =	vst v10  }
0x10b: {  	[tilespmem:s2+$0xB0] =	vst v2  }
0x10c: {  	s10 =	simm.s32 $0x0;
	[tilespmem:s1+$0x11A00] =	vst v1  }
0x10d: {  	s8 =	simm.s32 $0x10200;
	s0 =	simm.s32 $0x0;
	s11 =	sand.u32 $0xFFFFFF80, s10;
	[tilespmem:s2+$0xE0] =	vst v6  }
0x10e: {  	[hbm4b:s9+s22] =	stream.strided.scatter [tilespmem:s8], [sflag:$0x5], $0x2000, s23, s22, $0x38;
	[tilespmem:$0x14200] =	vst v63  }
0x10f: {  	s6 =	sor.u32 $0x40, s11;
	s10 =	sor.u32 $0x60, s11;
	s1 =	rddreg [dreg:$0x7]  }
0x110: {  	[tilespmem:s0], [sflag:$0x1] =	stream.linear.gather [hbm4b:s1+s0], $0x100, $0x38;
	[tilespmem:$0x14200] =	vst v63  }
0x111: {  	s15 =	sor.u32 $0x20, s11;
	v4 =	vmov s10;
	v2 =	vmov s6;
	s1 =	sor.u32 $0x10, s11  }
0x112: {  	v2 =	vshll.u32 v2, $0x7;
	v6 =	vmov s15;
	v1 =	vmov s1;
	_ =	swait.ge [sflag:s17], $0x100  }
0x113: {  	s14 =	sand.u32 $0x6, s0;
	v6 =	vshll.u32 v6, $0x7;
	v5 =	vshll.u32 v1, $0x7;
	[sflag:s17] =	ssyncset.done $0x0;
	v1 =	vor.u32 v0, v2  }
0x114: {  	s12 =	sor.u32 $0x30, s11;
	v10 =	vshll.u32 v4, $0x7;
	v4 =	vor.u32 v0, v6;
	[sflag:s17] =	ssyncadd.s32 $0xFFFFFF00;
	v9 =	vor.u32 s14, v1  }
0x115: {  	v6 =	vor.u32 v0, v10;
	v12 =	vor.u32 s14, v4;
	[tilespmem:s18], [sflag:$0x3] =	stream.indirect.gather [hbm4b:s4+s16], $0x80, s0, s16, $0xb8;
	[tilespmem:$0x14200] =	vst v63  }
0x116: {  	s24 =	sor.u32 $0x1, s14;
	v3 =	vmov s12;
	v13 =	vor.u32 s14, v6;
	_ =	swait.ge [sflag:s25], $0x8000  }
0x117: {  	s13 =	sor.u32 $0x50, s11;
	v16 =	vor.u32 s24, v6;
	v2 =	vshll.u32 v3, $0x7;
	v5 =	vor.u32 v0, v5;
	[sflag:s25] =	ssyncset.done $0x0  }
0x118: {  	v3 =	vmov s13;
	v2 =	vor.u32 v0, v2;
	v7 =	vor.u32 s14, v5;
	[sflag:s25] =	ssyncadd.s32 $0xFFFF8000  }
0x119: {  	v3 =	vshll.u32 v3, $0x7;
	v8 =	vor.u32 s14, v2;
	v9 =	vld.idx.msk [tilespmem:v9+s20+$0x0], $0xffff  }
0x11a: {  	v18 =	vor.u32 s24, v4;
	v3 =	vor.u32 v0, v3;
	v12 =	vld.idx.msk [tilespmem:v12+s20+$0x0], $0xffff  }
0x11b: {  	v11 =	vor.u32 s14, v3;
	v13 =	vld.idx.msk [tilespmem:v13+s20+$0x0], $0xffff  }
0x11c: {  	s26 =	simm.s32 $0x0;
	v15 =	vor.u32 s24, v3;
	v16 =	vld.idx.msk [tilespmem:v16+s20+$0x0], $0xffff  }
0x11d: {  	s30 =	sor.u32 $0x70, s11;
	s1 =	sand.u32 $0x3FFFFC00, s26;
	v22 =	vor.u32 s24, v1;
	v10 =	vld.idx.msk [tilespmem:v7+s20+$0x0], $0xffff  }
0x11e: {  	s5 =	sshll.u32 s14, $0x7;
	s31 =	sadd.s32 $0x12200, s1;
	v20 =	vor.u32 s24, v5;
	v14 =	vld.idx.msk [tilespmem:v8+s20+$0x0], $0xffff;
	v7 =	vmov s11;
	v8 =	vmov s30  }
0x11f: {  	s12 =	simm.s32 $0x20;
	s7 =	sadd.s32 s5, s31;
	v18 =	vld.idx.msk [tilespmem:v18+s20+$0x0], $0xffff;
	v7 =	vshll.u32 v7, $0x7;
	v17 =	vshll.u32 v8, $0x7  }
0x120: {  	s12 =	sand.u32 $0xFFFFFF80, s12;
	v11 =	vld.idx.msk [tilespmem:v11+s20+$0x0], $0xffff;
	v8 =	vor.u32 v0, v7;
	v7 =	vor.u32 v0, v17;
	v17 =	vor.u32 s24, v2;
	[tilespmem:s7+$0x40] =	vst v9  }
0x121: {  	v23 =	vmov s12;
	s13 =	sor.u32 $0x40, s12;
	v15 =	vld.idx.msk [tilespmem:v15+s20+$0x0], $0xffff;
	v21 =	vor.u32 s24, v7;
	[tilespmem:s7+$0x20] =	vst v12  }
0x122: {  	v23 =	vshll.u32 v23, $0x7;
	v24 =	vmov s13;
	v22 =	vld.idx.msk [tilespmem:v22+s20+$0x0], $0xffff;
	[tilespmem:s7+$0x60] =	vst v13  }
0x123: {  	s8 =	sor.u32 $0x10, s12;
	v24 =	vshll.u32 v24, $0x7;
	v30 =	vld.idx.msk [tilespmem:v20+s20+$0x0], $0xffff;
	v19 =	vor.u32 s14, v8;
	[tilespmem:s7+$0x30] =	vst v14;
	v14 =	vor.u32 s14, v7;
	s14 =	sor.u32 $0x30, s12  }
0x124: {  	v9 =	vmov s8;
	[tilespmem:s7+$0x10] =	vst v10;
	v10 =	vor.u32 s24, v8;
	v25 =	vmov s14;
	s14 =	sshll.u32 s24, $0x7  }
0x125: {  	s10 =	simm.s32 $0x2;
	v23 =	vor.u32 v0, v23;
	s15 =	sor.u32 $0x50, s12;
	v26 =	vor.u32 v0, v24;
	v9 =	vshll.u32 v9, $0x7;
	[tilespmem:s7+$0x50] =	vst v11;
	v17 =	vld.idx.msk [tilespmem:v17+s20+$0x0], $0xffff;
	s2 =	sadd.s32 s14, s31  }
0x126: {  	s11 =	sor.u32 $0x60, s12;
	v13 =	vmov s15;
	s24 =	sand.u32 $0x6, s10;
	v9 =	vor.u32 v0, v9;
	v12 =	vld.idx.msk [tilespmem:v21+s20+$0x0], $0xffff;
	v21 =	vshll.u32 v25, $0x7;
	[tilespmem:s2+$0x50] =	vst v15  }
0x127: {  	s26 =	sor.u32 $0x20, s12;
	v11 =	vmov s11;
	v24 =	vor.u32 s24, v9;
	[tilespmem:s2+$0x60] =	vst v16;
	v27 =	vor.u32 v0, v21  }
0x128: {  	v13 =	vshll.u32 v13, $0x7;
	v19 =	vld.idx.msk [tilespmem:v19+s20+$0x0], $0xffff;
	v15 =	vmov s26;
	[tilespmem:s2+$0x20] =	vst v18;
	v25 =	vor.u32 s24, v27  }
0x129: {  	v13 =	vor.u32 v0, v13;
	v29 =	vor.u32 s24, v26;
	[tilespmem:s2+$0x40] =	vst v22;
	v28 =	vld.idx.msk [tilespmem:v10+s20+$0x0], $0xffff;
	v10 =	vshll.u32 v15, $0x7  }
0x12a: {  	v11 =	vshll.u32 v11, $0x7;
	v31 =	vor.u32 s24, v13;
	s15 =	sor.u32 $0x1, s24;
	[tilespmem:s2+$0x10] =	vst v30;
	v20 =	vor.u32 v0, v10  }
0x12b: {  	s30 =	sor.u32 $0x70, s12;
	v11 =	vor.u32 v0, v11;
	v9 =	vor.u32 s15, v9;
	v14 =	vld.idx.msk [tilespmem:v14+s20+$0x0], $0xffff;
	[tilespmem:s2+$0x30] =	vst v17;
	v17 =	vor.u32 s24, v20  }
0x12c: {  	v21 =	vor.u32 s24, v11;
	v22 =	vor.u32 s15, v11;
	v10 =	vmov s30;
	v15 =	vld.idx.msk [tilespmem:v24+s20+$0x0], $0xffff  }
0x12d: {  	s31 =	simm.s32 $0x100;
	[tilespmem:s2+$0x70] =	vst v12;
	v12 =	vshll.u32 v10, $0x7;
	v10 =	vor.u32 s24, v23;
	v16 =	vld.idx.msk [tilespmem:v25+s20+$0x0], $0xffff;
	v25 =	vor.u32 s15, v13  }
0x12e: {  	s6 =	simm.s32 $0x10;
	s12 =	sand.u32 $0x3FFFFC00, s31;
	v18 =	vld.idx.msk [tilespmem:v29+s20+$0x0], $0xffff;
	[tilespmem:s7+$0x0] =	vst v19;
	v19 =	vor.u32 s15, v20;
	v24 =	vor.u32 v0, v12;
	v12 =	vor.u32 s15, v23  }
0x12f: {  	s14 =	sshll.u32 s24, $0x7;
	s13 =	sshll.u32 s15, $0x7;
	s12 =	sadd.s32 $0x12200, s12;
	v20 =	vld.idx.msk [tilespmem:v31+s20+$0x0], $0xffff;
	v23 =	vor.u32 s15, v27;
	[tilespmem:s2+$0x0] =	vst v28;
	v13 =	vor.u32 s15, v26;
	v11 =	vor.u32 s24, v24  }
.LBB2_10:
0x130: {  	s6 =	sadd.s32 $0x10, s6;
	v17 =	vld.idx.msk [tilespmem:v17+s20+$0x0], $0xffff;
	[tilespmem:s7+$0x70] =	vst v14  }
0x131: {  	s7 =	sadd.s32 s14, s12;
	s2 =	sshll.u32 s6, $0x1;
	s24 =	sshll.u32 s6, $0x4;
	v14 =	vld.idx.msk [tilespmem:v21+s20+$0x0], $0xffff;
	v21 =	vor.u32 s15, v24  }
0x132: {  	s10 =	sadd.s32 $0x2, s10;
	s2 =	sand.u32 $0xFFFFFF80, s2;
	s14 =	sand.u32 $0x3FFFFC00, s24;
	[tilespmem:s7+$0x10] =	vst v15;
	v15 =	vld.idx.msk [tilespmem:v25+s20+$0x0], $0xffff  }
0x133: {  	v24 =	vmov s2;
	s15 =	sor.u32 $0x10, s2;
	s24 =	sor.u32 $0x40, s2;
	s26 =	sor.u32 $0x60, s2;
	[tilespmem:s7+$0x30] =	vst v16;
	v16 =	vld.idx.msk [tilespmem:v22+s20+$0x0], $0xffff  }
0x134: {  	s30 =	sor.u32 $0x30, s2;
	v22 =	vshll.u32 v24, $0x7;
	v24 =	vmov s15;
	s15 =	sor.u32 $0x20, s2;
	v25 =	vmov s24;
	s24 =	sor.u32 $0x50, s2;
	[tilespmem:s7+$0x40] =	vst v18;
	v18 =	vld.idx.msk [tilespmem:v19+s20+$0x0], $0xffff  }
0x135: {  	p0 =	slt.u32 s6, $0x70;
	s14 =	sadd.s32 $0x12200, s14;
	v19 =	vmov s30;
	v26 =	vmov s26;
	s2 =	sor.u32 $0x70, s2;
	v25 =	vshll.u32 v25, $0x7;
	[tilespmem:s7+$0x50] =	vst v20;
	v20 =	vld.idx.msk [tilespmem:v23+s20+$0x0], $0xffff  }
0x136: {  	v23 =	vor.u32 v0, v22;
	v22 =	vshll.u32 v24, $0x7;
	v27 =	vor.u32 v0, v25;
	[tilespmem:s7+$0x20] =	vst v17;
	v21 =	vld.idx.msk [tilespmem:v21+s20+$0x0], $0xffff  }
0x137: {  	s26 =	sand.u32 $0x6, s10;
	v22 =	vor.u32 v0, v22;
	v17 =	vshll.u32 v19, $0x7;
	v19 =	vmov s24;
	s24 =	sadd.s32 s13, s12;
	s12 =	smov.u32 s14;
	v25 =	vld.idx.msk [tilespmem:v10+s20+$0x0], $0xffff;
	[tilespmem:s7+$0x60] =	vst v14  }
0x138: {  	s14 =	sshll.u32 s26, $0x7;
	v24 =	vor.u32 s26, v22;
	v28 =	vor.u32 v0, v17;
	v10 =	vshll.u32 v19, $0x7;
	v13 =	vld.idx.msk [tilespmem:v13+s20+$0x0], $0xffff;
	[tilespmem:s24+$0x50] =	vst v15  }
0x139: {  	v14 =	vmov s15;
	v19 =	vor.u32 s26, v28;
	v15 =	vshll.u32 v26, $0x7;
	v26 =	vld.idx.msk [tilespmem:v12+s20+$0x0], $0xffff;
	[tilespmem:s24+$0x60] =	vst v16  }
0x13a: {  	v29 =	vor.u32 s26, v27;
	v30 =	vor.u32 v0, v10;
	v12 =	vshll.u32 v14, $0x7;
	v31 =	vld.idx.msk [tilespmem:v9+s20+$0x0], $0xffff;
	[tilespmem:s24+$0x20] =	vst v18  }
0x13b: {  	v33 =	vor.u32 s26, v30;
	v32 =	vor.u32 v0, v12;
	v9 =	vmov s2;
	v14 =	vld.idx.msk [tilespmem:v11+s20+$0x0], $0xffff;
	[tilespmem:s24+$0x30] =	vst v20  }
.Ltmp4:
0x13c: {  	v17 =	vor.u32 s26, v32;
	v11 =	vor.u32 v0, v15;
	v9 =	vshll.u32 v9, $0x7;
	[tilespmem:s24+$0x70] =	vst v21;
	(pc) =	sbr.rel @p0 .LBB2_10-.Ltmp4, $4  }
0x13d: {  	s15 =	sor.u32 $0x1, s26;
	v10 =	vor.u32 s26, v23;
	v21 =	vor.u32 s26, v11;
	v15 =	vld.idx.msk [tilespmem:v24+s20+$0x0], $0xffff;
	v24 =	vor.u32 v0, v9;
	[tilespmem:s7+$0x0] =	vst v25  }
0x13e: {  	s13 =	sshll.u32 s15, $0x7;
	v9 =	vor.u32 s15, v22;
	v25 =	vor.u32 s15, v30;
	v22 =	vor.u32 s15, v11;
	v16 =	vld.idx.msk [tilespmem:v19+s20+$0x0], $0xffff;
	[tilespmem:s24+$0x40] =	vst v13  }
0x13f: {  	v12 =	vor.u32 s15, v23;
	v19 =	vor.u32 s15, v32;
	v13 =	vor.u32 s15, v27;
	v18 =	vld.idx.msk [tilespmem:v29+s20+$0x0], $0xffff;
	[tilespmem:s24+$0x0] =	vst v26  }
0x140: {  	v23 =	vor.u32 s15, v28;
	v11 =	vor.u32 s26, v24;
	v20 =	vld.idx.msk [tilespmem:v33+s20+$0x0], $0xffff;
	[tilespmem:s24+$0x10] =	vst v31  }
0x141: {  	_ =	sdelay $0x3  }
0x142: {  	v17 =	vld.idx.msk [tilespmem:v17+s20+$0x0], $0xffff;
	[tilespmem:s7+$0x70] =	vst v14;
	s2 =	sadd.s32 s14, s12  }
0x143: {  	v14 =	vld.idx.msk [tilespmem:v21+s20+$0x0], $0xffff;
	[tilespmem:s2+$0x10] =	vst v15  }
0x144: {  	v10 =	vld.idx.msk [tilespmem:v10+s20+$0x0], $0xffff;
	[tilespmem:s2+$0x30] =	vst v16  }
0x145: {  	v13 =	vld.idx.msk [tilespmem:v13+s20+$0x0], $0xffff;
	[tilespmem:s2+$0x40] =	vst v18  }
0x146: {  	v12 =	vld.idx.msk [tilespmem:v12+s20+$0x0], $0xffff;
	[tilespmem:s2+$0x50] =	vst v20  }
0x147: {  	v9 =	vld.idx.msk [tilespmem:v9+s20+$0x0], $0xffff;
	[tilespmem:s2+$0x20] =	vst v17  }
0x148: {  	v21 =	vor.u32 s15, v24;
	v15 =	vld.idx.msk [tilespmem:v25+s20+$0x0], $0xffff;
	[tilespmem:s2+$0x60] =	vst v14  }
0x149: {  	s6 =	sadd.s32 s13, s12;
	v11 =	vld.idx.msk [tilespmem:v11+s20+$0x0], $0xffff;
	v14 =	vmov s0;
	[tilespmem:s2+$0x0] =	vst v10  }
0x14a: {  	v16 =	vld.idx.msk [tilespmem:v22+s20+$0x0], $0xffff;
	[tilespmem:s6+$0x40] =	vst v13;
	v14 =	vand.u32 $0x7, v14  }
0x14b: {  	v18 =	vld.idx.msk [tilespmem:v19+s20+$0x0], $0xffff;
	[tilespmem:s6+$0x0] =	vst v12;
	v14 =	vor.u32 $0x8, v14  }
0x14c: {  	s31 =	sor.u32 $0x9, s0;
	v19 =	vld.idx.msk [tilespmem:v23+s20+$0x0], $0xffff;
	[tilespmem:s6+$0x10] =	vst v9;
	v14 =	vbroadcast v14, $0x0  }
0x14d: {  	v17 =	vld.idx.msk [tilespmem:v21+s20+$0x0], $0xffff;
	[tilespmem:s6+$0x50] =	vst v15;
	v15 =	vmov s31  }
0x14e: {  	[tilespmem:s2+$0x70] =	vst v11;
	v15 =	vand.u32 $0x7, v15;
	v13 =	vor.u32 v14, v5  }
0x14f: {  	[tilespmem:s6+$0x60] =	vst v16;
	v10 =	vor.u32 $0x8, v15;
	v15 =	vor.u32 v14, v6  }
0x150: {  	[tilespmem:s6+$0x20] =	vst v18;
	v10 =	vbroadcast v10, $0x0;
	v12 =	vor.u32 v14, v3  }
0x151: {  	[tilespmem:s6+$0x30] =	vst v19;
	v19 =	vor.u32 v14, v2  }
0x152: {  	[tilespmem:s6+$0x70] =	vst v17;
	v5 =	vor.u32 v10, v5  }
0x153: {  	v9 =	vor.u32 v8, v10;
	v13 =	vld.idx.msk [tilespmem:v13+s20+$0x0], $0xffff  }
0x154: {  	s7 =	simm.s32 $0x20;
	s2 =	sand.u32 $0xC00, s0;
	v17 =	vor.u32 v14, v1;
	v21 =	vor.u32 v14, v4;
	v16 =	vor.u32 v10, v7;
	v11 =	vld.idx.msk [tilespmem:v15+s20+$0x0], $0xffff  }
0x155: {  	s5 =	simm.s32 $0x2;
	s0 =	sshrl.u32 s2, $0x2;
	s6 =	sand.u32 $0xFFFFFF80, s7;
	v18 =	vor.u32 v10, v1;
	v8 =	vor.u32 v8, v14;
	v7 =	vor.u32 v14, v7;
	v12 =	vld.idx.msk [tilespmem:v12+s20+$0x0], $0xffff  }
0x156: {  	s8 =	sor.u32 $0x9, s5;
	s1 =	sor.u32 s0, s1;
	v2 =	vor.u32 v10, v2;
	v20 =	vor.u32 v10, v3;
	v14 =	vmov s6;
	v19 =	vld.idx.msk [tilespmem:v19+s20+$0x0], $0xffff  }
0x157: {  	s0 =	sadd.s32 $0x12A00, s1;
	v1 =	vmov s5;
	v3 =	vmov s8;
	s11 =	sor.u32 $0x20, s6;
	v15 =	vor.u32 v10, v4;
	v4 =	vld.idx.msk [tilespmem:v5+s20+$0x0], $0xffff  }
0x158: {  	s12 =	sor.u32 $0x50, s6;
	v1 =	vand.u32 $0x7, v1;
	v22 =	vmov s11;
	v10 =	vor.u32 v10, v6;
	v6 =	vld.idx.msk [tilespmem:v9+s20+$0x0], $0xffff;
	[tilespmem:s0+$0x10] =	vst v13  }
0x159: {  	s10 =	sor.u32 $0x30, s6;
	v1 =	vor.u32 $0x8, v1;
	v5 =	vand.u32 $0x7, v3;
	v16 =	vld.idx.msk [tilespmem:v16+s20+$0x0], $0xffff;
	v3 =	vmov s12;
	[tilespmem:s0+$0x60] =	vst v11  }
0x15a: {  	v1 =	vbroadcast v1, $0x0;
	v9 =	vmov s10;
	v8 =	vld.idx.msk [tilespmem:v8+s20+$0x0], $0xffff;
	v3 =	vshll.u32 v3, $0x7;
	[tilespmem:s0+$0x50] =	vst v12  }
0x15b: {  	s13 =	sor.u32 $0x60, s6;
	v26 =	vld.idx.msk [tilespmem:v18+s20+$0x0], $0xffff;
	v23 =	vor.u32 $0x8, v5;
	v5 =	vshll.u32 v22, $0x7;
	v9 =	vshll.u32 v9, $0x7;
	[tilespmem:s0+$0x30] =	vst v19  }
0x15c: {  	s14 =	sor.u32 $0x40, s6;
	s10 =	sor.u32 $0x10, s6;
	v22 =	vld.idx.msk [tilespmem:v17+s20+$0x0], $0xffff;
	v3 =	vor.u32 v0, v3;
	v5 =	vor.u32 v0, v5;
	v11 =	vmov s13;
	[tilespmem:s0+$0x90] =	vst v4  }
0x15d: {  	v13 =	vld.idx.msk [tilespmem:v15+s20+$0x0], $0xffff;
	v15 =	vmov s10;
	v12 =	vmov s14;
	v11 =	vshll.u32 v11, $0x7;
	[tilespmem:s0+$0x80] =	vst v6  }
0x15e: {  	v17 =	vld.idx.msk [tilespmem:v2+s20+$0x0], $0xffff;
	v15 =	vshll.u32 v15, $0x7;
	v6 =	vbroadcast v23, $0x0;
	[tilespmem:s0+$0xF0] =	vst v16;
	v4 =	vor.u32 v0, v11  }
0x15f: {  	s15 =	sor.u32 $0x70, s6;
	v16 =	vor.u32 v0, v9;
	[tilespmem:s1+$0x12A00] =	vst v8;
	v11 =	vor.u32 v0, v15;
	v62 =	vor.u32 v1, v4  }
0x160: {  	v23 =	vld.idx.msk [tilespmem:v20+s20+$0x0], $0xffff;
	v2 =	vshll.u32 v12, $0x7;
	[tilespmem:s0+$0xC0] =	vst v26;
	v15 =	vmov s15;
	v63 =	vor.u32 v1, v11  }
0x161: {  	v7 =	vld.idx.msk [tilespmem:v7+s20+$0x0], $0xffff;
	[tilespmem:s0+$0x40] =	vst v22;
	v2 =	vor.u32 v0, v2;
	v15 =	vshll.u32 v15, $0x7;
	v20 =	vor.u32 v6, v11  }
0x162: {  	s24 =	simm.s32 $0x400;
	v19 =	vld.idx.msk [tilespmem:v21+s20+$0x0], $0xffff;
	v28 =	vor.u32 v0, v15;
	[tilespmem:s0+$0xA0] =	vst v13;
	v13 =	vshll.u32 v14, $0x7;
	v14 =	vor.u32 v1, v3  }
0x163: {  	s26 =	simm.s32 $0x100;
	s2 =	sand.u32 $0xC00, s24;
	v12 =	vor.u32 v6, v5;
	v8 =	vor.u32 v1, v28;
	v27 =	vor.u32 v0, v13;
	v13 =	vld.idx.msk [tilespmem:v10+s20+$0x0], $0xffff  }
0x164: {  	s31 =	sand.u32 $0x3FFFFC00, s26;
	s30 =	sshrl.u32 s2, $0x2;
	s7 =	simm.s32 $0x10;
	v21 =	vor.u32 v6, v28;
	v10 =	vor.u32 v1, v2;
	v15 =	vor.u32 v27, v6;
	v11 =	vld.idx.msk [tilespmem:v62+s20+$0x0], $0xffff  }
0x165: {  	s6 =	simm.s32 $0x4;
	s10 =	simm.s32 $0x800;
	s1 =	sor.u32 s30, s31;
	v2 =	vor.u32 v6, v2;
	[tilespmem:s0+$0xD0] =	vst v23;
	v9 =	vor.u32 v27, v1;
	v18 =	vld.idx.msk [tilespmem:v63+s20+$0x0], $0xffff  }
.LBB2_12:
0x166: {  	s7 =	sadd.s32 $0x10, s7;
	s2 =	sand.u32 $0xC00, s10;
	s13 =	sadd.s32 $0x12A00, s1;
	v22 =	vor.u32 v1, v16;
	v16 =	vor.u32 v6, v16;
	v23 =	vor.u32 v6, v3;
	[tilespmem:s0+$0x70] =	vst v7  }
0x167: {  	v24 =	vor.u32 v1, v5;
	v25 =	vor.u32 v6, v4;
	s12 =	sshll.u32 s7, $0x1;
	s14 =	sshll.u32 s7, $0x4;
	s2 =	sshrl.u32 s2, $0x2;
	v5 =	vld.idx.msk [tilespmem:v14+s20+$0x0], $0xffff;
	[tilespmem:s0+$0xB0] =	vst v17  }
0x168: {  	s15 =	sand.u32 $0xFFFFFF80, s12;
	s12 =	sand.u32 $0x3FFFFC00, s14;
	s14 =	sor.u32 $0x9, s6;
	v4 =	vld.idx.msk [tilespmem:v20+s20+$0x0], $0xffff;
	[tilespmem:s0+$0x20] =	vst v19  }
0x169: {  	v1 =	vmov s6;
	v14 =	vmov s15;
	s24 =	sor.u32 $0x10, s15;
	s26 =	sor.u32 $0x20, s15;
	s30 =	sor.u32 $0x30, s15;
	v3 =	vmov s14;
	v6 =	vld.idx.msk [tilespmem:v15+s20+$0x0], $0xffff  }
0x16a: {  	v1 =	vand.u32 $0x7, v1;
	s14 =	sor.u32 $0x40, s15;
	s31 =	sor.u32 $0x60, s15;
	v15 =	vmov s30;
	s30 =	sor.u32 $0x50, s15;
	v7 =	vand.u32 $0x7, v3;
	v17 =	vld.idx.msk [tilespmem:v21+s20+$0x0], $0xffff;
	[tilespmem:s0+$0xE0] =	vst v13  }
0x16b: {  	p0 =	slt.u32 s7, $0x70;
	v1 =	vor.u32 $0x8, v1;
	s12 =	sor.u32 s2, s12;
	s2 =	sor.u32 $0x70, s15;
	v13 =	vmov s26;
	v3 =	vmov s30;
	[tilespmem:s13+$0x10] =	vst v18;
	v12 =	vld.idx.msk [tilespmem:v12+s20+$0x0], $0xffff  }
0x16c: {  	v1 =	vbroadcast v1, $0x0;
	s0 =	smov.u32 s13;
	v18 =	vmov s24;
	v3 =	vshll.u32 v3, $0x7;
	v19 =	vld.idx.msk [tilespmem:v22+s20+$0x0], $0xffff;
	[tilespmem:s13+$0x60] =	vst v11  }
0x16d: {  	v20 =	vor.u32 $0x8, v7;
	v11 =	vmov s31;
	v3 =	vor.u32 v0, v3;
	[tilespmem:s0+$0x50] =	vst v5;
	v7 =	vld.idx.msk [tilespmem:v8+s20+$0x0], $0xffff  }
0x16e: {  	v5 =	vshll.u32 v13, $0x7;
	v8 =	vmov s14;
	v11 =	vshll.u32 v11, $0x7;
	v10 =	vld.idx.msk [tilespmem:v10+s20+$0x0], $0xffff;
	[tilespmem:s0+$0x90] =	vst v4  }
0x16f: {  	v13 =	vshll.u32 v18, $0x7;
	v5 =	vor.u32 v0, v5;
	v4 =	vor.u32 v0, v11;
	v9 =	vld.idx.msk [tilespmem:v9+s20+$0x0], $0xffff;
	[tilespmem:s0+$0x80] =	vst v6  }
0x170: {  	v11 =	vor.u32 v0, v13;
	v18 =	vor.u32 v1, v4;
	v6 =	vbroadcast v20, $0x0;
	v21 =	vld.idx.msk [tilespmem:v23+s20+$0x0], $0xffff;
	[tilespmem:s0+$0xF0] =	vst v17  }
0x171: {  	v13 =	vshll.u32 v15, $0x7;
	v15 =	vmov s2;
	v22 =	vor.u32 v1, v11;
	[tilespmem:s0+$0xA0] =	vst v12;
	v23 =	vld.idx.msk [tilespmem:v2+s20+$0x0], $0xffff  }
0x172: {  	v2 =	vshll.u32 v14, $0x7;
	v14 =	vor.u32 v1, v3;
	v12 =	vshll.u32 v15, $0x7;
	[tilespmem:s0+$0x30] =	vst v19;
	v17 =	vld.idx.msk [tilespmem:v16+s20+$0x0], $0xffff  }
.Ltmp5:
0x173: {  	v26 =	vor.u32 v0, v2;
	v16 =	vor.u32 v0, v13;
	v27 =	vor.u32 v0, v12;
	v19 =	vld.idx.msk [tilespmem:v24+s20+$0x0], $0xffff;
	(pc) =	sbr.rel @p0 .LBB2_12-.Ltmp5, $4  }
0x174: {  	v20 =	vor.u32 v6, v11;
	v2 =	vshll.u32 v8, $0x7;
	v15 =	vor.u32 v26, v6;
	[tilespmem:s0+$0x40] =	vst v10;
	v13 =	vld.idx.msk [tilespmem:v25+s20+$0x0], $0xffff  }
0x175: {  	v12 =	vor.u32 v6, v5;
	v2 =	vor.u32 v0, v2;
	v11 =	vld.idx.msk [tilespmem:v18+s20+$0x0], $0xffff;
	[tilespmem:s1+$0x12A00] =	vst v9;
	s1 =	smov.u32 s12  }
0x176: {  	v10 =	vor.u32 v1, v2;
	v2 =	vor.u32 v6, v2;
	v18 =	vld.idx.msk [tilespmem:v22+s20+$0x0], $0xffff;
	[tilespmem:s0+$0xD0] =	vst v21  }
0x177: {  	s10 =	sadd.s32 $0x400, s10;
	s6 =	sadd.s32 $0x2, s6;
	v8 =	vor.u32 v1, v27;
	v9 =	vor.u32 v26, v1;
	v21 =	vor.u32 v6, v27;
	[tilespmem:s0+$0xC0] =	vst v23  }
0x178: {  	_ =	sdelay $0x2  }
0x179: {  	[tilespmem:s0+$0x70] =	vst v7  }
0x17a: {  	v7 =	vld.idx.msk [tilespmem:v14+s20+$0x0], $0xffff;
	[tilespmem:s0+$0xB0] =	vst v17  }
0x17b: {  	v22 =	vor.u32 v1, v16;
	v14 =	vld.idx.msk [tilespmem:v20+s20+$0x0], $0xffff;
	[tilespmem:s0+$0x20] =	vst v19  }
0x17c: {  	v15 =	vld.idx.msk [tilespmem:v15+s20+$0x0], $0xffff;
	s6 =	sadd.s32 $0x12A00, s1;
	[tilespmem:s0+$0xE0] =	vst v13  }
0x17d: {  	v12 =	vld.idx.msk [tilespmem:v12+s20+$0x0], $0xffff;
	[tilespmem:s6+$0x60] =	vst v11  }
0x17e: {  	v3 =	vor.u32 v6, v3;
	v17 =	vld.idx.msk [tilespmem:v21+s20+$0x0], $0xffff;
	s15 =	simm.s32 $0x0;
	[tilespmem:s6+$0x10] =	vst v18  }
0x17f: {  	v9 =	vld.idx.msk [tilespmem:v9+s20+$0x0], $0xffff;
	s2 =	sand.u32 $0xFFFFFF80, s15;
	[tilespmem:s6+$0x50] =	vst v7  }
0x180: {  	v1 =	vor.u32 v1, v5;
	s0 =	simm.s32 $0x0;
	v11 =	vmov s2;
	s10 =	sor.u32 $0x40, s2;
	v13 =	vld.idx.msk [tilespmem:v22+s20+$0x0], $0xffff;
	[tilespmem:s6+$0x90] =	vst v14  }
0x181: {  	s7 =	sand.u32 $0x6, s0;
	s12 =	sor.u32 $0x50, s2;
	v5 =	vmov s10;
	v7 =	vld.idx.msk [tilespmem:v10+s20+$0x0], $0xffff;
	v10 =	vor.u32 v6, v16;
	v6 =	vor.u32 v6, v4;
	[tilespmem:s6+$0x80] =	vst v15  }
0x182: {  	v4 =	vshll.u32 v11, $0x7;
	v11 =	vmov s12;
	v14 =	vmov s7;
	[tilespmem:s6+$0xA0] =	vst v12;
	v12 =	vld.idx.msk [tilespmem:v2+s20+$0x0], $0xffff  }
0x183: {  	s13 =	sor.u32 $0x10, s2;
	v3 =	vld.idx.msk [tilespmem:v3+s20+$0x0], $0xffff;
	[tilespmem:s6+$0xF0] =	vst v17;
	v2 =	vshll.u32 v5, $0x7;
	v5 =	vshll.u32 v11, $0x7;
	v11 =	vor.u32 $0x10, v14  }
0x184: {  	v8 =	vld.idx.msk [tilespmem:v8+s20+$0x0], $0xffff;
	v15 =	vmov s13;
	[tilespmem:s1+$0x12A00] =	vst v9;
	v4 =	vor.u32 v0, v4;
	v11 =	vbroadcast v11, $0x0  }
0x185: {  	s24 =	sor.u32 $0x30, s2;
	s26 =	sor.u32 $0x60, s2;
	v2 =	vor.u32 v0, v2;
	v14 =	vld.idx.msk [tilespmem:v1+s20+$0x0], $0xffff;
	v9 =	vshll.u32 v15, $0x7;
	v5 =	vor.u32 v0, v5;
	[tilespmem:s6+$0x30] =	vst v13  }
0x186: {  	s30 =	sor.u32 $0x70, s2;
	s2 =	sor.u32 $0x20, s2;
	v17 =	vor.u32 v4, v11;
	v10 =	vld.idx.msk [tilespmem:v10+s20+$0x0], $0xffff;
	[tilespmem:s6+$0x40] =	vst v7;
	v7 =	vmov s24;
	v13 =	vmov s26  }
0x187: {  	s31 =	sor.u32 $0x11, s7;
	v15 =	vor.u32 v2, v11;
	v16 =	vld.idx.msk [tilespmem:v6+s20+$0x0], $0xffff;
	v6 =	vmov s30;
	[tilespmem:s6+$0xC0] =	vst v12;
	v12 =	vmov s2  }
0x188: {  	p1 =	por $0x1, $0x1;
	[tilespmem:s6+$0xD0] =	vst v3;
	v1 =	vshll.u32 v7, $0x7;
	v3 =	vshll.u32 v13, $0x7;
	v7 =	vmov s31  }
.Ltmp6:
0x189: {  	[tilespmem:s6+$0x70] =	vst v8;
	v8 =	vshll.u32 v12, $0x7;
	v1 =	vor.u32 v0, v1;
	v3 =	vor.u32 v0, v3;
	(pc) =	sbr.rel @!p1 .LBB2_14-.Ltmp6, $4  }
0x18a: {  	[tilespmem:s6+$0x20] =	vst v14;
	v13 =	vbroadcast v7, $0x0;
	v7 =	vor.u32 v0, v8;
	v8 =	vshll.u32 v6, $0x7  }
0x18b: {  	v6 =	vor.u32 v0, v9;
	v24 =	vor.u32 v1, v11;
	v20 =	vor.u32 v7, v11;
	[tilespmem:s6+$0xB0] =	vst v10  }
0x18c: {  	v19 =	vor.u32 v6, v11;
	v9 =	vor.u32 v3, v11;
	v8 =	vor.u32 v0, v8;
	[tilespmem:s6+$0xE0] =	vst v16  }
0x18d: {  	p0 =	por $0x0, $0x0;
	s1 =	simm.s32 $0x0;
	s12 =	sshll.u32 s7, $0x7;
	v18 =	vor.u32 v2, v13;
	v12 =	vor.u32 v7, v13;
	v10 =	vor.u32 v5, v11;
	v16 =	vld.idx.msk [tilespmem:v17+s20+$0x0], $0xffff  }
0x18e: {  	_ =	sdelay $0x3  }
0x18f: {  	v17 =	vld.idx.msk [tilespmem:v24+s20+$0x0], $0xffff  }
0x190: {  	v15 =	vld.idx.msk [tilespmem:v15+s20+$0x0], $0xffff  }
0x191: {  	v20 =	vld.idx.msk [tilespmem:v20+s20+$0x0], $0xffff  }
0x192: {  	v14 =	vor.u32 v1, v13;
	v19 =	vld.idx.msk [tilespmem:v19+s20+$0x0], $0xffff  }
0x193: {  	v21 =	vor.u32 v3, v13;
	s2 =	simm.s32 $0x20;
	v18 =	vld.idx.msk [tilespmem:v18+s20+$0x0], $0xffff  }
0x194: {  	v11 =	vor.u32 v8, v11;
	s10 =	simm.s32 $0x2;
	s7 =	sand.u32 $0x3FFFFC00, s1;
	v22 =	vor.u32 v4, v13;
	v12 =	vld.idx.msk [tilespmem:v12+s20+$0x0], $0xffff;
	s2 =	sand.u32 $0xFFFFFF80, s2  }
0x195: {  	v23 =	vor.u32 v5, v13;
	v29 =	vor.u32 v6, v13;
	v30 =	vor.u32 v8, v13;
	v28 =	vld.idx.msk [tilespmem:v10+s20+$0x0], $0xffff;
	s6 =	sand.u32 $0x6, s10;
	s12 =	sor.u32 s12, s7;
	s13 =	sor.u32 $0x40, s2  }
0x196: {  	v24 =	vmov s2;
	s14 =	sor.u32 $0x50, s2;
	s7 =	sadd.s32 $0x13200, s12;
	v26 =	vmov s6;
	v13 =	vmov s13;
	[tilespmem:s12+$0x13200] =	vst v16  }
0x197: {  	s15 =	sor.u32 $0x10, s2;
	v24 =	vshll.u32 v24, $0x7;
	v25 =	vmov s14;
	v13 =	vshll.u32 v13, $0x7;
	v16 =	vld.idx.msk [tilespmem:v14+s20+$0x0], $0xffff;
	[tilespmem:s7+$0x30] =	vst v17  }
0x198: {  	s24 =	sor.u32 $0x30, s2;
	v27 =	vmov s15;
	v14 =	vor.u32 v0, v24;
	v24 =	vld.idx.msk [tilespmem:v21+s20+$0x0], $0xffff;
	v31 =	vor.u32 v0, v13;
	[tilespmem:s7+$0x40] =	vst v15  }
0x199: {  	s26 =	sor.u32 $0x60, s2;
	s31 =	sor.u32 $0x11, s6;
	v13 =	vshll.u32 v25, $0x7;
	v17 =	vor.u32 $0x10, v26;
	v32 =	vld.idx.msk [tilespmem:v11+s20+$0x0], $0xffff;
	v15 =	vmov s24;
	[tilespmem:s7+$0x20] =	vst v20  }
0x19a: {  	s30 =	sor.u32 $0x20, s2;
	s2 =	sor.u32 $0x70, s2;
	v21 =	vmov s26;
	v33 =	vld.idx.msk [tilespmem:v22+s20+$0x0], $0xffff;
	v20 =	vshll.u32 v27, $0x7;
	[tilespmem:s7+$0xC0] =	vst v18;
	v18 =	vmov s31  }
0x19b: {  	v22 =	vmov s30;
	v26 =	vld.idx.msk [tilespmem:v9+s20+$0x0], $0xffff;
	v9 =	vmov s2;
	v11 =	vbroadcast v17, $0x0  }
0x19c: {  	[tilespmem:s7+$0x10] =	vst v19;
	v17 =	vor.u32 v0, v13;
	v13 =	vshll.u32 v15, $0x7;
	v19 =	vshll.u32 v21, $0x7;
	v21 =	vld.idx.msk [tilespmem:v23+s20+$0x0], $0xffff  }
0x19d: {  	p3 =	por $0x1, $0x1;
	v10 =	vshll.u32 v22, $0x7;
	v22 =	vld.idx.msk [tilespmem:v29+s20+$0x0], $0xffff;
	v25 =	vor.u32 v0, v13;
	v34 =	vor.u32 v14, v11  }
.Ltmp7:
0x19e: {  	v23 =	vor.u32 v0, v20;
	v29 =	vld.idx.msk [tilespmem:v30+s20+$0x0], $0xffff;
	v30 =	vshll.u32 v9, $0x7;
	[tilespmem:s7+$0xE0] =	vst v24;
	v24 =	vor.u32 v25, v11;
	(pc) =	sbr.rel @!p3 .LBB2_17-.Ltmp7, $4  }
0x19f: {  	[tilespmem:s7+$0xA0] =	vst v12;
	v27 =	vor.u32 v0, v19;
	v35 =	vor.u32 v0, v10;
	v15 =	vor.u32 v31, v11  }
0x1a0: {  	v13 =	vbroadcast v18, $0x0;
	v30 =	vor.u32 v0, v30;
	v20 =	vor.u32 v35, v11;
	[tilespmem:s7+$0xB0] =	vst v16  }
0x1a1: {  	p2 =	por $0x1, $0x1;
	v19 =	vor.u32 v23, v11;
	v10 =	vor.u32 v17, v11;
	v9 =	vor.u32 v27, v11;
	[tilespmem:s7+$0x70] =	vst v32  }
0x1a2: {  	s14 =	simm.s32 $0x10;
	s13 =	simm.s32 $0x100;
	s12 =	sshll.u32 s6, $0x7;
	v18 =	vor.u32 v31, v13;
	v12 =	vor.u32 v35, v13;
	[tilespmem:s7+$0x80] =	vst v33;
	v16 =	vld.idx.msk [tilespmem:v34+s20+$0x0], $0xffff  }
.LBB2_16:
0x1a3: {  	s14 =	sadd.s32 $0x10, s14;
	v24 =	vld.idx.msk [tilespmem:v24+s20+$0x0], $0xffff;
	v25 =	vor.u32 v25, v13;
	v27 =	vor.u32 v27, v13;
	s10 =	sadd.s32 $0x2, s10;
	[tilespmem:s7+$0x50] =	vst v28  }
0x1a4: {  	s6 =	sand.u32 $0x3FFFFC00, s13;
	v28 =	vor.u32 v14, v13;
	v31 =	vor.u32 v17, v13;
	s2 =	sshll.u32 s14, $0x1;
	s13 =	sshll.u32 s14, $0x4;
	v15 =	vld.idx.msk [tilespmem:v15+s20+$0x0], $0xffff;
	[tilespmem:s7+$0xD0] =	vst v21  }
0x1a5: {  	v11 =	vor.u32 v30, v11;
	v23 =	vor.u32 v23, v13;
	s15 =	sand.u32 $0x6, s10;
	s6 =	sor.u32 s12, s6;
	s2 =	sand.u32 $0xFFFFFF80, s2;
	v20 =	vld.idx.msk [tilespmem:v20+s20+$0x0], $0xffff;
	[tilespmem:s7+$0x60] =	vst v26  }
0x1a6: {  	v30 =	vor.u32 v30, v13;
	v14 =	vmov s2;
	s12 =	sor.u32 $0x10, s2;
	s24 =	sor.u32 $0x40, s2;
	s26 =	sor.u32 $0x50, s2;
	v19 =	vld.idx.msk [tilespmem:v19+s20+$0x0], $0xffff;
	[tilespmem:s7+$0xF0] =	vst v29  }
0x1a7: {  	s30 =	sor.u32 $0x20, s2;
	s31 =	sor.u32 $0x30, s2;
	v13 =	vshll.u32 v14, $0x7;
	v14 =	vmov s24;
	v17 =	vmov s26;
	v18 =	vld.idx.msk [tilespmem:v18+s20+$0x0], $0xffff;
	[tilespmem:s7+$0x90] =	vst v22;
	s7 =	sadd.s32 $0x13200, s6  }
0x1a8: {  	v21 =	vmov s15;
	v22 =	vmov s12;
	s24 =	sor.u32 $0x60, s2;
	s2 =	sor.u32 $0x70, s2;
	s26 =	sor.u32 $0x11, s15;
	v26 =	vshll.u32 v14, $0x7;
	[tilespmem:s6+$0x13200] =	vst v16;
	v16 =	vld.idx.msk [tilespmem:v25+s20+$0x0], $0xffff  }
0x1a9: {  	p3 =	slt.u32 s14, $0x70;
	s12 =	sshll.u32 s15, $0x7;
	v14 =	vor.u32 v0, v13;
	v13 =	vshll.u32 v17, $0x7;
	v29 =	vor.u32 v0, v26;
	[tilespmem:s7+$0x30] =	vst v24;
	v32 =	vld.idx.msk [tilespmem:v27+s20+$0x0], $0xffff  }
0x1aa: {  	v17 =	vor.u32 $0x10, v21;
	v21 =	vmov s31;
	v24 =	vmov s24;
	[tilespmem:s7+$0x40] =	vst v15;
	v33 =	vld.idx.msk [tilespmem:v11+s20+$0x0], $0xffff  }
0x1ab: {  	v34 =	vshll.u32 v22, $0x7;
	v11 =	vbroadcast v17, $0x0;
	v17 =	vor.u32 v0, v13;
	[tilespmem:s7+$0x20] =	vst v20;
	v35 =	vld.idx.msk [tilespmem:v28+s20+$0x0], $0xffff  }
0x1ac: {  	v22 =	vmov s2;
	v13 =	vshll.u32 v21, $0x7;
	v20 =	vshll.u32 v24, $0x7;
	[tilespmem:s7+$0x10] =	vst v19;
	v12 =	vld.idx.msk [tilespmem:v12+s20+$0x0], $0xffff  }
0x1ad: {  	v26 =	vmov s26;
	v19 =	vor.u32 v14, v11;
	v15 =	vor.u32 v29, v11;
	[tilespmem:s7+$0xC0] =	vst v18;
	v21 =	vld.idx.msk [tilespmem:v31+s20+$0x0], $0xffff  }
0x1ae: {  	v25 =	vor.u32 v0, v13;
	v27 =	vor.u32 v0, v20;
	v18 =	vmov s30;
	v28 =	vld.idx.msk [tilespmem:v10+s20+$0x0], $0xffff;
	[tilespmem:s7+$0xB0] =	vst v16  }
.Ltmp8:
0x1af: {  	v13 =	vbroadcast v26, $0x0;
	v24 =	vor.u32 v25, v11;
	v10 =	vshll.u32 v18, $0x7;
	v26 =	vld.idx.msk [tilespmem:v9+s20+$0x0], $0xffff;
	[tilespmem:s7+$0xE0] =	vst v32;
	(pc) =	sbr.rel @p3 .LBB2_16-.Ltmp8, $4  }
0x1b0: {  	v31 =	vor.u32 v0, v10;
	v32 =	vshll.u32 v22, $0x7;
	[tilespmem:s7+$0x70] =	vst v33;
	v22 =	vld.idx.msk [tilespmem:v23+s20+$0x0], $0xffff  }
0x1b1: {  	v18 =	vor.u32 v29, v13;
	v23 =	vor.u32 v0, v34;
	v20 =	vor.u32 v31, v11;
	v29 =	vld.idx.msk [tilespmem:v30+s20+$0x0], $0xffff  }
0x1b2: {  	v10 =	vor.u32 v17, v11;
	v16 =	vld.idx.msk [tilespmem:v19+s20+$0x0], $0xffff;
	v19 =	vor.u32 v23, v11;
	[tilespmem:s7+$0xA0] =	vst v12  }
0x1b3: {  	v9 =	vor.u32 v27, v11;
	v30 =	vor.u32 v0, v32;
	v12 =	vor.u32 v31, v13;
	[tilespmem:s7+$0x80] =	vst v35  }
.LBB2_17:
0x1b4: {  	_ =	sdelay $0x2  }
0x1b5: {  	[tilespmem:s7+$0x50] =	vst @p2 v28  }
0x1b6: {  	v24 =	vld.idx.msk [tilespmem:v24+s20+$0x0], $0xffff;
	v25 =	vor.u32 v25, v13;
	[tilespmem:s7+$0xD0] =	vst @p2 v21  }
0x1b7: {  	v15 =	vld.idx.msk [tilespmem:v15+s20+$0x0], $0xffff;
	[tilespmem:s7+$0x60] =	vst @p2 v26  }
0x1b8: {  	s2 =	sand.u32 $0x3FFFFC00, s13;
	v20 =	vld.idx.msk [tilespmem:v20+s20+$0x0], $0xffff;
	[tilespmem:s7+$0x90] =	vst @p2 v22  }
0x1b9: {  	v11 =	vor.u32 v30, v11;
	v19 =	vld.idx.msk [tilespmem:v19+s20+$0x0], $0xffff;
	s2 =	sor.u32 s12, s2;
	[tilespmem:s7+$0xF0] =	vst @p2 v29  }
0x1ba: {  	v62 =	vor.u32 v27, v13;
	v18 =	vld.idx.msk [tilespmem:v18+s20+$0x0], $0xffff;
	s6 =	sadd.s32 $0x13200, s2;
	[tilespmem:s2+$0x13200] =	vst v16  }
0x1bb: {  	v14 =	vor.u32 v14, v13;
	v16 =	vld.idx.msk [tilespmem:v25+s20+$0x0], $0xffff;
	[tilespmem:s6+$0x30] =	vst v24  }
0x1bc: {  	v17 =	vor.u32 v17, v13;
	v12 =	vld.idx.msk [tilespmem:v12+s20+$0x0], $0xffff;
	[tilespmem:s6+$0x40] =	vst v15  }
0x1bd: {  	v10 =	vld.idx.msk [tilespmem:v10+s20+$0x0], $0xffff;
	[tilespmem:s6+$0x20] =	vst v20  }
0x1be: {  	v11 =	vld.idx.msk [tilespmem:v11+s20+$0x0], $0xffff;
	v15 =	vor.u32 v30, v13;
	[tilespmem:s6+$0x10] =	vst v19  }
0x1bf: {  	v21 =	vld.idx.msk [tilespmem:v62+s20+$0x0], $0xffff;
	v13 =	vor.u32 v23, v13;
	[tilespmem:s6+$0xC0] =	vst v18  }
0x1c0: {  	v14 =	vld.idx.msk [tilespmem:v14+s20+$0x0], $0xffff;
	[tilespmem:s6+$0xB0] =	vst v16;
	v16 =	vmov s0  }
0x1c1: {  	v17 =	vld.idx.msk [tilespmem:v17+s20+$0x0], $0xffff;
	[tilespmem:s6+$0xA0] =	vst v12;
	v16 =	vand.u32 $0x7, v16  }
0x1c2: {  	v18 =	vld.idx.msk [tilespmem:v9+s20+$0x0], $0xffff;
	[tilespmem:s6+$0x50] =	vst v10;
	v9 =	vor.u32 $0x18, v16  }
0x1c3: {  	s30 =	sor.u32 $0x19, s0;
	[tilespmem:s6+$0x70] =	vst v11;
	v11 =	vld.idx.msk [tilespmem:v15+s20+$0x0], $0xffff;
	v9 =	vbroadcast v9, $0x0  }
0x1c4: {  	v12 =	vmov s30;
	[tilespmem:s6+$0xE0] =	vst v21;
	v19 =	vld.idx.msk [tilespmem:v13+s20+$0x0], $0xffff  }
0x1c5: {  	v10 =	vand.u32 $0x7, v12;
	[tilespmem:s6+$0x80] =	vst v14;
	v63 =	vor.u32 v9, v1  }
.Ltmp9:
0x1c6: {  	v10 =	vor.u32 $0x18, v10;
	[tilespmem:s6+$0xD0] =	vst v17;
	(pc) =	sbr.rel @!p1 .LBB2_18-.Ltmp9, $4  }
0x1c7: {  	[tilespmem:s6+$0x60] =	vst v18;
	v13 =	vbroadcast v10, $0x0;
	v15 =	vor.u32 v9, v6  }
0x1c8: {  	s31 =	sand.u32 $0xC00, s0;
	[tilespmem:s6+$0xF0] =	vst v11;
	v17 =	vor.u32 v9, v2;
	v16 =	vor.u32 v9, v5;
	v12 =	vor.u32 v9, v8  }
0x1c9: {  	s1 =	sand.u32 $0x3FFFFC00, s1;
	s0 =	sshrl.u32 s31, $0x2;
	[tilespmem:s6+$0x90] =	vst v19;
	v14 =	vor.u32 v9, v3;
	v10 =	vor.u32 v9, v7;
	v11 =	vor.u32 v13, v7  }
0x1ca: {  	s1 =	sor.u32 s0, s1;
	s0 =	simm.s32 $0x2;
	v7 =	vor.u32 v13, v8;
	v6 =	vor.u32 v13, v6;
	v5 =	vor.u32 v13, v5;
	s6 =	simm.s32 $0x400;
	v8 =	vld.idx.msk [tilespmem:v63+s20+$0x0], $0xffff  }
0x1cb: {  	_ =	sdelay $0x3  }
0x1cc: {  	v15 =	vld.idx.msk [tilespmem:v15+s20+$0x0], $0xffff  }
0x1cd: {  	v17 =	vld.idx.msk [tilespmem:v17+s20+$0x0], $0xffff  }
0x1ce: {  	v16 =	vld.idx.msk [tilespmem:v16+s20+$0x0], $0xffff  }
0x1cf: {  	v18 =	vor.u32 v4, v13;
	v2 =	vor.u32 v13, v2;
	v12 =	vld.idx.msk [tilespmem:v12+s20+$0x0], $0xffff  }
0x1d0: {  	s2 =	simm.s32 $0x20;
	v4 =	vor.u32 v4, v9;
	v19 =	vor.u32 v13, v1;
	s7 =	sor.u32 $0x19, s0;
	v1 =	vmov s0;
	v14 =	vld.idx.msk [tilespmem:v14+s20+$0x0], $0xffff  }
0x1d1: {  	v21 =	vor.u32 v13, v3;
	s0 =	sadd.s32 $0x13A00, s1;
	v5 =	vld.idx.msk [tilespmem:v5+s20+$0x0], $0xffff;
	s2 =	sand.u32 $0xFFFFFF80, s2;
	v9 =	vmov s7;
	v1 =	vand.u32 $0x7, v1  }
0x1d2: {  	v10 =	vld.idx.msk [tilespmem:v10+s20+$0x0], $0xffff;
	v3 =	vmov s2;
	s10 =	sor.u32 $0x30, s2;
	s12 =	sor.u32 $0x10, s2;
	s14 =	sor.u32 $0x50, s2;
	v1 =	vor.u32 $0x18, v1;
	v9 =	vand.u32 $0x7, v9  }
0x1d3: {  	v13 =	vmov s10;
	v20 =	vmov s12;
	v22 =	vmov s14;
	[tilespmem:s0+$0x30] =	vst v8  }
0x1d4: {  	v27 =	vld.idx.msk [tilespmem:v7+s20+$0x0], $0xffff;
	s15 =	sor.u32 $0x40, s2;
	s26 =	sor.u32 $0x70, s2;
	v23 =	vor.u32 $0x18, v9;
	v9 =	vbroadcast v1, $0x0;
	v25 =	vshll.u32 v3, $0x7;
	[tilespmem:s0+$0x10] =	vst v15  }
0x1d5: {  	v7 =	vmov s26;
	v13 =	vshll.u32 v13, $0x7;
	v8 =	vld.idx.msk [tilespmem:v11+s20+$0x0], $0xffff;
	v11 =	vmov s15;
	[tilespmem:s0+$0x40] =	vst v17  }
0x1d6: {  	v22 =	vshll.u32 v22, $0x7;
	v3 =	vshll.u32 v20, $0x7;
	v7 =	vshll.u32 v7, $0x7;
	v18 =	vld.idx.msk [tilespmem:v18+s20+$0x0], $0xffff;
	[tilespmem:s0+$0x50] =	vst v16  }
0x1d7: {  	s24 =	sor.u32 $0x60, s2;
	s2 =	sor.u32 $0x20, s2;
	v11 =	vshll.u32 v11, $0x7;
	v22 =	vor.u32 v0, v22;
	v1 =	vor.u32 v0, v13;
	v24 =	vld.idx.msk [tilespmem:v2+s20+$0x0], $0xffff;
	[tilespmem:s0+$0x70] =	vst v12  }
0x1d8: {  	v13 =	vmov s24;
	v26 =	vor.u32 v0, v3;
	[tilespmem:s0+$0x60] =	vst v14;
	v20 =	vld.idx.msk [tilespmem:v4+s20+$0x0], $0xffff;
	v4 =	vmov s2  }
0x1d9: {  	v29 =	vld.idx.msk [tilespmem:v19+s20+$0x0], $0xffff;
	[tilespmem:s0+$0xD0] =	vst v5;
	v5 =	vor.u32 v0, v7;
	v2 =	vor.u32 v0, v11;
	v3 =	vshll.u32 v13, $0x7  }
0x1da: {  	p1 =	por $0x1, $0x1;
	[tilespmem:s0+$0x20] =	vst v10;
	v15 =	vor.u32 v9, v26;
	v28 =	vor.u32 v9, v1;
	v16 =	vor.u32 v9, v22  }
.Ltmp10:
0x1db: {  	v19 =	vld.idx.msk [tilespmem:v6+s20+$0x0], $0xffff;
	[tilespmem:s0+$0xF0] =	vst v27;
	v6 =	vshll.u32 v4, $0x7;
	v12 =	vor.u32 v9, v5;
	v13 =	vbroadcast v23, $0x0;
	(pc) =	sbr.rel @!p1 .LBB2_21-.Ltmp10, $4  }
0x1dc: {  	v17 =	vor.u32 v9, v2;
	v3 =	vor.u32 v0, v3;
	v6 =	vor.u32 v0, v6;
	[tilespmem:s0+$0xA0] =	vst v8  }
0x1dd: {  	s30 =	sand.u32 $0xC00, s6;
	s31 =	simm.s32 $0x100;
	p0 =	por $0x1, $0x1;
	v4 =	vor.u32 v0, v25;
	v14 =	vor.u32 v9, v3;
	v10 =	vor.u32 v9, v6;
	[tilespmem:s0+$0x80] =	vst v18  }
0x1de: {  	s6 =	sand.u32 $0x3FFFFC00, s31;
	s10 =	simm.s32 $0x10;
	s2 =	sshrl.u32 s30, $0x2;
	v11 =	vor.u32 v13, v6;
	v7 =	vor.u32 v13, v5;
	[tilespmem:s0+$0xC0] =	vst v24;
	v18 =	vld.idx.msk [tilespmem:v21+s20+$0x0], $0xffff  }
0x1df: {  	s12 =	simm.s32 $0x800;
	s7 =	sor.u32 s2, s6;
	s6 =	simm.s32 $0x4;
	v6 =	vor.u32 v13, v26;
	v5 =	vor.u32 v13, v22;
	[tilespmem:s0+$0xB0] =	vst v29;
	v8 =	vld.idx.msk [tilespmem:v28+s20+$0x0], $0xffff  }
.LBB2_20:
0x1e0: {  	s10 =	sadd.s32 $0x10, s10;
	s2 =	sand.u32 $0xC00, s12;
	s14 =	sadd.s32 $0x13A00, s7;
	v15 =	vld.idx.msk [tilespmem:v15+s20+$0x0], $0xffff;
	v21 =	vor.u32 v4, v13;
	v2 =	vor.u32 v13, v2;
	[tilespmem:s1+$0x13A00] =	vst v20  }
0x1e1: {  	v4 =	vor.u32 v4, v9;
	v22 =	vor.u32 v13, v3;
	s1 =	sshll.u32 s10, $0x1;
	s13 =	sshll.u32 s10, $0x4;
	s2 =	sshrl.u32 s2, $0x2;
	v9 =	vld.idx.msk [tilespmem:v17+s20+$0x0], $0xffff;
	v17 =	vor.u32 v13, v1  }
0x1e2: {  	s24 =	sor.u32 $0x19, s6;
	s1 =	sand.u32 $0xFFFFFF80, s1;
	s15 =	sand.u32 $0x3FFFFC00, s13;
	v3 =	vld.idx.msk [tilespmem:v16+s20+$0x0], $0xffff;
	[tilespmem:s0+$0x90] =	vst v19  }
0x1e3: {  	v1 =	vmov s6;
	v16 =	vmov s24;
	v13 =	vmov s1;
	s26 =	sor.u32 $0x10, s1;
	s13 =	sor.u32 $0x20, s1;
	s30 =	sor.u32 $0x30, s1;
	v12 =	vld.idx.msk [tilespmem:v12+s20+$0x0], $0xffff  }
0x1e4: {  	v1 =	vand.u32 $0x7, v1;
	s24 =	sor.u32 $0x40, s1;
	v19 =	vmov s26;
	v20 =	vmov s30;
	s26 =	sor.u32 $0x50, s1;
	s30 =	sor.u32 $0x60, s1;
	v14 =	vld.idx.msk [tilespmem:v14+s20+$0x0], $0xffff;
	[tilespmem:s0+$0xE0] =	vst v18  }
0x1e5: {  	p1 =	slt.u32 s10, $0x70;
	s2 =	sor.u32 s2, s15;
	s15 =	sor.u32 $0x70, s1;
	v18 =	vshll.u32 v20, $0x7;
	v20 =	vmov s24;
	v23 =	vmov s26;
	[tilespmem:s14+$0x30] =	vst v8;
	v8 =	vld.idx.msk [tilespmem:v11+s20+$0x0], $0xffff  }
0x1e6: {  	v1 =	vor.u32 $0x18, v1;
	v16 =	vand.u32 $0x7, v16;
	s0 =	smov.u32 s14;
	s1 =	smov.u32 s7;
	s7 =	smov.u32 s2;
	v11 =	vshll.u32 v23, $0x7;
	[tilespmem:s14+$0x10] =	vst v15;
	v5 =	vld.idx.msk [tilespmem:v5+s20+$0x0], $0xffff  }
0x1e7: {  	v15 =	vshll.u32 v20, $0x7;
	v23 =	vor.u32 v0, v11;
	v11 =	vor.u32 $0x18, v16;
	[tilespmem:s0+$0x40] =	vst v9;
	v21 =	vld.idx.msk [tilespmem:v21+s20+$0x0], $0xffff  }
0x1e8: {  	v9 =	vbroadcast v1, $0x0;
	v1 =	vor.u32 v0, v18;
	v16 =	vmov s30;
	[tilespmem:s0+$0x50] =	vst v3;
	v18 =	vld.idx.msk [tilespmem:v2+s20+$0x0], $0xffff  }
0x1e9: {  	v24 =	vshll.u32 v13, $0x7;
	v3 =	vshll.u32 v19, $0x7;
	v2 =	vor.u32 v0, v15;
	v10 =	vld.idx.msk [tilespmem:v10+s20+$0x0], $0xffff;
	[tilespmem:s0+$0x70] =	vst v12  }
0x1ea: {  	v25 =	vor.u32 v0, v3;
	v3 =	vshll.u32 v16, $0x7;
	v12 =	vmov s15;
	[tilespmem:s0+$0x60] =	vst v14;
	v26 =	vld.idx.msk [tilespmem:v7+s20+$0x0], $0xffff  }
0x1eb: {  	v27 =	vor.u32 v9, v1;
	v15 =	vor.u32 v9, v25;
	v7 =	vshll.u32 v12, $0x7;
	[tilespmem:s0+$0xA0] =	vst v8;
	v28 =	vld.idx.msk [tilespmem:v17+s20+$0x0], $0xffff  }
0x1ec: {  	v3 =	vor.u32 v0, v3;
	v17 =	vor.u32 v9, v2;
	v20 =	vld.idx.msk [tilespmem:v4+s20+$0x0], $0xffff;
	[tilespmem:s0+$0xD0] =	vst v5  }
.Ltmp11:
0x1ed: {  	v16 =	vor.u32 v9, v23;
	v4 =	vmov s13;
	v5 =	vor.u32 v0, v7;
	[tilespmem:s0+$0x80] =	vst v21;
	v19 =	vld.idx.msk [tilespmem:v6+s20+$0x0], $0xffff;
	(pc) =	sbr.rel @p1 .LBB2_20-.Ltmp11, $4  }
0x1ee: {  	v13 =	vbroadcast v11, $0x0;
	v6 =	vshll.u32 v4, $0x7;
	v12 =	vor.u32 v9, v5;
	[tilespmem:s0+$0xC0] =	vst v18;
	v18 =	vld.idx.msk [tilespmem:v22+s20+$0x0], $0xffff  }
0x1ef: {  	v14 =	vor.u32 v9, v3;
	v4 =	vor.u32 v0, v24;
	v6 =	vor.u32 v0, v6;
	[tilespmem:s0+$0x20] =	vst v10  }
0x1f0: {  	v7 =	vor.u32 v13, v5;
	v10 =	vor.u32 v9, v6;
	v11 =	vor.u32 v13, v6;
	[tilespmem:s0+$0xF0] =	vst v26  }
0x1f1: {  	s12 =	sadd.s32 $0x400, s12;
	s6 =	sadd.s32 $0x2, s6;
	v5 =	vor.u32 v13, v23;
	v6 =	vor.u32 v13, v25;
	v8 =	vld.idx.msk [tilespmem:v27+s20+$0x0], $0xffff;
	[tilespmem:s0+$0xB0] =	vst v28  }
.LBB2_21:
0x1f2: {  	_ =	sdelay $0x3  }
0x1f3: {  	v15 =	vld.idx.msk [tilespmem:v15+s20+$0x0], $0xffff  }
0x1f4: {  	[tilespmem:s1+$0x13A00] =	vst @p0 v20;
	v17 =	vld.idx.msk [tilespmem:v17+s20+$0x0], $0xffff  }
0x1f5: {  	v16 =	vld.idx.msk [tilespmem:v16+s20+$0x0], $0xffff;
	[tilespmem:s0+$0x90] =	vst @p0 v19  }
0x1f6: {  	s15 =	sadd.s32 $0x13A00, s7;
	v12 =	vld.idx.msk [tilespmem:v12+s20+$0x0], $0xffff;
	[tilespmem:s0+$0xE0] =	vst @p0 v18  }
0x1f7: {  	v2 =	vor.u32 v13, v2;
	v14 =	vld.idx.msk [tilespmem:v14+s20+$0x0], $0xffff;
	[tilespmem:s15+$0x30] =	vst v8  }
0x1f8: {  	v60 =	vld.idx.msk [tilespmem:v11+s20+$0x0], $0xffff;
	[tilespmem:s15+$0x10] =	vst v15  }
0x1f9: {  	v59 =	vor.u32 v4, v13;
	v5 =	vld.idx.msk [tilespmem:v5+s20+$0x0], $0xffff;
	[tilespmem:s15+$0x40] =	vst v17  }
0x1fa: {  	v1 =	vor.u32 v13, v1;
	v10 =	vld.idx.msk [tilespmem:v10+s20+$0x0], $0xffff;
	[tilespmem:s15+$0x50] =	vst v16  }
0x1fb: {  	v61 =	vor.u32 v4, v9;
	v7 =	vld.idx.msk [tilespmem:v7+s20+$0x0], $0xffff;
	[tilespmem:s15+$0x70] =	vst v12  }
0x1fc: {  	v3 =	vor.u32 v13, v3;
	v2 =	vld.idx.msk [tilespmem:v2+s20+$0x0], $0xffff;
	[tilespmem:s15+$0x60] =	vst v14  }
0x1fd: {  	v63 =	vld.idx.msk [tilespmem:v6+s20+$0x0], $0xffff;
	[tilespmem:s15+$0xA0] =	vst v60  }
0x1fe: {  	v62 =	vld.idx.msk [tilespmem:v59+s20+$0x0], $0xffff;
	[tilespmem:s15+$0xD0] =	vst v5  }
0x1ff: {  	v1 =	vld.idx.msk [tilespmem:v1+s20+$0x0], $0xffff;
	[tilespmem:s15+$0x20] =	vst v10  }
0x200: {  	v4 =	vld.idx.msk [tilespmem:v61+s20+$0x0], $0xffff;
	[tilespmem:s15+$0xF0] =	vst v7  }
0x201: {  	[tilespmem:s15+$0xC0] =	vst v2;
	v2 =	vld.idx.msk [tilespmem:v3+s20+$0x0], $0xffff  }
0x202: {  	[tilespmem:s15+$0x90] =	vst v63  }
0x203: {  	[tilespmem:s15+$0x80] =	vst v62  }
0x204: {  	[tilespmem:s15+$0xB0] =	vst v1  }
0x205: {  	[tilespmem:s7+$0x13A00] =	vst v4  }
0x206: {  	[tilespmem:s15+$0xE0] =	vst v2  }
0x207: {  	s24 =	simm.s32 $0x12200;
	s0 =	rddreg [dreg:$0x8]  }
0x208: {  	[hbm4b:s0+s22] =	stream.strided.scatter [tilespmem:s24], [sflag:$0x6], $0x2000, s23, s22, $0x38;
	[tilespmem:$0x14200] =	vst v63  }
0x209: {  	s26 =	simm.s32 $0x0;
	s31 =	simm.s32 $0x1;
	s30 =	rddreg [dreg:$0x9]  }
0x20a: {  	[tilespmem:s16], [sflag:$0x2] =	stream.linear.gather [hbm4b:s30+s26], $0x100, $0x38;
	[tilespmem:$0x14200] =	vst v63  }
.LBB2_22:
0x20b: {  	_ =	swait.ge [sflag:s19], $0x100  }
0x20c: {  	s0 =	simm.s32 $0x0;
	[sflag:s19] =	ssyncset.done $0x0  }
0x20d: {  	s2 =	sand.u32 $0xFFFFFF80, s0;
	[sflag:s19] =	ssyncadd.s32 $0xFFFFFF00  }
0x20e: {  	s0 =	sor.u32 $0x10, s2;
	s1 =	sor.u32 $0x40, s2;
	s6 =	sor.u32 $0x30, s2  }
0x20f: {  	[tilespmem:s20], [sflag:$0x4] =	stream.indirect.gather [hbm4b:s4+s16], $0x80, s16, s16, $0xb8;
	[tilespmem:$0x14200] =	vst v63  }
0x210: {  	s7 =	sor.u32 $0x60, s2;
	s14 =	sor.u32 $0x20, s2;
	v1 =	vmov s0;
	v2 =	vmov s1;
	v3 =	vmov s6  }
0x211: {  	s0 =	simm.s32 $0x0;
	v4 =	vmov s7;
	v6 =	vmov s14;
	v5 =	vshll.u32 v1, $0x7  }
0x212: {  	v2 =	vshll.u32 v2, $0x7;
	_ =	swait.ge [sflag:s21], $0x8000;
	s11 =	sand.u32 $0x6, s0;
	v6 =	vshll.u32 v6, $0x7;
	v5 =	vor.u32 v0, v5  }
0x213: {  	v10 =	vshll.u32 v4, $0x7;
	v1 =	vor.u32 v0, v2;
	[sflag:s21] =	ssyncset.done $0x0;
	v7 =	vor.u32 s11, v5  }
0x214: {  	v2 =	vshll.u32 v3, $0x7;
	v4 =	vor.u32 v0, v6;
	[sflag:s21] =	ssyncadd.s32 $0xFFFF8000;
	v9 =	vor.u32 s11, v1  }
0x215: {  	s10 =	sor.u32 $0x50, s2;
	v2 =	vor.u32 v0, v2;
	v12 =	vor.u32 s11, v4;
	_ =	swait.ge [sflag:s28], $0x2000  }
0x216: {  	v3 =	vmov s10;
	v6 =	vor.u32 v0, v10;
	v8 =	vor.u32 s11, v2;
	[sflag:s28] =	ssyncset.done $0x0  }
0x217: {  	s10 =	sor.u32 $0x1, s11;
	v3 =	vshll.u32 v3, $0x7;
	v13 =	vor.u32 s11, v6;
	[sflag:s28] =	ssyncadd.s32 $0xFFFFE000  }
0x218: {  	v16 =	vor.u32 s10, v6;
	v3 =	vor.u32 v0, v3;
	v10 =	vld.idx.msk [tilespmem:v7+s18+$0x0], $0xffff  }
0x219: {  	v11 =	vor.u32 s11, v3;
	v9 =	vld.idx.msk [tilespmem:v9+s18+$0x0], $0xffff  }
0x21a: {  	s15 =	simm.s32 $0x0;
	s24 =	sor.u32 $0x70, s2;
	v15 =	vor.u32 s10, v3;
	v12 =	vld.idx.msk [tilespmem:v12+s18+$0x0], $0xffff  }
0x21b: {  	s1 =	sand.u32 $0x3FFFFC00, s15;
	v18 =	vor.u32 s10, v4;
	v7 =	vmov s2;
	v14 =	vld.idx.msk [tilespmem:v8+s18+$0x0], $0xffff;
	v8 =	vmov s24  }
0x21c: {  	s12 =	simm.s32 $0x20;
	s26 =	sadd.s32 $0x10200, s1;
	s30 =	sshll.u32 s11, $0x7;
	v22 =	vor.u32 s10, v1;
	v13 =	vld.idx.msk [tilespmem:v13+s18+$0x0], $0xffff;
	v7 =	vshll.u32 v7, $0x7;
	v17 =	vshll.u32 v8, $0x7  }
0x21d: {  	s12 =	sand.u32 $0xFFFFFF80, s12;
	s7 =	sadd.s32 s30, s26;
	v16 =	vld.idx.msk [tilespmem:v16+s18+$0x0], $0xffff;
	v8 =	vor.u32 v0, v7;
	v7 =	vor.u32 v0, v17;
	v17 =	vor.u32 s10, v2  }
0x21e: {  	v23 =	vmov s12;
	s13 =	sor.u32 $0x40, s12;
	v11 =	vld.idx.msk [tilespmem:v11+s18+$0x0], $0xffff;
	v21 =	vor.u32 s10, v7;
	[tilespmem:s7+$0x10] =	vst v10  }
0x21f: {  	v23 =	vshll.u32 v23, $0x7;
	s14 =	sor.u32 $0x30, s12;
	v24 =	vmov s13;
	v15 =	vld.idx.msk [tilespmem:v15+s18+$0x0], $0xffff;
	v19 =	vor.u32 s11, v8;
	[tilespmem:s7+$0x40] =	vst v9  }
0x220: {  	s5 =	sor.u32 $0x10, s12;
	v25 =	vmov s14;
	v24 =	vshll.u32 v24, $0x7;
	v20 =	vor.u32 s10, v5;
	v18 =	vld.idx.msk [tilespmem:v18+s18+$0x0], $0xffff;
	[tilespmem:s7+$0x20] =	vst v12  }
0x221: {  	s14 =	sor.u32 $0x50, s12;
	v26 =	vor.u32 v0, v24;
	v22 =	vld.idx.msk [tilespmem:v22+s18+$0x0], $0xffff;
	v10 =	vor.u32 s10, v8;
	v9 =	vmov s5;
	[tilespmem:s7+$0x60] =	vst v13  }
0x222: {  	v13 =	vmov s14;
	[tilespmem:s7+$0x30] =	vst v14;
	v14 =	vor.u32 s11, v7;
	s11 =	sshll.u32 s10, $0x7;
	s10 =	simm.s32 $0x2;
	v9 =	vshll.u32 v9, $0x7;
	v17 =	vld.idx.msk [tilespmem:v17+s18+$0x0], $0xffff  }
0x223: {  	s8 =	sor.u32 $0x60, s12;
	v13 =	vshll.u32 v13, $0x7;
	[tilespmem:s7+$0x50] =	vst v11;
	s24 =	sand.u32 $0x6, s10;
	v9 =	vor.u32 v0, v9;
	s2 =	sadd.s32 s11, s26;
	v12 =	vld.idx.msk [tilespmem:v21+s18+$0x0], $0xffff;
	v21 =	vshll.u32 v25, $0x7  }
0x224: {  	s15 =	sor.u32 $0x20, s12;
	v11 =	vmov s8;
	v19 =	vld.idx.msk [tilespmem:v19+s18+$0x0], $0xffff;
	v24 =	vor.u32 s24, v9;
	[tilespmem:s2+$0x50] =	vst v15;
	v27 =	vor.u32 v0, v21  }
0x225: {  	v30 =	vld.idx.msk [tilespmem:v20+s18+$0x0], $0xffff;
	v13 =	vor.u32 v0, v13;
	v15 =	vmov s15;
	[tilespmem:s2+$0x60] =	vst v16;
	v25 =	vor.u32 s24, v27  }
0x226: {  	v29 =	vor.u32 s24, v26;
	[tilespmem:s2+$0x20] =	vst v18;
	v11 =	vshll.u32 v11, $0x7;
	v28 =	vld.idx.msk [tilespmem:v10+s18+$0x0], $0xffff;
	v10 =	vshll.u32 v15, $0x7  }
0x227: {  	v31 =	vor.u32 s24, v13;
	[tilespmem:s2+$0x40] =	vst v22;
	v11 =	vor.u32 v0, v11;
	v20 =	vor.u32 v0, v10  }
0x228: {  	v23 =	vor.u32 v0, v23;
	s26 =	sor.u32 $0x70, s12;
	s15 =	sor.u32 $0x1, s24;
	v21 =	vor.u32 s24, v11;
	v14 =	vld.idx.msk [tilespmem:v14+s18+$0x0], $0xffff;
	[tilespmem:s2+$0x30] =	vst v17;
	v17 =	vor.u32 s24, v20  }
0x229: {  	v9 =	vor.u32 s15, v9;
	v22 =	vor.u32 s15, v11;
	v10 =	vmov s26;
	v15 =	vld.idx.msk [tilespmem:v24+s18+$0x0], $0xffff;
	[tilespmem:s7+$0x0] =	vst v19  }
0x22a: {  	s30 =	simm.s32 $0x100;
	v19 =	vor.u32 s15, v20;
	[tilespmem:s2+$0x70] =	vst v12;
	v12 =	vshll.u32 v10, $0x7;
	v16 =	vld.idx.msk [tilespmem:v25+s18+$0x0], $0xffff;
	v25 =	vor.u32 s15, v13  }
0x22b: {  	s6 =	simm.s32 $0x10;
	s12 =	sand.u32 $0x3FFFFC00, s30;
	[tilespmem:s2+$0x10] =	vst v30;
	v18 =	vld.idx.msk [tilespmem:v29+s18+$0x0], $0xffff;
	v10 =	vor.u32 s24, v23;
	v24 =	vor.u32 v0, v12;
	v12 =	vor.u32 s15, v23  }
0x22c: {  	s12 =	sadd.s32 $0x10200, s12;
	s14 =	sshll.u32 s24, $0x7;
	s13 =	sshll.u32 s15, $0x7;
	v20 =	vld.idx.msk [tilespmem:v31+s18+$0x0], $0xffff;
	[tilespmem:s2+$0x0] =	vst v28;
	v23 =	vor.u32 s15, v27;
	v13 =	vor.u32 s15, v26;
	v11 =	vor.u32 s24, v24  }
.LBB2_23:
0x22d: {  	s6 =	sadd.s32 $0x10, s6;
	v17 =	vld.idx.msk [tilespmem:v17+s18+$0x0], $0xffff;
	[tilespmem:s7+$0x70] =	vst v14  }
0x22e: {  	s7 =	sadd.s32 s14, s12;
	s2 =	sshll.u32 s6, $0x1;
	s24 =	sshll.u32 s6, $0x4;
	v14 =	vld.idx.msk [tilespmem:v21+s18+$0x0], $0xffff;
	v21 =	vor.u32 s15, v24  }
0x22f: {  	s10 =	sadd.s32 $0x2, s10;
	s2 =	sand.u32 $0xFFFFFF80, s2;
	s14 =	sand.u32 $0x3FFFFC00, s24;
	[tilespmem:s7+$0x10] =	vst v15;
	v15 =	vld.idx.msk [tilespmem:v25+s18+$0x0], $0xffff  }
0x230: {  	v24 =	vmov s2;
	s15 =	sor.u32 $0x10, s2;
	s24 =	sor.u32 $0x40, s2;
	s26 =	sor.u32 $0x60, s2;
	[tilespmem:s7+$0x30] =	vst v16;
	v16 =	vld.idx.msk [tilespmem:v22+s18+$0x0], $0xffff  }
0x231: {  	s30 =	sor.u32 $0x30, s2;
	v22 =	vshll.u32 v24, $0x7;
	v24 =	vmov s15;
	s15 =	sor.u32 $0x20, s2;
	v25 =	vmov s24;
	s24 =	sor.u32 $0x50, s2;
	[tilespmem:s7+$0x40] =	vst v18;
	v18 =	vld.idx.msk [tilespmem:v19+s18+$0x0], $0xffff  }
0x232: {  	p0 =	slt.u32 s6, $0x70;
	s14 =	sadd.s32 $0x10200, s14;
	v19 =	vmov s30;
	v26 =	vmov s26;
	s2 =	sor.u32 $0x70, s2;
	v25 =	vshll.u32 v25, $0x7;
	[tilespmem:s7+$0x50] =	vst v20;
	v20 =	vld.idx.msk [tilespmem:v23+s18+$0x0], $0xffff  }
0x233: {  	v23 =	vor.u32 v0, v22;
	v22 =	vshll.u32 v24, $0x7;
	v27 =	vor.u32 v0, v25;
	[tilespmem:s7+$0x20] =	vst v17;
	v21 =	vld.idx.msk [tilespmem:v21+s18+$0x0], $0xffff  }
0x234: {  	s26 =	sand.u32 $0x6, s10;
	v22 =	vor.u32 v0, v22;
	v17 =	vshll.u32 v19, $0x7;
	v19 =	vmov s24;
	s24 =	sadd.s32 s13, s12;
	s12 =	smov.u32 s14;
	v25 =	vld.idx.msk [tilespmem:v10+s18+$0x0], $0xffff;
	[tilespmem:s7+$0x60] =	vst v14  }
0x235: {  	s14 =	sshll.u32 s26, $0x7;
	v24 =	vor.u32 s26, v22;
	v28 =	vor.u32 v0, v17;
	v10 =	vshll.u32 v19, $0x7;
	v13 =	vld.idx.msk [tilespmem:v13+s18+$0x0], $0xffff;
	[tilespmem:s24+$0x50] =	vst v15  }
0x236: {  	v14 =	vmov s15;
	v19 =	vor.u32 s26, v28;
	v15 =	vshll.u32 v26, $0x7;
	v26 =	vld.idx.msk [tilespmem:v12+s18+$0x0], $0xffff;
	[tilespmem:s24+$0x60] =	vst v16  }
0x237: {  	v29 =	vor.u32 s26, v27;
	v30 =	vor.u32 v0, v10;
	v12 =	vshll.u32 v14, $0x7;
	v31 =	vld.idx.msk [tilespmem:v9+s18+$0x0], $0xffff;
	[tilespmem:s24+$0x20] =	vst v18  }
0x238: {  	v33 =	vor.u32 s26, v30;
	v32 =	vor.u32 v0, v12;
	v9 =	vmov s2;
	v14 =	vld.idx.msk [tilespmem:v11+s18+$0x0], $0xffff;
	[tilespmem:s24+$0x30] =	vst v20  }
.Ltmp12:
0x239: {  	v17 =	vor.u32 s26, v32;
	v11 =	vor.u32 v0, v15;
	v9 =	vshll.u32 v9, $0x7;
	[tilespmem:s24+$0x70] =	vst v21;
	(pc) =	sbr.rel @p0 .LBB2_23-.Ltmp12, $4  }
0x23a: {  	s15 =	sor.u32 $0x1, s26;
	v10 =	vor.u32 s26, v23;
	v21 =	vor.u32 s26, v11;
	v15 =	vld.idx.msk [tilespmem:v24+s18+$0x0], $0xffff;
	v24 =	vor.u32 v0, v9;
	[tilespmem:s7+$0x0] =	vst v25  }
0x23b: {  	s13 =	sshll.u32 s15, $0x7;
	v9 =	vor.u32 s15, v22;
	v25 =	vor.u32 s15, v30;
	v22 =	vor.u32 s15, v11;
	v16 =	vld.idx.msk [tilespmem:v19+s18+$0x0], $0xffff;
	[tilespmem:s24+$0x40] =	vst v13  }
0x23c: {  	v12 =	vor.u32 s15, v23;
	v19 =	vor.u32 s15, v32;
	v13 =	vor.u32 s15, v27;
	v18 =	vld.idx.msk [tilespmem:v29+s18+$0x0], $0xffff;
	[tilespmem:s24+$0x0] =	vst v26  }
0x23d: {  	v23 =	vor.u32 s15, v28;
	v11 =	vor.u32 s26, v24;
	v20 =	vld.idx.msk [tilespmem:v33+s18+$0x0], $0xffff;
	[tilespmem:s24+$0x10] =	vst v31  }
0x23e: {  	_ =	sdelay $0x3  }
0x23f: {  	v17 =	vld.idx.msk [tilespmem:v17+s18+$0x0], $0xffff;
	[tilespmem:s7+$0x70] =	vst v14;
	s2 =	sadd.s32 s14, s12  }
0x240: {  	v14 =	vld.idx.msk [tilespmem:v21+s18+$0x0], $0xffff;
	[tilespmem:s2+$0x10] =	vst v15  }
0x241: {  	v10 =	vld.idx.msk [tilespmem:v10+s18+$0x0], $0xffff;
	[tilespmem:s2+$0x30] =	vst v16  }
0x242: {  	v13 =	vld.idx.msk [tilespmem:v13+s18+$0x0], $0xffff;
	[tilespmem:s2+$0x40] =	vst v18  }
0x243: {  	v12 =	vld.idx.msk [tilespmem:v12+s18+$0x0], $0xffff;
	[tilespmem:s2+$0x50] =	vst v20  }
0x244: {  	v9 =	vld.idx.msk [tilespmem:v9+s18+$0x0], $0xffff;
	[tilespmem:s2+$0x20] =	vst v17  }
0x245: {  	v21 =	vor.u32 s15, v24;
	v15 =	vld.idx.msk [tilespmem:v25+s18+$0x0], $0xffff;
	[tilespmem:s2+$0x60] =	vst v14  }
0x246: {  	s6 =	sadd.s32 s13, s12;
	v11 =	vld.idx.msk [tilespmem:v11+s18+$0x0], $0xffff;
	v14 =	vmov s0;
	[tilespmem:s2+$0x0] =	vst v10  }
0x247: {  	v16 =	vld.idx.msk [tilespmem:v22+s18+$0x0], $0xffff;
	[tilespmem:s6+$0x40] =	vst v13;
	v14 =	vand.u32 $0x7, v14  }
0x248: {  	v18 =	vld.idx.msk [tilespmem:v19+s18+$0x0], $0xffff;
	[tilespmem:s6+$0x0] =	vst v12;
	v14 =	vor.u32 $0x8, v14  }
0x249: {  	s14 =	sor.u32 $0x9, s0;
	v19 =	vld.idx.msk [tilespmem:v23+s18+$0x0], $0xffff;
	[tilespmem:s6+$0x10] =	vst v9;
	v14 =	vbroadcast v14, $0x0  }
0x24a: {  	v17 =	vld.idx.msk [tilespmem:v21+s18+$0x0], $0xffff;
	[tilespmem:s6+$0x50] =	vst v15;
	v15 =	vmov s14  }
0x24b: {  	[tilespmem:s2+$0x70] =	vst v11;
	v15 =	vand.u32 $0x7, v15;
	v13 =	vor.u32 v14, v5  }
0x24c: {  	[tilespmem:s6+$0x60] =	vst v16;
	v10 =	vor.u32 $0x8, v15;
	v15 =	vor.u32 v14, v6  }
0x24d: {  	[tilespmem:s6+$0x20] =	vst v18;
	v10 =	vbroadcast v10, $0x0;
	v12 =	vor.u32 v14, v3  }
0x24e: {  	[tilespmem:s6+$0x30] =	vst v19;
	v19 =	vor.u32 v14, v2  }
0x24f: {  	[tilespmem:s6+$0x70] =	vst v17;
	v5 =	vor.u32 v10, v5  }
0x250: {  	v9 =	vor.u32 v8, v10;
	v13 =	vld.idx.msk [tilespmem:v13+s18+$0x0], $0xffff  }
0x251: {  	s15 =	sand.u32 $0xC00, s0;
	s26 =	simm.s32 $0x20;
	v17 =	vor.u32 v14, v1;
	v21 =	vor.u32 v14, v4;
	v16 =	vor.u32 v10, v7;
	v11 =	vld.idx.msk [tilespmem:v15+s18+$0x0], $0xffff  }
0x252: {  	s24 =	simm.s32 $0x2;
	s0 =	sshrl.u32 s15, $0x2;
	s6 =	sand.u32 $0xFFFFFF80, s26;
	v18 =	vor.u32 v10, v1;
	v8 =	vor.u32 v8, v14;
	v7 =	vor.u32 v14, v7;
	v12 =	vld.idx.msk [tilespmem:v12+s18+$0x0], $0xffff  }
0x253: {  	s30 =	sor.u32 $0x9, s24;
	s1 =	sor.u32 s0, s1;
	v2 =	vor.u32 v10, v2;
	v20 =	vor.u32 v10, v3;
	v14 =	vmov s6;
	v19 =	vld.idx.msk [tilespmem:v19+s18+$0x0], $0xffff  }
0x254: {  	s0 =	sadd.s32 $0x10A00, s1;
	v1 =	vmov s24;
	v3 =	vmov s30;
	s8 =	sor.u32 $0x20, s6;
	v15 =	vor.u32 v10, v4;
	v4 =	vld.idx.msk [tilespmem:v5+s18+$0x0], $0xffff  }
0x255: {  	s11 =	sor.u32 $0x50, s6;
	v1 =	vand.u32 $0x7, v1;
	v22 =	vmov s8;
	v10 =	vor.u32 v10, v6;
	v6 =	vld.idx.msk [tilespmem:v9+s18+$0x0], $0xffff;
	[tilespmem:s0+$0x10] =	vst v13  }
0x256: {  	s5 =	sor.u32 $0x30, s6;
	v1 =	vor.u32 $0x8, v1;
	v5 =	vand.u32 $0x7, v3;
	v16 =	vld.idx.msk [tilespmem:v16+s18+$0x0], $0xffff;
	v3 =	vmov s11;
	[tilespmem:s0+$0x60] =	vst v11  }
0x257: {  	v1 =	vbroadcast v1, $0x0;
	v9 =	vmov s5;
	v8 =	vld.idx.msk [tilespmem:v8+s18+$0x0], $0xffff;
	v3 =	vshll.u32 v3, $0x7;
	[tilespmem:s0+$0x50] =	vst v12  }
0x258: {  	s12 =	sor.u32 $0x60, s6;
	v26 =	vld.idx.msk [tilespmem:v18+s18+$0x0], $0xffff;
	v23 =	vor.u32 $0x8, v5;
	v5 =	vshll.u32 v22, $0x7;
	v9 =	vshll.u32 v9, $0x7;
	[tilespmem:s0+$0x30] =	vst v19  }
0x259: {  	s10 =	sor.u32 $0x10, s6;
	s13 =	sor.u32 $0x40, s6;
	v22 =	vld.idx.msk [tilespmem:v17+s18+$0x0], $0xffff;
	v3 =	vor.u32 v0, v3;
	v5 =	vor.u32 v0, v5;
	v11 =	vmov s12;
	[tilespmem:s0+$0x90] =	vst v4  }
0x25a: {  	v13 =	vld.idx.msk [tilespmem:v15+s18+$0x0], $0xffff;
	v15 =	vmov s10;
	v12 =	vmov s13;
	v11 =	vshll.u32 v11, $0x7;
	[tilespmem:s0+$0x80] =	vst v6  }
0x25b: {  	v17 =	vld.idx.msk [tilespmem:v2+s18+$0x0], $0xffff;
	v15 =	vshll.u32 v15, $0x7;
	v6 =	vbroadcast v23, $0x0;
	[tilespmem:s0+$0xF0] =	vst v16;
	v4 =	vor.u32 v0, v11  }
0x25c: {  	s14 =	sor.u32 $0x70, s6;
	v16 =	vor.u32 v0, v9;
	[tilespmem:s1+$0x10A00] =	vst v8;
	v11 =	vor.u32 v0, v15;
	v62 =	vor.u32 v1, v4  }
0x25d: {  	v23 =	vld.idx.msk [tilespmem:v20+s18+$0x0], $0xffff;
	v2 =	vshll.u32 v12, $0x7;
	[tilespmem:s0+$0xC0] =	vst v26;
	v15 =	vmov s14;
	v63 =	vor.u32 v1, v11  }
0x25e: {  	v7 =	vld.idx.msk [tilespmem:v7+s18+$0x0], $0xffff;
	[tilespmem:s0+$0x40] =	vst v22;
	v2 =	vor.u32 v0, v2;
	v15 =	vshll.u32 v15, $0x7;
	v20 =	vor.u32 v6, v11  }
0x25f: {  	s15 =	simm.s32 $0x400;
	v19 =	vld.idx.msk [tilespmem:v21+s18+$0x0], $0xffff;
	v28 =	vor.u32 v0, v15;
	[tilespmem:s0+$0xA0] =	vst v13;
	v13 =	vshll.u32 v14, $0x7;
	v14 =	vor.u32 v1, v3  }
0x260: {  	s2 =	sand.u32 $0xC00, s15;
	s24 =	simm.s32 $0x100;
	v12 =	vor.u32 v6, v5;
	v8 =	vor.u32 v1, v28;
	v27 =	vor.u32 v0, v13;
	v13 =	vld.idx.msk [tilespmem:v10+s18+$0x0], $0xffff  }
0x261: {  	s7 =	simm.s32 $0x10;
	s26 =	sshrl.u32 s2, $0x2;
	s30 =	sand.u32 $0x3FFFFC00, s24;
	v21 =	vor.u32 v6, v28;
	v10 =	vor.u32 v1, v2;
	v15 =	vor.u32 v27, v6;
	v11 =	vld.idx.msk [tilespmem:v62+s18+$0x0], $0xffff  }
0x262: {  	s6 =	simm.s32 $0x4;
	s10 =	simm.s32 $0x800;
	s1 =	sor.u32 s26, s30;
	v2 =	vor.u32 v6, v2;
	[tilespmem:s0+$0xD0] =	vst v23;
	v9 =	vor.u32 v27, v1;
	v18 =	vld.idx.msk [tilespmem:v63+s18+$0x0], $0xffff  }
.LBB2_25:
0x263: {  	s7 =	sadd.s32 $0x10, s7;
	s2 =	sand.u32 $0xC00, s10;
	s13 =	sadd.s32 $0x10A00, s1;
	v22 =	vor.u32 v1, v16;
	v16 =	vor.u32 v6, v16;
	v23 =	vor.u32 v6, v3;
	[tilespmem:s0+$0x70] =	vst v7  }
0x264: {  	v24 =	vor.u32 v1, v5;
	v25 =	vor.u32 v6, v4;
	s12 =	sshll.u32 s7, $0x1;
	s14 =	sshll.u32 s7, $0x4;
	s2 =	sshrl.u32 s2, $0x2;
	v5 =	vld.idx.msk [tilespmem:v14+s18+$0x0], $0xffff;
	[tilespmem:s0+$0xB0] =	vst v17  }
0x265: {  	s15 =	sand.u32 $0xFFFFFF80, s12;
	s12 =	sand.u32 $0x3FFFFC00, s14;
	s14 =	sor.u32 $0x9, s6;
	v4 =	vld.idx.msk [tilespmem:v20+s18+$0x0], $0xffff;
	[tilespmem:s0+$0x20] =	vst v19  }
0x266: {  	v1 =	vmov s6;
	v14 =	vmov s15;
	s24 =	sor.u32 $0x10, s15;
	s26 =	sor.u32 $0x20, s15;
	s30 =	sor.u32 $0x30, s15;
	v3 =	vmov s14;
	v6 =	vld.idx.msk [tilespmem:v15+s18+$0x0], $0xffff  }
0x267: {  	v1 =	vand.u32 $0x7, v1;
	s14 =	sor.u32 $0x40, s15;
	s8 =	sor.u32 $0x60, s15;
	v15 =	vmov s30;
	s30 =	sor.u32 $0x50, s15;
	v7 =	vand.u32 $0x7, v3;
	v17 =	vld.idx.msk [tilespmem:v21+s18+$0x0], $0xffff;
	[tilespmem:s0+$0xE0] =	vst v13  }
0x268: {  	p0 =	slt.u32 s7, $0x70;
	v1 =	vor.u32 $0x8, v1;
	s12 =	sor.u32 s2, s12;
	s2 =	sor.u32 $0x70, s15;
	v13 =	vmov s26;
	v3 =	vmov s30;
	[tilespmem:s13+$0x10] =	vst v18;
	v12 =	vld.idx.msk [tilespmem:v12+s18+$0x0], $0xffff  }
0x269: {  	v1 =	vbroadcast v1, $0x0;
	s0 =	smov.u32 s13;
	v18 =	vmov s24;
	v3 =	vshll.u32 v3, $0x7;
	v19 =	vld.idx.msk [tilespmem:v22+s18+$0x0], $0xffff;
	[tilespmem:s13+$0x60] =	vst v11  }
0x26a: {  	v20 =	vor.u32 $0x8, v7;
	v11 =	vmov s8;
	v3 =	vor.u32 v0, v3;
	[tilespmem:s0+$0x50] =	vst v5;
	v7 =	vld.idx.msk [tilespmem:v8+s18+$0x0], $0xffff  }
0x26b: {  	v5 =	vshll.u32 v13, $0x7;
	v8 =	vmov s14;
	v11 =	vshll.u32 v11, $0x7;
	v10 =	vld.idx.msk [tilespmem:v10+s18+$0x0], $0xffff;
	[tilespmem:s0+$0x90] =	vst v4  }
0x26c: {  	v13 =	vshll.u32 v18, $0x7;
	v5 =	vor.u32 v0, v5;
	v4 =	vor.u32 v0, v11;
	v9 =	vld.idx.msk [tilespmem:v9+s18+$0x0], $0xffff;
	[tilespmem:s0+$0x80] =	vst v6  }
0x26d: {  	v11 =	vor.u32 v0, v13;
	v18 =	vor.u32 v1, v4;
	v6 =	vbroadcast v20, $0x0;
	v21 =	vld.idx.msk [tilespmem:v23+s18+$0x0], $0xffff;
	[tilespmem:s0+$0xF0] =	vst v17  }
0x26e: {  	v13 =	vshll.u32 v15, $0x7;
	v15 =	vmov s2;
	v22 =	vor.u32 v1, v11;
	[tilespmem:s0+$0xA0] =	vst v12;
	v23 =	vld.idx.msk [tilespmem:v2+s18+$0x0], $0xffff  }
0x26f: {  	v2 =	vshll.u32 v14, $0x7;
	v14 =	vor.u32 v1, v3;
	v12 =	vshll.u32 v15, $0x7;
	[tilespmem:s0+$0x30] =	vst v19;
	v17 =	vld.idx.msk [tilespmem:v16+s18+$0x0], $0xffff  }
.Ltmp13:
0x270: {  	v26 =	vor.u32 v0, v2;
	v16 =	vor.u32 v0, v13;
	v27 =	vor.u32 v0, v12;
	v19 =	vld.idx.msk [tilespmem:v24+s18+$0x0], $0xffff;
	(pc) =	sbr.rel @p0 .LBB2_25-.Ltmp13, $4  }
0x271: {  	v20 =	vor.u32 v6, v11;
	v2 =	vshll.u32 v8, $0x7;
	v15 =	vor.u32 v26, v6;
	[tilespmem:s0+$0x40] =	vst v10;
	v13 =	vld.idx.msk [tilespmem:v25+s18+$0x0], $0xffff  }
0x272: {  	v12 =	vor.u32 v6, v5;
	v2 =	vor.u32 v0, v2;
	v11 =	vld.idx.msk [tilespmem:v18+s18+$0x0], $0xffff;
	[tilespmem:s1+$0x10A00] =	vst v9;
	s1 =	smov.u32 s12  }
0x273: {  	v10 =	vor.u32 v1, v2;
	v2 =	vor.u32 v6, v2;
	v18 =	vld.idx.msk [tilespmem:v22+s18+$0x0], $0xffff;
	[tilespmem:s0+$0xD0] =	vst v21  }
0x274: {  	s10 =	sadd.s32 $0x400, s10;
	s6 =	sadd.s32 $0x2, s6;
	v8 =	vor.u32 v1, v27;
	v9 =	vor.u32 v26, v1;
	v21 =	vor.u32 v6, v27;
	[tilespmem:s0+$0xC0] =	vst v23  }
0x275: {  	_ =	sdelay $0x2  }
0x276: {  	[tilespmem:s0+$0x70] =	vst v7  }
0x277: {  	v7 =	vld.idx.msk [tilespmem:v14+s18+$0x0], $0xffff;
	[tilespmem:s0+$0xB0] =	vst v17  }
0x278: {  	v22 =	vor.u32 v1, v16;
	v14 =	vld.idx.msk [tilespmem:v20+s18+$0x0], $0xffff;
	[tilespmem:s0+$0x20] =	vst v19  }
0x279: {  	v15 =	vld.idx.msk [tilespmem:v15+s18+$0x0], $0xffff;
	s6 =	sadd.s32 $0x10A00, s1;
	[tilespmem:s0+$0xE0] =	vst v13  }
0x27a: {  	v12 =	vld.idx.msk [tilespmem:v12+s18+$0x0], $0xffff;
	[tilespmem:s6+$0x60] =	vst v11  }
0x27b: {  	v3 =	vor.u32 v6, v3;
	v17 =	vld.idx.msk [tilespmem:v21+s18+$0x0], $0xffff;
	s14 =	simm.s32 $0x0;
	[tilespmem:s6+$0x10] =	vst v18  }
0x27c: {  	v9 =	vld.idx.msk [tilespmem:v9+s18+$0x0], $0xffff;
	s2 =	sand.u32 $0xFFFFFF80, s14;
	[tilespmem:s6+$0x50] =	vst v7  }
0x27d: {  	v1 =	vor.u32 v1, v5;
	s0 =	simm.s32 $0x0;
	v11 =	vmov s2;
	s8 =	sor.u32 $0x40, s2;
	v13 =	vld.idx.msk [tilespmem:v22+s18+$0x0], $0xffff;
	[tilespmem:s6+$0x90] =	vst v14  }
0x27e: {  	s7 =	sand.u32 $0x6, s0;
	s10 =	sor.u32 $0x50, s2;
	v5 =	vmov s8;
	v7 =	vld.idx.msk [tilespmem:v10+s18+$0x0], $0xffff;
	v10 =	vor.u32 v6, v16;
	v6 =	vor.u32 v6, v4;
	[tilespmem:s6+$0x80] =	vst v15  }
0x27f: {  	v4 =	vshll.u32 v11, $0x7;
	v11 =	vmov s10;
	v14 =	vmov s7;
	[tilespmem:s6+$0xA0] =	vst v12;
	v12 =	vld.idx.msk [tilespmem:v2+s18+$0x0], $0xffff  }
0x280: {  	s12 =	sor.u32 $0x10, s2;
	v3 =	vld.idx.msk [tilespmem:v3+s18+$0x0], $0xffff;
	[tilespmem:s6+$0xF0] =	vst v17;
	v2 =	vshll.u32 v5, $0x7;
	v5 =	vshll.u32 v11, $0x7;
	v11 =	vor.u32 $0x10, v14  }
0x281: {  	v8 =	vld.idx.msk [tilespmem:v8+s18+$0x0], $0xffff;
	v15 =	vmov s12;
	[tilespmem:s1+$0x10A00] =	vst v9;
	v4 =	vor.u32 v0, v4;
	v11 =	vbroadcast v11, $0x0  }
0x282: {  	s15 =	sor.u32 $0x30, s2;
	s24 =	sor.u32 $0x60, s2;
	v2 =	vor.u32 v0, v2;
	v14 =	vld.idx.msk [tilespmem:v1+s18+$0x0], $0xffff;
	v9 =	vshll.u32 v15, $0x7;
	v5 =	vor.u32 v0, v5;
	[tilespmem:s6+$0x30] =	vst v13  }
0x283: {  	s26 =	sor.u32 $0x70, s2;
	s2 =	sor.u32 $0x20, s2;
	v17 =	vor.u32 v4, v11;
	v10 =	vld.idx.msk [tilespmem:v10+s18+$0x0], $0xffff;
	[tilespmem:s6+$0x40] =	vst v7;
	v7 =	vmov s15;
	v13 =	vmov s24  }
0x284: {  	s30 =	sor.u32 $0x11, s7;
	v15 =	vor.u32 v2, v11;
	v16 =	vld.idx.msk [tilespmem:v6+s18+$0x0], $0xffff;
	v6 =	vmov s26;
	[tilespmem:s6+$0xC0] =	vst v12;
	v12 =	vmov s2  }
0x285: {  	p1 =	por $0x1, $0x1;
	[tilespmem:s6+$0xD0] =	vst v3;
	v1 =	vshll.u32 v7, $0x7;
	v3 =	vshll.u32 v13, $0x7;
	v7 =	vmov s30  }
.Ltmp14:
0x286: {  	[tilespmem:s6+$0x70] =	vst v8;
	v8 =	vshll.u32 v12, $0x7;
	v1 =	vor.u32 v0, v1;
	v3 =	vor.u32 v0, v3;
	(pc) =	sbr.rel @!p1 .LBB2_27-.Ltmp14, $4  }
0x287: {  	[tilespmem:s6+$0x20] =	vst v14;
	v13 =	vbroadcast v7, $0x0;
	v7 =	vor.u32 v0, v8;
	v8 =	vshll.u32 v6, $0x7  }
0x288: {  	v6 =	vor.u32 v0, v9;
	v24 =	vor.u32 v1, v11;
	v20 =	vor.u32 v7, v11;
	[tilespmem:s6+$0xB0] =	vst v10  }
0x289: {  	v19 =	vor.u32 v6, v11;
	v9 =	vor.u32 v3, v11;
	v8 =	vor.u32 v0, v8;
	[tilespmem:s6+$0xE0] =	vst v16  }
0x28a: {  	p0 =	por $0x0, $0x0;
	s1 =	simm.s32 $0x0;
	s12 =	sshll.u32 s7, $0x7;
	v18 =	vor.u32 v2, v13;
	v12 =	vor.u32 v7, v13;
	v10 =	vor.u32 v5, v11;
	v16 =	vld.idx.msk [tilespmem:v17+s18+$0x0], $0xffff  }
0x28b: {  	_ =	sdelay $0x3  }
0x28c: {  	v17 =	vld.idx.msk [tilespmem:v24+s18+$0x0], $0xffff  }
0x28d: {  	v15 =	vld.idx.msk [tilespmem:v15+s18+$0x0], $0xffff  }
0x28e: {  	v20 =	vld.idx.msk [tilespmem:v20+s18+$0x0], $0xffff  }
0x28f: {  	v14 =	vor.u32 v1, v13;
	v19 =	vld.idx.msk [tilespmem:v19+s18+$0x0], $0xffff  }
0x290: {  	v21 =	vor.u32 v3, v13;
	s2 =	simm.s32 $0x20;
	v18 =	vld.idx.msk [tilespmem:v18+s18+$0x0], $0xffff  }
0x291: {  	v11 =	vor.u32 v8, v11;
	s10 =	simm.s32 $0x2;
	s7 =	sand.u32 $0x3FFFFC00, s1;
	v22 =	vor.u32 v4, v13;
	v12 =	vld.idx.msk [tilespmem:v12+s18+$0x0], $0xffff;
	s2 =	sand.u32 $0xFFFFFF80, s2  }
0x292: {  	v23 =	vor.u32 v5, v13;
	v29 =	vor.u32 v6, v13;
	v30 =	vor.u32 v8, v13;
	v28 =	vld.idx.msk [tilespmem:v10+s18+$0x0], $0xffff;
	s6 =	sand.u32 $0x6, s10;
	s12 =	sor.u32 s12, s7;
	s8 =	sor.u32 $0x40, s2  }
0x293: {  	v24 =	vmov s2;
	s13 =	sor.u32 $0x50, s2;
	s7 =	sadd.s32 $0x11200, s12;
	v26 =	vmov s6;
	v13 =	vmov s8;
	[tilespmem:s12+$0x11200] =	vst v16  }
0x294: {  	s14 =	sor.u32 $0x10, s2;
	v24 =	vshll.u32 v24, $0x7;
	v25 =	vmov s13;
	v13 =	vshll.u32 v13, $0x7;
	v16 =	vld.idx.msk [tilespmem:v14+s18+$0x0], $0xffff;
	[tilespmem:s7+$0x30] =	vst v17  }
0x295: {  	s15 =	sor.u32 $0x30, s2;
	v27 =	vmov s14;
	v14 =	vor.u32 v0, v24;
	v24 =	vld.idx.msk [tilespmem:v21+s18+$0x0], $0xffff;
	v31 =	vor.u32 v0, v13;
	[tilespmem:s7+$0x40] =	vst v15  }
0x296: {  	s24 =	sor.u32 $0x60, s2;
	s30 =	sor.u32 $0x11, s6;
	v13 =	vshll.u32 v25, $0x7;
	v17 =	vor.u32 $0x10, v26;
	v32 =	vld.idx.msk [tilespmem:v11+s18+$0x0], $0xffff;
	v15 =	vmov s15;
	[tilespmem:s7+$0x20] =	vst v20  }
0x297: {  	s26 =	sor.u32 $0x20, s2;
	s2 =	sor.u32 $0x70, s2;
	v21 =	vmov s24;
	v33 =	vld.idx.msk [tilespmem:v22+s18+$0x0], $0xffff;
	v20 =	vshll.u32 v27, $0x7;
	[tilespmem:s7+$0xC0] =	vst v18;
	v18 =	vmov s30  }
0x298: {  	v22 =	vmov s26;
	v26 =	vld.idx.msk [tilespmem:v9+s18+$0x0], $0xffff;
	v9 =	vmov s2;
	v11 =	vbroadcast v17, $0x0  }
0x299: {  	[tilespmem:s7+$0x10] =	vst v19;
	v17 =	vor.u32 v0, v13;
	v13 =	vshll.u32 v15, $0x7;
	v19 =	vshll.u32 v21, $0x7;
	v21 =	vld.idx.msk [tilespmem:v23+s18+$0x0], $0xffff  }
0x29a: {  	p3 =	por $0x1, $0x1;
	v10 =	vshll.u32 v22, $0x7;
	v22 =	vld.idx.msk [tilespmem:v29+s18+$0x0], $0xffff;
	v25 =	vor.u32 v0, v13;
	v34 =	vor.u32 v14, v11  }
.Ltmp15:
0x29b: {  	v23 =	vor.u32 v0, v20;
	v29 =	vld.idx.msk [tilespmem:v30+s18+$0x0], $0xffff;
	v30 =	vshll.u32 v9, $0x7;
	[tilespmem:s7+$0xE0] =	vst v24;
	v24 =	vor.u32 v25, v11;
	(pc) =	sbr.rel @!p3 .LBB2_30-.Ltmp15, $4  }
0x29c: {  	[tilespmem:s7+$0xA0] =	vst v12;
	v27 =	vor.u32 v0, v19;
	v35 =	vor.u32 v0, v10;
	v15 =	vor.u32 v31, v11  }
0x29d: {  	v13 =	vbroadcast v18, $0x0;
	v30 =	vor.u32 v0, v30;
	v20 =	vor.u32 v35, v11;
	[tilespmem:s7+$0xB0] =	vst v16  }
0x29e: {  	p2 =	por $0x1, $0x1;
	v19 =	vor.u32 v23, v11;
	v10 =	vor.u32 v17, v11;
	v9 =	vor.u32 v27, v11;
	[tilespmem:s7+$0x70] =	vst v32  }
0x29f: {  	s14 =	simm.s32 $0x10;
	s13 =	simm.s32 $0x100;
	s12 =	sshll.u32 s6, $0x7;
	v18 =	vor.u32 v31, v13;
	v12 =	vor.u32 v35, v13;
	[tilespmem:s7+$0x80] =	vst v33;
	v16 =	vld.idx.msk [tilespmem:v34+s18+$0x0], $0xffff  }
.LBB2_29:
0x2a0: {  	s14 =	sadd.s32 $0x10, s14;
	v24 =	vld.idx.msk [tilespmem:v24+s18+$0x0], $0xffff;
	v25 =	vor.u32 v25, v13;
	v27 =	vor.u32 v27, v13;
	s10 =	sadd.s32 $0x2, s10;
	[tilespmem:s7+$0x50] =	vst v28  }
0x2a1: {  	s6 =	sand.u32 $0x3FFFFC00, s13;
	v28 =	vor.u32 v14, v13;
	v31 =	vor.u32 v17, v13;
	s2 =	sshll.u32 s14, $0x1;
	s13 =	sshll.u32 s14, $0x4;
	v15 =	vld.idx.msk [tilespmem:v15+s18+$0x0], $0xffff;
	[tilespmem:s7+$0xD0] =	vst v21  }
0x2a2: {  	v11 =	vor.u32 v30, v11;
	v23 =	vor.u32 v23, v13;
	s8 =	sand.u32 $0x6, s10;
	s6 =	sor.u32 s12, s6;
	s2 =	sand.u32 $0xFFFFFF80, s2;
	v20 =	vld.idx.msk [tilespmem:v20+s18+$0x0], $0xffff;
	[tilespmem:s7+$0x60] =	vst v26  }
0x2a3: {  	v30 =	vor.u32 v30, v13;
	v14 =	vmov s2;
	s12 =	sor.u32 $0x10, s2;
	s15 =	sor.u32 $0x40, s2;
	s24 =	sor.u32 $0x50, s2;
	v19 =	vld.idx.msk [tilespmem:v19+s18+$0x0], $0xffff;
	[tilespmem:s7+$0xF0] =	vst v29  }
0x2a4: {  	s26 =	sor.u32 $0x20, s2;
	s30 =	sor.u32 $0x30, s2;
	v13 =	vshll.u32 v14, $0x7;
	v14 =	vmov s15;
	v17 =	vmov s24;
	v18 =	vld.idx.msk [tilespmem:v18+s18+$0x0], $0xffff;
	[tilespmem:s7+$0x90] =	vst v22;
	s7 =	sadd.s32 $0x11200, s6  }
0x2a5: {  	v21 =	vmov s8;
	v22 =	vmov s12;
	s15 =	sor.u32 $0x60, s2;
	s2 =	sor.u32 $0x70, s2;
	s24 =	sor.u32 $0x11, s8;
	v26 =	vshll.u32 v14, $0x7;
	[tilespmem:s6+$0x11200] =	vst v16;
	v16 =	vld.idx.msk [tilespmem:v25+s18+$0x0], $0xffff  }
0x2a6: {  	p3 =	slt.u32 s14, $0x70;
	s12 =	sshll.u32 s8, $0x7;
	v14 =	vor.u32 v0, v13;
	v13 =	vshll.u32 v17, $0x7;
	v29 =	vor.u32 v0, v26;
	[tilespmem:s7+$0x30] =	vst v24;
	v32 =	vld.idx.msk [tilespmem:v27+s18+$0x0], $0xffff  }
0x2a7: {  	v17 =	vor.u32 $0x10, v21;
	v21 =	vmov s30;
	v24 =	vmov s15;
	[tilespmem:s7+$0x40] =	vst v15;
	v33 =	vld.idx.msk [tilespmem:v11+s18+$0x0], $0xffff  }
0x2a8: {  	v34 =	vshll.u32 v22, $0x7;
	v11 =	vbroadcast v17, $0x0;
	v17 =	vor.u32 v0, v13;
	[tilespmem:s7+$0x20] =	vst v20;
	v35 =	vld.idx.msk [tilespmem:v28+s18+$0x0], $0xffff  }
0x2a9: {  	v22 =	vmov s2;
	v13 =	vshll.u32 v21, $0x7;
	v20 =	vshll.u32 v24, $0x7;
	[tilespmem:s7+$0x10] =	vst v19;
	v12 =	vld.idx.msk [tilespmem:v12+s18+$0x0], $0xffff  }
0x2aa: {  	v26 =	vmov s24;
	v19 =	vor.u32 v14, v11;
	v15 =	vor.u32 v29, v11;
	[tilespmem:s7+$0xC0] =	vst v18;
	v21 =	vld.idx.msk [tilespmem:v31+s18+$0x0], $0xffff  }
0x2ab: {  	v25 =	vor.u32 v0, v13;
	v27 =	vor.u32 v0, v20;
	v18 =	vmov s26;
	v28 =	vld.idx.msk [tilespmem:v10+s18+$0x0], $0xffff;
	[tilespmem:s7+$0xB0] =	vst v16  }
.Ltmp16:
0x2ac: {  	v13 =	vbroadcast v26, $0x0;
	v24 =	vor.u32 v25, v11;
	v10 =	vshll.u32 v18, $0x7;
	v26 =	vld.idx.msk [tilespmem:v9+s18+$0x0], $0xffff;
	[tilespmem:s7+$0xE0] =	vst v32;
	(pc) =	sbr.rel @p3 .LBB2_29-.Ltmp16, $4  }
0x2ad: {  	v31 =	vor.u32 v0, v10;
	v32 =	vshll.u32 v22, $0x7;
	[tilespmem:s7+$0x70] =	vst v33;
	v22 =	vld.idx.msk [tilespmem:v23+s18+$0x0], $0xffff  }
0x2ae: {  	v18 =	vor.u32 v29, v13;
	v23 =	vor.u32 v0, v34;
	v20 =	vor.u32 v31, v11;
	v29 =	vld.idx.msk [tilespmem:v30+s18+$0x0], $0xffff  }
0x2af: {  	v10 =	vor.u32 v17, v11;
	v16 =	vld.idx.msk [tilespmem:v19+s18+$0x0], $0xffff;
	v19 =	vor.u32 v23, v11;
	[tilespmem:s7+$0xA0] =	vst v12  }
0x2b0: {  	v9 =	vor.u32 v27, v11;
	v30 =	vor.u32 v0, v32;
	v12 =	vor.u32 v31, v13;
	[tilespmem:s7+$0x80] =	vst v35  }
.LBB2_30:
0x2b1: {  	_ =	sdelay $0x2  }
0x2b2: {  	[tilespmem:s7+$0x50] =	vst @p2 v28  }
0x2b3: {  	v24 =	vld.idx.msk [tilespmem:v24+s18+$0x0], $0xffff;
	v25 =	vor.u32 v25, v13;
	[tilespmem:s7+$0xD0] =	vst @p2 v21  }
0x2b4: {  	v15 =	vld.idx.msk [tilespmem:v15+s18+$0x0], $0xffff;
	[tilespmem:s7+$0x60] =	vst @p2 v26  }
0x2b5: {  	s2 =	sand.u32 $0x3FFFFC00, s13;
	v20 =	vld.idx.msk [tilespmem:v20+s18+$0x0], $0xffff;
	[tilespmem:s7+$0x90] =	vst @p2 v22  }
0x2b6: {  	v11 =	vor.u32 v30, v11;
	v19 =	vld.idx.msk [tilespmem:v19+s18+$0x0], $0xffff;
	s2 =	sor.u32 s12, s2;
	[tilespmem:s7+$0xF0] =	vst @p2 v29  }
0x2b7: {  	v62 =	vor.u32 v27, v13;
	v18 =	vld.idx.msk [tilespmem:v18+s18+$0x0], $0xffff;
	s6 =	sadd.s32 $0x11200, s2;
	[tilespmem:s2+$0x11200] =	vst v16  }
0x2b8: {  	v14 =	vor.u32 v14, v13;
	v16 =	vld.idx.msk [tilespmem:v25+s18+$0x0], $0xffff;
	[tilespmem:s6+$0x30] =	vst v24  }
0x2b9: {  	v17 =	vor.u32 v17, v13;
	v12 =	vld.idx.msk [tilespmem:v12+s18+$0x0], $0xffff;
	[tilespmem:s6+$0x40] =	vst v15  }
0x2ba: {  	v10 =	vld.idx.msk [tilespmem:v10+s18+$0x0], $0xffff;
	[tilespmem:s6+$0x20] =	vst v20  }
0x2bb: {  	v11 =	vld.idx.msk [tilespmem:v11+s18+$0x0], $0xffff;
	v15 =	vor.u32 v30, v13;
	[tilespmem:s6+$0x10] =	vst v19  }
0x2bc: {  	v21 =	vld.idx.msk [tilespmem:v62+s18+$0x0], $0xffff;
	v13 =	vor.u32 v23, v13;
	[tilespmem:s6+$0xC0] =	vst v18  }
0x2bd: {  	v14 =	vld.idx.msk [tilespmem:v14+s18+$0x0], $0xffff;
	[tilespmem:s6+$0xB0] =	vst v16;
	v16 =	vmov s0  }
0x2be: {  	v17 =	vld.idx.msk [tilespmem:v17+s18+$0x0], $0xffff;
	[tilespmem:s6+$0xA0] =	vst v12;
	v16 =	vand.u32 $0x7, v16  }
0x2bf: {  	v18 =	vld.idx.msk [tilespmem:v9+s18+$0x0], $0xffff;
	[tilespmem:s6+$0x50] =	vst v10;
	v9 =	vor.u32 $0x18, v16  }
0x2c0: {  	s26 =	sor.u32 $0x19, s0;
	[tilespmem:s6+$0x70] =	vst v11;
	v11 =	vld.idx.msk [tilespmem:v15+s18+$0x0], $0xffff;
	v9 =	vbroadcast v9, $0x0  }
0x2c1: {  	v12 =	vmov s26;
	[tilespmem:s6+$0xE0] =	vst v21;
	v19 =	vld.idx.msk [tilespmem:v13+s18+$0x0], $0xffff  }
0x2c2: {  	v10 =	vand.u32 $0x7, v12;
	[tilespmem:s6+$0x80] =	vst v14;
	v63 =	vor.u32 v9, v1  }
.Ltmp17:
0x2c3: {  	v10 =	vor.u32 $0x18, v10;
	[tilespmem:s6+$0xD0] =	vst v17;
	(pc) =	sbr.rel @!p1 .LBB2_31-.Ltmp17, $4  }
0x2c4: {  	[tilespmem:s6+$0x60] =	vst v18;
	v13 =	vbroadcast v10, $0x0;
	v15 =	vor.u32 v9, v6  }
0x2c5: {  	s30 =	sand.u32 $0xC00, s0;
	[tilespmem:s6+$0xF0] =	vst v11;
	v17 =	vor.u32 v9, v2;
	v16 =	vor.u32 v9, v5;
	v12 =	vor.u32 v9, v8  }
0x2c6: {  	s1 =	sand.u32 $0x3FFFFC00, s1;
	s0 =	sshrl.u32 s30, $0x2;
	[tilespmem:s6+$0x90] =	vst v19;
	v14 =	vor.u32 v9, v3;
	v10 =	vor.u32 v9, v7;
	v11 =	vor.u32 v13, v7  }
0x2c7: {  	s1 =	sor.u32 s0, s1;
	s0 =	simm.s32 $0x2;
	v7 =	vor.u32 v13, v8;
	v6 =	vor.u32 v13, v6;
	v5 =	vor.u32 v13, v5;
	s6 =	simm.s32 $0x400;
	v8 =	vld.idx.msk [tilespmem:v63+s18+$0x0], $0xffff  }
0x2c8: {  	_ =	sdelay $0x3  }
0x2c9: {  	v15 =	vld.idx.msk [tilespmem:v15+s18+$0x0], $0xffff  }
0x2ca: {  	v17 =	vld.idx.msk [tilespmem:v17+s18+$0x0], $0xffff  }
0x2cb: {  	v16 =	vld.idx.msk [tilespmem:v16+s18+$0x0], $0xffff  }
0x2cc: {  	v18 =	vor.u32 v4, v13;
	v2 =	vor.u32 v13, v2;
	v12 =	vld.idx.msk [tilespmem:v12+s18+$0x0], $0xffff  }
0x2cd: {  	s2 =	simm.s32 $0x20;
	v4 =	vor.u32 v4, v9;
	v19 =	vor.u32 v13, v1;
	s7 =	sor.u32 $0x19, s0;
	v1 =	vmov s0;
	v14 =	vld.idx.msk [tilespmem:v14+s18+$0x0], $0xffff  }
0x2ce: {  	v21 =	vor.u32 v13, v3;
	s0 =	sadd.s32 $0x11A00, s1;
	v5 =	vld.idx.msk [tilespmem:v5+s18+$0x0], $0xffff;
	s2 =	sand.u32 $0xFFFFFF80, s2;
	v9 =	vmov s7;
	v1 =	vand.u32 $0x7, v1  }
0x2cf: {  	v10 =	vld.idx.msk [tilespmem:v10+s18+$0x0], $0xffff;
	v3 =	vmov s2;
	s8 =	sor.u32 $0x30, s2;
	s10 =	sor.u32 $0x10, s2;
	s13 =	sor.u32 $0x50, s2;
	v1 =	vor.u32 $0x18, v1;
	v9 =	vand.u32 $0x7, v9  }
0x2d0: {  	v13 =	vmov s8;
	v20 =	vmov s10;
	v22 =	vmov s13;
	[tilespmem:s0+$0x30] =	vst v8  }
0x2d1: {  	v27 =	vld.idx.msk [tilespmem:v7+s18+$0x0], $0xffff;
	s14 =	sor.u32 $0x40, s2;
	s24 =	sor.u32 $0x70, s2;
	v23 =	vor.u32 $0x18, v9;
	v9 =	vbroadcast v1, $0x0;
	v25 =	vshll.u32 v3, $0x7;
	[tilespmem:s0+$0x10] =	vst v15  }
0x2d2: {  	v7 =	vmov s24;
	v13 =	vshll.u32 v13, $0x7;
	v8 =	vld.idx.msk [tilespmem:v11+s18+$0x0], $0xffff;
	v11 =	vmov s14;
	[tilespmem:s0+$0x40] =	vst v17  }
0x2d3: {  	v22 =	vshll.u32 v22, $0x7;
	v3 =	vshll.u32 v20, $0x7;
	v7 =	vshll.u32 v7, $0x7;
	v18 =	vld.idx.msk [tilespmem:v18+s18+$0x0], $0xffff;
	[tilespmem:s0+$0x50] =	vst v16  }
0x2d4: {  	s15 =	sor.u32 $0x60, s2;
	s2 =	sor.u32 $0x20, s2;
	v11 =	vshll.u32 v11, $0x7;
	v22 =	vor.u32 v0, v22;
	v1 =	vor.u32 v0, v13;
	v24 =	vld.idx.msk [tilespmem:v2+s18+$0x0], $0xffff;
	[tilespmem:s0+$0x70] =	vst v12  }
0x2d5: {  	v13 =	vmov s15;
	v26 =	vor.u32 v0, v3;
	[tilespmem:s0+$0x60] =	vst v14;
	v20 =	vld.idx.msk [tilespmem:v4+s18+$0x0], $0xffff;
	v4 =	vmov s2  }
0x2d6: {  	v29 =	vld.idx.msk [tilespmem:v19+s18+$0x0], $0xffff;
	[tilespmem:s0+$0xD0] =	vst v5;
	v5 =	vor.u32 v0, v7;
	v2 =	vor.u32 v0, v11;
	v3 =	vshll.u32 v13, $0x7  }
0x2d7: {  	p1 =	por $0x1, $0x1;
	[tilespmem:s0+$0x20] =	vst v10;
	v15 =	vor.u32 v9, v26;
	v28 =	vor.u32 v9, v1;
	v16 =	vor.u32 v9, v22  }
.Ltmp18:
0x2d8: {  	v19 =	vld.idx.msk [tilespmem:v6+s18+$0x0], $0xffff;
	[tilespmem:s0+$0xF0] =	vst v27;
	v6 =	vshll.u32 v4, $0x7;
	v12 =	vor.u32 v9, v5;
	v13 =	vbroadcast v23, $0x0;
	(pc) =	sbr.rel @!p1 .LBB2_34-.Ltmp18, $4  }
0x2d9: {  	v17 =	vor.u32 v9, v2;
	v3 =	vor.u32 v0, v3;
	v6 =	vor.u32 v0, v6;
	[tilespmem:s0+$0xA0] =	vst v8  }
0x2da: {  	s26 =	sand.u32 $0xC00, s6;
	s30 =	simm.s32 $0x100;
	s12 =	simm.s32 $0x800;
	v4 =	vor.u32 v0, v25;
	v14 =	vor.u32 v9, v3;
	v10 =	vor.u32 v9, v6;
	[tilespmem:s0+$0x80] =	vst v18  }
0x2db: {  	p0 =	por $0x1, $0x1;
	s6 =	sand.u32 $0x3FFFFC00, s30;
	s2 =	sshrl.u32 s26, $0x2;
	v11 =	vor.u32 v13, v6;
	v7 =	vor.u32 v13, v5;
	[tilespmem:s0+$0xC0] =	vst v24;
	v18 =	vld.idx.msk [tilespmem:v21+s18+$0x0], $0xffff  }
0x2dc: {  	s10 =	simm.s32 $0x10;
	s7 =	sor.u32 s2, s6;
	s6 =	simm.s32 $0x4;
	v6 =	vor.u32 v13, v26;
	v5 =	vor.u32 v13, v22;
	[tilespmem:s0+$0xB0] =	vst v29;
	v8 =	vld.idx.msk [tilespmem:v28+s18+$0x0], $0xffff  }
.LBB2_33:
0x2dd: {  	s10 =	sadd.s32 $0x10, s10;
	s2 =	sand.u32 $0xC00, s12;
	s8 =	sadd.s32 $0x11A00, s7;
	v15 =	vld.idx.msk [tilespmem:v15+s18+$0x0], $0xffff;
	v21 =	vor.u32 v4, v13;
	v2 =	vor.u32 v13, v2;
	[tilespmem:s1+$0x11A00] =	vst v20  }
0x2de: {  	v4 =	vor.u32 v4, v9;
	v22 =	vor.u32 v13, v3;
	s1 =	sshll.u32 s10, $0x1;
	s13 =	sshll.u32 s10, $0x4;
	s2 =	sshrl.u32 s2, $0x2;
	v9 =	vld.idx.msk [tilespmem:v17+s18+$0x0], $0xffff;
	v17 =	vor.u32 v13, v1  }
0x2df: {  	s15 =	sor.u32 $0x19, s6;
	s1 =	sand.u32 $0xFFFFFF80, s1;
	s14 =	sand.u32 $0x3FFFFC00, s13;
	v3 =	vld.idx.msk [tilespmem:v16+s18+$0x0], $0xffff;
	[tilespmem:s0+$0x90] =	vst v19  }
0x2e0: {  	v1 =	vmov s6;
	v16 =	vmov s15;
	v13 =	vmov s1;
	s24 =	sor.u32 $0x10, s1;
	s13 =	sor.u32 $0x20, s1;
	s26 =	sor.u32 $0x30, s1;
	v12 =	vld.idx.msk [tilespmem:v12+s18+$0x0], $0xffff  }
0x2e1: {  	v1 =	vand.u32 $0x7, v1;
	s15 =	sor.u32 $0x40, s1;
	v19 =	vmov s24;
	v20 =	vmov s26;
	s24 =	sor.u32 $0x50, s1;
	s26 =	sor.u32 $0x60, s1;
	v14 =	vld.idx.msk [tilespmem:v14+s18+$0x0], $0xffff;
	[tilespmem:s0+$0xE0] =	vst v18  }
0x2e2: {  	p1 =	slt.u32 s10, $0x70;
	s2 =	sor.u32 s2, s14;
	s14 =	sor.u32 $0x70, s1;
	v18 =	vshll.u32 v20, $0x7;
	v20 =	vmov s15;
	v23 =	vmov s24;
	[tilespmem:s8+$0x30] =	vst v8;
	v8 =	vld.idx.msk [tilespmem:v11+s18+$0x0], $0xffff  }
0x2e3: {  	v1 =	vor.u32 $0x18, v1;
	v16 =	vand.u32 $0x7, v16;
	s0 =	smov.u32 s8;
	s1 =	smov.u32 s7;
	s7 =	smov.u32 s2;
	v11 =	vshll.u32 v23, $0x7;
	[tilespmem:s8+$0x10] =	vst v15;
	v5 =	vld.idx.msk [tilespmem:v5+s18+$0x0], $0xffff  }
0x2e4: {  	v15 =	vshll.u32 v20, $0x7;
	v23 =	vor.u32 v0, v11;
	v11 =	vor.u32 $0x18, v16;
	[tilespmem:s0+$0x40] =	vst v9;
	v21 =	vld.idx.msk [tilespmem:v21+s18+$0x0], $0xffff  }
0x2e5: {  	v9 =	vbroadcast v1, $0x0;
	v1 =	vor.u32 v0, v18;
	v16 =	vmov s26;
	[tilespmem:s0+$0x50] =	vst v3;
	v18 =	vld.idx.msk [tilespmem:v2+s18+$0x0], $0xffff  }
0x2e6: {  	v24 =	vshll.u32 v13, $0x7;
	v3 =	vshll.u32 v19, $0x7;
	v2 =	vor.u32 v0, v15;
	v10 =	vld.idx.msk [tilespmem:v10+s18+$0x0], $0xffff;
	[tilespmem:s0+$0x70] =	vst v12  }
0x2e7: {  	v25 =	vor.u32 v0, v3;
	v3 =	vshll.u32 v16, $0x7;
	v12 =	vmov s14;
	[tilespmem:s0+$0x60] =	vst v14;
	v26 =	vld.idx.msk [tilespmem:v7+s18+$0x0], $0xffff  }
0x2e8: {  	v27 =	vor.u32 v9, v1;
	v15 =	vor.u32 v9, v25;
	v7 =	vshll.u32 v12, $0x7;
	[tilespmem:s0+$0xA0] =	vst v8;
	v28 =	vld.idx.msk [tilespmem:v17+s18+$0x0], $0xffff  }
0x2e9: {  	v3 =	vor.u32 v0, v3;
	v17 =	vor.u32 v9, v2;
	v20 =	vld.idx.msk [tilespmem:v4+s18+$0x0], $0xffff;
	[tilespmem:s0+$0xD0] =	vst v5  }
.Ltmp19:
0x2ea: {  	v16 =	vor.u32 v9, v23;
	v4 =	vmov s13;
	v5 =	vor.u32 v0, v7;
	[tilespmem:s0+$0x80] =	vst v21;
	v19 =	vld.idx.msk [tilespmem:v6+s18+$0x0], $0xffff;
	(pc) =	sbr.rel @p1 .LBB2_33-.Ltmp19, $4  }
0x2eb: {  	v13 =	vbroadcast v11, $0x0;
	v6 =	vshll.u32 v4, $0x7;
	v12 =	vor.u32 v9, v5;
	[tilespmem:s0+$0xC0] =	vst v18;
	v18 =	vld.idx.msk [tilespmem:v22+s18+$0x0], $0xffff  }
0x2ec: {  	v14 =	vor.u32 v9, v3;
	v4 =	vor.u32 v0, v24;
	v6 =	vor.u32 v0, v6;
	[tilespmem:s0+$0x20] =	vst v10  }
0x2ed: {  	v7 =	vor.u32 v13, v5;
	v10 =	vor.u32 v9, v6;
	v11 =	vor.u32 v13, v6;
	[tilespmem:s0+$0xF0] =	vst v26  }
0x2ee: {  	s12 =	sadd.s32 $0x400, s12;
	s6 =	sadd.s32 $0x2, s6;
	v5 =	vor.u32 v13, v23;
	v6 =	vor.u32 v13, v25;
	v8 =	vld.idx.msk [tilespmem:v27+s18+$0x0], $0xffff;
	[tilespmem:s0+$0xB0] =	vst v28  }
.LBB2_34:
0x2ef: {  	_ =	sdelay $0x3  }
0x2f0: {  	v15 =	vld.idx.msk [tilespmem:v15+s18+$0x0], $0xffff  }
0x2f1: {  	[tilespmem:s1+$0x11A00] =	vst @p0 v20;
	v17 =	vld.idx.msk [tilespmem:v17+s18+$0x0], $0xffff  }
0x2f2: {  	v16 =	vld.idx.msk [tilespmem:v16+s18+$0x0], $0xffff;
	[tilespmem:s0+$0x90] =	vst @p0 v19  }
0x2f3: {  	s2 =	sadd.s32 $0x11A00, s7;
	v12 =	vld.idx.msk [tilespmem:v12+s18+$0x0], $0xffff;
	[tilespmem:s0+$0xE0] =	vst @p0 v18  }
0x2f4: {  	v2 =	vor.u32 v13, v2;
	v14 =	vld.idx.msk [tilespmem:v14+s18+$0x0], $0xffff;
	[tilespmem:s2+$0x30] =	vst v8  }
0x2f5: {  	v20 =	vor.u32 v4, v13;
	v5 =	vld.idx.msk [tilespmem:v5+s18+$0x0], $0xffff;
	[tilespmem:s2+$0x10] =	vst v15  }
0x2f6: {  	v1 =	vor.u32 v13, v1;
	v10 =	vld.idx.msk [tilespmem:v10+s18+$0x0], $0xffff;
	[tilespmem:s2+$0x40] =	vst v17  }
0x2f7: {  	v4 =	vor.u32 v4, v9;
	v7 =	vld.idx.msk [tilespmem:v7+s18+$0x0], $0xffff;
	[tilespmem:s2+$0x50] =	vst v16  }
0x2f8: {  	v8 =	vld.idx.msk [tilespmem:v11+s18+$0x0], $0xffff;
	[tilespmem:s2+$0x70] =	vst v12  }
0x2f9: {  	v3 =	vor.u32 v13, v3;
	v2 =	vld.idx.msk [tilespmem:v2+s18+$0x0], $0xffff;
	[tilespmem:s2+$0x60] =	vst v14  }
0x2fa: {  	v9 =	vld.idx.msk [tilespmem:v20+s18+$0x0], $0xffff;
	[tilespmem:s2+$0xD0] =	vst v5  }
0x2fb: {  	v1 =	vld.idx.msk [tilespmem:v1+s18+$0x0], $0xffff;
	[tilespmem:s2+$0x20] =	vst v10  }
0x2fc: {  	v4 =	vld.idx.msk [tilespmem:v4+s18+$0x0], $0xffff;
	[tilespmem:s2+$0xF0] =	vst v7  }
0x2fd: {  	v5 =	vld.idx.msk [tilespmem:v6+s18+$0x0], $0xffff;
	[tilespmem:s2+$0xA0] =	vst v8  }
0x2fe: {  	[tilespmem:s2+$0xC0] =	vst v2;
	v2 =	vld.idx.msk [tilespmem:v3+s18+$0x0], $0xffff  }
0x2ff: {  	[tilespmem:s2+$0x80] =	vst v9  }
0x300: {  	[tilespmem:s2+$0xB0] =	vst v1  }
0x301: {  	[tilespmem:s7+$0x11A00] =	vst v4  }
0x302: {  	s0 =	sshll.u32 s31, $0x10;
	[tilespmem:s2+$0x90] =	vst v5  }
0x303: {  	s6 =	sshll.u32 s31, $0xE;
	s5 =	sadd.s32 s0, s9;
	[tilespmem:s2+$0xE0] =	vst v2;
	s2 =	simm.s32 $0x10200  }
0x304: {  	[hbm4b:s5+s22] =	stream.strided.scatter [tilespmem:s2], [sflag:$0x5], $0x2000, s23, s22, $0x38;
	[tilespmem:$0x14200] =	vst v63  }
0x305: {  	s1 =	sadd.s32 $0x4000, s6;
	s7 =	rddreg [dreg:$0x3]  }
0x306: {  	s2 =	sor.u32 s7, s1  }
0x307: {  	s2 =	sshrl.u32 s2, $0x3  }
0x308: {  	s8 =	simm.s32 $0x0;
	s7 =	simm.s32 $0x0;
	s2 =	sadd.s32 s3, s2  }
0x309: {  	[tilespmem:s7], [sflag:$0x1] =	stream.linear.gather [hbm4b:s2+s7], $0x100, $0x38;
	[tilespmem:$0x14200] =	vst v63  }
0x30a: {  	s2 =	sand.u32 $0xFFFFFF80, s8;
	_ =	swait.ge [sflag:s17], $0x100  }
0x30b: {  	s6 =	sor.u32 $0x10, s2;
	s8 =	sor.u32 $0x40, s2;
	[sflag:s17] =	ssyncset.done $0x0  }
0x30c: {  	s10 =	sor.u32 $0x30, s2;
	v1 =	vmov s6;
	v2 =	vmov s8;
	[sflag:s17] =	ssyncadd.s32 $0xFFFFFF00  }
0x30d: {  	v3 =	vmov s10;
	v2 =	vshll.u32 v2, $0x7;
	v5 =	vshll.u32 v1, $0x7;
	[tilespmem:s18], [sflag:$0x3] =	stream.indirect.gather [hbm4b:s4+s16], $0x80, s7, s16, $0xb8;
	[tilespmem:$0x14200] =	vst v63  }
0x30e: {  	s11 =	sand.u32 $0x6, s7;
	s15 =	sor.u32 $0x20, s2;
	v1 =	vor.u32 v0, v2;
	v5 =	vor.u32 v0, v5;
	v2 =	vshll.u32 v3, $0x7;
	_ =	swait.ge [sflag:s25], $0x8000  }
0x30f: {  	s12 =	sor.u32 $0x60, s2;
	v6 =	vmov s15;
	v7 =	vor.u32 s11, v5;
	v2 =	vor.u32 v0, v2;
	[sflag:s25] =	ssyncset.done $0x0  }
0x310: {  	v4 =	vmov s12;
	v6 =	vshll.u32 v6, $0x7;
	v8 =	vor.u32 s11, v2;
	[sflag:s25] =	ssyncadd.s32 $0xFFFF8000  }
0x311: {  	s10 =	sor.u32 $0x50, s2;
	v10 =	vshll.u32 v4, $0x7;
	v4 =	vor.u32 v0, v6;
	v9 =	vor.u32 s11, v1;
	_ =	swait.ge [sflag:s29], $0x2000  }
0x312: {  	v3 =	vmov s10;
	v6 =	vor.u32 v0, v10;
	v12 =	vor.u32 s11, v4;
	[sflag:s29] =	ssyncset.done $0x0  }
0x313: {  	s6 =	sor.u32 $0x1, s11;
	v3 =	vshll.u32 v3, $0x7;
	v13 =	vor.u32 s11, v6;
	[sflag:s29] =	ssyncadd.s32 $0xFFFFE000  }
0x314: {  	v16 =	vor.u32 s6, v6;
	v3 =	vor.u32 v0, v3;
	v10 =	vld.idx.msk [tilespmem:v7+s20+$0x0], $0xffff  }
0x315: {  	v11 =	vor.u32 s11, v3;
	v14 =	vld.idx.msk [tilespmem:v8+s20+$0x0], $0xffff  }
0x316: {  	s24 =	simm.s32 $0x0;
	s26 =	sor.u32 $0x70, s2;
	v15 =	vor.u32 s6, v3;
	v9 =	vld.idx.msk [tilespmem:v9+s20+$0x0], $0xffff  }
0x317: {  	s10 =	sand.u32 $0x3FFFFC00, s24;
	v18 =	vor.u32 s6, v4;
	v7 =	vmov s2;
	v8 =	vmov s26;
	v12 =	vld.idx.msk [tilespmem:v12+s20+$0x0], $0xffff  }
0x318: {  	s13 =	simm.s32 $0x20;
	s5 =	sshll.u32 s11, $0x7;
	v20 =	vor.u32 s6, v5;
	s2 =	sadd.s32 $0x12200, s10;
	v13 =	vld.idx.msk [tilespmem:v13+s20+$0x0], $0xffff;
	v7 =	vshll.u32 v7, $0x7;
	v17 =	vshll.u32 v8, $0x7  }
0x319: {  	s14 =	sand.u32 $0xFFFFFF80, s13;
	v16 =	vld.idx.msk [tilespmem:v16+s20+$0x0], $0xffff;
	s12 =	sadd.s32 s5, s2;
	v8 =	vor.u32 v0, v7;
	v7 =	vor.u32 v0, v17;
	v17 =	vor.u32 s6, v2  }
0x31a: {  	v23 =	vmov s14;
	s13 =	sor.u32 $0x40, s14;
	v11 =	vld.idx.msk [tilespmem:v11+s20+$0x0], $0xffff;
	v21 =	vor.u32 s6, v7;
	[tilespmem:s12+$0x10] =	vst v10  }
0x31b: {  	v23 =	vshll.u32 v23, $0x7;
	v24 =	vmov s13;
	v15 =	vld.idx.msk [tilespmem:v15+s20+$0x0], $0xffff;
	v19 =	vor.u32 s11, v8;
	[tilespmem:s12+$0x30] =	vst v14  }
0x31c: {  	v24 =	vshll.u32 v24, $0x7;
	v26 =	vor.u32 v0, v23;
	v18 =	vld.idx.msk [tilespmem:v18+s20+$0x0], $0xffff;
	v14 =	vor.u32 s11, v7;
	s11 =	sor.u32 $0x10, s14;
	[tilespmem:s12+$0x40] =	vst v9  }
0x31d: {  	s13 =	simm.s32 $0x2;
	v27 =	vor.u32 v0, v24;
	s15 =	sor.u32 $0x30, s14;
	v22 =	vor.u32 s6, v1;
	v29 =	vld.idx.msk [tilespmem:v20+s20+$0x0], $0xffff;
	[tilespmem:s12+$0x20] =	vst v12;
	v9 =	vmov s11  }
0x31e: {  	v25 =	vmov s15;
	s26 =	sor.u32 $0x50, s14;
	s5 =	sand.u32 $0x6, s13;
	v10 =	vor.u32 s6, v8;
	s6 =	sshll.u32 s6, $0x7;
	[tilespmem:s12+$0x60] =	vst v13;
	v17 =	vld.idx.msk [tilespmem:v17+s20+$0x0], $0xffff;
	v9 =	vshll.u32 v9, $0x7  }
0x31f: {  	s24 =	sor.u32 $0x60, s14;
	v24 =	vor.u32 s5, v27;
	v13 =	vmov s26;
	[tilespmem:s12+$0x50] =	vst v11;
	s2 =	sadd.s32 s6, s2;
	v12 =	vld.idx.msk [tilespmem:v21+s20+$0x0], $0xffff;
	v9 =	vor.u32 v0, v9  }
0x320: {  	v11 =	vmov s24;
	s11 =	sor.u32 $0x20, s14;
	[tilespmem:s2+$0x50] =	vst v15;
	v21 =	vshll.u32 v25, $0x7;
	v23 =	vld.idx.msk [tilespmem:v19+s20+$0x0], $0xffff;
	v19 =	vor.u32 s5, v9  }
0x321: {  	v13 =	vshll.u32 v13, $0x7;
	v15 =	vmov s11;
	[tilespmem:s2+$0x60] =	vst v16;
	v28 =	vor.u32 v0, v21  }
0x322: {  	v13 =	vor.u32 v0, v13;
	[tilespmem:s2+$0x20] =	vst v18;
	v15 =	vshll.u32 v15, $0x7;
	v21 =	vld.idx.msk [tilespmem:v22+s20+$0x0], $0xffff;
	v22 =	vor.u32 s5, v28  }
0x323: {  	s24 =	sor.u32 $0x70, s14;
	v11 =	vshll.u32 v11, $0x7;
	[tilespmem:s2+$0x10] =	vst v29;
	v31 =	vor.u32 s5, v13;
	v30 =	vor.u32 v0, v15;
	v10 =	vld.idx.msk [tilespmem:v10+s20+$0x0], $0xffff  }
0x324: {  	v18 =	vor.u32 v0, v11;
	v15 =	vmov s24;
	v14 =	vld.idx.msk [tilespmem:v14+s20+$0x0], $0xffff;
	[tilespmem:s2+$0x30] =	vst v17;
	v17 =	vor.u32 s5, v30  }
0x325: {  	v11 =	vor.u32 s5, v26;
	s24 =	sor.u32 $0x1, s5;
	[tilespmem:s2+$0x70] =	vst v12;
	v12 =	vshll.u32 v15, $0x7;
	v15 =	vld.idx.msk [tilespmem:v19+s20+$0x0], $0xffff;
	v19 =	vor.u32 s5, v18  }
0x326: {  	s26 =	simm.s32 $0x100;
	v9 =	vor.u32 s24, v9;
	v25 =	vor.u32 s24, v13;
	v20 =	vor.u32 s24, v18;
	[tilespmem:s12+$0x0] =	vst v23;
	v18 =	vld.idx.msk [tilespmem:v24+s20+$0x0], $0xffff  }
0x327: {  	s30 =	sshll.u32 s5, $0x7;
	s8 =	sand.u32 $0x3FFFFC00, s26;
	v13 =	vor.u32 s24, v27;
	v23 =	vor.u32 v0, v12;
	[tilespmem:s2+$0x40] =	vst v21;
	v12 =	vor.u32 s24, v26;
	v16 =	vld.idx.msk [tilespmem:v22+s20+$0x0], $0xffff  }
0x328: {  	s6 =	simm.s32 $0x10;
	s14 =	sadd.s32 $0x12200, s8;
	s15 =	sshll.u32 s24, $0x7;
	v24 =	vor.u32 s24, v30;
	v21 =	vld.idx.msk [tilespmem:v31+s20+$0x0], $0xffff;
	[tilespmem:s2+$0x0] =	vst v10;
	v10 =	vor.u32 s5, v23;
	v22 =	vor.u32 s24, v28  }
.LBB2_35:
0x329: {  	s6 =	sadd.s32 $0x10, s6;
	v17 =	vld.idx.msk [tilespmem:v17+s20+$0x0], $0xffff;
	[tilespmem:s12+$0x70] =	vst v14  }
0x32a: {  	s12 =	sadd.s32 s30, s14;
	s2 =	sshll.u32 s6, $0x1;
	s8 =	sshll.u32 s6, $0x4;
	v14 =	vld.idx.msk [tilespmem:v19+s20+$0x0], $0xffff;
	v19 =	vor.u32 s24, v23  }
0x32b: {  	s13 =	sadd.s32 $0x2, s13;
	s2 =	sand.u32 $0xFFFFFF80, s2;
	s8 =	sand.u32 $0x3FFFFC00, s8;
	[tilespmem:s12+$0x10] =	vst v15;
	v15 =	vld.idx.msk [tilespmem:v25+s20+$0x0], $0xffff  }
0x32c: {  	v23 =	vmov s2;
	s24 =	sor.u32 $0x10, s2;
	s26 =	sor.u32 $0x40, s2;
	s30 =	sor.u32 $0x60, s2;
	[tilespmem:s12+$0x30] =	vst v16;
	v16 =	vld.idx.msk [tilespmem:v20+s20+$0x0], $0xffff  }
0x32d: {  	s5 =	sor.u32 $0x30, s2;
	v20 =	vshll.u32 v23, $0x7;
	v23 =	vmov s24;
	s24 =	sor.u32 $0x20, s2;
	v25 =	vmov s26;
	s26 =	sor.u32 $0x50, s2;
	[tilespmem:s12+$0x40] =	vst v18;
	v18 =	vld.idx.msk [tilespmem:v24+s20+$0x0], $0xffff  }
0x32e: {  	p0 =	slt.u32 s6, $0x70;
	s8 =	sadd.s32 $0x12200, s8;
	v24 =	vmov s5;
	v26 =	vmov s30;
	s2 =	sor.u32 $0x70, s2;
	v25 =	vshll.u32 v25, $0x7;
	[tilespmem:s12+$0x50] =	vst v21;
	v21 =	vld.idx.msk [tilespmem:v22+s20+$0x0], $0xffff  }
0x32f: {  	v22 =	vor.u32 v0, v20;
	v20 =	vshll.u32 v23, $0x7;
	v27 =	vor.u32 v0, v25;
	[tilespmem:s12+$0x20] =	vst v17;
	v19 =	vld.idx.msk [tilespmem:v19+s20+$0x0], $0xffff  }
0x330: {  	s5 =	sand.u32 $0x6, s13;
	v23 =	vmov s26;
	s26 =	sadd.s32 s15, s14;
	s14 =	smov.u32 s8;
	v20 =	vor.u32 v0, v20;
	v17 =	vshll.u32 v24, $0x7;
	v24 =	vld.idx.msk [tilespmem:v11+s20+$0x0], $0xffff;
	[tilespmem:s12+$0x60] =	vst v14  }
0x331: {  	s30 =	sshll.u32 s5, $0x7;
	v25 =	vor.u32 s5, v20;
	v28 =	vor.u32 v0, v17;
	v11 =	vshll.u32 v23, $0x7;
	v13 =	vld.idx.msk [tilespmem:v13+s20+$0x0], $0xffff;
	[tilespmem:s26+$0x50] =	vst v15  }
0x332: {  	v14 =	vmov s24;
	v29 =	vor.u32 s5, v28;
	v15 =	vshll.u32 v26, $0x7;
	v26 =	vld.idx.msk [tilespmem:v12+s20+$0x0], $0xffff;
	[tilespmem:s26+$0x60] =	vst v16  }
0x333: {  	v30 =	vor.u32 s5, v27;
	v31 =	vor.u32 v0, v11;
	v12 =	vshll.u32 v14, $0x7;
	v32 =	vld.idx.msk [tilespmem:v9+s20+$0x0], $0xffff;
	[tilespmem:s26+$0x20] =	vst v18  }
0x334: {  	v34 =	vor.u32 s5, v31;
	v33 =	vor.u32 v0, v12;
	v9 =	vmov s2;
	v14 =	vld.idx.msk [tilespmem:v10+s20+$0x0], $0xffff;
	[tilespmem:s26+$0x30] =	vst v21  }
.Ltmp20:
0x335: {  	v17 =	vor.u32 s5, v33;
	v10 =	vor.u32 v0, v15;
	v9 =	vshll.u32 v9, $0x7;
	[tilespmem:s26+$0x70] =	vst v19;
	(pc) =	sbr.rel @p0 .LBB2_35-.Ltmp20, $4  }
0x336: {  	s24 =	sor.u32 $0x1, s5;
	v11 =	vor.u32 s5, v22;
	v19 =	vor.u32 s5, v10;
	v23 =	vor.u32 v0, v9;
	v15 =	vld.idx.msk [tilespmem:v25+s20+$0x0], $0xffff;
	[tilespmem:s12+$0x0] =	vst v24  }
0x337: {  	s15 =	sshll.u32 s24, $0x7;
	v9 =	vor.u32 s24, v20;
	v20 =	vor.u32 s24, v10;
	v25 =	vor.u32 s24, v31;
	v16 =	vld.idx.msk [tilespmem:v29+s20+$0x0], $0xffff;
	[tilespmem:s26+$0x40] =	vst v13  }
0x338: {  	v12 =	vor.u32 s24, v22;
	v24 =	vor.u32 s24, v33;
	v13 =	vor.u32 s24, v27;
	v18 =	vld.idx.msk [tilespmem:v30+s20+$0x0], $0xffff;
	[tilespmem:s26+$0x0] =	vst v26  }
0x339: {  	v22 =	vor.u32 s24, v28;
	v10 =	vor.u32 s5, v23;
	v21 =	vld.idx.msk [tilespmem:v34+s20+$0x0], $0xffff;
	[tilespmem:s26+$0x10] =	vst v32  }
0x33a: {  	_ =	sdelay $0x3  }
0x33b: {  	v17 =	vld.idx.msk [tilespmem:v17+s20+$0x0], $0xffff;
	[tilespmem:s12+$0x70] =	vst v14;
	s2 =	sadd.s32 s30, s14  }
0x33c: {  	v14 =	vld.idx.msk [tilespmem:v19+s20+$0x0], $0xffff;
	[tilespmem:s2+$0x10] =	vst v15  }
0x33d: {  	v11 =	vld.idx.msk [tilespmem:v11+s20+$0x0], $0xffff;
	[tilespmem:s2+$0x30] =	vst v16  }
0x33e: {  	v13 =	vld.idx.msk [tilespmem:v13+s20+$0x0], $0xffff;
	[tilespmem:s2+$0x40] =	vst v18  }
0x33f: {  	v12 =	vld.idx.msk [tilespmem:v12+s20+$0x0], $0xffff;
	[tilespmem:s2+$0x50] =	vst v21  }
0x340: {  	v9 =	vld.idx.msk [tilespmem:v9+s20+$0x0], $0xffff;
	[tilespmem:s2+$0x20] =	vst v17  }
0x341: {  	v19 =	vor.u32 s24, v23;
	v15 =	vld.idx.msk [tilespmem:v25+s20+$0x0], $0xffff;
	[tilespmem:s2+$0x60] =	vst v14  }
0x342: {  	s5 =	sadd.s32 s15, s14;
	v10 =	vld.idx.msk [tilespmem:v10+s20+$0x0], $0xffff;
	v14 =	vmov s7;
	[tilespmem:s2+$0x0] =	vst v11  }
0x343: {  	v16 =	vld.idx.msk [tilespmem:v20+s20+$0x0], $0xffff;
	[tilespmem:s5+$0x40] =	vst v13;
	v14 =	vand.u32 $0x7, v14  }
0x344: {  	v20 =	vld.idx.msk [tilespmem:v22+s20+$0x0], $0xffff;
	[tilespmem:s5+$0x0] =	vst v12;
	v14 =	vor.u32 $0x8, v14  }
0x345: {  	s6 =	sor.u32 $0x9, s7;
	v18 =	vld.idx.msk [tilespmem:v24+s20+$0x0], $0xffff;
	[tilespmem:s5+$0x10] =	vst v9;
	v14 =	vbroadcast v14, $0x0  }
0x346: {  	v17 =	vld.idx.msk [tilespmem:v19+s20+$0x0], $0xffff;
	[tilespmem:s5+$0x50] =	vst v15;
	v15 =	vmov s6  }
0x347: {  	[tilespmem:s2+$0x70] =	vst v10;
	v15 =	vand.u32 $0x7, v15;
	v13 =	vor.u32 v14, v5  }
0x348: {  	[tilespmem:s5+$0x60] =	vst v16;
	v11 =	vor.u32 $0x8, v15;
	v15 =	vor.u32 v14, v6  }
0x349: {  	[tilespmem:s5+$0x30] =	vst v20;
	v11 =	vbroadcast v11, $0x0;
	v12 =	vor.u32 v14, v3  }
0x34a: {  	s26 =	simm.s32 $0x20;
	[tilespmem:s5+$0x20] =	vst v18;
	v19 =	vor.u32 v14, v2  }
0x34b: {  	s8 =	sand.u32 $0xFFFFFF80, s26;
	[tilespmem:s5+$0x70] =	vst v17;
	v5 =	vor.u32 v11, v5  }
0x34c: {  	s11 =	sor.u32 $0x20, s8;
	v9 =	vor.u32 v8, v11;
	v13 =	vld.idx.msk [tilespmem:v13+s20+$0x0], $0xffff  }
0x34d: {  	s15 =	sand.u32 $0xC00, s7;
	v22 =	vmov s11;
	v17 =	vor.u32 v14, v1;
	v16 =	vor.u32 v11, v7;
	v10 =	vld.idx.msk [tilespmem:v15+s20+$0x0], $0xffff  }
0x34e: {  	s2 =	sshrl.u32 s15, $0x2;
	v21 =	vor.u32 v14, v4;
	v18 =	vor.u32 v11, v1;
	v8 =	vor.u32 v8, v14;
	v12 =	vld.idx.msk [tilespmem:v12+s20+$0x0], $0xffff  }
0x34f: {  	s24 =	simm.s32 $0x2;
	s6 =	sor.u32 s2, s10;
	v7 =	vor.u32 v14, v7;
	v2 =	vor.u32 v11, v2;
	v20 =	vor.u32 v11, v3;
	v19 =	vld.idx.msk [tilespmem:v19+s20+$0x0], $0xffff  }
0x350: {  	s30 =	sor.u32 $0x9, s24;
	s7 =	sadd.s32 $0x12A00, s6;
	v14 =	vmov s8;
	v1 =	vmov s24;
	v15 =	vor.u32 v11, v4;
	v4 =	vld.idx.msk [tilespmem:v5+s20+$0x0], $0xffff  }
0x351: {  	s12 =	sor.u32 $0x50, s8;
	v3 =	vmov s30;
	v1 =	vand.u32 $0x7, v1;
	v11 =	vor.u32 v11, v6;
	v6 =	vld.idx.msk [tilespmem:v9+s20+$0x0], $0xffff;
	[tilespmem:s7+$0x10] =	vst v13  }
0x352: {  	s10 =	sor.u32 $0x30, s8;
	v1 =	vor.u32 $0x8, v1;
	v5 =	vand.u32 $0x7, v3;
	v16 =	vld.idx.msk [tilespmem:v16+s20+$0x0], $0xffff;
	v3 =	vmov s12;
	[tilespmem:s7+$0x60] =	vst v10  }
0x353: {  	v1 =	vbroadcast v1, $0x0;
	v9 =	vmov s10;
	v8 =	vld.idx.msk [tilespmem:v8+s20+$0x0], $0xffff;
	v3 =	vshll.u32 v3, $0x7;
	[tilespmem:s7+$0x50] =	vst v12  }
0x354: {  	s14 =	sor.u32 $0x60, s8;
	v26 =	vld.idx.msk [tilespmem:v18+s20+$0x0], $0xffff;
	v23 =	vor.u32 $0x8, v5;
	v5 =	vshll.u32 v22, $0x7;
	v9 =	vshll.u32 v9, $0x7;
	[tilespmem:s7+$0x30] =	vst v19  }
0x355: {  	s13 =	sor.u32 $0x10, s8;
	s15 =	sor.u32 $0x40, s8;
	v22 =	vld.idx.msk [tilespmem:v17+s20+$0x0], $0xffff;
	v3 =	vor.u32 v0, v3;
	v5 =	vor.u32 v0, v5;
	v10 =	vmov s14;
	[tilespmem:s7+$0x90] =	vst v4  }
0x356: {  	v13 =	vld.idx.msk [tilespmem:v15+s20+$0x0], $0xffff;
	v15 =	vmov s13;
	v12 =	vmov s15;
	v10 =	vshll.u32 v10, $0x7;
	[tilespmem:s7+$0x80] =	vst v6  }
0x357: {  	v17 =	vld.idx.msk [tilespmem:v2+s20+$0x0], $0xffff;
	v15 =	vshll.u32 v15, $0x7;
	v6 =	vbroadcast v23, $0x0;
	[tilespmem:s7+$0xF0] =	vst v16;
	v4 =	vor.u32 v0, v10  }
0x358: {  	s24 =	sor.u32 $0x70, s8;
	v16 =	vor.u32 v0, v9;
	[tilespmem:s6+$0x12A00] =	vst v8;
	v10 =	vor.u32 v0, v15;
	v62 =	vor.u32 v1, v4  }
0x359: {  	v23 =	vld.idx.msk [tilespmem:v20+s20+$0x0], $0xffff;
	v2 =	vshll.u32 v12, $0x7;
	[tilespmem:s7+$0xC0] =	vst v26;
	v15 =	vmov s24;
	v63 =	vor.u32 v1, v10  }
0x35a: {  	v7 =	vld.idx.msk [tilespmem:v7+s20+$0x0], $0xffff;
	[tilespmem:s7+$0x40] =	vst v22;
	v2 =	vor.u32 v0, v2;
	v15 =	vshll.u32 v15, $0x7;
	v20 =	vor.u32 v6, v10  }
0x35b: {  	s26 =	simm.s32 $0x400;
	v19 =	vld.idx.msk [tilespmem:v21+s20+$0x0], $0xffff;
	v12 =	vor.u32 v6, v5;
	[tilespmem:s7+$0xA0] =	vst v13;
	v13 =	vshll.u32 v14, $0x7;
	v14 =	vor.u32 v1, v3  }
0x35c: {  	s2 =	sand.u32 $0xC00, s26;
	s30 =	simm.s32 $0x100;
	v10 =	vor.u32 v1, v2;
	v28 =	vor.u32 v0, v15;
	v27 =	vor.u32 v0, v13;
	v13 =	vld.idx.msk [tilespmem:v11+s20+$0x0], $0xffff  }
0x35d: {  	s2 =	sshrl.u32 s2, $0x2;
	s5 =	sand.u32 $0x3FFFFC00, s30;
	s12 =	simm.s32 $0x10;
	v2 =	vor.u32 v6, v2;
	v8 =	vor.u32 v1, v28;
	v15 =	vor.u32 v27, v6;
	v11 =	vld.idx.msk [tilespmem:v62+s20+$0x0], $0xffff  }
0x35e: {  	s10 =	sor.u32 s2, s5;
	s13 =	simm.s32 $0x800;
	s6 =	simm.s32 $0x4;
	v21 =	vor.u32 v6, v28;
	[tilespmem:s7+$0xD0] =	vst v23;
	v9 =	vor.u32 v27, v1;
	v18 =	vld.idx.msk [tilespmem:v63+s20+$0x0], $0xffff  }
.LBB2_37:
0x35f: {  	s12 =	sadd.s32 $0x10, s12;
	s2 =	sand.u32 $0xC00, s13;
	s5 =	sadd.s32 $0x12A00, s10;
	v22 =	vor.u32 v1, v16;
	v16 =	vor.u32 v6, v16;
	v23 =	vor.u32 v6, v3;
	[tilespmem:s7+$0x70] =	vst v7  }
0x360: {  	v24 =	vor.u32 v1, v5;
	v25 =	vor.u32 v6, v4;
	s8 =	sshll.u32 s12, $0x1;
	s14 =	sshll.u32 s12, $0x4;
	s2 =	sshrl.u32 s2, $0x2;
	v5 =	vld.idx.msk [tilespmem:v14+s20+$0x0], $0xffff;
	[tilespmem:s7+$0xB0] =	vst v17  }
0x361: {  	s15 =	sor.u32 $0x9, s6;
	s8 =	sand.u32 $0xFFFFFF80, s8;
	s14 =	sand.u32 $0x3FFFFC00, s14;
	v4 =	vld.idx.msk [tilespmem:v20+s20+$0x0], $0xffff;
	[tilespmem:s7+$0x20] =	vst v19  }
0x362: {  	v1 =	vmov s6;
	v3 =	vmov s15;
	v14 =	vmov s8;
	s24 =	sor.u32 $0x10, s8;
	s26 =	sor.u32 $0x20, s8;
	s30 =	sor.u32 $0x30, s8;
	v6 =	vld.idx.msk [tilespmem:v15+s20+$0x0], $0xffff  }
0x363: {  	v1 =	vand.u32 $0x7, v1;
	v7 =	vand.u32 $0x7, v3;
	s15 =	sor.u32 $0x40, s8;
	s11 =	sor.u32 $0x60, s8;
	v15 =	vmov s30;
	s30 =	sor.u32 $0x50, s8;
	v17 =	vld.idx.msk [tilespmem:v21+s20+$0x0], $0xffff;
	[tilespmem:s7+$0xE0] =	vst v13  }
0x364: {  	p0 =	slt.u32 s12, $0x70;
	v1 =	vor.u32 $0x8, v1;
	s14 =	sor.u32 s2, s14;
	s2 =	sor.u32 $0x70, s8;
	v13 =	vmov s26;
	v3 =	vmov s30;
	[tilespmem:s5+$0x10] =	vst v18;
	v12 =	vld.idx.msk [tilespmem:v12+s20+$0x0], $0xffff  }
0x365: {  	v1 =	vbroadcast v1, $0x0;
	s7 =	smov.u32 s5;
	v18 =	vmov s24;
	v3 =	vshll.u32 v3, $0x7;
	v19 =	vld.idx.msk [tilespmem:v22+s20+$0x0], $0xffff;
	[tilespmem:s5+$0x60] =	vst v11  }
0x366: {  	v20 =	vor.u32 $0x8, v7;
	v11 =	vmov s11;
	v3 =	vor.u32 v0, v3;
	[tilespmem:s7+$0x50] =	vst v5;
	v7 =	vld.idx.msk [tilespmem:v8+s20+$0x0], $0xffff  }
0x367: {  	v5 =	vshll.u32 v13, $0x7;
	v8 =	vmov s15;
	v11 =	vshll.u32 v11, $0x7;
	v10 =	vld.idx.msk [tilespmem:v10+s20+$0x0], $0xffff;
	[tilespmem:s7+$0x90] =	vst v4  }
0x368: {  	v13 =	vshll.u32 v18, $0x7;
	v5 =	vor.u32 v0, v5;
	v4 =	vor.u32 v0, v11;
	v9 =	vld.idx.msk [tilespmem:v9+s20+$0x0], $0xffff;
	[tilespmem:s7+$0x80] =	vst v6  }
0x369: {  	v11 =	vor.u32 v0, v13;
	v18 =	vor.u32 v1, v4;
	v6 =	vbroadcast v20, $0x0;
	v21 =	vld.idx.msk [tilespmem:v23+s20+$0x0], $0xffff;
	[tilespmem:s7+$0xF0] =	vst v17  }
0x36a: {  	v13 =	vshll.u32 v15, $0x7;
	v15 =	vmov s2;
	v22 =	vor.u32 v1, v11;
	[tilespmem:s7+$0xA0] =	vst v12;
	v23 =	vld.idx.msk [tilespmem:v2+s20+$0x0], $0xffff  }
0x36b: {  	v2 =	vshll.u32 v14, $0x7;
	v14 =	vor.u32 v1, v3;
	v12 =	vshll.u32 v15, $0x7;
	[tilespmem:s7+$0x30] =	vst v19;
	v17 =	vld.idx.msk [tilespmem:v16+s20+$0x0], $0xffff  }
.Ltmp21:
0x36c: {  	v26 =	vor.u32 v0, v2;
	v16 =	vor.u32 v0, v13;
	v27 =	vor.u32 v0, v12;
	v19 =	vld.idx.msk [tilespmem:v24+s20+$0x0], $0xffff;
	(pc) =	sbr.rel @p0 .LBB2_37-.Ltmp21, $4  }
0x36d: {  	v20 =	vor.u32 v6, v11;
	v2 =	vshll.u32 v8, $0x7;
	v15 =	vor.u32 v26, v6;
	[tilespmem:s7+$0x40] =	vst v10;
	v13 =	vld.idx.msk [tilespmem:v25+s20+$0x0], $0xffff  }
0x36e: {  	v12 =	vor.u32 v6, v5;
	v2 =	vor.u32 v0, v2;
	v11 =	vld.idx.msk [tilespmem:v18+s20+$0x0], $0xffff;
	[tilespmem:s10+$0x12A00] =	vst v9;
	s10 =	smov.u32 s14  }
0x36f: {  	v10 =	vor.u32 v1, v2;
	v2 =	vor.u32 v6, v2;
	v18 =	vld.idx.msk [tilespmem:v22+s20+$0x0], $0xffff;
	[tilespmem:s7+$0xD0] =	vst v21  }
0x370: {  	s6 =	sadd.s32 $0x2, s6;
	s13 =	sadd.s32 $0x400, s13;
	v8 =	vor.u32 v1, v27;
	v9 =	vor.u32 v26, v1;
	v21 =	vor.u32 v6, v27;
	[tilespmem:s7+$0xC0] =	vst v23  }
0x371: {  	_ =	sdelay $0x2  }
0x372: {  	[tilespmem:s7+$0x70] =	vst v7  }
0x373: {  	v7 =	vld.idx.msk [tilespmem:v14+s20+$0x0], $0xffff;
	[tilespmem:s7+$0xB0] =	vst v17  }
0x374: {  	v22 =	vor.u32 v1, v16;
	v14 =	vld.idx.msk [tilespmem:v20+s20+$0x0], $0xffff;
	[tilespmem:s7+$0x20] =	vst v19  }
0x375: {  	v15 =	vld.idx.msk [tilespmem:v15+s20+$0x0], $0xffff;
	s6 =	sadd.s32 $0x12A00, s10;
	[tilespmem:s7+$0xE0] =	vst v13  }
0x376: {  	v12 =	vld.idx.msk [tilespmem:v12+s20+$0x0], $0xffff;
	[tilespmem:s6+$0x60] =	vst v11  }
0x377: {  	v3 =	vor.u32 v6, v3;
	v17 =	vld.idx.msk [tilespmem:v21+s20+$0x0], $0xffff;
	s2 =	simm.s32 $0x0;
	[tilespmem:s6+$0x10] =	vst v18  }
0x378: {  	v9 =	vld.idx.msk [tilespmem:v9+s20+$0x0], $0xffff;
	s2 =	sand.u32 $0xFFFFFF80, s2;
	[tilespmem:s6+$0x50] =	vst v7  }
0x379: {  	v1 =	vor.u32 v1, v5;
	s7 =	simm.s32 $0x0;
	v11 =	vmov s2;
	s8 =	sor.u32 $0x40, s2;
	v13 =	vld.idx.msk [tilespmem:v22+s20+$0x0], $0xffff;
	[tilespmem:s6+$0x90] =	vst v14  }
0x37a: {  	s5 =	sand.u32 $0x6, s7;
	s11 =	sor.u32 $0x50, s2;
	v5 =	vmov s8;
	v7 =	vld.idx.msk [tilespmem:v10+s20+$0x0], $0xffff;
	v10 =	vor.u32 v6, v16;
	v6 =	vor.u32 v6, v4;
	[tilespmem:s6+$0x80] =	vst v15  }
0x37b: {  	v4 =	vshll.u32 v11, $0x7;
	v11 =	vmov s11;
	v14 =	vmov s5;
	[tilespmem:s6+$0xA0] =	vst v12;
	v12 =	vld.idx.msk [tilespmem:v2+s20+$0x0], $0xffff  }
0x37c: {  	s12 =	sor.u32 $0x10, s2;
	v3 =	vld.idx.msk [tilespmem:v3+s20+$0x0], $0xffff;
	[tilespmem:s6+$0xF0] =	vst v17;
	v2 =	vshll.u32 v5, $0x7;
	v5 =	vshll.u32 v11, $0x7;
	v11 =	vor.u32 $0x10, v14  }
0x37d: {  	v8 =	vld.idx.msk [tilespmem:v8+s20+$0x0], $0xffff;
	v15 =	vmov s12;
	[tilespmem:s10+$0x12A00] =	vst v9;
	v4 =	vor.u32 v0, v4;
	v11 =	vbroadcast v11, $0x0  }
0x37e: {  	s15 =	sor.u32 $0x30, s2;
	s24 =	sor.u32 $0x60, s2;
	v2 =	vor.u32 v0, v2;
	v14 =	vld.idx.msk [tilespmem:v1+s20+$0x0], $0xffff;
	v9 =	vshll.u32 v15, $0x7;
	v5 =	vor.u32 v0, v5;
	[tilespmem:s6+$0x30] =	vst v13  }
0x37f: {  	s26 =	sor.u32 $0x70, s2;
	s2 =	sor.u32 $0x20, s2;
	v17 =	vor.u32 v4, v11;
	v10 =	vld.idx.msk [tilespmem:v10+s20+$0x0], $0xffff;
	[tilespmem:s6+$0x40] =	vst v7;
	v7 =	vmov s15;
	v13 =	vmov s24  }
0x380: {  	s30 =	sor.u32 $0x11, s5;
	v15 =	vor.u32 v2, v11;
	v16 =	vld.idx.msk [tilespmem:v6+s20+$0x0], $0xffff;
	v6 =	vmov s26;
	[tilespmem:s6+$0xC0] =	vst v12;
	v12 =	vmov s2  }
0x381: {  	p1 =	por $0x1, $0x1;
	[tilespmem:s6+$0xD0] =	vst v3;
	v1 =	vshll.u32 v7, $0x7;
	v3 =	vshll.u32 v13, $0x7;
	v7 =	vmov s30  }
.Ltmp22:
0x382: {  	[tilespmem:s6+$0x70] =	vst v8;
	v8 =	vshll.u32 v12, $0x7;
	v1 =	vor.u32 v0, v1;
	v3 =	vor.u32 v0, v3;
	(pc) =	sbr.rel @!p1 .LBB2_39-.Ltmp22, $4  }
0x383: {  	[tilespmem:s6+$0x20] =	vst v14;
	v13 =	vbroadcast v7, $0x0;
	v7 =	vor.u32 v0, v8;
	v8 =	vshll.u32 v6, $0x7  }
0x384: {  	v6 =	vor.u32 v0, v9;
	v24 =	vor.u32 v1, v11;
	v20 =	vor.u32 v7, v11;
	[tilespmem:s6+$0xB0] =	vst v10  }
0x385: {  	v19 =	vor.u32 v6, v11;
	v9 =	vor.u32 v3, v11;
	v8 =	vor.u32 v0, v8;
	[tilespmem:s6+$0xE0] =	vst v16  }
0x386: {  	p0 =	por $0x0, $0x0;
	s14 =	sshll.u32 s5, $0x7;
	s10 =	simm.s32 $0x0;
	v18 =	vor.u32 v2, v13;
	v12 =	vor.u32 v7, v13;
	v10 =	vor.u32 v5, v11;
	v16 =	vld.idx.msk [tilespmem:v17+s20+$0x0], $0xffff  }
0x387: {  	_ =	sdelay $0x3  }
0x388: {  	v17 =	vld.idx.msk [tilespmem:v24+s20+$0x0], $0xffff  }
0x389: {  	v15 =	vld.idx.msk [tilespmem:v15+s20+$0x0], $0xffff  }
0x38a: {  	v20 =	vld.idx.msk [tilespmem:v20+s20+$0x0], $0xffff  }
0x38b: {  	v14 =	vor.u32 v1, v13;
	v19 =	vld.idx.msk [tilespmem:v19+s20+$0x0], $0xffff  }
0x38c: {  	v21 =	vor.u32 v3, v13;
	s2 =	simm.s32 $0x20;
	v18 =	vld.idx.msk [tilespmem:v18+s20+$0x0], $0xffff  }
0x38d: {  	v11 =	vor.u32 v8, v11;
	s13 =	simm.s32 $0x2;
	s5 =	sand.u32 $0x3FFFFC00, s10;
	v22 =	vor.u32 v4, v13;
	v12 =	vld.idx.msk [tilespmem:v12+s20+$0x0], $0xffff;
	s2 =	sand.u32 $0xFFFFFF80, s2  }
0x38e: {  	v23 =	vor.u32 v5, v13;
	v29 =	vor.u32 v6, v13;
	v30 =	vor.u32 v8, v13;
	v28 =	vld.idx.msk [tilespmem:v10+s20+$0x0], $0xffff;
	s30 =	sand.u32 $0x6, s13;
	s5 =	sor.u32 s14, s5;
	s6 =	sor.u32 $0x40, s2  }
0x38f: {  	v24 =	vmov s2;
	s8 =	sor.u32 $0x50, s2;
	s12 =	sadd.s32 $0x13200, s5;
	v26 =	vmov s30;
	v13 =	vmov s6;
	[tilespmem:s5+$0x13200] =	vst v16  }
0x390: {  	s11 =	sor.u32 $0x10, s2;
	v24 =	vshll.u32 v24, $0x7;
	v25 =	vmov s8;
	v13 =	vshll.u32 v13, $0x7;
	v16 =	vld.idx.msk [tilespmem:v14+s20+$0x0], $0xffff;
	[tilespmem:s12+$0x30] =	vst v17  }
0x391: {  	s14 =	sor.u32 $0x30, s2;
	v27 =	vmov s11;
	v14 =	vor.u32 v0, v24;
	v24 =	vld.idx.msk [tilespmem:v21+s20+$0x0], $0xffff;
	v31 =	vor.u32 v0, v13;
	[tilespmem:s12+$0x40] =	vst v15  }
0x392: {  	s15 =	sor.u32 $0x60, s2;
	s26 =	sor.u32 $0x11, s30;
	v13 =	vshll.u32 v25, $0x7;
	v17 =	vor.u32 $0x10, v26;
	v32 =	vld.idx.msk [tilespmem:v11+s20+$0x0], $0xffff;
	v15 =	vmov s14;
	[tilespmem:s12+$0x20] =	vst v20  }
0x393: {  	s24 =	sor.u32 $0x20, s2;
	s2 =	sor.u32 $0x70, s2;
	v21 =	vmov s15;
	v33 =	vld.idx.msk [tilespmem:v22+s20+$0x0], $0xffff;
	v20 =	vshll.u32 v27, $0x7;
	[tilespmem:s12+$0xC0] =	vst v18;
	v18 =	vmov s26  }
0x394: {  	v22 =	vmov s24;
	v26 =	vld.idx.msk [tilespmem:v9+s20+$0x0], $0xffff;
	v9 =	vmov s2;
	v11 =	vbroadcast v17, $0x0  }
0x395: {  	[tilespmem:s12+$0x10] =	vst v19;
	v17 =	vor.u32 v0, v13;
	v13 =	vshll.u32 v15, $0x7;
	v19 =	vshll.u32 v21, $0x7;
	v21 =	vld.idx.msk [tilespmem:v23+s20+$0x0], $0xffff  }
0x396: {  	p3 =	por $0x1, $0x1;
	v10 =	vshll.u32 v22, $0x7;
	v22 =	vld.idx.msk [tilespmem:v29+s20+$0x0], $0xffff;
	v25 =	vor.u32 v0, v13;
	v34 =	vor.u32 v14, v11  }
.Ltmp23:
0x397: {  	v23 =	vor.u32 v0, v20;
	v29 =	vld.idx.msk [tilespmem:v30+s20+$0x0], $0xffff;
	v30 =	vshll.u32 v9, $0x7;
	[tilespmem:s12+$0xE0] =	vst v24;
	v24 =	vor.u32 v25, v11;
	(pc) =	sbr.rel @!p3 .LBB2_42-.Ltmp23, $4  }
0x398: {  	[tilespmem:s12+$0xA0] =	vst v12;
	v27 =	vor.u32 v0, v19;
	v35 =	vor.u32 v0, v10;
	v15 =	vor.u32 v31, v11  }
0x399: {  	v13 =	vbroadcast v18, $0x0;
	v30 =	vor.u32 v0, v30;
	v20 =	vor.u32 v35, v11;
	[tilespmem:s12+$0xB0] =	vst v16  }
0x39a: {  	p2 =	por $0x1, $0x1;
	v19 =	vor.u32 v23, v11;
	v10 =	vor.u32 v17, v11;
	v9 =	vor.u32 v27, v11;
	[tilespmem:s12+$0x70] =	vst v32  }
0x39b: {  	s6 =	simm.s32 $0x10;
	s15 =	simm.s32 $0x100;
	s14 =	sshll.u32 s30, $0x7;
	v18 =	vor.u32 v31, v13;
	v12 =	vor.u32 v35, v13;
	[tilespmem:s12+$0x80] =	vst v33;
	v16 =	vld.idx.msk [tilespmem:v34+s20+$0x0], $0xffff  }
.LBB2_41:
0x39c: {  	s6 =	sadd.s32 $0x10, s6;
	v24 =	vld.idx.msk [tilespmem:v24+s20+$0x0], $0xffff;
	v25 =	vor.u32 v25, v13;
	v27 =	vor.u32 v27, v13;
	s13 =	sadd.s32 $0x2, s13;
	[tilespmem:s12+$0x50] =	vst v28  }
0x39d: {  	s5 =	sand.u32 $0x3FFFFC00, s15;
	v28 =	vor.u32 v14, v13;
	v31 =	vor.u32 v17, v13;
	s2 =	sshll.u32 s6, $0x1;
	s15 =	sshll.u32 s6, $0x4;
	v15 =	vld.idx.msk [tilespmem:v15+s20+$0x0], $0xffff;
	[tilespmem:s12+$0xD0] =	vst v21  }
0x39e: {  	v11 =	vor.u32 v30, v11;
	v23 =	vor.u32 v23, v13;
	s8 =	sand.u32 $0x6, s13;
	s5 =	sor.u32 s14, s5;
	s2 =	sand.u32 $0xFFFFFF80, s2;
	v20 =	vld.idx.msk [tilespmem:v20+s20+$0x0], $0xffff;
	[tilespmem:s12+$0x60] =	vst v26  }
0x39f: {  	v30 =	vor.u32 v30, v13;
	v14 =	vmov s2;
	s11 =	sor.u32 $0x10, s2;
	s14 =	sor.u32 $0x40, s2;
	s24 =	sor.u32 $0x50, s2;
	v19 =	vld.idx.msk [tilespmem:v19+s20+$0x0], $0xffff;
	[tilespmem:s12+$0xF0] =	vst v29  }
0x3a0: {  	s26 =	sor.u32 $0x20, s2;
	s30 =	sor.u32 $0x30, s2;
	v13 =	vshll.u32 v14, $0x7;
	v14 =	vmov s14;
	v17 =	vmov s24;
	v18 =	vld.idx.msk [tilespmem:v18+s20+$0x0], $0xffff;
	[tilespmem:s12+$0x90] =	vst v22;
	s12 =	sadd.s32 $0x13200, s5  }
0x3a1: {  	v21 =	vmov s8;
	v22 =	vmov s11;
	s11 =	sor.u32 $0x60, s2;
	s2 =	sor.u32 $0x70, s2;
	s24 =	sor.u32 $0x11, s8;
	v26 =	vshll.u32 v14, $0x7;
	[tilespmem:s5+$0x13200] =	vst v16;
	v16 =	vld.idx.msk [tilespmem:v25+s20+$0x0], $0xffff  }
0x3a2: {  	p3 =	slt.u32 s6, $0x70;
	s14 =	sshll.u32 s8, $0x7;
	v14 =	vor.u32 v0, v13;
	v13 =	vshll.u32 v17, $0x7;
	v29 =	vor.u32 v0, v26;
	[tilespmem:s12+$0x30] =	vst v24;
	v32 =	vld.idx.msk [tilespmem:v27+s20+$0x0], $0xffff  }
0x3a3: {  	v17 =	vor.u32 $0x10, v21;
	v21 =	vmov s30;
	v24 =	vmov s11;
	[tilespmem:s12+$0x40] =	vst v15;
	v33 =	vld.idx.msk [tilespmem:v11+s20+$0x0], $0xffff  }
0x3a4: {  	v34 =	vshll.u32 v22, $0x7;
	v11 =	vbroadcast v17, $0x0;
	v17 =	vor.u32 v0, v13;
	[tilespmem:s12+$0x20] =	vst v20;
	v35 =	vld.idx.msk [tilespmem:v28+s20+$0x0], $0xffff  }
0x3a5: {  	v22 =	vmov s2;
	v13 =	vshll.u32 v21, $0x7;
	v20 =	vshll.u32 v24, $0x7;
	[tilespmem:s12+$0x10] =	vst v19;
	v12 =	vld.idx.msk [tilespmem:v12+s20+$0x0], $0xffff  }
0x3a6: {  	v26 =	vmov s24;
	v19 =	vor.u32 v14, v11;
	v15 =	vor.u32 v29, v11;
	[tilespmem:s12+$0xC0] =	vst v18;
	v21 =	vld.idx.msk [tilespmem:v31+s20+$0x0], $0xffff  }
0x3a7: {  	v25 =	vor.u32 v0, v13;
	v27 =	vor.u32 v0, v20;
	v18 =	vmov s26;
	v28 =	vld.idx.msk [tilespmem:v10+s20+$0x0], $0xffff;
	[tilespmem:s12+$0xB0] =	vst v16  }
.Ltmp24:
0x3a8: {  	v13 =	vbroadcast v26, $0x0;
	v24 =	vor.u32 v25, v11;
	v10 =	vshll.u32 v18, $0x7;
	v26 =	vld.idx.msk [tilespmem:v9+s20+$0x0], $0xffff;
	[tilespmem:s12+$0xE0] =	vst v32;
	(pc) =	sbr.rel @p3 .LBB2_41-.Ltmp24, $4  }
0x3a9: {  	v31 =	vor.u32 v0, v10;
	v32 =	vshll.u32 v22, $0x7;
	[tilespmem:s12+$0x70] =	vst v33;
	v22 =	vld.idx.msk [tilespmem:v23+s20+$0x0], $0xffff  }
0x3aa: {  	v18 =	vor.u32 v29, v13;
	v23 =	vor.u32 v0, v34;
	v20 =	vor.u32 v31, v11;
	v29 =	vld.idx.msk [tilespmem:v30+s20+$0x0], $0xffff  }
0x3ab: {  	v10 =	vor.u32 v17, v11;
	v16 =	vld.idx.msk [tilespmem:v19+s20+$0x0], $0xffff;
	v19 =	vor.u32 v23, v11;
	[tilespmem:s12+$0xA0] =	vst v12  }
0x3ac: {  	v9 =	vor.u32 v27, v11;
	v30 =	vor.u32 v0, v32;
	v12 =	vor.u32 v31, v13;
	[tilespmem:s12+$0x80] =	vst v35  }
.LBB2_42:
0x3ad: {  	_ =	sdelay $0x2  }
0x3ae: {  	[tilespmem:s12+$0x50] =	vst @p2 v28  }
0x3af: {  	v24 =	vld.idx.msk [tilespmem:v24+s20+$0x0], $0xffff;
	v25 =	vor.u32 v25, v13;
	[tilespmem:s12+$0xD0] =	vst @p2 v21  }
0x3b0: {  	v15 =	vld.idx.msk [tilespmem:v15+s20+$0x0], $0xffff;
	[tilespmem:s12+$0x60] =	vst @p2 v26  }
0x3b1: {  	s2 =	sand.u32 $0x3FFFFC00, s15;
	v20 =	vld.idx.msk [tilespmem:v20+s20+$0x0], $0xffff;
	[tilespmem:s12+$0x90] =	vst @p2 v22  }
0x3b2: {  	v11 =	vor.u32 v30, v11;
	v19 =	vld.idx.msk [tilespmem:v19+s20+$0x0], $0xffff;
	s2 =	sor.u32 s14, s2;
	[tilespmem:s12+$0xF0] =	vst @p2 v29  }
0x3b3: {  	v62 =	vor.u32 v27, v13;
	v18 =	vld.idx.msk [tilespmem:v18+s20+$0x0], $0xffff;
	s5 =	sadd.s32 $0x13200, s2;
	[tilespmem:s2+$0x13200] =	vst v16  }
0x3b4: {  	v14 =	vor.u32 v14, v13;
	v16 =	vld.idx.msk [tilespmem:v25+s20+$0x0], $0xffff;
	[tilespmem:s5+$0x30] =	vst v24  }
0x3b5: {  	v17 =	vor.u32 v17, v13;
	v12 =	vld.idx.msk [tilespmem:v12+s20+$0x0], $0xffff;
	[tilespmem:s5+$0x40] =	vst v15  }
0x3b6: {  	v10 =	vld.idx.msk [tilespmem:v10+s20+$0x0], $0xffff;
	[tilespmem:s5+$0x20] =	vst v20  }
0x3b7: {  	v11 =	vld.idx.msk [tilespmem:v11+s20+$0x0], $0xffff;
	v15 =	vor.u32 v30, v13;
	[tilespmem:s5+$0x10] =	vst v19  }
0x3b8: {  	v21 =	vld.idx.msk [tilespmem:v62+s20+$0x0], $0xffff;
	v13 =	vor.u32 v23, v13;
	[tilespmem:s5+$0xC0] =	vst v18  }
0x3b9: {  	v14 =	vld.idx.msk [tilespmem:v14+s20+$0x0], $0xffff;
	[tilespmem:s5+$0xB0] =	vst v16;
	v16 =	vmov s7  }
0x3ba: {  	v17 =	vld.idx.msk [tilespmem:v17+s20+$0x0], $0xffff;
	[tilespmem:s5+$0xA0] =	vst v12;
	v16 =	vand.u32 $0x7, v16  }
0x3bb: {  	v18 =	vld.idx.msk [tilespmem:v9+s20+$0x0], $0xffff;
	[tilespmem:s5+$0x50] =	vst v10;
	v9 =	vor.u32 $0x18, v16  }
0x3bc: {  	s24 =	sor.u32 $0x19, s7;
	[tilespmem:s5+$0x70] =	vst v11;
	v11 =	vld.idx.msk [tilespmem:v15+s20+$0x0], $0xffff;
	v9 =	vbroadcast v9, $0x0  }
0x3bd: {  	v12 =	vmov s24;
	[tilespmem:s5+$0xE0] =	vst v21;
	v19 =	vld.idx.msk [tilespmem:v13+s20+$0x0], $0xffff  }
0x3be: {  	v10 =	vand.u32 $0x7, v12;
	[tilespmem:s5+$0x80] =	vst v14;
	v63 =	vor.u32 v9, v1  }
.Ltmp25:
0x3bf: {  	v10 =	vor.u32 $0x18, v10;
	[tilespmem:s5+$0xD0] =	vst v17;
	(pc) =	sbr.rel @!p1 .LBB2_43-.Ltmp25, $4  }
0x3c0: {  	[tilespmem:s5+$0x60] =	vst v18;
	v13 =	vbroadcast v10, $0x0;
	v15 =	vor.u32 v9, v6  }
0x3c1: {  	s26 =	sand.u32 $0xC00, s7;
	[tilespmem:s5+$0xF0] =	vst v11;
	v17 =	vor.u32 v9, v2;
	v16 =	vor.u32 v9, v5;
	v12 =	vor.u32 v9, v8  }
0x3c2: {  	s30 =	sand.u32 $0x3FFFFC00, s10;
	s2 =	sshrl.u32 s26, $0x2;
	[tilespmem:s5+$0x90] =	vst v19;
	v14 =	vor.u32 v9, v3;
	v10 =	vor.u32 v9, v7;
	v11 =	vor.u32 v13, v7  }
0x3c3: {  	s6 =	simm.s32 $0x400;
	s10 =	sor.u32 s2, s30;
	s7 =	simm.s32 $0x2;
	v7 =	vor.u32 v13, v8;
	v6 =	vor.u32 v13, v6;
	v5 =	vor.u32 v13, v5;
	v8 =	vld.idx.msk [tilespmem:v63+s20+$0x0], $0xffff  }
0x3c4: {  	_ =	sdelay $0x3  }
0x3c5: {  	v15 =	vld.idx.msk [tilespmem:v15+s20+$0x0], $0xffff  }
0x3c6: {  	v17 =	vld.idx.msk [tilespmem:v17+s20+$0x0], $0xffff  }
0x3c7: {  	v16 =	vld.idx.msk [tilespmem:v16+s20+$0x0], $0xffff  }
0x3c8: {  	v18 =	vor.u32 v4, v13;
	v2 =	vor.u32 v13, v2;
	v12 =	vld.idx.msk [tilespmem:v12+s20+$0x0], $0xffff  }
0x3c9: {  	s2 =	simm.s32 $0x20;
	v4 =	vor.u32 v4, v9;
	v19 =	vor.u32 v13, v1;
	s5 =	sor.u32 $0x19, s7;
	v1 =	vmov s7;
	v14 =	vld.idx.msk [tilespmem:v14+s20+$0x0], $0xffff  }
0x3ca: {  	v21 =	vor.u32 v13, v3;
	s7 =	sadd.s32 $0x13A00, s10;
	v5 =	vld.idx.msk [tilespmem:v5+s20+$0x0], $0xffff;
	s2 =	sand.u32 $0xFFFFFF80, s2;
	v9 =	vmov s5;
	v1 =	vand.u32 $0x7, v1  }
0x3cb: {  	v10 =	vld.idx.msk [tilespmem:v10+s20+$0x0], $0xffff;
	v3 =	vmov s2;
	s8 =	sor.u32 $0x30, s2;
	s11 =	sor.u32 $0x10, s2;
	s13 =	sor.u32 $0x50, s2;
	v1 =	vor.u32 $0x18, v1;
	v9 =	vand.u32 $0x7, v9  }
0x3cc: {  	v13 =	vmov s8;
	v20 =	vmov s11;
	v22 =	vmov s13;
	[tilespmem:s7+$0x30] =	vst v8  }
0x3cd: {  	v27 =	vld.idx.msk [tilespmem:v7+s20+$0x0], $0xffff;
	s14 =	sor.u32 $0x40, s2;
	s24 =	sor.u32 $0x70, s2;
	v23 =	vor.u32 $0x18, v9;
	v9 =	vbroadcast v1, $0x0;
	v25 =	vshll.u32 v3, $0x7;
	[tilespmem:s7+$0x10] =	vst v15  }
0x3ce: {  	v7 =	vmov s24;
	v13 =	vshll.u32 v13, $0x7;
	v8 =	vld.idx.msk [tilespmem:v11+s20+$0x0], $0xffff;
	v11 =	vmov s14;
	[tilespmem:s7+$0x40] =	vst v17  }
0x3cf: {  	v22 =	vshll.u32 v22, $0x7;
	v3 =	vshll.u32 v20, $0x7;
	v7 =	vshll.u32 v7, $0x7;
	v18 =	vld.idx.msk [tilespmem:v18+s20+$0x0], $0xffff;
	[tilespmem:s7+$0x50] =	vst v16  }
0x3d0: {  	s15 =	sor.u32 $0x60, s2;
	s2 =	sor.u32 $0x20, s2;
	v11 =	vshll.u32 v11, $0x7;
	v22 =	vor.u32 v0, v22;
	v1 =	vor.u32 v0, v13;
	v24 =	vld.idx.msk [tilespmem:v2+s20+$0x0], $0xffff;
	[tilespmem:s7+$0x70] =	vst v12  }
0x3d1: {  	v13 =	vmov s15;
	v26 =	vor.u32 v0, v3;
	[tilespmem:s7+$0x60] =	vst v14;
	v20 =	vld.idx.msk [tilespmem:v4+s20+$0x0], $0xffff;
	v4 =	vmov s2  }
0x3d2: {  	v29 =	vld.idx.msk [tilespmem:v19+s20+$0x0], $0xffff;
	[tilespmem:s7+$0xD0] =	vst v5;
	v5 =	vor.u32 v0, v7;
	v2 =	vor.u32 v0, v11;
	v3 =	vshll.u32 v13, $0x7  }
0x3d3: {  	p1 =	por $0x1, $0x1;
	[tilespmem:s7+$0x20] =	vst v10;
	v15 =	vor.u32 v9, v26;
	v28 =	vor.u32 v9, v1;
	v16 =	vor.u32 v9, v22  }
.Ltmp26:
0x3d4: {  	v19 =	vld.idx.msk [tilespmem:v6+s20+$0x0], $0xffff;
	[tilespmem:s7+$0xF0] =	vst v27;
	v6 =	vshll.u32 v4, $0x7;
	v12 =	vor.u32 v9, v5;
	v13 =	vbroadcast v23, $0x0;
	(pc) =	sbr.rel @!p1 .LBB2_46-.Ltmp26, $4  }
0x3d5: {  	v17 =	vor.u32 v9, v2;
	v3 =	vor.u32 v0, v3;
	v6 =	vor.u32 v0, v6;
	[tilespmem:s7+$0xA0] =	vst v8  }
0x3d6: {  	s26 =	sand.u32 $0xC00, s6;
	s30 =	simm.s32 $0x100;
	s6 =	simm.s32 $0x4;
	v4 =	vor.u32 v0, v25;
	v14 =	vor.u32 v9, v3;
	v10 =	vor.u32 v9, v6;
	[tilespmem:s7+$0x80] =	vst v18  }
0x3d7: {  	p0 =	por $0x1, $0x1;
	s5 =	sand.u32 $0x3FFFFC00, s30;
	s2 =	sshrl.u32 s26, $0x2;
	v11 =	vor.u32 v13, v6;
	v7 =	vor.u32 v13, v5;
	[tilespmem:s7+$0xC0] =	vst v24;
	v18 =	vld.idx.msk [tilespmem:v21+s20+$0x0], $0xffff  }
0x3d8: {  	s13 =	simm.s32 $0x10;
	s14 =	simm.s32 $0x800;
	s12 =	sor.u32 s2, s5;
	v6 =	vor.u32 v13, v26;
	v5 =	vor.u32 v13, v22;
	[tilespmem:s7+$0xB0] =	vst v29;
	v8 =	vld.idx.msk [tilespmem:v28+s20+$0x0], $0xffff  }
.LBB2_45:
0x3d9: {  	s13 =	sadd.s32 $0x10, s13;
	s2 =	sand.u32 $0xC00, s14;
	s5 =	sadd.s32 $0x13A00, s12;
	v15 =	vld.idx.msk [tilespmem:v15+s20+$0x0], $0xffff;
	v21 =	vor.u32 v4, v13;
	v2 =	vor.u32 v13, v2;
	[tilespmem:s10+$0x13A00] =	vst v20  }
0x3da: {  	v4 =	vor.u32 v4, v9;
	v22 =	vor.u32 v13, v3;
	s8 =	sshll.u32 s13, $0x1;
	s10 =	sshll.u32 s13, $0x4;
	s2 =	sshrl.u32 s2, $0x2;
	v9 =	vld.idx.msk [tilespmem:v17+s20+$0x0], $0xffff;
	v17 =	vor.u32 v13, v1  }
0x3db: {  	s11 =	sor.u32 $0x19, s6;
	s8 =	sand.u32 $0xFFFFFF80, s8;
	s10 =	sand.u32 $0x3FFFFC00, s10;
	v3 =	vld.idx.msk [tilespmem:v16+s20+$0x0], $0xffff;
	[tilespmem:s7+$0x90] =	vst v19  }
0x3dc: {  	v1 =	vmov s6;
	v16 =	vmov s11;
	v13 =	vmov s8;
	s24 =	sor.u32 $0x10, s8;
	s15 =	sor.u32 $0x20, s8;
	s26 =	sor.u32 $0x30, s8;
	v12 =	vld.idx.msk [tilespmem:v12+s20+$0x0], $0xffff  }
0x3dd: {  	v1 =	vand.u32 $0x7, v1;
	s11 =	sor.u32 $0x40, s8;
	v19 =	vmov s24;
	v20 =	vmov s26;
	s24 =	sor.u32 $0x50, s8;
	s26 =	sor.u32 $0x60, s8;
	v14 =	vld.idx.msk [tilespmem:v14+s20+$0x0], $0xffff;
	[tilespmem:s7+$0xE0] =	vst v18  }
0x3de: {  	p1 =	slt.u32 s13, $0x70;
	s2 =	sor.u32 s2, s10;
	s8 =	sor.u32 $0x70, s8;
	v18 =	vshll.u32 v20, $0x7;
	v20 =	vmov s11;
	v23 =	vmov s24;
	[tilespmem:s5+$0x30] =	vst v8;
	v8 =	vld.idx.msk [tilespmem:v11+s20+$0x0], $0xffff  }
0x3df: {  	v1 =	vor.u32 $0x18, v1;
	v16 =	vand.u32 $0x7, v16;
	s10 =	smov.u32 s12;
	s7 =	smov.u32 s5;
	s12 =	smov.u32 s2;
	v11 =	vshll.u32 v23, $0x7;
	[tilespmem:s5+$0x10] =	vst v15;
	v5 =	vld.idx.msk [tilespmem:v5+s20+$0x0], $0xffff  }
0x3e0: {  	v15 =	vshll.u32 v20, $0x7;
	v23 =	vor.u32 v0, v11;
	v11 =	vor.u32 $0x18, v16;
	[tilespmem:s7+$0x40] =	vst v9;
	v21 =	vld.idx.msk [tilespmem:v21+s20+$0x0], $0xffff  }
0x3e1: {  	v9 =	vbroadcast v1, $0x0;
	v1 =	vor.u32 v0, v18;
	v16 =	vmov s26;
	[tilespmem:s7+$0x50] =	vst v3;
	v18 =	vld.idx.msk [tilespmem:v2+s20+$0x0], $0xffff  }
0x3e2: {  	v24 =	vshll.u32 v13, $0x7;
	v3 =	vshll.u32 v19, $0x7;
	v2 =	vor.u32 v0, v15;
	v10 =	vld.idx.msk [tilespmem:v10+s20+$0x0], $0xffff;
	[tilespmem:s7+$0x70] =	vst v12  }
0x3e3: {  	v25 =	vor.u32 v0, v3;
	v3 =	vshll.u32 v16, $0x7;
	v12 =	vmov s8;
	[tilespmem:s7+$0x60] =	vst v14;
	v26 =	vld.idx.msk [tilespmem:v7+s20+$0x0], $0xffff  }
0x3e4: {  	v27 =	vor.u32 v9, v1;
	v15 =	vor.u32 v9, v25;
	v7 =	vshll.u32 v12, $0x7;
	[tilespmem:s7+$0xA0] =	vst v8;
	v28 =	vld.idx.msk [tilespmem:v17+s20+$0x0], $0xffff  }
0x3e5: {  	v3 =	vor.u32 v0, v3;
	v17 =	vor.u32 v9, v2;
	v20 =	vld.idx.msk [tilespmem:v4+s20+$0x0], $0xffff;
	[tilespmem:s7+$0xD0] =	vst v5  }
.Ltmp27:
0x3e6: {  	v16 =	vor.u32 v9, v23;
	v4 =	vmov s15;
	v5 =	vor.u32 v0, v7;
	[tilespmem:s7+$0x80] =	vst v21;
	v19 =	vld.idx.msk [tilespmem:v6+s20+$0x0], $0xffff;
	(pc) =	sbr.rel @p1 .LBB2_45-.Ltmp27, $4  }
0x3e7: {  	v13 =	vbroadcast v11, $0x0;
	v6 =	vshll.u32 v4, $0x7;
	v12 =	vor.u32 v9, v5;
	[tilespmem:s7+$0xC0] =	vst v18;
	v18 =	vld.idx.msk [tilespmem:v22+s20+$0x0], $0xffff  }
0x3e8: {  	v14 =	vor.u32 v9, v3;
	v4 =	vor.u32 v0, v24;
	v6 =	vor.u32 v0, v6;
	[tilespmem:s7+$0x20] =	vst v10  }
0x3e9: {  	v7 =	vor.u32 v13, v5;
	v10 =	vor.u32 v9, v6;
	v11 =	vor.u32 v13, v6;
	[tilespmem:s7+$0xF0] =	vst v26  }
0x3ea: {  	s14 =	sadd.s32 $0x400, s14;
	s6 =	sadd.s32 $0x2, s6;
	v5 =	vor.u32 v13, v23;
	v6 =	vor.u32 v13, v25;
	v8 =	vld.idx.msk [tilespmem:v27+s20+$0x0], $0xffff;
	[tilespmem:s7+$0xB0] =	vst v28  }
.LBB2_46:
0x3eb: {  	_ =	sdelay $0x3  }
0x3ec: {  	v15 =	vld.idx.msk [tilespmem:v15+s20+$0x0], $0xffff  }
0x3ed: {  	[tilespmem:s10+$0x13A00] =	vst @p0 v20;
	v17 =	vld.idx.msk [tilespmem:v17+s20+$0x0], $0xffff  }
0x3ee: {  	v16 =	vld.idx.msk [tilespmem:v16+s20+$0x0], $0xffff;
	[tilespmem:s7+$0x90] =	vst @p0 v19  }
0x3ef: {  	s2 =	sadd.s32 $0x13A00, s12;
	v12 =	vld.idx.msk [tilespmem:v12+s20+$0x0], $0xffff;
	[tilespmem:s7+$0xE0] =	vst @p0 v18  }
0x3f0: {  	v2 =	vor.u32 v13, v2;
	v14 =	vld.idx.msk [tilespmem:v14+s20+$0x0], $0xffff;
	[tilespmem:s2+$0x30] =	vst v8  }
0x3f1: {  	v60 =	vld.idx.msk [tilespmem:v11+s20+$0x0], $0xffff;
	[tilespmem:s2+$0x10] =	vst v15  }
0x3f2: {  	v59 =	vor.u32 v4, v13;
	v5 =	vld.idx.msk [tilespmem:v5+s20+$0x0], $0xffff;
	[tilespmem:s2+$0x40] =	vst v17  }
0x3f3: {  	v1 =	vor.u32 v13, v1;
	v10 =	vld.idx.msk [tilespmem:v10+s20+$0x0], $0xffff;
	[tilespmem:s2+$0x50] =	vst v16  }
0x3f4: {  	v61 =	vor.u32 v4, v9;
	v7 =	vld.idx.msk [tilespmem:v7+s20+$0x0], $0xffff;
	[tilespmem:s2+$0x70] =	vst v12  }
0x3f5: {  	v3 =	vor.u32 v13, v3;
	v2 =	vld.idx.msk [tilespmem:v2+s20+$0x0], $0xffff;
	[tilespmem:s2+$0x60] =	vst v14  }
0x3f6: {  	v63 =	vld.idx.msk [tilespmem:v6+s20+$0x0], $0xffff;
	[tilespmem:s2+$0xA0] =	vst v60  }
0x3f7: {  	v62 =	vld.idx.msk [tilespmem:v59+s20+$0x0], $0xffff;
	[tilespmem:s2+$0xD0] =	vst v5  }
0x3f8: {  	v1 =	vld.idx.msk [tilespmem:v1+s20+$0x0], $0xffff;
	[tilespmem:s2+$0x20] =	vst v10  }
0x3f9: {  	v4 =	vld.idx.msk [tilespmem:v61+s20+$0x0], $0xffff;
	[tilespmem:s2+$0xF0] =	vst v7  }
0x3fa: {  	[tilespmem:s2+$0xC0] =	vst v2;
	v2 =	vld.idx.msk [tilespmem:v3+s20+$0x0], $0xffff  }
0x3fb: {  	[tilespmem:s2+$0x90] =	vst v63  }
0x3fc: {  	[tilespmem:s2+$0x80] =	vst v62  }
0x3fd: {  	[tilespmem:s2+$0xB0] =	vst v1  }
0x3fe: {  	[tilespmem:s12+$0x13A00] =	vst v4  }
0x3ff: {  	[tilespmem:s2+$0xE0] =	vst v2  }
0x400: {  	s31 =	sadd.s32 $0x1, s31;
	s2 =	rddreg [dreg:$0x8]  }
0x401: {  	s24 =	simm.s32 $0x12200;
	p0 =	sne.s32 s31, $0x31;
	s0 =	sadd.s32 s0, s2  }
0x402: {  	[hbm4b:s0+s22] =	stream.strided.scatter [tilespmem:s24], [sflag:$0x6], $0x2000, s23, s22, $0x38;
	[tilespmem:$0x14200] =	vst v63  }
.Ltmp28:
0x403: {  	s26 =	rddreg [dreg:$0x6];
	(pc) =	sbr.rel @p0 .LBB2_22-.Ltmp28, $4  }
.Ltmp29:
0x404: {  	s0 =	sor.u32 s26, s1;
	(pc) =	sbr.rel @!p0 .LBB2_47-.Ltmp29, $4  }
0x405: {  	s0 =	sshrl.u32 s0, $0x3  }
0x406: {  	s30 =	simm.s32 $0x0;
	s0 =	sadd.s32 s3, s0  }
0x407: {  	[tilespmem:s16], [sflag:$0x2] =	stream.linear.gather [hbm4b:s0+s30], $0x100, $0x38;
	[tilespmem:$0x14200] =	vst v63  }
0x408: {  	_ = 	snop  }
.LBB2_27:
.Ltmp30:
0x409: {  	(pc) =	sbr.rel .LBB2_30-.Ltmp30, $3  }
0x40a: {  	_ =	sdelay $0x1  }
0x40b: {  	v25 =	vmov v1  }
0x40c: {  	v27 =	vmovc v3;
	s13 =	simm.s32 $0x0;
	v14 =	vmovc v4;
	v17 =	vmov v5;
	v30 =	vmov v8;
	v23 =	vmov v6;
	p2 =	por $0x0, $0x0  }
.LBB2_31:
.Ltmp31:
0x40d: {  	(pc) =	sbr.rel .LBB2_34-.Ltmp31, $2  }
0x40e: {  	_ =	sdelay $0x2  }
0x40f: {  	s7 =	smov.u32 s1  }
.LBB2_39:
.Ltmp32:
0x410: {  	(pc) =	sbr.rel .LBB2_42-.Ltmp32, $3  }
0x411: {  	_ =	sdelay $0x1  }
0x412: {  	v25 =	vmov v1  }
0x413: {  	v27 =	vmovc v3;
	s15 =	simm.s32 $0x0;
	v14 =	vmovc v4;
	v17 =	vmov v5;
	v30 =	vmov v8;
	v23 =	vmov v6;
	p2 =	por $0x0, $0x0  }
.LBB2_43:
.Ltmp33:
0x414: {  	(pc) =	sbr.rel .LBB2_46-.Ltmp33, $2  }
0x415: {  	_ =	sdelay $0x2  }
0x416: {  	s12 =	smov.u32 s10  }
.LBB2_47:
0x417: {  	_ =	swait.ge [sflag:s19], $0x100  }
0x418: {  	s0 =	simm.s32 $0x0;
	[sflag:s19] =	ssyncset.done $0x0  }
0x419: {  	s2 =	sand.u32 $0xFFFFFF80, s0;
	[sflag:s19] =	ssyncadd.s32 $0xFFFFFF00  }
0x41a: {  	s0 =	sor.u32 $0x10, s2;
	s1 =	sor.u32 $0x40, s2;
	s5 =	sor.u32 $0x30, s2  }
0x41b: {  	[tilespmem:s20], [sflag:$0x4] =	stream.indirect.gather [hbm4b:s4+s16], $0x80, s16, s16, $0xb8;
	[tilespmem:$0x14200] =	vst v63  }
0x41c: {  	s6 =	sor.u32 $0x60, s2;
	s24 =	sor.u32 $0x20, s2;
	v1 =	vmov s0;
	v2 =	vmov s1;
	v3 =	vmov s5  }
0x41d: {  	s0 =	simm.s32 $0x0;
	v4 =	vmov s6;
	v6 =	vmov s24;
	v5 =	vshll.u32 v1, $0x7  }
0x41e: {  	v2 =	vshll.u32 v2, $0x7;
	_ =	swait.ge [sflag:s21], $0x8000;
	s15 =	sand.u32 $0x6, s0;
	v6 =	vshll.u32 v6, $0x7;
	v5 =	vor.u32 v0, v5  }
0x41f: {  	v10 =	vshll.u32 v4, $0x7;
	v1 =	vor.u32 v0, v2;
	[sflag:s21] =	ssyncset.done $0x0;
	v7 =	vor.u32 s15, v5  }
0x420: {  	v2 =	vshll.u32 v3, $0x7;
	v4 =	vor.u32 v0, v6;
	[sflag:s21] =	ssyncadd.s32 $0xFFFF8000;
	v9 =	vor.u32 s15, v1  }
0x421: {  	s14 =	sor.u32 $0x50, s2;
	v2 =	vor.u32 v0, v2;
	v12 =	vor.u32 s15, v4;
	_ =	swait.ge [sflag:s28], $0x2000  }
0x422: {  	v3 =	vmov s14;
	v6 =	vor.u32 v0, v10;
	v8 =	vor.u32 s15, v2;
	[sflag:s28] =	ssyncset.done $0x0  }
0x423: {  	s26 =	sor.u32 $0x1, s15;
	v3 =	vshll.u32 v3, $0x7;
	v13 =	vor.u32 s15, v6;
	[sflag:s28] =	ssyncadd.s32 $0xFFFFE000  }
0x424: {  	v16 =	vor.u32 s26, v6;
	v3 =	vor.u32 v0, v3;
	v10 =	vld.idx.msk [tilespmem:v7+s18+$0x0], $0xffff  }
0x425: {  	v11 =	vor.u32 s15, v3;
	v9 =	vld.idx.msk [tilespmem:v9+s18+$0x0], $0xffff  }
0x426: {  	s30 =	simm.s32 $0x0;
	s7 =	sor.u32 $0x70, s2;
	v18 =	vor.u32 s26, v4;
	v12 =	vld.idx.msk [tilespmem:v12+s18+$0x0], $0xffff  }
0x427: {  	s1 =	sand.u32 $0x3FFFFC00, s30;
	v15 =	vor.u32 s26, v3;
	v7 =	vmov s2;
	v14 =	vld.idx.msk [tilespmem:v8+s18+$0x0], $0xffff;
	v8 =	vmov s7  }
0x428: {  	s8 =	simm.s32 $0x20;
	s31 =	sadd.s32 $0x10200, s1;
	s12 =	sshll.u32 s15, $0x7;
	v22 =	vor.u32 s26, v1;
	v13 =	vld.idx.msk [tilespmem:v13+s18+$0x0], $0xffff;
	v7 =	vshll.u32 v7, $0x7;
	v17 =	vshll.u32 v8, $0x7  }
0x429: {  	s8 =	sand.u32 $0xFFFFFF80, s8;
	v16 =	vld.idx.msk [tilespmem:v16+s18+$0x0], $0xffff;
	s7 =	sadd.s32 s12, s31;
	v8 =	vor.u32 v0, v7;
	v7 =	vor.u32 v0, v17;
	v17 =	vor.u32 s26, v2  }
0x42a: {  	v23 =	vmov s8;
	s10 =	sor.u32 $0x40, s8;
	v11 =	vld.idx.msk [tilespmem:v11+s18+$0x0], $0xffff;
	v21 =	vor.u32 s26, v7;
	[tilespmem:s7+$0x10] =	vst v10  }
0x42b: {  	s11 =	sor.u32 $0x30, s8;
	v23 =	vshll.u32 v23, $0x7;
	v24 =	vmov s10;
	v18 =	vld.idx.msk [tilespmem:v18+s18+$0x0], $0xffff;
	v19 =	vor.u32 s15, v8;
	[tilespmem:s7+$0x40] =	vst v9  }
0x42c: {  	s13 =	sor.u32 $0x10, s8;
	v25 =	vmov s11;
	s10 =	simm.s32 $0x2;
	v24 =	vshll.u32 v24, $0x7;
	v20 =	vor.u32 s26, v5;
	v15 =	vld.idx.msk [tilespmem:v15+s18+$0x0], $0xffff;
	[tilespmem:s7+$0x20] =	vst v12  }
0x42d: {  	s24 =	sand.u32 $0x6, s10;
	v26 =	vor.u32 v0, v24;
	v22 =	vld.idx.msk [tilespmem:v22+s18+$0x0], $0xffff;
	v10 =	vor.u32 s26, v8;
	v9 =	vmov s13;
	[tilespmem:s7+$0x60] =	vst v13  }
0x42e: {  	s14 =	sshll.u32 s26, $0x7;
	v29 =	vor.u32 s24, v26;
	s12 =	sor.u32 $0x60, s8;
	[tilespmem:s7+$0x30] =	vst v14;
	v14 =	vor.u32 s15, v7;
	v9 =	vshll.u32 v9, $0x7;
	v17 =	vld.idx.msk [tilespmem:v17+s18+$0x0], $0xffff  }
0x42f: {  	s2 =	sadd.s32 s14, s31;
	s15 =	sor.u32 $0x50, s8;
	[tilespmem:s7+$0x50] =	vst v11;
	v11 =	vmov s12;
	v9 =	vor.u32 v0, v9;
	v12 =	vld.idx.msk [tilespmem:v21+s18+$0x0], $0xffff;
	v21 =	vshll.u32 v25, $0x7  }
0x430: {  	s26 =	sor.u32 $0x20, s8;
	[tilespmem:s2+$0x60] =	vst v16;
	v13 =	vmov s15;
	v19 =	vld.idx.msk [tilespmem:v19+s18+$0x0], $0xffff;
	v24 =	vor.u32 s24, v9;
	v27 =	vor.u32 v0, v21  }
0x431: {  	v30 =	vld.idx.msk [tilespmem:v20+s18+$0x0], $0xffff;
	[tilespmem:s2+$0x50] =	vst v15;
	v15 =	vmov s26;
	v13 =	vshll.u32 v13, $0x7;
	v25 =	vor.u32 s24, v27  }
0x432: {  	[tilespmem:s2+$0x20] =	vst v18;
	v11 =	vshll.u32 v11, $0x7;
	v13 =	vor.u32 v0, v13;
	v28 =	vld.idx.msk [tilespmem:v10+s18+$0x0], $0xffff;
	v10 =	vshll.u32 v15, $0x7  }
0x433: {  	[tilespmem:s2+$0x40] =	vst v22;
	v11 =	vor.u32 v0, v11;
	v31 =	vor.u32 s24, v13;
	v20 =	vor.u32 v0, v10  }
0x434: {  	s30 =	sor.u32 $0x70, s8;
	v23 =	vor.u32 v0, v23;
	s15 =	sor.u32 $0x1, s24;
	v21 =	vor.u32 s24, v11;
	v14 =	vld.idx.msk [tilespmem:v14+s18+$0x0], $0xffff;
	[tilespmem:s2+$0x30] =	vst v17;
	v17 =	vor.u32 s24, v20  }
0x435: {  	v9 =	vor.u32 s15, v9;
	v22 =	vor.u32 s15, v11;
	v10 =	vmov s30;
	v15 =	vld.idx.msk [tilespmem:v24+s18+$0x0], $0xffff;
	[tilespmem:s7+$0x0] =	vst v19  }
0x436: {  	s31 =	simm.s32 $0x100;
	v19 =	vor.u32 s15, v20;
	[tilespmem:s2+$0x70] =	vst v12;
	v12 =	vshll.u32 v10, $0x7;
	v16 =	vld.idx.msk [tilespmem:v25+s18+$0x0], $0xffff;
	v25 =	vor.u32 s15, v13  }
0x437: {  	s6 =	simm.s32 $0x10;
	s5 =	sand.u32 $0x3FFFFC00, s31;
	v18 =	vld.idx.msk [tilespmem:v29+s18+$0x0], $0xffff;
	[tilespmem:s2+$0x10] =	vst v30;
	v10 =	vor.u32 s24, v23;
	v24 =	vor.u32 v0, v12;
	v12 =	vor.u32 s15, v23  }
0x438: {  	s14 =	sshll.u32 s24, $0x7;
	s12 =	sadd.s32 $0x10200, s5;
	s13 =	sshll.u32 s15, $0x7;
	[tilespmem:s2+$0x0] =	vst v28;
	v20 =	vld.idx.msk [tilespmem:v31+s18+$0x0], $0xffff;
	v23 =	vor.u32 s15, v27;
	v13 =	vor.u32 s15, v26;
	v11 =	vor.u32 s24, v24  }
.LBB2_48:
0x439: {  	s6 =	sadd.s32 $0x10, s6;
	v17 =	vld.idx.msk [tilespmem:v17+s18+$0x0], $0xffff;
	[tilespmem:s7+$0x70] =	vst v14  }
0x43a: {  	s7 =	sadd.s32 s14, s12;
	s2 =	sshll.u32 s6, $0x1;
	s5 =	sshll.u32 s6, $0x4;
	v14 =	vld.idx.msk [tilespmem:v21+s18+$0x0], $0xffff;
	v21 =	vor.u32 s15, v24  }
0x43b: {  	s10 =	sadd.s32 $0x2, s10;
	s2 =	sand.u32 $0xFFFFFF80, s2;
	s5 =	sand.u32 $0x3FFFFC00, s5;
	[tilespmem:s7+$0x10] =	vst v15;
	v15 =	vld.idx.msk [tilespmem:v25+s18+$0x0], $0xffff  }
0x43c: {  	v24 =	vmov s2;
	s8 =	sor.u32 $0x10, s2;
	s11 =	sor.u32 $0x40, s2;
	s14 =	sor.u32 $0x60, s2;
	[tilespmem:s7+$0x30] =	vst v16;
	v16 =	vld.idx.msk [tilespmem:v22+s18+$0x0], $0xffff  }
0x43d: {  	s15 =	sor.u32 $0x30, s2;
	v22 =	vshll.u32 v24, $0x7;
	v24 =	vmov s8;
	s8 =	sor.u32 $0x20, s2;
	v25 =	vmov s11;
	s11 =	sor.u32 $0x50, s2;
	[tilespmem:s7+$0x40] =	vst v18;
	v18 =	vld.idx.msk [tilespmem:v19+s18+$0x0], $0xffff  }
0x43e: {  	p0 =	slt.u32 s6, $0x70;
	s5 =	sadd.s32 $0x10200, s5;
	v19 =	vmov s15;
	v26 =	vmov s14;
	s2 =	sor.u32 $0x70, s2;
	v25 =	vshll.u32 v25, $0x7;
	[tilespmem:s7+$0x50] =	vst v20;
	v20 =	vld.idx.msk [tilespmem:v23+s18+$0x0], $0xffff  }
0x43f: {  	v23 =	vor.u32 v0, v22;
	v22 =	vshll.u32 v24, $0x7;
	v27 =	vor.u32 v0, v25;
	[tilespmem:s7+$0x20] =	vst v17;
	v21 =	vld.idx.msk [tilespmem:v21+s18+$0x0], $0xffff  }
0x440: {  	s24 =	sand.u32 $0x6, s10;
	v22 =	vor.u32 v0, v22;
	v17 =	vshll.u32 v19, $0x7;
	v19 =	vmov s11;
	s11 =	sadd.s32 s13, s12;
	s12 =	smov.u32 s5;
	v25 =	vld.idx.msk [tilespmem:v10+s18+$0x0], $0xffff;
	[tilespmem:s7+$0x60] =	vst v14  }
0x441: {  	s14 =	sshll.u32 s24, $0x7;
	v24 =	vor.u32 s24, v22;
	v28 =	vor.u32 v0, v17;
	v10 =	vshll.u32 v19, $0x7;
	v13 =	vld.idx.msk [tilespmem:v13+s18+$0x0], $0xffff;
	[tilespmem:s11+$0x50] =	vst v15  }
0x442: {  	v14 =	vmov s8;
	v19 =	vor.u32 s24, v28;
	v15 =	vshll.u32 v26, $0x7;
	v26 =	vld.idx.msk [tilespmem:v12+s18+$0x0], $0xffff;
	[tilespmem:s11+$0x60] =	vst v16  }
0x443: {  	v29 =	vor.u32 s24, v27;
	v30 =	vor.u32 v0, v10;
	v12 =	vshll.u32 v14, $0x7;
	v31 =	vld.idx.msk [tilespmem:v9+s18+$0x0], $0xffff;
	[tilespmem:s11+$0x20] =	vst v18  }
0x444: {  	v33 =	vor.u32 s24, v30;
	v32 =	vor.u32 v0, v12;
	v9 =	vmov s2;
	v14 =	vld.idx.msk [tilespmem:v11+s18+$0x0], $0xffff;
	[tilespmem:s11+$0x30] =	vst v20  }
.Ltmp34:
0x445: {  	v17 =	vor.u32 s24, v32;
	v11 =	vor.u32 v0, v15;
	v9 =	vshll.u32 v9, $0x7;
	[tilespmem:s11+$0x70] =	vst v21;
	(pc) =	sbr.rel @p0 .LBB2_48-.Ltmp34, $4  }
0x446: {  	s15 =	sor.u32 $0x1, s24;
	v10 =	vor.u32 s24, v23;
	v21 =	vor.u32 s24, v11;
	v15 =	vld.idx.msk [tilespmem:v24+s18+$0x0], $0xffff;
	v24 =	vor.u32 v0, v9;
	[tilespmem:s7+$0x0] =	vst v25  }
0x447: {  	s13 =	sshll.u32 s15, $0x7;
	v9 =	vor.u32 s15, v22;
	v25 =	vor.u32 s15, v30;
	v22 =	vor.u32 s15, v11;
	v16 =	vld.idx.msk [tilespmem:v19+s18+$0x0], $0xffff;
	[tilespmem:s11+$0x40] =	vst v13  }
0x448: {  	v12 =	vor.u32 s15, v23;
	v19 =	vor.u32 s15, v32;
	v13 =	vor.u32 s15, v27;
	v18 =	vld.idx.msk [tilespmem:v29+s18+$0x0], $0xffff;
	[tilespmem:s11+$0x0] =	vst v26  }
0x449: {  	v23 =	vor.u32 s15, v28;
	v11 =	vor.u32 s24, v24;
	v20 =	vld.idx.msk [tilespmem:v33+s18+$0x0], $0xffff;
	[tilespmem:s11+$0x10] =	vst v31  }
0x44a: {  	_ =	sdelay $0x3  }
0x44b: {  	v17 =	vld.idx.msk [tilespmem:v17+s18+$0x0], $0xffff;
	[tilespmem:s7+$0x70] =	vst v14;
	s2 =	sadd.s32 s14, s12  }
0x44c: {  	v14 =	vld.idx.msk [tilespmem:v21+s18+$0x0], $0xffff;
	[tilespmem:s2+$0x10] =	vst v15  }
0x44d: {  	v10 =	vld.idx.msk [tilespmem:v10+s18+$0x0], $0xffff;
	[tilespmem:s2+$0x30] =	vst v16  }
0x44e: {  	v13 =	vld.idx.msk [tilespmem:v13+s18+$0x0], $0xffff;
	[tilespmem:s2+$0x40] =	vst v18  }
0x44f: {  	v12 =	vld.idx.msk [tilespmem:v12+s18+$0x0], $0xffff;
	[tilespmem:s2+$0x50] =	vst v20  }
0x450: {  	v9 =	vld.idx.msk [tilespmem:v9+s18+$0x0], $0xffff;
	[tilespmem:s2+$0x20] =	vst v17  }
0x451: {  	v21 =	vor.u32 s15, v24;
	v15 =	vld.idx.msk [tilespmem:v25+s18+$0x0], $0xffff;
	[tilespmem:s2+$0x60] =	vst v14  }
0x452: {  	s5 =	sadd.s32 s13, s12;
	v11 =	vld.idx.msk [tilespmem:v11+s18+$0x0], $0xffff;
	v14 =	vmov s0;
	[tilespmem:s2+$0x0] =	vst v10  }
0x453: {  	v16 =	vld.idx.msk [tilespmem:v22+s18+$0x0], $0xffff;
	[tilespmem:s5+$0x40] =	vst v13;
	v14 =	vand.u32 $0x7, v14  }
0x454: {  	v18 =	vld.idx.msk [tilespmem:v19+s18+$0x0], $0xffff;
	[tilespmem:s5+$0x0] =	vst v12;
	v14 =	vor.u32 $0x8, v14  }
0x455: {  	s6 =	sor.u32 $0x9, s0;
	v19 =	vld.idx.msk [tilespmem:v23+s18+$0x0], $0xffff;
	[tilespmem:s5+$0x10] =	vst v9;
	v14 =	vbroadcast v14, $0x0  }
0x456: {  	v17 =	vld.idx.msk [tilespmem:v21+s18+$0x0], $0xffff;
	[tilespmem:s5+$0x50] =	vst v15;
	v15 =	vmov s6  }
0x457: {  	[tilespmem:s2+$0x70] =	vst v11;
	v15 =	vand.u32 $0x7, v15;
	v13 =	vor.u32 v14, v5  }
0x458: {  	[tilespmem:s5+$0x60] =	vst v16;
	v10 =	vor.u32 $0x8, v15;
	v15 =	vor.u32 v14, v6  }
0x459: {  	[tilespmem:s5+$0x20] =	vst v18;
	v10 =	vbroadcast v10, $0x0;
	v12 =	vor.u32 v14, v3  }
0x45a: {  	[tilespmem:s5+$0x30] =	vst v19;
	v19 =	vor.u32 v14, v2  }
0x45b: {  	[tilespmem:s5+$0x70] =	vst v17;
	v5 =	vor.u32 v10, v5  }
0x45c: {  	v9 =	vor.u32 v8, v10;
	v13 =	vld.idx.msk [tilespmem:v13+s18+$0x0], $0xffff  }
0x45d: {  	s30 =	sand.u32 $0xC00, s0;
	s6 =	simm.s32 $0x20;
	v17 =	vor.u32 v14, v1;
	v21 =	vor.u32 v14, v4;
	v16 =	vor.u32 v10, v7;
	v11 =	vld.idx.msk [tilespmem:v15+s18+$0x0], $0xffff  }
0x45e: {  	s31 =	simm.s32 $0x2;
	s0 =	sshrl.u32 s30, $0x2;
	s5 =	sand.u32 $0xFFFFFF80, s6;
	v18 =	vor.u32 v10, v1;
	v8 =	vor.u32 v8, v14;
	v7 =	vor.u32 v14, v7;
	v12 =	vld.idx.msk [tilespmem:v12+s18+$0x0], $0xffff  }
0x45f: {  	s7 =	sor.u32 $0x9, s31;
	s1 =	sor.u32 s0, s1;
	v2 =	vor.u32 v10, v2;
	v20 =	vor.u32 v10, v3;
	v14 =	vmov s5;
	v19 =	vld.idx.msk [tilespmem:v19+s18+$0x0], $0xffff  }
0x460: {  	s0 =	sadd.s32 $0x10A00, s1;
	v1 =	vmov s31;
	v3 =	vmov s7;
	s10 =	sor.u32 $0x20, s5;
	v15 =	vor.u32 v10, v4;
	v4 =	vld.idx.msk [tilespmem:v5+s18+$0x0], $0xffff  }
0x461: {  	s11 =	sor.u32 $0x50, s5;
	v1 =	vand.u32 $0x7, v1;
	v22 =	vmov s10;
	v10 =	vor.u32 v10, v6;
	v6 =	vld.idx.msk [tilespmem:v9+s18+$0x0], $0xffff;
	[tilespmem:s0+$0x10] =	vst v13  }
0x462: {  	s8 =	sor.u32 $0x30, s5;
	v1 =	vor.u32 $0x8, v1;
	v5 =	vand.u32 $0x7, v3;
	v16 =	vld.idx.msk [tilespmem:v16+s18+$0x0], $0xffff;
	v3 =	vmov s11;
	[tilespmem:s0+$0x60] =	vst v11  }
0x463: {  	v1 =	vbroadcast v1, $0x0;
	v9 =	vmov s8;
	v8 =	vld.idx.msk [tilespmem:v8+s18+$0x0], $0xffff;
	v3 =	vshll.u32 v3, $0x7;
	[tilespmem:s0+$0x50] =	vst v12  }
0x464: {  	s13 =	sor.u32 $0x60, s5;
	v26 =	vld.idx.msk [tilespmem:v18+s18+$0x0], $0xffff;
	v23 =	vor.u32 $0x8, v5;
	v5 =	vshll.u32 v22, $0x7;
	v9 =	vshll.u32 v9, $0x7;
	[tilespmem:s0+$0x30] =	vst v19  }
0x465: {  	s12 =	sor.u32 $0x10, s5;
	s14 =	sor.u32 $0x40, s5;
	v22 =	vld.idx.msk [tilespmem:v17+s18+$0x0], $0xffff;
	v3 =	vor.u32 v0, v3;
	v5 =	vor.u32 v0, v5;
	v11 =	vmov s13;
	[tilespmem:s0+$0x90] =	vst v4  }
0x466: {  	v13 =	vld.idx.msk [tilespmem:v15+s18+$0x0], $0xffff;
	v15 =	vmov s12;
	v12 =	vmov s14;
	v11 =	vshll.u32 v11, $0x7;
	[tilespmem:s0+$0x80] =	vst v6  }
0x467: {  	v17 =	vld.idx.msk [tilespmem:v2+s18+$0x0], $0xffff;
	v15 =	vshll.u32 v15, $0x7;
	v6 =	vbroadcast v23, $0x0;
	[tilespmem:s0+$0xF0] =	vst v16;
	v4 =	vor.u32 v0, v11  }
0x468: {  	s15 =	sor.u32 $0x70, s5;
	v16 =	vor.u32 v0, v9;
	[tilespmem:s1+$0x10A00] =	vst v8;
	v11 =	vor.u32 v0, v15;
	v62 =	vor.u32 v1, v4  }
0x469: {  	v23 =	vld.idx.msk [tilespmem:v20+s18+$0x0], $0xffff;
	v2 =	vshll.u32 v12, $0x7;
	[tilespmem:s0+$0xC0] =	vst v26;
	v15 =	vmov s15;
	v63 =	vor.u32 v1, v11  }
0x46a: {  	v7 =	vld.idx.msk [tilespmem:v7+s18+$0x0], $0xffff;
	[tilespmem:s0+$0x40] =	vst v22;
	v2 =	vor.u32 v0, v2;
	v15 =	vshll.u32 v15, $0x7;
	v20 =	vor.u32 v6, v11  }
0x46b: {  	s24 =	simm.s32 $0x400;
	v19 =	vld.idx.msk [tilespmem:v21+s18+$0x0], $0xffff;
	v28 =	vor.u32 v0, v15;
	[tilespmem:s0+$0xA0] =	vst v13;
	v13 =	vshll.u32 v14, $0x7;
	v14 =	vor.u32 v1, v3  }
0x46c: {  	s26 =	simm.s32 $0x100;
	s2 =	sand.u32 $0xC00, s24;
	v12 =	vor.u32 v6, v5;
	v8 =	vor.u32 v1, v28;
	v27 =	vor.u32 v0, v13;
	v13 =	vld.idx.msk [tilespmem:v10+s18+$0x0], $0xffff  }
0x46d: {  	s30 =	sshrl.u32 s2, $0x2;
	s6 =	simm.s32 $0x4;
	s31 =	sand.u32 $0x3FFFFC00, s26;
	v21 =	vor.u32 v6, v28;
	v10 =	vor.u32 v1, v2;
	v15 =	vor.u32 v27, v6;
	v11 =	vld.idx.msk [tilespmem:v62+s18+$0x0], $0xffff  }
0x46e: {  	s7 =	simm.s32 $0x10;
	s10 =	simm.s32 $0x800;
	s1 =	sor.u32 s30, s31;
	v2 =	vor.u32 v6, v2;
	[tilespmem:s0+$0xD0] =	vst v23;
	v9 =	vor.u32 v27, v1;
	v18 =	vld.idx.msk [tilespmem:v63+s18+$0x0], $0xffff  }
.LBB2_50:
0x46f: {  	s7 =	sadd.s32 $0x10, s7;
	s2 =	sand.u32 $0xC00, s10;
	s5 =	sadd.s32 $0x10A00, s1;
	v22 =	vor.u32 v1, v16;
	v16 =	vor.u32 v6, v16;
	v23 =	vor.u32 v6, v3;
	[tilespmem:s0+$0x70] =	vst v7  }
0x470: {  	v24 =	vor.u32 v1, v5;
	v25 =	vor.u32 v6, v4;
	s8 =	sshll.u32 s7, $0x1;
	s11 =	sshll.u32 s7, $0x4;
	s2 =	sshrl.u32 s2, $0x2;
	v5 =	vld.idx.msk [tilespmem:v14+s18+$0x0], $0xffff;
	[tilespmem:s0+$0xB0] =	vst v17  }
0x471: {  	s12 =	sor.u32 $0x9, s6;
	s8 =	sand.u32 $0xFFFFFF80, s8;
	s11 =	sand.u32 $0x3FFFFC00, s11;
	v4 =	vld.idx.msk [tilespmem:v20+s18+$0x0], $0xffff;
	[tilespmem:s0+$0x20] =	vst v19  }
0x472: {  	v1 =	vmov s6;
	v3 =	vmov s12;
	v14 =	vmov s8;
	s13 =	sor.u32 $0x10, s8;
	s14 =	sor.u32 $0x20, s8;
	s15 =	sor.u32 $0x30, s8;
	v6 =	vld.idx.msk [tilespmem:v15+s18+$0x0], $0xffff  }
0x473: {  	v1 =	vand.u32 $0x7, v1;
	v7 =	vand.u32 $0x7, v3;
	s24 =	sor.u32 $0x50, s8;
	s26 =	sor.u32 $0x60, s8;
	v15 =	vmov s15;
	s15 =	sor.u32 $0x40, s8;
	v17 =	vld.idx.msk [tilespmem:v21+s18+$0x0], $0xffff;
	[tilespmem:s0+$0xE0] =	vst v13  }
0x474: {  	p0 =	slt.u32 s7, $0x70;
	v1 =	vor.u32 $0x8, v1;
	s12 =	sor.u32 s2, s11;
	s2 =	sor.u32 $0x70, s8;
	v13 =	vmov s14;
	v3 =	vmov s24;
	[tilespmem:s5+$0x10] =	vst v18;
	v12 =	vld.idx.msk [tilespmem:v12+s18+$0x0], $0xffff  }
0x475: {  	v1 =	vbroadcast v1, $0x0;
	s0 =	smov.u32 s5;
	v18 =	vmov s13;
	v3 =	vshll.u32 v3, $0x7;
	v19 =	vld.idx.msk [tilespmem:v22+s18+$0x0], $0xffff;
	[tilespmem:s5+$0x60] =	vst v11  }
0x476: {  	v20 =	vor.u32 $0x8, v7;
	v3 =	vor.u32 v0, v3;
	v11 =	vmov s26;
	[tilespmem:s0+$0x50] =	vst v5;
	v7 =	vld.idx.msk [tilespmem:v8+s18+$0x0], $0xffff  }
0x477: {  	v5 =	vshll.u32 v13, $0x7;
	v8 =	vmov s15;
	v11 =	vshll.u32 v11, $0x7;
	v10 =	vld.idx.msk [tilespmem:v10+s18+$0x0], $0xffff;
	[tilespmem:s0+$0x90] =	vst v4  }
0x478: {  	v13 =	vshll.u32 v18, $0x7;
	v5 =	vor.u32 v0, v5;
	v4 =	vor.u32 v0, v11;
	v9 =	vld.idx.msk [tilespmem:v9+s18+$0x0], $0xffff;
	[tilespmem:s0+$0x80] =	vst v6  }
0x479: {  	v11 =	vor.u32 v0, v13;
	v18 =	vor.u32 v1, v4;
	v6 =	vbroadcast v20, $0x0;
	v21 =	vld.idx.msk [tilespmem:v23+s18+$0x0], $0xffff;
	[tilespmem:s0+$0xF0] =	vst v17  }
0x47a: {  	v13 =	vshll.u32 v15, $0x7;
	v15 =	vmov s2;
	v22 =	vor.u32 v1, v11;
	[tilespmem:s0+$0xA0] =	vst v12;
	v23 =	vld.idx.msk [tilespmem:v2+s18+$0x0], $0xffff  }
0x47b: {  	v2 =	vshll.u32 v14, $0x7;
	v14 =	vor.u32 v1, v3;
	v12 =	vshll.u32 v15, $0x7;
	[tilespmem:s0+$0x30] =	vst v19;
	v17 =	vld.idx.msk [tilespmem:v16+s18+$0x0], $0xffff  }
.Ltmp35:
0x47c: {  	v26 =	vor.u32 v0, v2;
	v16 =	vor.u32 v0, v13;
	v27 =	vor.u32 v0, v12;
	v19 =	vld.idx.msk [tilespmem:v24+s18+$0x0], $0xffff;
	(pc) =	sbr.rel @p0 .LBB2_50-.Ltmp35, $4  }
0x47d: {  	v20 =	vor.u32 v6, v11;
	v2 =	vshll.u32 v8, $0x7;
	v15 =	vor.u32 v26, v6;
	[tilespmem:s0+$0x40] =	vst v10;
	v13 =	vld.idx.msk [tilespmem:v25+s18+$0x0], $0xffff  }
0x47e: {  	v12 =	vor.u32 v6, v5;
	v2 =	vor.u32 v0, v2;
	v11 =	vld.idx.msk [tilespmem:v18+s18+$0x0], $0xffff;
	[tilespmem:s1+$0x10A00] =	vst v9;
	s1 =	smov.u32 s12  }
0x47f: {  	v10 =	vor.u32 v1, v2;
	v2 =	vor.u32 v6, v2;
	v18 =	vld.idx.msk [tilespmem:v22+s18+$0x0], $0xffff;
	[tilespmem:s0+$0xD0] =	vst v21  }
0x480: {  	s6 =	sadd.s32 $0x2, s6;
	s10 =	sadd.s32 $0x400, s10;
	v8 =	vor.u32 v1, v27;
	v9 =	vor.u32 v26, v1;
	v21 =	vor.u32 v6, v27;
	[tilespmem:s0+$0xC0] =	vst v23  }
0x481: {  	_ =	sdelay $0x2  }
0x482: {  	[tilespmem:s0+$0x70] =	vst v7  }
0x483: {  	v7 =	vld.idx.msk [tilespmem:v14+s18+$0x0], $0xffff;
	[tilespmem:s0+$0xB0] =	vst v17  }
0x484: {  	v22 =	vor.u32 v1, v16;
	v14 =	vld.idx.msk [tilespmem:v20+s18+$0x0], $0xffff;
	[tilespmem:s0+$0x20] =	vst v19  }
0x485: {  	v15 =	vld.idx.msk [tilespmem:v15+s18+$0x0], $0xffff;
	s6 =	sadd.s32 $0x10A00, s1;
	[tilespmem:s0+$0xE0] =	vst v13  }
0x486: {  	v12 =	vld.idx.msk [tilespmem:v12+s18+$0x0], $0xffff;
	[tilespmem:s6+$0x60] =	vst v11  }
0x487: {  	v3 =	vor.u32 v6, v3;
	v17 =	vld.idx.msk [tilespmem:v21+s18+$0x0], $0xffff;
	s15 =	simm.s32 $0x0;
	[tilespmem:s6+$0x10] =	vst v18  }
0x488: {  	v9 =	vld.idx.msk [tilespmem:v9+s18+$0x0], $0xffff;
	s2 =	sand.u32 $0xFFFFFF80, s15;
	[tilespmem:s6+$0x50] =	vst v7  }
0x489: {  	v1 =	vor.u32 v1, v5;
	s0 =	simm.s32 $0x0;
	v11 =	vmov s2;
	s7 =	sor.u32 $0x40, s2;
	v13 =	vld.idx.msk [tilespmem:v22+s18+$0x0], $0xffff;
	[tilespmem:s6+$0x90] =	vst v14  }
0x48a: {  	s5 =	sand.u32 $0x6, s0;
	s8 =	sor.u32 $0x50, s2;
	v5 =	vmov s7;
	v7 =	vld.idx.msk [tilespmem:v10+s18+$0x0], $0xffff;
	v10 =	vor.u32 v6, v16;
	v6 =	vor.u32 v6, v4;
	[tilespmem:s6+$0x80] =	vst v15  }
0x48b: {  	v4 =	vshll.u32 v11, $0x7;
	v11 =	vmov s8;
	v14 =	vmov s5;
	[tilespmem:s6+$0xA0] =	vst v12;
	v12 =	vld.idx.msk [tilespmem:v2+s18+$0x0], $0xffff  }
0x48c: {  	s10 =	sor.u32 $0x10, s2;
	v3 =	vld.idx.msk [tilespmem:v3+s18+$0x0], $0xffff;
	[tilespmem:s6+$0xF0] =	vst v17;
	v2 =	vshll.u32 v5, $0x7;
	v5 =	vshll.u32 v11, $0x7;
	v11 =	vor.u32 $0x10, v14  }
0x48d: {  	v8 =	vld.idx.msk [tilespmem:v8+s18+$0x0], $0xffff;
	v15 =	vmov s10;
	[tilespmem:s1+$0x10A00] =	vst v9;
	v4 =	vor.u32 v0, v4;
	v11 =	vbroadcast v11, $0x0  }
0x48e: {  	s24 =	sor.u32 $0x30, s2;
	s26 =	sor.u32 $0x60, s2;
	v2 =	vor.u32 v0, v2;
	v14 =	vld.idx.msk [tilespmem:v1+s18+$0x0], $0xffff;
	v9 =	vshll.u32 v15, $0x7;
	v5 =	vor.u32 v0, v5;
	[tilespmem:s6+$0x30] =	vst v13  }
0x48f: {  	s30 =	sor.u32 $0x70, s2;
	s2 =	sor.u32 $0x20, s2;
	v17 =	vor.u32 v4, v11;
	v10 =	vld.idx.msk [tilespmem:v10+s18+$0x0], $0xffff;
	[tilespmem:s6+$0x40] =	vst v7;
	v7 =	vmov s24;
	v13 =	vmov s26  }
0x490: {  	s31 =	sor.u32 $0x11, s5;
	v15 =	vor.u32 v2, v11;
	v16 =	vld.idx.msk [tilespmem:v6+s18+$0x0], $0xffff;
	v6 =	vmov s30;
	[tilespmem:s6+$0xC0] =	vst v12;
	v12 =	vmov s2  }
0x491: {  	p1 =	por $0x1, $0x1;
	[tilespmem:s6+$0xD0] =	vst v3;
	v1 =	vshll.u32 v7, $0x7;
	v3 =	vshll.u32 v13, $0x7;
	v7 =	vmov s31  }
.Ltmp36:
0x492: {  	[tilespmem:s6+$0x70] =	vst v8;
	v8 =	vshll.u32 v12, $0x7;
	v1 =	vor.u32 v0, v1;
	v3 =	vor.u32 v0, v3;
	(pc) =	sbr.rel @!p1 .LBB2_52-.Ltmp36, $4  }
0x493: {  	[tilespmem:s6+$0x20] =	vst v14;
	v13 =	vbroadcast v7, $0x0;
	v7 =	vor.u32 v0, v8;
	v8 =	vshll.u32 v6, $0x7  }
0x494: {  	v6 =	vor.u32 v0, v9;
	v24 =	vor.u32 v1, v11;
	v20 =	vor.u32 v7, v11;
	[tilespmem:s6+$0xB0] =	vst v10  }
0x495: {  	v19 =	vor.u32 v6, v11;
	v9 =	vor.u32 v3, v11;
	v8 =	vor.u32 v0, v8;
	[tilespmem:s6+$0xE0] =	vst v16  }
0x496: {  	p0 =	por $0x0, $0x0;
	s12 =	sshll.u32 s5, $0x7;
	s1 =	simm.s32 $0x0;
	v18 =	vor.u32 v2, v13;
	v12 =	vor.u32 v7, v13;
	v10 =	vor.u32 v5, v11;
	v16 =	vld.idx.msk [tilespmem:v17+s18+$0x0], $0xffff  }
0x497: {  	_ =	sdelay $0x3  }
0x498: {  	v17 =	vld.idx.msk [tilespmem:v24+s18+$0x0], $0xffff  }
0x499: {  	v15 =	vld.idx.msk [tilespmem:v15+s18+$0x0], $0xffff  }
0x49a: {  	v20 =	vld.idx.msk [tilespmem:v20+s18+$0x0], $0xffff  }
0x49b: {  	v14 =	vor.u32 v1, v13;
	v19 =	vld.idx.msk [tilespmem:v19+s18+$0x0], $0xffff  }
0x49c: {  	v21 =	vor.u32 v3, v13;
	s2 =	simm.s32 $0x20;
	v18 =	vld.idx.msk [tilespmem:v18+s18+$0x0], $0xffff  }
0x49d: {  	v11 =	vor.u32 v8, v11;
	s10 =	simm.s32 $0x2;
	s5 =	sand.u32 $0x3FFFFC00, s1;
	v22 =	vor.u32 v4, v13;
	v12 =	vld.idx.msk [tilespmem:v12+s18+$0x0], $0xffff;
	s2 =	sand.u32 $0xFFFFFF80, s2  }
0x49e: {  	v23 =	vor.u32 v5, v13;
	v29 =	vor.u32 v6, v13;
	v30 =	vor.u32 v8, v13;
	v28 =	vld.idx.msk [tilespmem:v10+s18+$0x0], $0xffff;
	s5 =	sor.u32 s12, s5;
	s6 =	sor.u32 $0x40, s2;
	s7 =	sor.u32 $0x50, s2  }
0x49f: {  	s14 =	sand.u32 $0x6, s10;
	v24 =	vmov s2;
	v13 =	vmov s6;
	v25 =	vmov s7;
	s7 =	sadd.s32 $0x11200, s5;
	[tilespmem:s5+$0x11200] =	vst v16  }
0x4a0: {  	s15 =	sor.u32 $0x10, s2;
	v26 =	vmov s14;
	v24 =	vshll.u32 v24, $0x7;
	v13 =	vshll.u32 v13, $0x7;
	v16 =	vld.idx.msk [tilespmem:v14+s18+$0x0], $0xffff;
	[tilespmem:s7+$0x30] =	vst v17  }
0x4a1: {  	s24 =	sor.u32 $0x30, s2;
	v27 =	vmov s15;
	v14 =	vor.u32 v0, v24;
	v24 =	vld.idx.msk [tilespmem:v21+s18+$0x0], $0xffff;
	v31 =	vor.u32 v0, v13;
	[tilespmem:s7+$0x40] =	vst v15  }
0x4a2: {  	s26 =	sor.u32 $0x60, s2;
	s31 =	sor.u32 $0x11, s14;
	v13 =	vshll.u32 v25, $0x7;
	v17 =	vor.u32 $0x10, v26;
	v32 =	vld.idx.msk [tilespmem:v11+s18+$0x0], $0xffff;
	v15 =	vmov s24;
	[tilespmem:s7+$0x20] =	vst v20  }
0x4a3: {  	s30 =	sor.u32 $0x20, s2;
	s2 =	sor.u32 $0x70, s2;
	v21 =	vmov s26;
	v33 =	vld.idx.msk [tilespmem:v22+s18+$0x0], $0xffff;
	v20 =	vshll.u32 v27, $0x7;
	[tilespmem:s7+$0xC0] =	vst v18;
	v18 =	vmov s31  }
0x4a4: {  	v22 =	vmov s30;
	v26 =	vld.idx.msk [tilespmem:v9+s18+$0x0], $0xffff;
	v9 =	vmov s2;
	v11 =	vbroadcast v17, $0x0  }
0x4a5: {  	[tilespmem:s7+$0x10] =	vst v19;
	v17 =	vor.u32 v0, v13;
	v13 =	vshll.u32 v15, $0x7;
	v19 =	vshll.u32 v21, $0x7;
	v21 =	vld.idx.msk [tilespmem:v23+s18+$0x0], $0xffff  }
0x4a6: {  	p3 =	por $0x1, $0x1;
	v10 =	vshll.u32 v22, $0x7;
	v22 =	vld.idx.msk [tilespmem:v29+s18+$0x0], $0xffff;
	v25 =	vor.u32 v0, v13;
	v34 =	vor.u32 v14, v11  }
.Ltmp37:
0x4a7: {  	v23 =	vor.u32 v0, v20;
	v29 =	vld.idx.msk [tilespmem:v30+s18+$0x0], $0xffff;
	v30 =	vshll.u32 v9, $0x7;
	[tilespmem:s7+$0xE0] =	vst v24;
	v24 =	vor.u32 v25, v11;
	(pc) =	sbr.rel @!p3 .LBB2_55-.Ltmp37, $4  }
0x4a8: {  	[tilespmem:s7+$0xA0] =	vst v12;
	v27 =	vor.u32 v0, v19;
	v35 =	vor.u32 v0, v10;
	v15 =	vor.u32 v31, v11  }
0x4a9: {  	v13 =	vbroadcast v18, $0x0;
	v30 =	vor.u32 v0, v30;
	v20 =	vor.u32 v35, v11;
	[tilespmem:s7+$0xB0] =	vst v16  }
0x4aa: {  	s13 =	simm.s32 $0x100;
	v19 =	vor.u32 v23, v11;
	v10 =	vor.u32 v17, v11;
	v9 =	vor.u32 v27, v11;
	[tilespmem:s7+$0x70] =	vst v32  }
0x4ab: {  	p2 =	por $0x1, $0x1;
	s12 =	sshll.u32 s14, $0x7;
	s6 =	simm.s32 $0x10;
	v18 =	vor.u32 v31, v13;
	v12 =	vor.u32 v35, v13;
	[tilespmem:s7+$0x80] =	vst v33;
	v16 =	vld.idx.msk [tilespmem:v34+s18+$0x0], $0xffff  }
.LBB2_54:
0x4ac: {  	s6 =	sadd.s32 $0x10, s6;
	v24 =	vld.idx.msk [tilespmem:v24+s18+$0x0], $0xffff;
	v25 =	vor.u32 v25, v13;
	v27 =	vor.u32 v27, v13;
	s10 =	sadd.s32 $0x2, s10;
	[tilespmem:s7+$0x50] =	vst v28  }
0x4ad: {  	s5 =	sand.u32 $0x3FFFFC00, s13;
	v28 =	vor.u32 v14, v13;
	v31 =	vor.u32 v17, v13;
	s2 =	sshll.u32 s6, $0x1;
	s13 =	sshll.u32 s6, $0x4;
	v15 =	vld.idx.msk [tilespmem:v15+s18+$0x0], $0xffff;
	[tilespmem:s7+$0xD0] =	vst v21  }
0x4ae: {  	v11 =	vor.u32 v30, v11;
	v23 =	vor.u32 v23, v13;
	s8 =	sand.u32 $0x6, s10;
	s5 =	sor.u32 s12, s5;
	s2 =	sand.u32 $0xFFFFFF80, s2;
	v20 =	vld.idx.msk [tilespmem:v20+s18+$0x0], $0xffff;
	[tilespmem:s7+$0x60] =	vst v26  }
0x4af: {  	v30 =	vor.u32 v30, v13;
	v14 =	vmov s2;
	s11 =	sor.u32 $0x10, s2;
	s12 =	sor.u32 $0x40, s2;
	s14 =	sor.u32 $0x50, s2;
	v19 =	vld.idx.msk [tilespmem:v19+s18+$0x0], $0xffff;
	[tilespmem:s7+$0xF0] =	vst v29  }
0x4b0: {  	s15 =	sor.u32 $0x20, s2;
	s24 =	sor.u32 $0x30, s2;
	v13 =	vshll.u32 v14, $0x7;
	v14 =	vmov s12;
	v17 =	vmov s14;
	v18 =	vld.idx.msk [tilespmem:v18+s18+$0x0], $0xffff;
	[tilespmem:s7+$0x90] =	vst v22;
	s7 =	sadd.s32 $0x11200, s5  }
0x4b1: {  	v21 =	vmov s8;
	v22 =	vmov s11;
	s11 =	sor.u32 $0x60, s2;
	s2 =	sor.u32 $0x70, s2;
	s14 =	sor.u32 $0x11, s8;
	v26 =	vshll.u32 v14, $0x7;
	[tilespmem:s5+$0x11200] =	vst v16;
	v16 =	vld.idx.msk [tilespmem:v25+s18+$0x0], $0xffff  }
0x4b2: {  	p3 =	slt.u32 s6, $0x70;
	s12 =	sshll.u32 s8, $0x7;
	v14 =	vor.u32 v0, v13;
	v13 =	vshll.u32 v17, $0x7;
	v29 =	vor.u32 v0, v26;
	[tilespmem:s7+$0x30] =	vst v24;
	v32 =	vld.idx.msk [tilespmem:v27+s18+$0x0], $0xffff  }
0x4b3: {  	v17 =	vor.u32 $0x10, v21;
	v21 =	vmov s24;
	v24 =	vmov s11;
	[tilespmem:s7+$0x40] =	vst v15;
	v33 =	vld.idx.msk [tilespmem:v11+s18+$0x0], $0xffff  }
0x4b4: {  	v34 =	vshll.u32 v22, $0x7;
	v11 =	vbroadcast v17, $0x0;
	v17 =	vor.u32 v0, v13;
	[tilespmem:s7+$0x20] =	vst v20;
	v35 =	vld.idx.msk [tilespmem:v28+s18+$0x0], $0xffff  }
0x4b5: {  	v22 =	vmov s2;
	v13 =	vshll.u32 v21, $0x7;
	v20 =	vshll.u32 v24, $0x7;
	[tilespmem:s7+$0x10] =	vst v19;
	v12 =	vld.idx.msk [tilespmem:v12+s18+$0x0], $0xffff  }
0x4b6: {  	v26 =	vmov s14;
	v19 =	vor.u32 v14, v11;
	v15 =	vor.u32 v29, v11;
	[tilespmem:s7+$0xC0] =	vst v18;
	v21 =	vld.idx.msk [tilespmem:v31+s18+$0x0], $0xffff  }
0x4b7: {  	v25 =	vor.u32 v0, v13;
	v27 =	vor.u32 v0, v20;
	v18 =	vmov s15;
	v28 =	vld.idx.msk [tilespmem:v10+s18+$0x0], $0xffff;
	[tilespmem:s7+$0xB0] =	vst v16  }
.Ltmp38:
0x4b8: {  	v13 =	vbroadcast v26, $0x0;
	v24 =	vor.u32 v25, v11;
	v10 =	vshll.u32 v18, $0x7;
	v26 =	vld.idx.msk [tilespmem:v9+s18+$0x0], $0xffff;
	[tilespmem:s7+$0xE0] =	vst v32;
	(pc) =	sbr.rel @p3 .LBB2_54-.Ltmp38, $4  }
0x4b9: {  	v31 =	vor.u32 v0, v10;
	v32 =	vshll.u32 v22, $0x7;
	[tilespmem:s7+$0x70] =	vst v33;
	v22 =	vld.idx.msk [tilespmem:v23+s18+$0x0], $0xffff  }
0x4ba: {  	v18 =	vor.u32 v29, v13;
	v23 =	vor.u32 v0, v34;
	v20 =	vor.u32 v31, v11;
	v29 =	vld.idx.msk [tilespmem:v30+s18+$0x0], $0xffff  }
0x4bb: {  	v10 =	vor.u32 v17, v11;
	v16 =	vld.idx.msk [tilespmem:v19+s18+$0x0], $0xffff;
	v19 =	vor.u32 v23, v11;
	[tilespmem:s7+$0xA0] =	vst v12  }
0x4bc: {  	v9 =	vor.u32 v27, v11;
	v30 =	vor.u32 v0, v32;
	v12 =	vor.u32 v31, v13;
	[tilespmem:s7+$0x80] =	vst v35  }
.LBB2_55:
0x4bd: {  	_ =	sdelay $0x2  }
0x4be: {  	[tilespmem:s7+$0x50] =	vst @p2 v28  }
0x4bf: {  	v24 =	vld.idx.msk [tilespmem:v24+s18+$0x0], $0xffff;
	v25 =	vor.u32 v25, v13;
	[tilespmem:s7+$0xD0] =	vst @p2 v21  }
0x4c0: {  	v15 =	vld.idx.msk [tilespmem:v15+s18+$0x0], $0xffff;
	[tilespmem:s7+$0x60] =	vst @p2 v26  }
0x4c1: {  	s2 =	sand.u32 $0x3FFFFC00, s13;
	v20 =	vld.idx.msk [tilespmem:v20+s18+$0x0], $0xffff;
	[tilespmem:s7+$0x90] =	vst @p2 v22  }
0x4c2: {  	v11 =	vor.u32 v30, v11;
	v19 =	vld.idx.msk [tilespmem:v19+s18+$0x0], $0xffff;
	s2 =	sor.u32 s12, s2;
	[tilespmem:s7+$0xF0] =	vst @p2 v29  }
0x4c3: {  	v62 =	vor.u32 v27, v13;
	v18 =	vld.idx.msk [tilespmem:v18+s18+$0x0], $0xffff;
	s5 =	sadd.s32 $0x11200, s2;
	[tilespmem:s2+$0x11200] =	vst v16  }
0x4c4: {  	v14 =	vor.u32 v14, v13;
	v16 =	vld.idx.msk [tilespmem:v25+s18+$0x0], $0xffff;
	[tilespmem:s5+$0x30] =	vst v24  }
0x4c5: {  	v17 =	vor.u32 v17, v13;
	v12 =	vld.idx.msk [tilespmem:v12+s18+$0x0], $0xffff;
	[tilespmem:s5+$0x40] =	vst v15  }
0x4c6: {  	v10 =	vld.idx.msk [tilespmem:v10+s18+$0x0], $0xffff;
	[tilespmem:s5+$0x20] =	vst v20  }
0x4c7: {  	v11 =	vld.idx.msk [tilespmem:v11+s18+$0x0], $0xffff;
	v15 =	vor.u32 v30, v13;
	[tilespmem:s5+$0x10] =	vst v19  }
0x4c8: {  	v21 =	vld.idx.msk [tilespmem:v62+s18+$0x0], $0xffff;
	v13 =	vor.u32 v23, v13;
	[tilespmem:s5+$0xC0] =	vst v18  }
0x4c9: {  	v14 =	vld.idx.msk [tilespmem:v14+s18+$0x0], $0xffff;
	[tilespmem:s5+$0xB0] =	vst v16;
	v16 =	vmov s0  }
0x4ca: {  	v17 =	vld.idx.msk [tilespmem:v17+s18+$0x0], $0xffff;
	[tilespmem:s5+$0xA0] =	vst v12;
	v16 =	vand.u32 $0x7, v16  }
0x4cb: {  	v18 =	vld.idx.msk [tilespmem:v9+s18+$0x0], $0xffff;
	[tilespmem:s5+$0x50] =	vst v10;
	v9 =	vor.u32 $0x18, v16  }
0x4cc: {  	s30 =	sor.u32 $0x19, s0;
	[tilespmem:s5+$0x70] =	vst v11;
	v11 =	vld.idx.msk [tilespmem:v15+s18+$0x0], $0xffff;
	v9 =	vbroadcast v9, $0x0  }
0x4cd: {  	v12 =	vmov s30;
	[tilespmem:s5+$0xE0] =	vst v21;
	v19 =	vld.idx.msk [tilespmem:v13+s18+$0x0], $0xffff  }
0x4ce: {  	v10 =	vand.u32 $0x7, v12;
	[tilespmem:s5+$0x80] =	vst v14;
	v63 =	vor.u32 v9, v1  }
.Ltmp39:
0x4cf: {  	v10 =	vor.u32 $0x18, v10;
	[tilespmem:s5+$0xD0] =	vst v17;
	(pc) =	sbr.rel @!p1 .LBB2_56-.Ltmp39, $4  }
0x4d0: {  	[tilespmem:s5+$0x60] =	vst v18;
	v13 =	vbroadcast v10, $0x0;
	v15 =	vor.u32 v9, v6  }
0x4d1: {  	s31 =	sand.u32 $0xC00, s0;
	[tilespmem:s5+$0xF0] =	vst v11;
	v17 =	vor.u32 v9, v2;
	v16 =	vor.u32 v9, v5;
	v12 =	vor.u32 v9, v8  }
0x4d2: {  	s1 =	sand.u32 $0x3FFFFC00, s1;
	s0 =	sshrl.u32 s31, $0x2;
	[tilespmem:s5+$0x90] =	vst v19;
	v14 =	vor.u32 v9, v3;
	v10 =	vor.u32 v9, v7;
	v11 =	vor.u32 v13, v7  }
0x4d3: {  	s6 =	simm.s32 $0x400;
	s1 =	sor.u32 s0, s1;
	s0 =	simm.s32 $0x2;
	v7 =	vor.u32 v13, v8;
	v6 =	vor.u32 v13, v6;
	v5 =	vor.u32 v13, v5;
	v8 =	vld.idx.msk [tilespmem:v63+s18+$0x0], $0xffff  }
0x4d4: {  	_ =	sdelay $0x3  }
0x4d5: {  	v15 =	vld.idx.msk [tilespmem:v15+s18+$0x0], $0xffff  }
0x4d6: {  	v17 =	vld.idx.msk [tilespmem:v17+s18+$0x0], $0xffff  }
0x4d7: {  	v16 =	vld.idx.msk [tilespmem:v16+s18+$0x0], $0xffff  }
0x4d8: {  	v18 =	vor.u32 v4, v13;
	v2 =	vor.u32 v13, v2;
	v12 =	vld.idx.msk [tilespmem:v12+s18+$0x0], $0xffff  }
0x4d9: {  	s2 =	simm.s32 $0x20;
	v4 =	vor.u32 v4, v9;
	v19 =	vor.u32 v13, v1;
	s5 =	sor.u32 $0x19, s0;
	v1 =	vmov s0;
	v14 =	vld.idx.msk [tilespmem:v14+s18+$0x0], $0xffff  }
0x4da: {  	v21 =	vor.u32 v13, v3;
	s0 =	sadd.s32 $0x11A00, s1;
	v5 =	vld.idx.msk [tilespmem:v5+s18+$0x0], $0xffff;
	s2 =	sand.u32 $0xFFFFFF80, s2;
	v9 =	vmov s5;
	v1 =	vand.u32 $0x7, v1  }
0x4db: {  	v10 =	vld.idx.msk [tilespmem:v10+s18+$0x0], $0xffff;
	v3 =	vmov s2;
	s7 =	sor.u32 $0x30, s2;
	s8 =	sor.u32 $0x10, s2;
	s14 =	sor.u32 $0x50, s2;
	v1 =	vor.u32 $0x18, v1;
	v9 =	vand.u32 $0x7, v9  }
0x4dc: {  	v13 =	vmov s7;
	v20 =	vmov s8;
	v22 =	vmov s14;
	[tilespmem:s0+$0x30] =	vst v8  }
0x4dd: {  	v27 =	vld.idx.msk [tilespmem:v7+s18+$0x0], $0xffff;
	s15 =	sor.u32 $0x40, s2;
	s26 =	sor.u32 $0x70, s2;
	v23 =	vor.u32 $0x18, v9;
	v9 =	vbroadcast v1, $0x0;
	v25 =	vshll.u32 v3, $0x7;
	[tilespmem:s0+$0x10] =	vst v15  }
0x4de: {  	v7 =	vmov s26;
	v13 =	vshll.u32 v13, $0x7;
	v8 =	vld.idx.msk [tilespmem:v11+s18+$0x0], $0xffff;
	v11 =	vmov s15;
	[tilespmem:s0+$0x40] =	vst v17  }
0x4df: {  	v22 =	vshll.u32 v22, $0x7;
	v3 =	vshll.u32 v20, $0x7;
	v7 =	vshll.u32 v7, $0x7;
	v18 =	vld.idx.msk [tilespmem:v18+s18+$0x0], $0xffff;
	[tilespmem:s0+$0x50] =	vst v16  }
0x4e0: {  	s24 =	sor.u32 $0x60, s2;
	s2 =	sor.u32 $0x20, s2;
	v11 =	vshll.u32 v11, $0x7;
	v22 =	vor.u32 v0, v22;
	v1 =	vor.u32 v0, v13;
	v24 =	vld.idx.msk [tilespmem:v2+s18+$0x0], $0xffff;
	[tilespmem:s0+$0x70] =	vst v12  }
0x4e1: {  	v13 =	vmov s24;
	v26 =	vor.u32 v0, v3;
	[tilespmem:s0+$0x60] =	vst v14;
	v20 =	vld.idx.msk [tilespmem:v4+s18+$0x0], $0xffff;
	v4 =	vmov s2  }
0x4e2: {  	v29 =	vld.idx.msk [tilespmem:v19+s18+$0x0], $0xffff;
	[tilespmem:s0+$0xD0] =	vst v5;
	v5 =	vor.u32 v0, v7;
	v2 =	vor.u32 v0, v11;
	v3 =	vshll.u32 v13, $0x7  }
0x4e3: {  	p1 =	por $0x1, $0x1;
	[tilespmem:s0+$0x20] =	vst v10;
	v15 =	vor.u32 v9, v26;
	v28 =	vor.u32 v9, v1;
	v16 =	vor.u32 v9, v22  }
.Ltmp40:
0x4e4: {  	v19 =	vld.idx.msk [tilespmem:v6+s18+$0x0], $0xffff;
	[tilespmem:s0+$0xF0] =	vst v27;
	v6 =	vshll.u32 v4, $0x7;
	v12 =	vor.u32 v9, v5;
	v13 =	vbroadcast v23, $0x0;
	(pc) =	sbr.rel @!p1 .LBB2_59-.Ltmp40, $4  }
0x4e5: {  	v17 =	vor.u32 v9, v2;
	v3 =	vor.u32 v0, v3;
	v6 =	vor.u32 v0, v6;
	[tilespmem:s0+$0xA0] =	vst v8  }
0x4e6: {  	s30 =	sand.u32 $0xC00, s6;
	s31 =	simm.s32 $0x100;
	s10 =	simm.s32 $0x10;
	v4 =	vor.u32 v0, v25;
	v14 =	vor.u32 v9, v3;
	v10 =	vor.u32 v9, v6;
	[tilespmem:s0+$0x80] =	vst v18  }
0x4e7: {  	s6 =	simm.s32 $0x4;
	s5 =	sand.u32 $0x3FFFFC00, s31;
	s2 =	sshrl.u32 s30, $0x2;
	v11 =	vor.u32 v13, v6;
	v7 =	vor.u32 v13, v5;
	[tilespmem:s0+$0xC0] =	vst v24;
	v18 =	vld.idx.msk [tilespmem:v21+s18+$0x0], $0xffff  }
0x4e8: {  	s12 =	simm.s32 $0x800;
	p0 =	por $0x1, $0x1;
	s7 =	sor.u32 s2, s5;
	v6 =	vor.u32 v13, v26;
	v5 =	vor.u32 v13, v22;
	[tilespmem:s0+$0xB0] =	vst v29;
	v8 =	vld.idx.msk [tilespmem:v28+s18+$0x0], $0xffff  }
.LBB2_58:
0x4e9: {  	s10 =	sadd.s32 $0x10, s10;
	s2 =	sand.u32 $0xC00, s12;
	s5 =	sadd.s32 $0x11A00, s7;
	v15 =	vld.idx.msk [tilespmem:v15+s18+$0x0], $0xffff;
	v21 =	vor.u32 v4, v13;
	v2 =	vor.u32 v13, v2;
	[tilespmem:s1+$0x11A00] =	vst v20  }
0x4ea: {  	v4 =	vor.u32 v4, v9;
	v22 =	vor.u32 v13, v3;
	s1 =	sshll.u32 s10, $0x1;
	s8 =	sshll.u32 s10, $0x4;
	s2 =	sshrl.u32 s2, $0x2;
	v9 =	vld.idx.msk [tilespmem:v17+s18+$0x0], $0xffff;
	v17 =	vor.u32 v13, v1  }
0x4eb: {  	s11 =	sor.u32 $0x19, s6;
	s1 =	sand.u32 $0xFFFFFF80, s1;
	s8 =	sand.u32 $0x3FFFFC00, s8;
	v3 =	vld.idx.msk [tilespmem:v16+s18+$0x0], $0xffff;
	[tilespmem:s0+$0x90] =	vst v19  }
0x4ec: {  	v1 =	vmov s6;
	v16 =	vmov s11;
	v13 =	vmov s1;
	s14 =	sor.u32 $0x10, s1;
	s13 =	sor.u32 $0x20, s1;
	s15 =	sor.u32 $0x30, s1;
	v12 =	vld.idx.msk [tilespmem:v12+s18+$0x0], $0xffff  }
0x4ed: {  	v1 =	vand.u32 $0x7, v1;
	s11 =	sor.u32 $0x40, s1;
	v19 =	vmov s14;
	v20 =	vmov s15;
	s14 =	sor.u32 $0x50, s1;
	s15 =	sor.u32 $0x60, s1;
	v14 =	vld.idx.msk [tilespmem:v14+s18+$0x0], $0xffff;
	[tilespmem:s0+$0xE0] =	vst v18  }
0x4ee: {  	p1 =	slt.u32 s10, $0x70;
	s2 =	sor.u32 s2, s8;
	s8 =	sor.u32 $0x70, s1;
	v18 =	vshll.u32 v20, $0x7;
	v20 =	vmov s11;
	v23 =	vmov s14;
	[tilespmem:s5+$0x30] =	vst v8;
	v8 =	vld.idx.msk [tilespmem:v11+s18+$0x0], $0xffff  }
0x4ef: {  	v1 =	vor.u32 $0x18, v1;
	v16 =	vand.u32 $0x7, v16;
	s0 =	smov.u32 s5;
	s1 =	smov.u32 s7;
	s7 =	smov.u32 s2;
	v11 =	vshll.u32 v23, $0x7;
	[tilespmem:s5+$0x10] =	vst v15;
	v5 =	vld.idx.msk [tilespmem:v5+s18+$0x0], $0xffff  }
0x4f0: {  	v15 =	vshll.u32 v20, $0x7;
	v23 =	vor.u32 v0, v11;
	v11 =	vor.u32 $0x18, v16;
	[tilespmem:s0+$0x40] =	vst v9;
	v21 =	vld.idx.msk [tilespmem:v21+s18+$0x0], $0xffff  }
0x4f1: {  	v9 =	vbroadcast v1, $0x0;
	v1 =	vor.u32 v0, v18;
	v16 =	vmov s15;
	[tilespmem:s0+$0x50] =	vst v3;
	v18 =	vld.idx.msk [tilespmem:v2+s18+$0x0], $0xffff  }
0x4f2: {  	v24 =	vshll.u32 v13, $0x7;
	v3 =	vshll.u32 v19, $0x7;
	v2 =	vor.u32 v0, v15;
	v10 =	vld.idx.msk [tilespmem:v10+s18+$0x0], $0xffff;
	[tilespmem:s0+$0x70] =	vst v12  }
0x4f3: {  	v25 =	vor.u32 v0, v3;
	v3 =	vshll.u32 v16, $0x7;
	v12 =	vmov s8;
	[tilespmem:s0+$0x60] =	vst v14;
	v26 =	vld.idx.msk [tilespmem:v7+s18+$0x0], $0xffff  }
0x4f4: {  	v27 =	vor.u32 v9, v1;
	v15 =	vor.u32 v9, v25;
	v7 =	vshll.u32 v12, $0x7;
	[tilespmem:s0+$0xA0] =	vst v8;
	v28 =	vld.idx.msk [tilespmem:v17+s18+$0x0], $0xffff  }
0x4f5: {  	v3 =	vor.u32 v0, v3;
	v17 =	vor.u32 v9, v2;
	v20 =	vld.idx.msk [tilespmem:v4+s18+$0x0], $0xffff;
	[tilespmem:s0+$0xD0] =	vst v5  }
.Ltmp41:
0x4f6: {  	v16 =	vor.u32 v9, v23;
	v4 =	vmov s13;
	v5 =	vor.u32 v0, v7;
	[tilespmem:s0+$0x80] =	vst v21;
	v19 =	vld.idx.msk [tilespmem:v6+s18+$0x0], $0xffff;
	(pc) =	sbr.rel @p1 .LBB2_58-.Ltmp41, $4  }
0x4f7: {  	v13 =	vbroadcast v11, $0x0;
	v6 =	vshll.u32 v4, $0x7;
	v12 =	vor.u32 v9, v5;
	[tilespmem:s0+$0xC0] =	vst v18;
	v18 =	vld.idx.msk [tilespmem:v22+s18+$0x0], $0xffff  }
0x4f8: {  	v14 =	vor.u32 v9, v3;
	v4 =	vor.u32 v0, v24;
	v6 =	vor.u32 v0, v6;
	[tilespmem:s0+$0x20] =	vst v10  }
0x4f9: {  	v7 =	vor.u32 v13, v5;
	v10 =	vor.u32 v9, v6;
	v11 =	vor.u32 v13, v6;
	[tilespmem:s0+$0xF0] =	vst v26  }
0x4fa: {  	s12 =	sadd.s32 $0x400, s12;
	s6 =	sadd.s32 $0x2, s6;
	v5 =	vor.u32 v13, v23;
	v6 =	vor.u32 v13, v25;
	v8 =	vld.idx.msk [tilespmem:v27+s18+$0x0], $0xffff;
	[tilespmem:s0+$0xB0] =	vst v28  }
.LBB2_59:
0x4fb: {  	_ =	sdelay $0x3  }
0x4fc: {  	v15 =	vld.idx.msk [tilespmem:v15+s18+$0x0], $0xffff  }
0x4fd: {  	[tilespmem:s1+$0x11A00] =	vst @p0 v20;
	v17 =	vld.idx.msk [tilespmem:v17+s18+$0x0], $0xffff  }
0x4fe: {  	v16 =	vld.idx.msk [tilespmem:v16+s18+$0x0], $0xffff;
	[tilespmem:s0+$0x90] =	vst @p0 v19  }
0x4ff: {  	s8 =	sadd.s32 $0x11A00, s7;
	v12 =	vld.idx.msk [tilespmem:v12+s18+$0x0], $0xffff;
	[tilespmem:s0+$0xE0] =	vst @p0 v18  }
0x500: {  	v2 =	vor.u32 v13, v2;
	v14 =	vld.idx.msk [tilespmem:v14+s18+$0x0], $0xffff;
	[tilespmem:s8+$0x30] =	vst v8  }
0x501: {  	v20 =	vor.u32 v4, v13;
	v5 =	vld.idx.msk [tilespmem:v5+s18+$0x0], $0xffff;
	[tilespmem:s8+$0x10] =	vst v15  }
0x502: {  	v1 =	vor.u32 v13, v1;
	v10 =	vld.idx.msk [tilespmem:v10+s18+$0x0], $0xffff;
	[tilespmem:s8+$0x40] =	vst v17  }
0x503: {  	v4 =	vor.u32 v4, v9;
	v7 =	vld.idx.msk [tilespmem:v7+s18+$0x0], $0xffff;
	[tilespmem:s8+$0x50] =	vst v16  }
0x504: {  	v8 =	vld.idx.msk [tilespmem:v11+s18+$0x0], $0xffff;
	[tilespmem:s8+$0x70] =	vst v12  }
0x505: {  	v3 =	vor.u32 v13, v3;
	v2 =	vld.idx.msk [tilespmem:v2+s18+$0x0], $0xffff;
	[tilespmem:s8+$0x60] =	vst v14  }
0x506: {  	v9 =	vld.idx.msk [tilespmem:v20+s18+$0x0], $0xffff;
	[tilespmem:s8+$0xD0] =	vst v5  }
0x507: {  	v1 =	vld.idx.msk [tilespmem:v1+s18+$0x0], $0xffff;
	[tilespmem:s8+$0x20] =	vst v10  }
0x508: {  	v4 =	vld.idx.msk [tilespmem:v4+s18+$0x0], $0xffff;
	[tilespmem:s8+$0xF0] =	vst v7  }
0x509: {  	v5 =	vld.idx.msk [tilespmem:v6+s18+$0x0], $0xffff;
	[tilespmem:s8+$0xA0] =	vst v8  }
0x50a: {  	[tilespmem:s8+$0xC0] =	vst v2;
	v2 =	vld.idx.msk [tilespmem:v3+s18+$0x0], $0xffff  }
0x50b: {  	[tilespmem:s8+$0x80] =	vst v9  }
0x50c: {  	[tilespmem:s8+$0xB0] =	vst v1  }
0x50d: {  	[tilespmem:s7+$0x11A00] =	vst v4  }
0x50e: {  	s11 =	simm.s32 $0x0;
	[tilespmem:s8+$0x90] =	vst v5  }
0x50f: {  	s10 =	simm.s32 $0x10200;
	s2 =	sand.u32 $0xFFFFFF80, s11;
	[tilespmem:s8+$0xE0] =	vst v2  }
0x510: {  	s12 =	sor.u32 $0x40, s2;
	s15 =	sor.u32 $0x20, s2;
	s0 =	rddreg [dreg:$0xa]  }
0x511: {  	[hbm4b:s0+s22] =	stream.strided.scatter [tilespmem:s10], [sflag:$0x5], $0x2000, s23, s22, $0x38;
	[tilespmem:$0x14200] =	vst v63  }
0x512: {  	v6 =	vmov s15;
	v2 =	vmov s12;
	s0 =	sor.u32 $0x10, s2  }
0x513: {  	s6 =	sor.u32 $0x60, s2;
	v6 =	vshll.u32 v6, $0x7;
	v2 =	vshll.u32 v2, $0x7;
	v1 =	vmov s0;
	s0 =	simm.s32 $0x0  }
0x514: {  	v4 =	vmov s6;
	_ =	swait.ge [sflag:s25], $0x8000;
	v5 =	vshll.u32 v1, $0x7;
	v1 =	vor.u32 v0, v2;
	s14 =	sand.u32 $0x6, s0  }
0x515: {  	s5 =	sor.u32 $0x30, s2;
	v10 =	vshll.u32 v4, $0x7;
	v4 =	vor.u32 v0, v6;
	[sflag:s25] =	ssyncset.done $0x0;
	v9 =	vor.u32 s14, v1  }
0x516: {  	v3 =	vmov s5;
	v6 =	vor.u32 v0, v10;
	[sflag:s25] =	ssyncadd.s32 $0xFFFF8000;
	v12 =	vor.u32 s14, v4  }
0x517: {  	v2 =	vshll.u32 v3, $0x7;
	v5 =	vor.u32 v0, v5;
	v13 =	vor.u32 s14, v6;
	_ =	swait.ge [sflag:s29], $0x2000  }
0x518: {  	s13 =	sor.u32 $0x50, s2;
	v2 =	vor.u32 v0, v2;
	v7 =	vor.u32 s14, v5;
	[sflag:s29] =	ssyncset.done $0x0  }
0x519: {  	v3 =	vmov s13;
	s24 =	sor.u32 $0x1, s14;
	v8 =	vor.u32 s14, v2;
	[sflag:s29] =	ssyncadd.s32 $0xFFFFE000  }
0x51a: {  	v3 =	vshll.u32 v3, $0x7;
	v16 =	vor.u32 s24, v6;
	v9 =	vld.idx.msk [tilespmem:v9+s20+$0x0], $0xffff  }
0x51b: {  	v3 =	vor.u32 v0, v3;
	v18 =	vor.u32 s24, v4;
	v12 =	vld.idx.msk [tilespmem:v12+s20+$0x0], $0xffff  }
0x51c: {  	v11 =	vor.u32 s14, v3;
	v13 =	vld.idx.msk [tilespmem:v13+s20+$0x0], $0xffff  }
0x51d: {  	s26 =	simm.s32 $0x0;
	v15 =	vor.u32 s24, v3;
	v10 =	vld.idx.msk [tilespmem:v7+s20+$0x0], $0xffff  }
0x51e: {  	s1 =	sand.u32 $0x3FFFFC00, s26;
	s30 =	sor.u32 $0x70, s2;
	v22 =	vor.u32 s24, v1;
	v14 =	vld.idx.msk [tilespmem:v8+s20+$0x0], $0xffff  }
0x51f: {  	s31 =	sadd.s32 $0x12200, s1;
	s12 =	sshll.u32 s14, $0x7;
	v20 =	vor.u32 s24, v5;
	v7 =	vmov s2;
	v8 =	vmov s30;
	v16 =	vld.idx.msk [tilespmem:v16+s20+$0x0], $0xffff  }
0x520: {  	s8 =	simm.s32 $0x20;
	s7 =	sadd.s32 s12, s31;
	v18 =	vld.idx.msk [tilespmem:v18+s20+$0x0], $0xffff;
	v7 =	vshll.u32 v7, $0x7;
	v17 =	vshll.u32 v8, $0x7  }
0x521: {  	s8 =	sand.u32 $0xFFFFFF80, s8;
	v11 =	vld.idx.msk [tilespmem:v11+s20+$0x0], $0xffff;
	v8 =	vor.u32 v0, v7;
	v7 =	vor.u32 v0, v17;
	v17 =	vor.u32 s24, v2;
	[tilespmem:s7+$0x40] =	vst v9  }
0x522: {  	v23 =	vmov s8;
	s10 =	sor.u32 $0x40, s8;
	v15 =	vld.idx.msk [tilespmem:v15+s20+$0x0], $0xffff;
	v21 =	vor.u32 s24, v7;
	[tilespmem:s7+$0x20] =	vst v12  }
0x523: {  	s11 =	sor.u32 $0x30, s8;
	v23 =	vshll.u32 v23, $0x7;
	v24 =	vmov s10;
	v22 =	vld.idx.msk [tilespmem:v22+s20+$0x0], $0xffff;
	[tilespmem:s7+$0x60] =	vst v13  }
0x524: {  	v25 =	vmov s11;
	s13 =	sor.u32 $0x10, s8;
	v24 =	vshll.u32 v24, $0x7;
	v30 =	vld.idx.msk [tilespmem:v20+s20+$0x0], $0xffff;
	v19 =	vor.u32 s14, v8;
	[tilespmem:s7+$0x10] =	vst v10  }
0x525: {  	v9 =	vmov s13;
	v10 =	vor.u32 s24, v8;
	[tilespmem:s7+$0x30] =	vst v14;
	v14 =	vor.u32 s14, v7;
	s14 =	sshll.u32 s24, $0x7  }
0x526: {  	s15 =	sor.u32 $0x50, s8;
	s10 =	simm.s32 $0x2;
	v23 =	vor.u32 v0, v23;
	v26 =	vor.u32 v0, v24;
	v9 =	vshll.u32 v9, $0x7;
	[tilespmem:s7+$0x50] =	vst v11;
	s2 =	sadd.s32 s14, s31;
	v17 =	vld.idx.msk [tilespmem:v17+s20+$0x0], $0xffff  }
0x527: {  	s12 =	sor.u32 $0x60, s8;
	v13 =	vmov s15;
	s24 =	sand.u32 $0x6, s10;
	v9 =	vor.u32 v0, v9;
	[tilespmem:s2+$0x50] =	vst v15;
	v12 =	vld.idx.msk [tilespmem:v21+s20+$0x0], $0xffff;
	v21 =	vshll.u32 v25, $0x7  }
0x528: {  	s26 =	sor.u32 $0x20, s8;
	v11 =	vmov s12;
	v24 =	vor.u32 s24, v9;
	[tilespmem:s2+$0x60] =	vst v16;
	v27 =	vor.u32 v0, v21  }
0x529: {  	v13 =	vshll.u32 v13, $0x7;
	v15 =	vmov s26;
	[tilespmem:s2+$0x20] =	vst v18;
	v19 =	vld.idx.msk [tilespmem:v19+s20+$0x0], $0xffff;
	v25 =	vor.u32 s24, v27  }
0x52a: {  	v29 =	vor.u32 s24, v26;
	v13 =	vor.u32 v0, v13;
	[tilespmem:s2+$0x40] =	vst v22;
	v28 =	vld.idx.msk [tilespmem:v10+s20+$0x0], $0xffff;
	v10 =	vshll.u32 v15, $0x7  }
0x52b: {  	s15 =	sor.u32 $0x1, s24;
	v11 =	vshll.u32 v11, $0x7;
	v31 =	vor.u32 s24, v13;
	[tilespmem:s2+$0x10] =	vst v30;
	v20 =	vor.u32 v0, v10  }
0x52c: {  	s30 =	sor.u32 $0x70, s8;
	v9 =	vor.u32 s15, v9;
	v11 =	vor.u32 v0, v11;
	v14 =	vld.idx.msk [tilespmem:v14+s20+$0x0], $0xffff;
	[tilespmem:s2+$0x30] =	vst v17;
	v17 =	vor.u32 s24, v20  }
0x52d: {  	v21 =	vor.u32 s24, v11;
	v22 =	vor.u32 s15, v11;
	v10 =	vmov s30;
	v15 =	vld.idx.msk [tilespmem:v24+s20+$0x0], $0xffff  }
0x52e: {  	s31 =	simm.s32 $0x100;
	[tilespmem:s2+$0x70] =	vst v12;
	v12 =	vshll.u32 v10, $0x7;
	v10 =	vor.u32 s24, v23;
	v16 =	vld.idx.msk [tilespmem:v25+s20+$0x0], $0xffff;
	v25 =	vor.u32 s15, v13  }
0x52f: {  	s6 =	simm.s32 $0x10;
	s5 =	sand.u32 $0x3FFFFC00, s31;
	v18 =	vld.idx.msk [tilespmem:v29+s20+$0x0], $0xffff;
	[tilespmem:s7+$0x0] =	vst v19;
	v19 =	vor.u32 s15, v20;
	v24 =	vor.u32 v0, v12;
	v12 =	vor.u32 s15, v23  }
0x530: {  	s14 =	sshll.u32 s24, $0x7;
	s13 =	sshll.u32 s15, $0x7;
	s12 =	sadd.s32 $0x12200, s5;
	v20 =	vld.idx.msk [tilespmem:v31+s20+$0x0], $0xffff;
	v23 =	vor.u32 s15, v27;
	[tilespmem:s2+$0x0] =	vst v28;
	v13 =	vor.u32 s15, v26;
	v11 =	vor.u32 s24, v24  }
.LBB2_60:
0x531: {  	s6 =	sadd.s32 $0x10, s6;
	v17 =	vld.idx.msk [tilespmem:v17+s20+$0x0], $0xffff;
	[tilespmem:s7+$0x70] =	vst v14  }
0x532: {  	s7 =	sadd.s32 s14, s12;
	s2 =	sshll.u32 s6, $0x1;
	s5 =	sshll.u32 s6, $0x4;
	v14 =	vld.idx.msk [tilespmem:v21+s20+$0x0], $0xffff;
	v21 =	vor.u32 s15, v24  }
0x533: {  	s10 =	sadd.s32 $0x2, s10;
	s2 =	sand.u32 $0xFFFFFF80, s2;
	s5 =	sand.u32 $0x3FFFFC00, s5;
	[tilespmem:s7+$0x10] =	vst v15;
	v15 =	vld.idx.msk [tilespmem:v25+s20+$0x0], $0xffff  }
0x534: {  	v24 =	vmov s2;
	s8 =	sor.u32 $0x10, s2;
	s11 =	sor.u32 $0x40, s2;
	s14 =	sor.u32 $0x60, s2;
	[tilespmem:s7+$0x30] =	vst v16;
	v16 =	vld.idx.msk [tilespmem:v22+s20+$0x0], $0xffff  }
0x535: {  	s15 =	sor.u32 $0x30, s2;
	v22 =	vshll.u32 v24, $0x7;
	v24 =	vmov s8;
	s8 =	sor.u32 $0x20, s2;
	v25 =	vmov s11;
	s11 =	sor.u32 $0x50, s2;
	[tilespmem:s7+$0x40] =	vst v18;
	v18 =	vld.idx.msk [tilespmem:v19+s20+$0x0], $0xffff  }
0x536: {  	p0 =	slt.u32 s6, $0x70;
	s5 =	sadd.s32 $0x12200, s5;
	v19 =	vmov s15;
	v26 =	vmov s14;
	s2 =	sor.u32 $0x70, s2;
	v25 =	vshll.u32 v25, $0x7;
	[tilespmem:s7+$0x50] =	vst v20;
	v20 =	vld.idx.msk [tilespmem:v23+s20+$0x0], $0xffff  }
0x537: {  	v23 =	vor.u32 v0, v22;
	v22 =	vshll.u32 v24, $0x7;
	v27 =	vor.u32 v0, v25;
	[tilespmem:s7+$0x20] =	vst v17;
	v21 =	vld.idx.msk [tilespmem:v21+s20+$0x0], $0xffff  }
0x538: {  	s24 =	sand.u32 $0x6, s10;
	v22 =	vor.u32 v0, v22;
	v17 =	vshll.u32 v19, $0x7;
	v19 =	vmov s11;
	s11 =	sadd.s32 s13, s12;
	s12 =	smov.u32 s5;
	v25 =	vld.idx.msk [tilespmem:v10+s20+$0x0], $0xffff;
	[tilespmem:s7+$0x60] =	vst v14  }
0x539: {  	s14 =	sshll.u32 s24, $0x7;
	v24 =	vor.u32 s24, v22;
	v28 =	vor.u32 v0, v17;
	v10 =	vshll.u32 v19, $0x7;
	v13 =	vld.idx.msk [tilespmem:v13+s20+$0x0], $0xffff;
	[tilespmem:s11+$0x50] =	vst v15  }
0x53a: {  	v14 =	vmov s8;
	v19 =	vor.u32 s24, v28;
	v15 =	vshll.u32 v26, $0x7;
	v26 =	vld.idx.msk [tilespmem:v12+s20+$0x0], $0xffff;
	[tilespmem:s11+$0x60] =	vst v16  }
0x53b: {  	v29 =	vor.u32 s24, v27;
	v30 =	vor.u32 v0, v10;
	v12 =	vshll.u32 v14, $0x7;
	v31 =	vld.idx.msk [tilespmem:v9+s20+$0x0], $0xffff;
	[tilespmem:s11+$0x20] =	vst v18  }
0x53c: {  	v33 =	vor.u32 s24, v30;
	v32 =	vor.u32 v0, v12;
	v9 =	vmov s2;
	v14 =	vld.idx.msk [tilespmem:v11+s20+$0x0], $0xffff;
	[tilespmem:s11+$0x30] =	vst v20  }
.Ltmp42:
0x53d: {  	v17 =	vor.u32 s24, v32;
	v11 =	vor.u32 v0, v15;
	v9 =	vshll.u32 v9, $0x7;
	[tilespmem:s11+$0x70] =	vst v21;
	(pc) =	sbr.rel @p0 .LBB2_60-.Ltmp42, $4  }
0x53e: {  	s15 =	sor.u32 $0x1, s24;
	v10 =	vor.u32 s24, v23;
	v21 =	vor.u32 s24, v11;
	v15 =	vld.idx.msk [tilespmem:v24+s20+$0x0], $0xffff;
	v24 =	vor.u32 v0, v9;
	[tilespmem:s7+$0x0] =	vst v25  }
0x53f: {  	s13 =	sshll.u32 s15, $0x7;
	v9 =	vor.u32 s15, v22;
	v25 =	vor.u32 s15, v30;
	v22 =	vor.u32 s15, v11;
	v16 =	vld.idx.msk [tilespmem:v19+s20+$0x0], $0xffff;
	[tilespmem:s11+$0x40] =	vst v13  }
0x540: {  	v12 =	vor.u32 s15, v23;
	v19 =	vor.u32 s15, v32;
	v13 =	vor.u32 s15, v27;
	v18 =	vld.idx.msk [tilespmem:v29+s20+$0x0], $0xffff;
	[tilespmem:s11+$0x0] =	vst v26  }
0x541: {  	v23 =	vor.u32 s15, v28;
	v11 =	vor.u32 s24, v24;
	v20 =	vld.idx.msk [tilespmem:v33+s20+$0x0], $0xffff;
	[tilespmem:s11+$0x10] =	vst v31  }
0x542: {  	_ =	sdelay $0x3  }
0x543: {  	v17 =	vld.idx.msk [tilespmem:v17+s20+$0x0], $0xffff;
	[tilespmem:s7+$0x70] =	vst v14;
	s2 =	sadd.s32 s14, s12  }
0x544: {  	v14 =	vld.idx.msk [tilespmem:v21+s20+$0x0], $0xffff;
	[tilespmem:s2+$0x10] =	vst v15  }
0x545: {  	v10 =	vld.idx.msk [tilespmem:v10+s20+$0x0], $0xffff;
	[tilespmem:s2+$0x30] =	vst v16  }
0x546: {  	v13 =	vld.idx.msk [tilespmem:v13+s20+$0x0], $0xffff;
	[tilespmem:s2+$0x40] =	vst v18  }
0x547: {  	v12 =	vld.idx.msk [tilespmem:v12+s20+$0x0], $0xffff;
	[tilespmem:s2+$0x50] =	vst v20  }
0x548: {  	v9 =	vld.idx.msk [tilespmem:v9+s20+$0x0], $0xffff;
	[tilespmem:s2+$0x20] =	vst v17  }
0x549: {  	v21 =	vor.u32 s15, v24;
	v15 =	vld.idx.msk [tilespmem:v25+s20+$0x0], $0xffff;
	[tilespmem:s2+$0x60] =	vst v14  }
0x54a: {  	s5 =	sadd.s32 s13, s12;
	v11 =	vld.idx.msk [tilespmem:v11+s20+$0x0], $0xffff;
	v14 =	vmov s0;
	[tilespmem:s2+$0x0] =	vst v10  }
0x54b: {  	v16 =	vld.idx.msk [tilespmem:v22+s20+$0x0], $0xffff;
	[tilespmem:s5+$0x40] =	vst v13;
	v14 =	vand.u32 $0x7, v14  }
0x54c: {  	v18 =	vld.idx.msk [tilespmem:v19+s20+$0x0], $0xffff;
	[tilespmem:s5+$0x0] =	vst v12;
	v14 =	vor.u32 $0x8, v14  }
0x54d: {  	s6 =	sor.u32 $0x9, s0;
	v19 =	vld.idx.msk [tilespmem:v23+s20+$0x0], $0xffff;
	[tilespmem:s5+$0x10] =	vst v9;
	v14 =	vbroadcast v14, $0x0  }
0x54e: {  	v17 =	vld.idx.msk [tilespmem:v21+s20+$0x0], $0xffff;
	[tilespmem:s5+$0x50] =	vst v15;
	v15 =	vmov s6  }
0x54f: {  	[tilespmem:s2+$0x70] =	vst v11;
	v15 =	vand.u32 $0x7, v15;
	v13 =	vor.u32 v14, v5  }
0x550: {  	[tilespmem:s5+$0x60] =	vst v16;
	v10 =	vor.u32 $0x8, v15;
	v15 =	vor.u32 v14, v6  }
0x551: {  	[tilespmem:s5+$0x20] =	vst v18;
	v10 =	vbroadcast v10, $0x0;
	v12 =	vor.u32 v14, v3  }
0x552: {  	[tilespmem:s5+$0x30] =	vst v19;
	v19 =	vor.u32 v14, v2  }
0x553: {  	[tilespmem:s5+$0x70] =	vst v17;
	v5 =	vor.u32 v10, v5  }
0x554: {  	v9 =	vor.u32 v8, v10;
	v13 =	vld.idx.msk [tilespmem:v13+s20+$0x0], $0xffff  }
0x555: {  	s30 =	sand.u32 $0xC00, s0;
	s6 =	simm.s32 $0x20;
	v17 =	vor.u32 v14, v1;
	v21 =	vor.u32 v14, v4;
	v16 =	vor.u32 v10, v7;
	v11 =	vld.idx.msk [tilespmem:v15+s20+$0x0], $0xffff  }
0x556: {  	s31 =	simm.s32 $0x2;
	s0 =	sshrl.u32 s30, $0x2;
	s5 =	sand.u32 $0xFFFFFF80, s6;
	v18 =	vor.u32 v10, v1;
	v8 =	vor.u32 v8, v14;
	v7 =	vor.u32 v14, v7;
	v12 =	vld.idx.msk [tilespmem:v12+s20+$0x0], $0xffff  }
0x557: {  	s7 =	sor.u32 $0x9, s31;
	s1 =	sor.u32 s0, s1;
	v2 =	vor.u32 v10, v2;
	v20 =	vor.u32 v10, v3;
	v14 =	vmov s5;
	v19 =	vld.idx.msk [tilespmem:v19+s20+$0x0], $0xffff  }
0x558: {  	s0 =	sadd.s32 $0x12A00, s1;
	v1 =	vmov s31;
	v3 =	vmov s7;
	s10 =	sor.u32 $0x20, s5;
	v15 =	vor.u32 v10, v4;
	v4 =	vld.idx.msk [tilespmem:v5+s20+$0x0], $0xffff  }
0x559: {  	s11 =	sor.u32 $0x50, s5;
	v1 =	vand.u32 $0x7, v1;
	v22 =	vmov s10;
	v10 =	vor.u32 v10, v6;
	v6 =	vld.idx.msk [tilespmem:v9+s20+$0x0], $0xffff;
	[tilespmem:s0+$0x10] =	vst v13  }
0x55a: {  	s8 =	sor.u32 $0x30, s5;
	v1 =	vor.u32 $0x8, v1;
	v5 =	vand.u32 $0x7, v3;
	v16 =	vld.idx.msk [tilespmem:v16+s20+$0x0], $0xffff;
	v3 =	vmov s11;
	[tilespmem:s0+$0x60] =	vst v11  }
0x55b: {  	v1 =	vbroadcast v1, $0x0;
	v9 =	vmov s8;
	v8 =	vld.idx.msk [tilespmem:v8+s20+$0x0], $0xffff;
	v3 =	vshll.u32 v3, $0x7;
	[tilespmem:s0+$0x50] =	vst v12  }
0x55c: {  	s13 =	sor.u32 $0x60, s5;
	v26 =	vld.idx.msk [tilespmem:v18+s20+$0x0], $0xffff;
	v23 =	vor.u32 $0x8, v5;
	v5 =	vshll.u32 v22, $0x7;
	v9 =	vshll.u32 v9, $0x7;
	[tilespmem:s0+$0x30] =	vst v19  }
0x55d: {  	s12 =	sor.u32 $0x10, s5;
	s14 =	sor.u32 $0x40, s5;
	v22 =	vld.idx.msk [tilespmem:v17+s20+$0x0], $0xffff;
	v3 =	vor.u32 v0, v3;
	v5 =	vor.u32 v0, v5;
	v11 =	vmov s13;
	[tilespmem:s0+$0x90] =	vst v4  }
0x55e: {  	v13 =	vld.idx.msk [tilespmem:v15+s20+$0x0], $0xffff;
	v15 =	vmov s12;
	v12 =	vmov s14;
	v11 =	vshll.u32 v11, $0x7;
	[tilespmem:s0+$0x80] =	vst v6  }
0x55f: {  	v17 =	vld.idx.msk [tilespmem:v2+s20+$0x0], $0xffff;
	v15 =	vshll.u32 v15, $0x7;
	v6 =	vbroadcast v23, $0x0;
	[tilespmem:s0+$0xF0] =	vst v16;
	v4 =	vor.u32 v0, v11  }
0x560: {  	s15 =	sor.u32 $0x70, s5;
	v16 =	vor.u32 v0, v9;
	[tilespmem:s1+$0x12A00] =	vst v8;
	v11 =	vor.u32 v0, v15;
	v62 =	vor.u32 v1, v4  }
0x561: {  	v23 =	vld.idx.msk [tilespmem:v20+s20+$0x0], $0xffff;
	v2 =	vshll.u32 v12, $0x7;
	[tilespmem:s0+$0xC0] =	vst v26;
	v15 =	vmov s15;
	v63 =	vor.u32 v1, v11  }
0x562: {  	v7 =	vld.idx.msk [tilespmem:v7+s20+$0x0], $0xffff;
	[tilespmem:s0+$0x40] =	vst v22;
	v2 =	vor.u32 v0, v2;
	v15 =	vshll.u32 v15, $0x7;
	v20 =	vor.u32 v6, v11  }
0x563: {  	s24 =	simm.s32 $0x400;
	v19 =	vld.idx.msk [tilespmem:v21+s20+$0x0], $0xffff;
	v28 =	vor.u32 v0, v15;
	[tilespmem:s0+$0xA0] =	vst v13;
	v13 =	vshll.u32 v14, $0x7;
	v14 =	vor.u32 v1, v3  }
0x564: {  	s26 =	simm.s32 $0x100;
	s2 =	sand.u32 $0xC00, s24;
	v12 =	vor.u32 v6, v5;
	v8 =	vor.u32 v1, v28;
	v27 =	vor.u32 v0, v13;
	v13 =	vld.idx.msk [tilespmem:v10+s20+$0x0], $0xffff  }
0x565: {  	s30 =	sshrl.u32 s2, $0x2;
	s6 =	simm.s32 $0x4;
	s31 =	sand.u32 $0x3FFFFC00, s26;
	v21 =	vor.u32 v6, v28;
	v10 =	vor.u32 v1, v2;
	v15 =	vor.u32 v27, v6;
	v11 =	vld.idx.msk [tilespmem:v62+s20+$0x0], $0xffff  }
0x566: {  	s7 =	simm.s32 $0x10;
	s10 =	simm.s32 $0x800;
	s1 =	sor.u32 s30, s31;
	v2 =	vor.u32 v6, v2;
	[tilespmem:s0+$0xD0] =	vst v23;
	v9 =	vor.u32 v27, v1;
	v18 =	vld.idx.msk [tilespmem:v63+s20+$0x0], $0xffff  }
.LBB2_62:
0x567: {  	s7 =	sadd.s32 $0x10, s7;
	s2 =	sand.u32 $0xC00, s10;
	s5 =	sadd.s32 $0x12A00, s1;
	v22 =	vor.u32 v1, v16;
	v16 =	vor.u32 v6, v16;
	v23 =	vor.u32 v6, v3;
	[tilespmem:s0+$0x70] =	vst v7  }
0x568: {  	v24 =	vor.u32 v1, v5;
	v25 =	vor.u32 v6, v4;
	s8 =	sshll.u32 s7, $0x1;
	s11 =	sshll.u32 s7, $0x4;
	s2 =	sshrl.u32 s2, $0x2;
	v5 =	vld.idx.msk [tilespmem:v14+s20+$0x0], $0xffff;
	[tilespmem:s0+$0xB0] =	vst v17  }
0x569: {  	s12 =	sor.u32 $0x9, s6;
	s8 =	sand.u32 $0xFFFFFF80, s8;
	s11 =	sand.u32 $0x3FFFFC00, s11;
	v4 =	vld.idx.msk [tilespmem:v20+s20+$0x0], $0xffff;
	[tilespmem:s0+$0x20] =	vst v19  }
0x56a: {  	v1 =	vmov s6;
	v3 =	vmov s12;
	v14 =	vmov s8;
	s13 =	sor.u32 $0x10, s8;
	s14 =	sor.u32 $0x20, s8;
	s15 =	sor.u32 $0x30, s8;
	v6 =	vld.idx.msk [tilespmem:v15+s20+$0x0], $0xffff  }
0x56b: {  	v1 =	vand.u32 $0x7, v1;
	v7 =	vand.u32 $0x7, v3;
	s24 =	sor.u32 $0x50, s8;
	s26 =	sor.u32 $0x60, s8;
	v15 =	vmov s15;
	s15 =	sor.u32 $0x40, s8;
	v17 =	vld.idx.msk [tilespmem:v21+s20+$0x0], $0xffff;
	[tilespmem:s0+$0xE0] =	vst v13  }
0x56c: {  	p0 =	slt.u32 s7, $0x70;
	v1 =	vor.u32 $0x8, v1;
	s12 =	sor.u32 s2, s11;
	s2 =	sor.u32 $0x70, s8;
	v13 =	vmov s14;
	v3 =	vmov s24;
	[tilespmem:s5+$0x10] =	vst v18;
	v12 =	vld.idx.msk [tilespmem:v12+s20+$0x0], $0xffff  }
0x56d: {  	v1 =	vbroadcast v1, $0x0;
	s0 =	smov.u32 s5;
	v18 =	vmov s13;
	v3 =	vshll.u32 v3, $0x7;
	v19 =	vld.idx.msk [tilespmem:v22+s20+$0x0], $0xffff;
	[tilespmem:s5+$0x60] =	vst v11  }
0x56e: {  	v20 =	vor.u32 $0x8, v7;
	v3 =	vor.u32 v0, v3;
	v11 =	vmov s26;
	[tilespmem:s0+$0x50] =	vst v5;
	v7 =	vld.idx.msk [tilespmem:v8+s20+$0x0], $0xffff  }
0x56f: {  	v5 =	vshll.u32 v13, $0x7;
	v8 =	vmov s15;
	v11 =	vshll.u32 v11, $0x7;
	v10 =	vld.idx.msk [tilespmem:v10+s20+$0x0], $0xffff;
	[tilespmem:s0+$0x90] =	vst v4  }
0x570: {  	v13 =	vshll.u32 v18, $0x7;
	v5 =	vor.u32 v0, v5;
	v4 =	vor.u32 v0, v11;
	v9 =	vld.idx.msk [tilespmem:v9+s20+$0x0], $0xffff;
	[tilespmem:s0+$0x80] =	vst v6  }
0x571: {  	v11 =	vor.u32 v0, v13;
	v18 =	vor.u32 v1, v4;
	v6 =	vbroadcast v20, $0x0;
	v21 =	vld.idx.msk [tilespmem:v23+s20+$0x0], $0xffff;
	[tilespmem:s0+$0xF0] =	vst v17  }
0x572: {  	v13 =	vshll.u32 v15, $0x7;
	v15 =	vmov s2;
	v22 =	vor.u32 v1, v11;
	[tilespmem:s0+$0xA0] =	vst v12;
	v23 =	vld.idx.msk [tilespmem:v2+s20+$0x0], $0xffff  }
0x573: {  	v2 =	vshll.u32 v14, $0x7;
	v14 =	vor.u32 v1, v3;
	v12 =	vshll.u32 v15, $0x7;
	[tilespmem:s0+$0x30] =	vst v19;
	v17 =	vld.idx.msk [tilespmem:v16+s20+$0x0], $0xffff  }
.Ltmp43:
0x574: {  	v26 =	vor.u32 v0, v2;
	v16 =	vor.u32 v0, v13;
	v27 =	vor.u32 v0, v12;
	v19 =	vld.idx.msk [tilespmem:v24+s20+$0x0], $0xffff;
	(pc) =	sbr.rel @p0 .LBB2_62-.Ltmp43, $4  }
0x575: {  	v20 =	vor.u32 v6, v11;
	v2 =	vshll.u32 v8, $0x7;
	v15 =	vor.u32 v26, v6;
	[tilespmem:s0+$0x40] =	vst v10;
	v13 =	vld.idx.msk [tilespmem:v25+s20+$0x0], $0xffff  }
0x576: {  	v12 =	vor.u32 v6, v5;
	v2 =	vor.u32 v0, v2;
	v11 =	vld.idx.msk [tilespmem:v18+s20+$0x0], $0xffff;
	[tilespmem:s1+$0x12A00] =	vst v9;
	s1 =	smov.u32 s12  }
0x577: {  	v10 =	vor.u32 v1, v2;
	v2 =	vor.u32 v6, v2;
	v18 =	vld.idx.msk [tilespmem:v22+s20+$0x0], $0xffff;
	[tilespmem:s0+$0xD0] =	vst v21  }
0x578: {  	s6 =	sadd.s32 $0x2, s6;
	s10 =	sadd.s32 $0x400, s10;
	v8 =	vor.u32 v1, v27;
	v9 =	vor.u32 v26, v1;
	v21 =	vor.u32 v6, v27;
	[tilespmem:s0+$0xC0] =	vst v23  }
0x579: {  	_ =	sdelay $0x2  }
0x57a: {  	[tilespmem:s0+$0x70] =	vst v7  }
0x57b: {  	v7 =	vld.idx.msk [tilespmem:v14+s20+$0x0], $0xffff;
	[tilespmem:s0+$0xB0] =	vst v17  }
0x57c: {  	v22 =	vor.u32 v1, v16;
	v14 =	vld.idx.msk [tilespmem:v20+s20+$0x0], $0xffff;
	[tilespmem:s0+$0x20] =	vst v19  }
0x57d: {  	v15 =	vld.idx.msk [tilespmem:v15+s20+$0x0], $0xffff;
	s6 =	sadd.s32 $0x12A00, s1;
	[tilespmem:s0+$0xE0] =	vst v13  }
0x57e: {  	v12 =	vld.idx.msk [tilespmem:v12+s20+$0x0], $0xffff;
	[tilespmem:s6+$0x60] =	vst v11  }
0x57f: {  	v3 =	vor.u32 v6, v3;
	v17 =	vld.idx.msk [tilespmem:v21+s20+$0x0], $0xffff;
	s15 =	simm.s32 $0x0;
	[tilespmem:s6+$0x10] =	vst v18  }
0x580: {  	v9 =	vld.idx.msk [tilespmem:v9+s20+$0x0], $0xffff;
	s2 =	sand.u32 $0xFFFFFF80, s15;
	[tilespmem:s6+$0x50] =	vst v7  }
0x581: {  	v1 =	vor.u32 v1, v5;
	s0 =	simm.s32 $0x0;
	v11 =	vmov s2;
	s7 =	sor.u32 $0x40, s2;
	v13 =	vld.idx.msk [tilespmem:v22+s20+$0x0], $0xffff;
	[tilespmem:s6+$0x90] =	vst v14  }
0x582: {  	s5 =	sand.u32 $0x6, s0;
	s8 =	sor.u32 $0x50, s2;
	v5 =	vmov s7;
	v7 =	vld.idx.msk [tilespmem:v10+s20+$0x0], $0xffff;
	v10 =	vor.u32 v6, v16;
	v6 =	vor.u32 v6, v4;
	[tilespmem:s6+$0x80] =	vst v15  }
0x583: {  	v4 =	vshll.u32 v11, $0x7;
	v11 =	vmov s8;
	v14 =	vmov s5;
	[tilespmem:s6+$0xA0] =	vst v12;
	v12 =	vld.idx.msk [tilespmem:v2+s20+$0x0], $0xffff  }
0x584: {  	s10 =	sor.u32 $0x10, s2;
	v3 =	vld.idx.msk [tilespmem:v3+s20+$0x0], $0xffff;
	[tilespmem:s6+$0xF0] =	vst v17;
	v2 =	vshll.u32 v5, $0x7;
	v5 =	vshll.u32 v11, $0x7;
	v11 =	vor.u32 $0x10, v14  }
0x585: {  	v8 =	vld.idx.msk [tilespmem:v8+s20+$0x0], $0xffff;
	v15 =	vmov s10;
	[tilespmem:s1+$0x12A00] =	vst v9;
	v4 =	vor.u32 v0, v4;
	v11 =	vbroadcast v11, $0x0  }
0x586: {  	s24 =	sor.u32 $0x30, s2;
	s26 =	sor.u32 $0x60, s2;
	v2 =	vor.u32 v0, v2;
	v14 =	vld.idx.msk [tilespmem:v1+s20+$0x0], $0xffff;
	v9 =	vshll.u32 v15, $0x7;
	v5 =	vor.u32 v0, v5;
	[tilespmem:s6+$0x30] =	vst v13  }
0x587: {  	s30 =	sor.u32 $0x70, s2;
	s2 =	sor.u32 $0x20, s2;
	v17 =	vor.u32 v4, v11;
	v10 =	vld.idx.msk [tilespmem:v10+s20+$0x0], $0xffff;
	[tilespmem:s6+$0x40] =	vst v7;
	v7 =	vmov s24;
	v13 =	vmov s26  }
0x588: {  	s31 =	sor.u32 $0x11, s5;
	v15 =	vor.u32 v2, v11;
	v16 =	vld.idx.msk [tilespmem:v6+s20+$0x0], $0xffff;
	v6 =	vmov s30;
	[tilespmem:s6+$0xC0] =	vst v12;
	v12 =	vmov s2  }
0x589: {  	p1 =	por $0x1, $0x1;
	[tilespmem:s6+$0xD0] =	vst v3;
	v1 =	vshll.u32 v7, $0x7;
	v3 =	vshll.u32 v13, $0x7;
	v7 =	vmov s31  }
.Ltmp44:
0x58a: {  	[tilespmem:s6+$0x70] =	vst v8;
	v8 =	vshll.u32 v12, $0x7;
	v1 =	vor.u32 v0, v1;
	v3 =	vor.u32 v0, v3;
	(pc) =	sbr.rel @!p1 .LBB2_64-.Ltmp44, $4  }
0x58b: {  	[tilespmem:s6+$0x20] =	vst v14;
	v13 =	vbroadcast v7, $0x0;
	v7 =	vor.u32 v0, v8;
	v8 =	vshll.u32 v6, $0x7  }
0x58c: {  	v6 =	vor.u32 v0, v9;
	v24 =	vor.u32 v1, v11;
	v20 =	vor.u32 v7, v11;
	[tilespmem:s6+$0xB0] =	vst v10  }
0x58d: {  	v19 =	vor.u32 v6, v11;
	v9 =	vor.u32 v3, v11;
	v8 =	vor.u32 v0, v8;
	[tilespmem:s6+$0xE0] =	vst v16  }
0x58e: {  	p0 =	por $0x0, $0x0;
	s12 =	sshll.u32 s5, $0x7;
	s1 =	simm.s32 $0x0;
	v18 =	vor.u32 v2, v13;
	v12 =	vor.u32 v7, v13;
	v10 =	vor.u32 v5, v11;
	v16 =	vld.idx.msk [tilespmem:v17+s20+$0x0], $0xffff  }
0x58f: {  	_ =	sdelay $0x3  }
0x590: {  	v17 =	vld.idx.msk [tilespmem:v24+s20+$0x0], $0xffff  }
0x591: {  	v15 =	vld.idx.msk [tilespmem:v15+s20+$0x0], $0xffff  }
0x592: {  	v14 =	vor.u32 v1, v13;
	v20 =	vld.idx.msk [tilespmem:v20+s20+$0x0], $0xffff  }
0x593: {  	v21 =	vor.u32 v3, v13;
	s2 =	simm.s32 $0x20;
	v11 =	vor.u32 v8, v11;
	s10 =	simm.s32 $0x2;
	v19 =	vld.idx.msk [tilespmem:v19+s20+$0x0], $0xffff  }
0x594: {  	s5 =	sand.u32 $0x3FFFFC00, s1;
	v22 =	vor.u32 v4, v13;
	v23 =	vor.u32 v5, v13;
	v29 =	vor.u32 v6, v13;
	v18 =	vld.idx.msk [tilespmem:v18+s20+$0x0], $0xffff;
	s2 =	sand.u32 $0xFFFFFF80, s2;
	s14 =	sand.u32 $0x6, s10  }
0x595: {  	v30 =	vor.u32 v8, v13;
	v12 =	vld.idx.msk [tilespmem:v12+s20+$0x0], $0xffff;
	s5 =	sor.u32 s12, s5;
	s6 =	sor.u32 $0x40, s2;
	v24 =	vmov s2;
	s7 =	sor.u32 $0x50, s2;
	v26 =	vmov s14  }
0x596: {  	v28 =	vld.idx.msk [tilespmem:v10+s20+$0x0], $0xffff;
	s15 =	sor.u32 $0x10, s2;
	v13 =	vmov s6;
	v24 =	vshll.u32 v24, $0x7;
	v25 =	vmov s7;
	s7 =	sadd.s32 $0x13200, s5;
	[tilespmem:s5+$0x13200] =	vst v16  }
0x597: {  	v27 =	vmov s15;
	v13 =	vshll.u32 v13, $0x7;
	v16 =	vld.idx.msk [tilespmem:v14+s20+$0x0], $0xffff;
	v14 =	vor.u32 v0, v24;
	[tilespmem:s7+$0x30] =	vst v17  }
0x598: {  	s24 =	sor.u32 $0x30, s2;
	s26 =	sor.u32 $0x60, s2;
	v24 =	vld.idx.msk [tilespmem:v21+s20+$0x0], $0xffff;
	v31 =	vor.u32 v0, v13;
	v13 =	vshll.u32 v25, $0x7;
	v17 =	vor.u32 $0x10, v26;
	[tilespmem:s7+$0x40] =	vst v15  }
0x599: {  	s30 =	sor.u32 $0x20, s2;
	s31 =	sor.u32 $0x11, s14;
	v32 =	vld.idx.msk [tilespmem:v11+s20+$0x0], $0xffff;
	v15 =	vmov s24;
	v21 =	vmov s26;
	[tilespmem:s7+$0x20] =	vst v20;
	v20 =	vshll.u32 v27, $0x7  }
0x59a: {  	s2 =	sor.u32 $0x70, s2;
	v33 =	vld.idx.msk [tilespmem:v22+s20+$0x0], $0xffff;
	[tilespmem:s7+$0xC0] =	vst v18;
	v18 =	vmov s31;
	v22 =	vmov s30;
	v11 =	vbroadcast v17, $0x0  }
0x59b: {  	[tilespmem:s7+$0x10] =	vst v19;
	v26 =	vld.idx.msk [tilespmem:v9+s20+$0x0], $0xffff;
	v9 =	vmov s2;
	v17 =	vor.u32 v0, v13;
	v13 =	vshll.u32 v15, $0x7  }
0x59c: {  	p3 =	por $0x1, $0x1;
	[tilespmem:s7+$0xA0] =	vst v12;
	v19 =	vshll.u32 v21, $0x7;
	v21 =	vld.idx.msk [tilespmem:v23+s20+$0x0], $0xffff;
	v25 =	vor.u32 v0, v13;
	v34 =	vor.u32 v14, v11  }
.Ltmp45:
0x59d: {  	v10 =	vshll.u32 v22, $0x7;
	v22 =	vld.idx.msk [tilespmem:v29+s20+$0x0], $0xffff;
	v23 =	vor.u32 v0, v20;
	[tilespmem:s7+$0xE0] =	vst v24;
	v24 =	vor.u32 v25, v11;
	(pc) =	sbr.rel @!p3 .LBB2_67-.Ltmp45, $4  }
0x59e: {  	v29 =	vld.idx.msk [tilespmem:v30+s20+$0x0], $0xffff;
	v30 =	vshll.u32 v9, $0x7;
	v35 =	vor.u32 v0, v10;
	v15 =	vor.u32 v31, v11;
	[tilespmem:s7+$0xB0] =	vst v16  }
0x59f: {  	v27 =	vor.u32 v0, v19;
	v13 =	vbroadcast v18, $0x0;
	v20 =	vor.u32 v35, v11;
	[tilespmem:s7+$0x70] =	vst v32  }
0x5a0: {  	s13 =	simm.s32 $0x100;
	p2 =	por $0x1, $0x1;
	v30 =	vor.u32 v0, v30;
	v19 =	vor.u32 v23, v11;
	v10 =	vor.u32 v17, v11;
	[tilespmem:s7+$0x80] =	vst v33  }
0x5a1: {  	s12 =	sshll.u32 s14, $0x7;
	s6 =	simm.s32 $0x10;
	v9 =	vor.u32 v27, v11;
	v18 =	vor.u32 v31, v13;
	v12 =	vor.u32 v35, v13;
	s26 =	rddreg [dreg:$0xd];
	v16 =	vld.idx.msk [tilespmem:v34+s20+$0x0], $0xffff  }
.LBB2_66:
0x5a2: {  	s6 =	sadd.s32 $0x10, s6;
	v24 =	vld.idx.msk [tilespmem:v24+s20+$0x0], $0xffff;
	v25 =	vor.u32 v25, v13;
	v27 =	vor.u32 v27, v13;
	s10 =	sadd.s32 $0x2, s10;
	[tilespmem:s7+$0x50] =	vst v28  }
0x5a3: {  	s5 =	sand.u32 $0x3FFFFC00, s13;
	v28 =	vor.u32 v14, v13;
	v31 =	vor.u32 v17, v13;
	s2 =	sshll.u32 s6, $0x1;
	s13 =	sshll.u32 s6, $0x4;
	v15 =	vld.idx.msk [tilespmem:v15+s20+$0x0], $0xffff;
	[tilespmem:s7+$0xD0] =	vst v21  }
0x5a4: {  	v11 =	vor.u32 v30, v11;
	v23 =	vor.u32 v23, v13;
	s8 =	sand.u32 $0x6, s10;
	s5 =	sor.u32 s12, s5;
	s2 =	sand.u32 $0xFFFFFF80, s2;
	v20 =	vld.idx.msk [tilespmem:v20+s20+$0x0], $0xffff;
	[tilespmem:s7+$0x60] =	vst v26  }
0x5a5: {  	v30 =	vor.u32 v30, v13;
	v14 =	vmov s2;
	s11 =	sor.u32 $0x10, s2;
	s12 =	sor.u32 $0x40, s2;
	s14 =	sor.u32 $0x50, s2;
	v19 =	vld.idx.msk [tilespmem:v19+s20+$0x0], $0xffff;
	[tilespmem:s7+$0xF0] =	vst v29  }
0x5a6: {  	s15 =	sor.u32 $0x20, s2;
	s24 =	sor.u32 $0x30, s2;
	v13 =	vshll.u32 v14, $0x7;
	v14 =	vmov s12;
	v17 =	vmov s14;
	v18 =	vld.idx.msk [tilespmem:v18+s20+$0x0], $0xffff;
	[tilespmem:s7+$0x90] =	vst v22;
	s7 =	sadd.s32 $0x13200, s5  }
0x5a7: {  	v21 =	vmov s8;
	v22 =	vmov s11;
	s11 =	sor.u32 $0x60, s2;
	s2 =	sor.u32 $0x70, s2;
	s14 =	sor.u32 $0x11, s8;
	v26 =	vshll.u32 v14, $0x7;
	[tilespmem:s5+$0x13200] =	vst v16;
	v16 =	vld.idx.msk [tilespmem:v25+s20+$0x0], $0xffff  }
0x5a8: {  	p3 =	slt.u32 s6, $0x70;
	s12 =	sshll.u32 s8, $0x7;
	v14 =	vor.u32 v0, v13;
	v13 =	vshll.u32 v17, $0x7;
	v29 =	vor.u32 v0, v26;
	[tilespmem:s7+$0x30] =	vst v24;
	v32 =	vld.idx.msk [tilespmem:v27+s20+$0x0], $0xffff  }
0x5a9: {  	v17 =	vor.u32 $0x10, v21;
	v21 =	vmov s24;
	v24 =	vmov s11;
	[tilespmem:s7+$0x40] =	vst v15;
	v33 =	vld.idx.msk [tilespmem:v11+s20+$0x0], $0xffff  }
0x5aa: {  	v34 =	vshll.u32 v22, $0x7;
	v11 =	vbroadcast v17, $0x0;
	v17 =	vor.u32 v0, v13;
	[tilespmem:s7+$0x20] =	vst v20;
	v35 =	vld.idx.msk [tilespmem:v28+s20+$0x0], $0xffff  }
0x5ab: {  	v22 =	vmov s2;
	v13 =	vshll.u32 v21, $0x7;
	v20 =	vshll.u32 v24, $0x7;
	[tilespmem:s7+$0x10] =	vst v19;
	v12 =	vld.idx.msk [tilespmem:v12+s20+$0x0], $0xffff  }
0x5ac: {  	v26 =	vmov s14;
	v19 =	vor.u32 v14, v11;
	v15 =	vor.u32 v29, v11;
	[tilespmem:s7+$0xC0] =	vst v18;
	v21 =	vld.idx.msk [tilespmem:v31+s20+$0x0], $0xffff  }
0x5ad: {  	v25 =	vor.u32 v0, v13;
	v27 =	vor.u32 v0, v20;
	v18 =	vmov s15;
	v28 =	vld.idx.msk [tilespmem:v10+s20+$0x0], $0xffff;
	[tilespmem:s7+$0xB0] =	vst v16  }
.Ltmp46:
0x5ae: {  	v13 =	vbroadcast v26, $0x0;
	v24 =	vor.u32 v25, v11;
	v10 =	vshll.u32 v18, $0x7;
	v26 =	vld.idx.msk [tilespmem:v9+s20+$0x0], $0xffff;
	[tilespmem:s7+$0xE0] =	vst v32;
	(pc) =	sbr.rel @p3 .LBB2_66-.Ltmp46, $4  }
0x5af: {  	v31 =	vor.u32 v0, v10;
	v32 =	vshll.u32 v22, $0x7;
	[tilespmem:s7+$0x70] =	vst v33;
	v22 =	vld.idx.msk [tilespmem:v23+s20+$0x0], $0xffff  }
0x5b0: {  	v18 =	vor.u32 v29, v13;
	v23 =	vor.u32 v0, v34;
	v20 =	vor.u32 v31, v11;
	v29 =	vld.idx.msk [tilespmem:v30+s20+$0x0], $0xffff  }
0x5b1: {  	v10 =	vor.u32 v17, v11;
	v16 =	vld.idx.msk [tilespmem:v19+s20+$0x0], $0xffff;
	v19 =	vor.u32 v23, v11;
	[tilespmem:s7+$0xA0] =	vst v12  }
0x5b2: {  	v9 =	vor.u32 v27, v11;
	v30 =	vor.u32 v0, v32;
	v12 =	vor.u32 v31, v13;
	[tilespmem:s7+$0x80] =	vst v35  }
.LBB2_67:
0x5b3: {  	_ =	sdelay $0x2  }
0x5b4: {  	[tilespmem:s7+$0x50] =	vst @p2 v28  }
0x5b5: {  	v24 =	vld.idx.msk [tilespmem:v24+s20+$0x0], $0xffff;
	v25 =	vor.u32 v25, v13;
	[tilespmem:s7+$0xD0] =	vst @p2 v21  }
0x5b6: {  	v15 =	vld.idx.msk [tilespmem:v15+s20+$0x0], $0xffff;
	[tilespmem:s7+$0x60] =	vst @p2 v26  }
0x5b7: {  	s2 =	sand.u32 $0x3FFFFC00, s13;
	v20 =	vld.idx.msk [tilespmem:v20+s20+$0x0], $0xffff;
	[tilespmem:s7+$0x90] =	vst @p2 v22  }
0x5b8: {  	v11 =	vor.u32 v30, v11;
	v19 =	vld.idx.msk [tilespmem:v19+s20+$0x0], $0xffff;
	s2 =	sor.u32 s12, s2;
	[tilespmem:s7+$0xF0] =	vst @p2 v29  }
0x5b9: {  	v62 =	vor.u32 v27, v13;
	v18 =	vld.idx.msk [tilespmem:v18+s20+$0x0], $0xffff;
	s5 =	sadd.s32 $0x13200, s2;
	[tilespmem:s2+$0x13200] =	vst v16  }
0x5ba: {  	v14 =	vor.u32 v14, v13;
	v16 =	vld.idx.msk [tilespmem:v25+s20+$0x0], $0xffff;
	[tilespmem:s5+$0x30] =	vst v24  }
0x5bb: {  	v17 =	vor.u32 v17, v13;
	v12 =	vld.idx.msk [tilespmem:v12+s20+$0x0], $0xffff;
	[tilespmem:s5+$0x40] =	vst v15  }
0x5bc: {  	v10 =	vld.idx.msk [tilespmem:v10+s20+$0x0], $0xffff;
	[tilespmem:s5+$0x20] =	vst v20  }
0x5bd: {  	v11 =	vld.idx.msk [tilespmem:v11+s20+$0x0], $0xffff;
	v15 =	vor.u32 v30, v13;
	[tilespmem:s5+$0x10] =	vst v19  }
0x5be: {  	v21 =	vld.idx.msk [tilespmem:v62+s20+$0x0], $0xffff;
	v13 =	vor.u32 v23, v13;
	[tilespmem:s5+$0xC0] =	vst v18  }
0x5bf: {  	v14 =	vld.idx.msk [tilespmem:v14+s20+$0x0], $0xffff;
	[tilespmem:s5+$0xB0] =	vst v16;
	v16 =	vmov s0  }
0x5c0: {  	v17 =	vld.idx.msk [tilespmem:v17+s20+$0x0], $0xffff;
	[tilespmem:s5+$0xA0] =	vst v12;
	v16 =	vand.u32 $0x7, v16  }
0x5c1: {  	v18 =	vld.idx.msk [tilespmem:v9+s20+$0x0], $0xffff;
	[tilespmem:s5+$0x50] =	vst v10;
	v9 =	vor.u32 $0x18, v16  }
0x5c2: {  	s30 =	sor.u32 $0x19, s0;
	[tilespmem:s5+$0x70] =	vst v11;
	v11 =	vld.idx.msk [tilespmem:v15+s20+$0x0], $0xffff;
	v9 =	vbroadcast v9, $0x0  }
0x5c3: {  	v12 =	vmov s30;
	[tilespmem:s5+$0xE0] =	vst v21;
	v19 =	vld.idx.msk [tilespmem:v13+s20+$0x0], $0xffff  }
0x5c4: {  	v10 =	vand.u32 $0x7, v12;
	[tilespmem:s5+$0x80] =	vst v14;
	v63 =	vor.u32 v9, v1  }
.Ltmp47:
0x5c5: {  	v10 =	vor.u32 $0x18, v10;
	[tilespmem:s5+$0xD0] =	vst v17;
	(pc) =	sbr.rel @!p1 .LBB2_68-.Ltmp47, $4  }
0x5c6: {  	[tilespmem:s5+$0x60] =	vst v18;
	v13 =	vbroadcast v10, $0x0;
	v15 =	vor.u32 v9, v6  }
0x5c7: {  	s31 =	sand.u32 $0xC00, s0;
	[tilespmem:s5+$0xF0] =	vst v11;
	v17 =	vor.u32 v9, v2;
	v16 =	vor.u32 v9, v5;
	v12 =	vor.u32 v9, v8  }
0x5c8: {  	s1 =	sand.u32 $0x3FFFFC00, s1;
	s0 =	sshrl.u32 s31, $0x2;
	[tilespmem:s5+$0x90] =	vst v19;
	v14 =	vor.u32 v9, v3;
	v10 =	vor.u32 v9, v7;
	v11 =	vor.u32 v13, v7  }
0x5c9: {  	s6 =	simm.s32 $0x400;
	s1 =	sor.u32 s0, s1;
	s0 =	simm.s32 $0x2;
	v7 =	vor.u32 v13, v8;
	v6 =	vor.u32 v13, v6;
	v5 =	vor.u32 v13, v5;
	v8 =	vld.idx.msk [tilespmem:v63+s20+$0x0], $0xffff  }
0x5ca: {  	_ =	sdelay $0x3  }
0x5cb: {  	v15 =	vld.idx.msk [tilespmem:v15+s20+$0x0], $0xffff  }
0x5cc: {  	v17 =	vld.idx.msk [tilespmem:v17+s20+$0x0], $0xffff  }
0x5cd: {  	v16 =	vld.idx.msk [tilespmem:v16+s20+$0x0], $0xffff  }
0x5ce: {  	v18 =	vor.u32 v4, v13;
	v2 =	vor.u32 v13, v2;
	v12 =	vld.idx.msk [tilespmem:v12+s20+$0x0], $0xffff  }
0x5cf: {  	s2 =	simm.s32 $0x20;
	v4 =	vor.u32 v4, v9;
	v19 =	vor.u32 v13, v1;
	s5 =	sor.u32 $0x19, s0;
	v1 =	vmov s0;
	v14 =	vld.idx.msk [tilespmem:v14+s20+$0x0], $0xffff  }
0x5d0: {  	v21 =	vor.u32 v13, v3;
	s0 =	sadd.s32 $0x13A00, s1;
	v5 =	vld.idx.msk [tilespmem:v5+s20+$0x0], $0xffff;
	s2 =	sand.u32 $0xFFFFFF80, s2;
	v9 =	vmov s5;
	v1 =	vand.u32 $0x7, v1  }
0x5d1: {  	v10 =	vld.idx.msk [tilespmem:v10+s20+$0x0], $0xffff;
	v3 =	vmov s2;
	s7 =	sor.u32 $0x30, s2;
	s8 =	sor.u32 $0x10, s2;
	s13 =	sor.u32 $0x50, s2;
	v1 =	vor.u32 $0x18, v1;
	v9 =	vand.u32 $0x7, v9  }
0x5d2: {  	v13 =	vmov s7;
	v20 =	vmov s8;
	v22 =	vmov s13;
	[tilespmem:s0+$0x30] =	vst v8  }
0x5d3: {  	v27 =	vld.idx.msk [tilespmem:v7+s20+$0x0], $0xffff;
	s14 =	sor.u32 $0x40, s2;
	s24 =	sor.u32 $0x70, s2;
	v23 =	vor.u32 $0x18, v9;
	v9 =	vbroadcast v1, $0x0;
	v25 =	vshll.u32 v3, $0x7;
	[tilespmem:s0+$0x10] =	vst v15  }
0x5d4: {  	v7 =	vmov s24;
	v13 =	vshll.u32 v13, $0x7;
	v8 =	vld.idx.msk [tilespmem:v11+s20+$0x0], $0xffff;
	v11 =	vmov s14;
	[tilespmem:s0+$0x40] =	vst v17  }
0x5d5: {  	v22 =	vshll.u32 v22, $0x7;
	v3 =	vshll.u32 v20, $0x7;
	v7 =	vshll.u32 v7, $0x7;
	v18 =	vld.idx.msk [tilespmem:v18+s20+$0x0], $0xffff;
	[tilespmem:s0+$0x50] =	vst v16  }
0x5d6: {  	s15 =	sor.u32 $0x60, s2;
	s2 =	sor.u32 $0x20, s2;
	v11 =	vshll.u32 v11, $0x7;
	v22 =	vor.u32 v0, v22;
	v1 =	vor.u32 v0, v13;
	v24 =	vld.idx.msk [tilespmem:v2+s20+$0x0], $0xffff;
	[tilespmem:s0+$0x70] =	vst v12  }
0x5d7: {  	v13 =	vmov s15;
	v26 =	vor.u32 v0, v3;
	[tilespmem:s0+$0x60] =	vst v14;
	v20 =	vld.idx.msk [tilespmem:v4+s20+$0x0], $0xffff;
	v4 =	vmov s2  }
0x5d8: {  	v29 =	vld.idx.msk [tilespmem:v19+s20+$0x0], $0xffff;
	[tilespmem:s0+$0xD0] =	vst v5;
	v5 =	vor.u32 v0, v7;
	v2 =	vor.u32 v0, v11;
	v3 =	vshll.u32 v13, $0x7  }
0x5d9: {  	p1 =	por $0x1, $0x1;
	[tilespmem:s0+$0x20] =	vst v10;
	v15 =	vor.u32 v9, v26;
	v28 =	vor.u32 v9, v1;
	v16 =	vor.u32 v9, v22  }
.Ltmp48:
0x5da: {  	v19 =	vld.idx.msk [tilespmem:v6+s20+$0x0], $0xffff;
	[tilespmem:s0+$0xF0] =	vst v27;
	v6 =	vshll.u32 v4, $0x7;
	v12 =	vor.u32 v9, v5;
	v13 =	vbroadcast v23, $0x0;
	(pc) =	sbr.rel @!p1 .LBB2_71-.Ltmp48, $4  }
0x5db: {  	v17 =	vor.u32 v9, v2;
	v3 =	vor.u32 v0, v3;
	v6 =	vor.u32 v0, v6;
	[tilespmem:s0+$0xA0] =	vst v8  }
0x5dc: {  	s30 =	sand.u32 $0xC00, s6;
	s31 =	simm.s32 $0x100;
	s10 =	simm.s32 $0x10;
	v4 =	vor.u32 v0, v25;
	v14 =	vor.u32 v9, v3;
	v10 =	vor.u32 v9, v6;
	[tilespmem:s0+$0x80] =	vst v18  }
0x5dd: {  	s6 =	simm.s32 $0x4;
	s5 =	sand.u32 $0x3FFFFC00, s31;
	s2 =	sshrl.u32 s30, $0x2;
	v11 =	vor.u32 v13, v6;
	v7 =	vor.u32 v13, v5;
	[tilespmem:s0+$0xC0] =	vst v24;
	v18 =	vld.idx.msk [tilespmem:v21+s20+$0x0], $0xffff  }
0x5de: {  	s12 =	simm.s32 $0x800;
	p0 =	por $0x1, $0x1;
	s7 =	sor.u32 s2, s5;
	v6 =	vor.u32 v13, v26;
	v5 =	vor.u32 v13, v22;
	[tilespmem:s0+$0xB0] =	vst v29;
	v8 =	vld.idx.msk [tilespmem:v28+s20+$0x0], $0xffff  }
.LBB2_70:
0x5df: {  	s10 =	sadd.s32 $0x10, s10;
	s2 =	sand.u32 $0xC00, s12;
	s5 =	sadd.s32 $0x13A00, s7;
	v15 =	vld.idx.msk [tilespmem:v15+s20+$0x0], $0xffff;
	v21 =	vor.u32 v4, v13;
	v2 =	vor.u32 v13, v2;
	[tilespmem:s1+$0x13A00] =	vst v20  }
0x5e0: {  	v4 =	vor.u32 v4, v9;
	v22 =	vor.u32 v13, v3;
	s1 =	sshll.u32 s10, $0x1;
	s8 =	sshll.u32 s10, $0x4;
	s2 =	sshrl.u32 s2, $0x2;
	v9 =	vld.idx.msk [tilespmem:v17+s20+$0x0], $0xffff;
	v17 =	vor.u32 v13, v1  }
0x5e1: {  	s11 =	sor.u32 $0x19, s6;
	s1 =	sand.u32 $0xFFFFFF80, s1;
	s8 =	sand.u32 $0x3FFFFC00, s8;
	v3 =	vld.idx.msk [tilespmem:v16+s20+$0x0], $0xffff;
	[tilespmem:s0+$0x90] =	vst v19  }
0x5e2: {  	v1 =	vmov s6;
	v16 =	vmov s11;
	v13 =	vmov s1;
	s14 =	sor.u32 $0x10, s1;
	s13 =	sor.u32 $0x20, s1;
	s15 =	sor.u32 $0x30, s1;
	v12 =	vld.idx.msk [tilespmem:v12+s20+$0x0], $0xffff  }
0x5e3: {  	v1 =	vand.u32 $0x7, v1;
	s11 =	sor.u32 $0x40, s1;
	v19 =	vmov s14;
	v20 =	vmov s15;
	s14 =	sor.u32 $0x50, s1;
	s15 =	sor.u32 $0x60, s1;
	v14 =	vld.idx.msk [tilespmem:v14+s20+$0x0], $0xffff;
	[tilespmem:s0+$0xE0] =	vst v18  }
0x5e4: {  	p1 =	slt.u32 s10, $0x70;
	s2 =	sor.u32 s2, s8;
	s8 =	sor.u32 $0x70, s1;
	v18 =	vshll.u32 v20, $0x7;
	v20 =	vmov s11;
	v23 =	vmov s14;
	[tilespmem:s5+$0x30] =	vst v8;
	v8 =	vld.idx.msk [tilespmem:v11+s20+$0x0], $0xffff  }
0x5e5: {  	v1 =	vor.u32 $0x18, v1;
	v16 =	vand.u32 $0x7, v16;
	s0 =	smov.u32 s5;
	s1 =	smov.u32 s7;
	s7 =	smov.u32 s2;
	v11 =	vshll.u32 v23, $0x7;
	[tilespmem:s5+$0x10] =	vst v15;
	v5 =	vld.idx.msk [tilespmem:v5+s20+$0x0], $0xffff  }
0x5e6: {  	v15 =	vshll.u32 v20, $0x7;
	v23 =	vor.u32 v0, v11;
	v11 =	vor.u32 $0x18, v16;
	[tilespmem:s0+$0x40] =	vst v9;
	v21 =	vld.idx.msk [tilespmem:v21+s20+$0x0], $0xffff  }
0x5e7: {  	v9 =	vbroadcast v1, $0x0;
	v1 =	vor.u32 v0, v18;
	v16 =	vmov s15;
	[tilespmem:s0+$0x50] =	vst v3;
	v18 =	vld.idx.msk [tilespmem:v2+s20+$0x0], $0xffff  }
0x5e8: {  	v24 =	vshll.u32 v13, $0x7;
	v3 =	vshll.u32 v19, $0x7;
	v2 =	vor.u32 v0, v15;
	v10 =	vld.idx.msk [tilespmem:v10+s20+$0x0], $0xffff;
	[tilespmem:s0+$0x70] =	vst v12  }
0x5e9: {  	v25 =	vor.u32 v0, v3;
	v3 =	vshll.u32 v16, $0x7;
	v12 =	vmov s8;
	[tilespmem:s0+$0x60] =	vst v14;
	v26 =	vld.idx.msk [tilespmem:v7+s20+$0x0], $0xffff  }
0x5ea: {  	v27 =	vor.u32 v9, v1;
	v15 =	vor.u32 v9, v25;
	v7 =	vshll.u32 v12, $0x7;
	[tilespmem:s0+$0xA0] =	vst v8;
	v28 =	vld.idx.msk [tilespmem:v17+s20+$0x0], $0xffff  }
0x5eb: {  	v3 =	vor.u32 v0, v3;
	v17 =	vor.u32 v9, v2;
	v20 =	vld.idx.msk [tilespmem:v4+s20+$0x0], $0xffff;
	[tilespmem:s0+$0xD0] =	vst v5  }
.Ltmp49:
0x5ec: {  	v16 =	vor.u32 v9, v23;
	v4 =	vmov s13;
	v5 =	vor.u32 v0, v7;
	[tilespmem:s0+$0x80] =	vst v21;
	v19 =	vld.idx.msk [tilespmem:v6+s20+$0x0], $0xffff;
	(pc) =	sbr.rel @p1 .LBB2_70-.Ltmp49, $4  }
0x5ed: {  	v13 =	vbroadcast v11, $0x0;
	v6 =	vshll.u32 v4, $0x7;
	v12 =	vor.u32 v9, v5;
	[tilespmem:s0+$0xC0] =	vst v18;
	v18 =	vld.idx.msk [tilespmem:v22+s20+$0x0], $0xffff  }
0x5ee: {  	v14 =	vor.u32 v9, v3;
	v4 =	vor.u32 v0, v24;
	v6 =	vor.u32 v0, v6;
	[tilespmem:s0+$0x20] =	vst v10  }
0x5ef: {  	v7 =	vor.u32 v13, v5;
	v10 =	vor.u32 v9, v6;
	v11 =	vor.u32 v13, v6;
	[tilespmem:s0+$0xF0] =	vst v26  }
0x5f0: {  	s12 =	sadd.s32 $0x400, s12;
	s6 =	sadd.s32 $0x2, s6;
	v5 =	vor.u32 v13, v23;
	v6 =	vor.u32 v13, v25;
	v8 =	vld.idx.msk [tilespmem:v27+s20+$0x0], $0xffff;
	[tilespmem:s0+$0xB0] =	vst v28  }
.LBB2_71:
0x5f1: {  	_ =	sdelay $0x3  }
0x5f2: {  	v15 =	vld.idx.msk [tilespmem:v15+s20+$0x0], $0xffff  }
0x5f3: {  	[tilespmem:s1+$0x13A00] =	vst @p0 v20;
	v17 =	vld.idx.msk [tilespmem:v17+s20+$0x0], $0xffff  }
0x5f4: {  	v16 =	vld.idx.msk [tilespmem:v16+s20+$0x0], $0xffff;
	[tilespmem:s0+$0x90] =	vst @p0 v19  }
0x5f5: {  	s24 =	sadd.s32 $0x13A00, s7;
	v12 =	vld.idx.msk [tilespmem:v12+s20+$0x0], $0xffff;
	[tilespmem:s0+$0xE0] =	vst @p0 v18  }
0x5f6: {  	v2 =	vor.u32 v13, v2;
	v14 =	vld.idx.msk [tilespmem:v14+s20+$0x0], $0xffff;
	[tilespmem:s24+$0x30] =	vst v8  }
0x5f7: {  	v60 =	vld.idx.msk [tilespmem:v11+s20+$0x0], $0xffff;
	[tilespmem:s24+$0x10] =	vst v15  }
0x5f8: {  	v59 =	vor.u32 v4, v13;
	v5 =	vld.idx.msk [tilespmem:v5+s20+$0x0], $0xffff;
	[tilespmem:s24+$0x40] =	vst v17  }
0x5f9: {  	v1 =	vor.u32 v13, v1;
	v10 =	vld.idx.msk [tilespmem:v10+s20+$0x0], $0xffff;
	[tilespmem:s24+$0x50] =	vst v16  }
0x5fa: {  	v61 =	vor.u32 v4, v9;
	v7 =	vld.idx.msk [tilespmem:v7+s20+$0x0], $0xffff;
	[tilespmem:s24+$0x70] =	vst v12  }
0x5fb: {  	v3 =	vor.u32 v13, v3;
	v2 =	vld.idx.msk [tilespmem:v2+s20+$0x0], $0xffff;
	[tilespmem:s24+$0x60] =	vst v14  }
0x5fc: {  	v63 =	vld.idx.msk [tilespmem:v6+s20+$0x0], $0xffff;
	[tilespmem:s24+$0xA0] =	vst v60  }
0x5fd: {  	v62 =	vld.idx.msk [tilespmem:v59+s20+$0x0], $0xffff;
	[tilespmem:s24+$0xD0] =	vst v5  }
0x5fe: {  	v1 =	vld.idx.msk [tilespmem:v1+s20+$0x0], $0xffff;
	[tilespmem:s24+$0x20] =	vst v10  }
0x5ff: {  	v4 =	vld.idx.msk [tilespmem:v61+s20+$0x0], $0xffff;
	[tilespmem:s24+$0xF0] =	vst v7  }
0x600: {  	[tilespmem:s24+$0xC0] =	vst v2;
	v2 =	vld.idx.msk [tilespmem:v3+s20+$0x0], $0xffff  }
0x601: {  	[tilespmem:s24+$0x90] =	vst v63  }
0x602: {  	[tilespmem:s24+$0x80] =	vst v62  }
0x603: {  	[tilespmem:s24+$0xB0] =	vst v1  }
0x604: {  	[tilespmem:s7+$0x13A00] =	vst v4  }
0x605: {  	[tilespmem:s24+$0xE0] =	vst v2  }
0x606: {  	s30 =	simm.s32 $0x12200;
	s0 =	rddreg [dreg:$0xb]  }
0x607: {  	[hbm4b:s0+s22] =	stream.strided.scatter [tilespmem:s30], [sflag:$0x6], $0x2000, s23, s22, $0x38;
	[tilespmem:$0x14200] =	vst v63  }
0x608: {  	_ =	swait.ge [sflag:s28], $0x2000  }
0x609: {  	[sflag:s28] =	ssyncset.done $0x0  }
0x60a: {  	[sflag:s28] =	ssyncadd.s32 $0xFFFFE000  }
0x60b: {  	_ =	swait.ge [sflag:s29], $0x2000  }
0x60c: {  	s26 =	sadd.s32 $0x1, s26;
	s31 =	rddreg [dreg:$0xc]  }
0x60d: {  	p0 =	sne.s32 s26, s31  }
.Ltmp50:
0x60e: {  	_ = 	snop;
	(pc) =	sbr.rel @p0 .LBB2_1-.Ltmp50, $4  }
.Ltmp51:
0x60f: {  	_ = 	snop;
	(pc) =	sbr.rel @!p0 .LBB2_72-.Ltmp51, $4  }
0x610: {  	_ = 	snop  }
0x611: {  	[sflag:s29] =	ssyncset.done $0x0  }
0x612: {  	[sflag:s29] =	ssyncadd.s32 $0xFFFFE000  }
0x613: {  	_ = 	snop  }
.LBB2_14:
.Ltmp52:
0x614: {  	(pc) =	sbr.rel .LBB2_17-.Ltmp52, $3  }
0x615: {  	_ =	sdelay $0x1  }
0x616: {  	v25 =	vmov v1  }
0x617: {  	v27 =	vmovc v3;
	s13 =	simm.s32 $0x0;
	v14 =	vmovc v4;
	v17 =	vmov v5;
	v30 =	vmov v8;
	v23 =	vmov v6;
	p2 =	por $0x0, $0x0  }
.LBB2_18:
.Ltmp53:
0x618: {  	(pc) =	sbr.rel .LBB2_21-.Ltmp53, $2  }
0x619: {  	_ =	sdelay $0x2  }
0x61a: {  	s7 =	smov.u32 s1  }
.LBB2_52:
.Ltmp54:
0x61b: {  	(pc) =	sbr.rel .LBB2_55-.Ltmp54, $3  }
0x61c: {  	_ =	sdelay $0x1  }
0x61d: {  	v25 =	vmov v1  }
0x61e: {  	v27 =	vmovc v3;
	s13 =	simm.s32 $0x0;
	v14 =	vmovc v4;
	v17 =	vmov v5;
	v30 =	vmov v8;
	v23 =	vmov v6;
	p2 =	por $0x0, $0x0  }
.LBB2_56:
.Ltmp55:
0x61f: {  	(pc) =	sbr.rel .LBB2_59-.Ltmp55, $2  }
0x620: {  	_ =	sdelay $0x2  }
0x621: {  	s7 =	smov.u32 s1  }
.LBB2_64:
.Ltmp56:
0x622: {  	(pc) =	sbr.rel .LBB2_67-.Ltmp56, $3  }
0x623: {  	_ =	sdelay $0x1  }
0x624: {  	v25 =	vmov v1  }
0x625: {  	v27 =	vmovc v3;
	s13 =	simm.s32 $0x0;
	v14 =	vmovc v4;
	v17 =	vmov v5;
	v30 =	vmov v8;
	v23 =	vmov v6;
	p2 =	por $0x0, $0x0;
	s26 =	rddreg [dreg:$0xd]  }
.LBB2_68:
.Ltmp57:
0x626: {  	(pc) =	sbr.rel .LBB2_71-.Ltmp57, $2  }
0x627: {  	_ =	sdelay $0x2  }
0x628: {  	s7 =	smov.u32 s1  }
.LBB2_72:
0x629: {  	_ =	sfence.sel $0x180000  }
0x62a: {  	[bflag:$0x0] =	sbarrier.arrive $0xFFFF  }
0x62b: {  	_ =	strace $0x90000047  }
0x62c: {  	s0 =	stileid.u32;
	[bflag:$0x2] =	sbarrier.arrive $0xFFFF  }
0x62d: {  	p0 =	sne.s32 s0, $0x0;
	s0 =	rddreg [dreg:$0x2]  }
0x62e: {  	s0 =	sadd.s32 @!p0 $0x100000, s0  }
0x62f: {  	[sflag:s0] =	ssyncadd.tile.s32 @!p0 $0x1;
	_ =	shalt  }
.Lfunc_end2:
_tile_overlayer_lowered:
.L_overlay_start_2:
0x630: {  	(tag) =	ssettag $0x2  }
0x631: {  	s0 =	rddreg [dreg:$0x0];
	s2 =	stileid.u32  }
0x632: {  	s1 =	rddreg [dreg:$0x1];
	p0 =	sne.s32 s2, $0x0  }
0x633: {  	s3 =	rddreg [dreg:$0x2];
	[bflag:$0x3] =	sbarrier.arrive $0xFFFF;
	s2 =	simm.s32 @!p0 $0x1C07  }
0x634: {  	[timem:s3], [sflag:s2] =	dma.local @!p0 [hbm:s0], s1  }
0x635: {  	s0 =	simm.s32 @!p0 $0x7  }
0x636: {  	_ =	swait.ge @!p0 [sflag:s0], s1  }
0x637: {  	s1 =	ssub.s32 @!p0 $0x0, s1;
	[sflag:s0] =	ssyncset.done @!p0 $0x0  }
0x638: {  	[sflag:s0] =	ssyncadd.s32 @!p0 s1  }
0x639: {  	[bflag:$0x3] =	sbarrier.arrive $0xFFFF  }
0x63a: {  	_ =	shalt  }

</sc_bundles>
